<compile_context>
chip_gen: v7x
topology: tpu7x:2x2x1
jax: 0.10.2.dev20260603
libtpu: 0.0.44.dev20260713+nightly
codegen_flags: <defaults>
</compile_context>

<pallas_src>
import functools

import jax
import jax.numpy as jnp
from jax import lax
from jax.experimental import pallas as pl
from jax.experimental.pallas import tpu as pltpu
from jax.experimental.pallas import tpu_sc as plsc

N = 10000
D = 128
E = 320000
NUM_LAYERS = 5
DH = D // 2

CHUNK = 128
NB = 4
CHUNKS = 160
EP = 16 * CHUNKS * CHUNK
DCH = 128
DCHUNKS = EP // (32 * DCH)
NP = 10240
RPT = NP // 16
R_BLK = 2000

_mesh = plsc.VectorSubcoreMesh(core_axis_name="c", subcore_axis_name="s")



@functools.partial(
    pl.kernel,
    mesh=_mesh,
    out_type=jax.ShapeDtypeStruct((2, NP, D), jnp.float32),
    scratch_types=[
        pltpu.VMEM((DCHUNKS, DCH), jnp.int32),
        pltpu.VMEM((DCH, D), jnp.float32),
        pltpu.VMEM_SHARED((NP, D), jnp.float32),
    ],
)
def _deg_sc(ones_hbm, zeros_hbm, dst_hbm, out_hbm, idx_d, ones_v, deg_sp):
    c = lax.axis_index("c")
    s = lax.axis_index("s")
    w = c * 16 + s
    r0 = s * RPT
    pltpu.sync_copy(zeros_hbm.at[pl.ds(r0, RPT)], deg_sp.at[pl.ds(r0, RPT)])
    pltpu.sync_copy(ones_hbm, ones_v)
    pltpu.sync_copy(dst_hbm.at[w], idx_d)
    plsc.subcore_barrier()

    def body(j, carry):
        pltpu.sync_copy(ones_v, deg_sp.at[idx_d.at[j]], add=True)
        return carry

    lax.fori_loop(0, DCHUNKS, body, 0)
    plsc.subcore_barrier()
    pltpu.sync_copy(deg_sp.at[pl.ds(r0, RPT)], out_hbm.at[c, pl.ds(r0, RPT)])


@functools.partial(
    pl.kernel,
    mesh=_mesh,
    compiler_params=pltpu.CompilerParams(use_tc_tiling_on_sc=False),
    out_type=jax.ShapeDtypeStruct((2, NP, DH), jnp.float32),
    scratch_types=[
        pltpu.VMEM((CHUNKS, CHUNK), jnp.int32),
        pltpu.VMEM((CHUNKS, CHUNK), jnp.int32),
        *([pltpu.VMEM((CHUNK, DH), jnp.float32)] * NB),
        pltpu.VMEM_SHARED((NP, DH), jnp.float32),
        *([pltpu.SemaphoreType.DMA] * (2 * NB)),
    ],
)
def _msgpass_sc(h2_hbm, zeros_hbm, src_hbm, dst_hbm, out_hbm,
                idx_s, idx_d, *rest):
    rows = rest[:NB]
    acc_sp = rest[NB]
    gsem = rest[NB + 1:NB + 1 + NB]
    ssem = rest[NB + 1 + NB:]
    c = lax.axis_index("c")
    s = lax.axis_index("s")
    r0 = s * RPT
    pltpu.sync_copy(zeros_hbm.at[pl.ds(r0, RPT)], acc_sp.at[pl.ds(r0, RPT)])
    pltpu.sync_copy(src_hbm.at[s], idx_s)
    pltpu.sync_copy(dst_hbm.at[s], idx_d)
    plsc.subcore_barrier()

    table = h2_hbm.at[c]

    def _gather(j, b):
        pltpu.async_copy(table.at[idx_s.at[j]], rows[b], gsem[b])

    def _gather_wait(j, b):
        pltpu.make_async_copy(table.at[idx_s.at[j]], rows[b], gsem[b]).wait()

    def _scatter(j, b):
        pltpu.async_copy(rows[b], acc_sp.at[idx_d.at[j]], ssem[b], add=True)

    def _scatter_wait(j, b):
        pltpu.make_async_copy(rows[b], acc_sp.at[idx_d.at[j]],
                              ssem[b]).wait()

    for b in range(NB):
        _gather(b, b)

    def outer(t, carry):
        for b in range(NB):
            j = t * NB + b
            bp = (b - 1) % NB
            _gather_wait(j, b)
            _scatter(j, b)
            @pl.when(j >= 1)
            def _():
                _scatter_wait(j - 1, bp)

            @pl.when(jnp.logical_and(j >= 1, j + NB - 1 < CHUNKS))
            def _():
                _gather(j + NB - 1, bp)
        return carry

    lax.fori_loop(0, CHUNKS // NB, outer, 0)
    _scatter_wait(CHUNKS - 1, (CHUNKS - 1) % NB)
    plsc.subcore_barrier()
    pltpu.sync_copy(acc_sp.at[pl.ds(r0, RPT)], out_hbm.at[c, pl.ds(r0, RPT)])



def _cat(ref2):
    return jnp.concatenate([ref2[0], ref2[1]], axis=1)


def _prelude_tc(deg2_ref, x_ref, w_ref, dinv_ref, h2_ref):
    deg = deg2_ref[0][:, 0:1] + deg2_ref[1][:, 0:1] + 1.0
    dinv = jnp.broadcast_to(lax.rsqrt(deg), (R_BLK, D))
    dinv_ref[...] = dinv
    h = jnp.dot(x_ref[...], w_ref[...], preferred_element_type=jnp.float32)
    h2 = h * dinv
    h2_ref[0] = h2[:, :DH]
    h2_ref[1] = h2[:, DH:]


def _layer_tc(acc2_ref, h2_ref, dinv_ref, xo_ref, w_ref, b_ref, h2o_ref):
    dinv = dinv_ref[...]
    pre = (_cat(acc2_ref) + _cat(h2_ref)) * dinv + b_ref[...]
    xc = jnp.maximum(pre + xo_ref[...], 0.0)
    h2n = jnp.dot(xc, w_ref[...], preferred_element_type=jnp.float32) * dinv
    h2o_ref[0] = h2n[:, :DH]
    h2o_ref[1] = h2n[:, DH:]


def _final_tc(acc2_ref, h2_ref, dinv_ref, b_ref, out_ref):
    out_ref[...] = ((_cat(acc2_ref) + _cat(h2_ref))
                    * dinv_ref[...] + b_ref[...])


_GRID = (N // R_BLK,)
_spec_nd = pl.BlockSpec((R_BLK, D), lambda i: (i, 0))
_spec_half2 = pl.BlockSpec((2, R_BLK, DH), lambda i: (0, i, 0))
_spec_deg2 = pl.BlockSpec((2, R_BLK, D), lambda i: (0, i, 0))
_spec_w = pl.BlockSpec((D, D), lambda i: (0, 0))
_spec_b = pl.BlockSpec((1, D), lambda i: (0, 0))

_half2_shape = jax.ShapeDtypeStruct((2, N, DH), jnp.float32)

_prelude_call = pl.pallas_call(
    _prelude_tc,
    grid=_GRID,
    in_specs=[_spec_deg2, _spec_nd, _spec_w],
    out_specs=[_spec_nd, _spec_half2],
    out_shape=[jax.ShapeDtypeStruct((N, D), jnp.float32), _half2_shape],
)

_layer_call = pl.pallas_call(
    _layer_tc,
    grid=_GRID,
    in_specs=[_spec_half2, _spec_half2, _spec_nd, _spec_nd, _spec_w, _spec_b],
    out_specs=_spec_half2,
    out_shape=_half2_shape,
)

_final_call = pl.pallas_call(
    _final_tc,
    grid=_GRID,
    in_specs=[_spec_half2, _spec_half2, _spec_nd, _spec_b],
    out_specs=_spec_nd,
    out_shape=jax.ShapeDtypeStruct((N, D), jnp.float32),
)



def kernel(x, edge_index, W0, b0, W1, b1, W2, b2, W3, b3, W4, b4):
    pad = EP - E
    srcp = jnp.concatenate([edge_index[0], jnp.zeros((pad,), jnp.int32)])
    trash = N + (jnp.arange(pad, dtype=jnp.int32) % (NP - N))
    dstp = jnp.concatenate([edge_index[1], trash])
    src3 = srcp.reshape(16, CHUNKS, CHUNK)
    dst3 = dstp.reshape(16, CHUNKS, CHUNK)
    dst3deg = dstp.reshape(32, DCHUNKS, DCH)

    zeros_d = jnp.zeros((NP, D), jnp.float32)
    zeros_h = jnp.zeros((NP, DH), jnp.float32)
    ones_d = jnp.ones((DCH, D), jnp.float32)

    deg2 = _deg_sc(ones_d, zeros_d, dst3deg)
    dinvb, h2 = _prelude_call(deg2, x, W0)

    Ws = [W1, W2, W3, W4]
    bs = [b0.reshape(1, D), b1.reshape(1, D), b2.reshape(1, D),
          b3.reshape(1, D), b4.reshape(1, D)]
    for i in range(NUM_LAYERS - 1):
        acc2 = _msgpass_sc(h2, zeros_h, src3, dst3)
        h2 = _layer_call(acc2, h2, dinvb, x, Ws[i], bs[i])
    acc2 = _msgpass_sc(h2, zeros_h, src3, dst3)
    return _final_call(acc2, h2, dinvb, bs[4])

# --- scband reference (transcript-rebuilt; emitter-appended) ---
"""Pipeline reference for scband-gnn-29137058136722 (READ-ONLY COPY).

The authoritative reference and input builder live on the scoring server;
editing this copy changes nothing except your own understanding.
"""

import jax, jax.numpy as jnp
import numpy as np

N = 10000
D = 128
E = 320000
NUM_LAYERS = 5


def setup_inputs(seed: int = 0) -> dict:
    key = jax.random.key(seed)
    ks = jax.random.split(key, 2 + 2 * NUM_LAYERS)
    inp = {}
    inp["x"] = jax.random.normal(ks[0], (N, D), dtype=jnp.float32)
    inp["edge_index"] = jax.random.randint(ks[1], (2, E), 0, N, dtype=jnp.int32)
    scale = 1.0 / np.sqrt(D)
    for i in range(NUM_LAYERS):
        inp[f"W{i}"] = jax.random.uniform(ks[2 + 2 * i], (D, D), minval=-scale, maxval=scale, dtype=jnp.float32)
        inp[f"b{i}"] = jax.random.uniform(ks[3 + 2 * i], (D,), minval=-scale, maxval=scale, dtype=jnp.float32)
    return inp


def _gcn_conv(x, W, b, src, dst, n):
    # GCNConv: x' = D^{-1/2} (A + I) D^{-1/2} X W + b (self-loops already in src/dst)
    h = x @ W
    deg = jnp.zeros((n,), dtype=x.dtype).at[dst].add(1.0)
    dinv = jnp.where(deg > 0, jax.lax.rsqrt(deg), 0.0)
    norm = dinv[src] * dinv[dst]
    msg = h[src] * norm[:, None]
    out = jnp.zeros((n, h.shape[1]), dtype=h.dtype).at[dst].add(msg)
    return out + b


def reference(x, edge_index, W0, b0, W1, b1, W2, b2, W3, b3, W4, b4):
    n = x.shape[0]
    loop = jnp.arange(n, dtype=edge_index.dtype)
    src = jnp.concatenate([edge_index[0], loop])
    dst = jnp.concatenate([edge_index[1], loop])
    Ws = [W0, W1, W2, W3, W4]
    bs = [b0, b1, b2, b3, b4]
    x_original = x
    h = x
    for i in range(NUM_LAYERS - 1):
        h = _gcn_conv(h, Ws[i], bs[i], src, dst, n)
        h = h + x_original
        h = jax.nn.relu(h)
        # dropout is identity in eval mode
    h = _gcn_conv(h, Ws[NUM_LAYERS - 1], bs[NUM_LAYERS - 1], src, dst, n)
    return h

if __name__ == "__main__":
    import jax
    _d = setup_inputs()
    print(jax.jit(kernel)(*tuple(_d.values())))

</pallas_src>

<mosaic_0001>
#map = affine_map<(d0, d1) -> (0, 0)>
#map1 = affine_map<(d0, d1) -> (0, 0, 0)>
module attributes {stable_mosaic.version = 14 : i64} {
  func.func @_deg_sc(%arg0: i32, %arg1: i32, %arg2: memref<128x128xf32, #tpu.memory_space<hbm>>, %arg3: memref<10240x128xf32, #tpu.memory_space<hbm>>, %arg4: memref<32x80x128xi32, #tpu.memory_space<hbm>>, %arg5: memref<2x10240x128xf32, #tpu.memory_space<hbm>>, %arg6: memref<80x128xi32, #tpu.memory_space<vmem>>, %arg7: memref<128x128xf32, #tpu.memory_space<vmem>>, %arg8: memref<10240x128xf32, #tpu.memory_space<vmem_shared>>) attributes {dimension_semantics = [#tpu.dimension_semantics<core_parallel>, #tpu.dimension_semantics<subcore_parallel>], iteration_bounds = array<i64: 2, 16>, scalar_prefetch = 0 : i64, scratch_operands = 3 : i64, tpu.core_type = #tpu.core_type<sc_vector_subcore>, window_params = [{transform_indices = #map}, {transform_indices = #map}, {transform_indices = #map1}, {transform_indices = #map1}]} {
    %mul3A = arith.constant 16 : i32
    %mul3A_0 = arith.muli %arg0, %mul3A : i32
    %add3A = arith.addi %mul3A_0, %arg1 : i32
    %mul3A_1 = arith.constant 640 : i32
    %mul3A_2 = arith.muli %arg1, %mul3A_1 : i32
    "tpu.region"() ({
      %run_scoped3A = tpu.sem_alloc : memref<!tpu.dma_semaphore, #tpu.memory_space<semaphore_mem>>
      %dma_start3A = arith.constant 0 : i32
      %dma_start3A_9 = tpu.memref_slice %arg8[%mul3A_2, %dma_start3A] : memref<10240x128xf32, #tpu.memory_space<vmem_shared>> -> memref<640x128xf32, #tpu.memory_space<vmem_shared>>
      %dma_start3A_10 = arith.constant 0 : i32
      %dma_start3A_11 = tpu.memref_slice %arg3[%mul3A_2, %dma_start3A_10] : memref<10240x128xf32, #tpu.memory_space<hbm>> -> memref<640x128xf32, #tpu.memory_space<hbm>>
      tpu.enqueue_dma source(%dma_start3A_11 : memref<640x128xf32, #tpu.memory_space<hbm>>) target(%dma_start3A_9 : memref<640x128xf32, #tpu.memory_space<vmem_shared>>) target_semaphore(%run_scoped3A : memref<!tpu.dma_semaphore, #tpu.memory_space<semaphore_mem>>)
      %dma_wait3A = arith.constant 0 : i32
      %dma_wait3A_12 = tpu.memref_slice %arg8[%mul3A_2, %dma_wait3A] : memref<10240x128xf32, #tpu.memory_space<vmem_shared>> -> memref<640x128xf32, #tpu.memory_space<vmem_shared>>
      %dma_wait3A_13 = arith.constant 0 : i32
      %dma_wait3A_14 = tpu.memref_slice %arg3[%mul3A_2, %dma_wait3A_13] : memref<10240x128xf32, #tpu.memory_space<hbm>> -> memref<640x128xf32, #tpu.memory_space<hbm>>
      tpu.wait_dma2 semaphore(%run_scoped3A : memref<!tpu.dma_semaphore, #tpu.memory_space<semaphore_mem>>) src(%dma_wait3A_14 : memref<640x128xf32, #tpu.memory_space<hbm>>) dst(%dma_wait3A_12 : memref<640x128xf32, #tpu.memory_space<vmem_shared>>)
      tpu.yield
    }) : () -> ()
    "tpu.region"() ({
      %run_scoped3A = tpu.sem_alloc : memref<!tpu.dma_semaphore, #tpu.memory_space<semaphore_mem>>
      tpu.enqueue_dma source(%arg2 : memref<128x128xf32, #tpu.memory_space<hbm>>) target(%arg7 : memref<128x128xf32, #tpu.memory_space<vmem>>) target_semaphore(%run_scoped3A : memref<!tpu.dma_semaphore, #tpu.memory_space<semaphore_mem>>)
      tpu.wait_dma2 semaphore(%run_scoped3A : memref<!tpu.dma_semaphore, #tpu.memory_space<semaphore_mem>>) src(%arg2 : memref<128x128xf32, #tpu.memory_space<hbm>>) dst(%arg7 : memref<128x128xf32, #tpu.memory_space<vmem>>)
      tpu.yield
    }) : () -> ()
    "tpu.region"() ({
      %run_scoped3A = tpu.sem_alloc : memref<!tpu.dma_semaphore, #tpu.memory_space<semaphore_mem>>
      %dma_start3A = arith.constant 0 : i32
      %dma_start3A_9 = arith.constant 0 : i32
      %dma_start3A_10 = tpu.memref_slice %arg4[%add3A, %dma_start3A, %dma_start3A_9] : memref<32x80x128xi32, #tpu.memory_space<hbm>> -> memref<1x80x128xi32, #tpu.memory_space<hbm>>
      %dma_start3A_11 = tpu.memref_squeeze %dma_start3A_10 : memref<1x80x128xi32, #tpu.memory_space<hbm>> -> memref<80x128xi32, #tpu.memory_space<hbm>>
      %dma_start3A_12 = arith.constant 0 : i32
      %dma_start3A_13 = arith.constant 0 : i32
      %dma_start3A_14 = tpu.memref_slice %arg4[%add3A, %dma_start3A_12, %dma_start3A_13] : memref<32x80x128xi32, #tpu.memory_space<hbm>> -> memref<1x80x128xi32, #tpu.memory_space<hbm>>
      %dma_start3A_15 = tpu.memref_squeeze %dma_start3A_14 : memref<1x80x128xi32, #tpu.memory_space<hbm>> -> memref<80x128xi32, #tpu.memory_space<hbm>>
      tpu.enqueue_dma source(%dma_start3A_15 : memref<80x128xi32, #tpu.memory_space<hbm>>) target(%arg6 : memref<80x128xi32, #tpu.memory_space<vmem>>) target_semaphore(%run_scoped3A : memref<!tpu.dma_semaphore, #tpu.memory_space<semaphore_mem>>)
      %dma_wait3A = arith.constant 0 : i32
      %dma_wait3A_16 = arith.constant 0 : i32
      %dma_wait3A_17 = tpu.memref_slice %arg4[%add3A, %dma_wait3A, %dma_wait3A_16] : memref<32x80x128xi32, #tpu.memory_space<hbm>> -> memref<1x80x128xi32, #tpu.memory_space<hbm>>
      %dma_wait3A_18 = tpu.memref_squeeze %dma_wait3A_17 : memref<1x80x128xi32, #tpu.memory_space<hbm>> -> memref<80x128xi32, #tpu.memory_space<hbm>>
      %dma_wait3A_19 = arith.constant 0 : i32
      %dma_wait3A_20 = arith.constant 0 : i32
      %dma_wait3A_21 = tpu.memref_slice %arg4[%add3A, %dma_wait3A_19, %dma_wait3A_20] : memref<32x80x128xi32, #tpu.memory_space<hbm>> -> memref<1x80x128xi32, #tpu.memory_space<hbm>>
      %dma_wait3A_22 = tpu.memref_squeeze %dma_wait3A_21 : memref<1x80x128xi32, #tpu.memory_space<hbm>> -> memref<80x128xi32, #tpu.memory_space<hbm>>
      tpu.wait_dma2 semaphore(%run_scoped3A : memref<!tpu.dma_semaphore, #tpu.memory_space<semaphore_mem>>) src(%dma_wait3A_22 : memref<80x128xi32, #tpu.memory_space<hbm>>) dst(%arg6 : memref<80x128xi32, #tpu.memory_space<vmem>>)
      tpu.yield
    }) : () -> ()
    %barrier3A = arith.constant 0 : index
    tpu.barrier barrier_id(%barrier3A)
    %scan3A = arith.constant 0 : i32
    %scan3A_3 = arith.constant 0 : i32
    %scan3A_4 = arith.constant 80 : i32
    %scan3A_5 = arith.addi %scan3A_3, %scan3A_4 : i32
    %scan3A_6 = arith.constant 1 : i32
    scf.for %scan3A_9 = %scan3A_3 to %scan3A_5 step %scan3A_6  : i32 {
      "tpu.region"() ({
        %run_scoped3A = tpu.sem_alloc : memref<!tpu.dma_semaphore, #tpu.memory_space<semaphore_mem>>
        %dma_start3A = arith.constant 0 : i32
        %dma_start3A_10 = tpu.memref_slice %arg6[%scan3A_9, %dma_start3A] : memref<80x128xi32, #tpu.memory_space<vmem>> -> memref<1x128xi32, #tpu.memory_space<vmem>>
        %dma_start3A_11 = tpu.memref_squeeze %dma_start3A_10 : memref<1x128xi32, #tpu.memory_space<vmem>> -> memref<128xi32, #tpu.memory_space<vmem>>
        %dma_start3A_12 = arith.constant 0 : i32
        %dma_start3A_13 = arith.constant 0 : i32
        %dma_start3A_14 = tpu.memref_slice %arg8[%dma_start3A_12, %dma_start3A_13] : memref<10240x128xf32, #tpu.memory_space<vmem_shared>> -> memref<10240x128xf32, #tpu.memory_space<vmem_shared>>
        tpu.enqueue_indirect_dma source(%arg7 : memref<128x128xf32, #tpu.memory_space<vmem>>) target(%dma_start3A_14 : memref<10240x128xf32, #tpu.memory_space<vmem_shared>>) offsets(%dma_start3A_11 : memref<128xi32, #tpu.memory_space<vmem>>) semaphore(%run_scoped3A : memref<!tpu.dma_semaphore, #tpu.memory_space<semaphore_mem>>) {add = true}
        %dma_wait3A = arith.constant 0 : i32
        %dma_wait3A_15 = tpu.memref_slice %arg6[%scan3A_9, %dma_wait3A] : memref<80x128xi32, #tpu.memory_space<vmem>> -> memref<1x128xi32, #tpu.memory_space<vmem>>
        %dma_wait3A_16 = tpu.memref_squeeze %dma_wait3A_15 : memref<1x128xi32, #tpu.memory_space<vmem>> -> memref<128xi32, #tpu.memory_space<vmem>>
        %dma_wait3A_17 = arith.constant 0 : i32
        %dma_wait3A_18 = arith.constant 0 : i32
        %dma_wait3A_19 = tpu.memref_slice %arg8[%dma_wait3A_17, %dma_wait3A_18] : memref<10240x128xf32, #tpu.memory_space<vmem_shared>> -> memref<10240x128xf32, #tpu.memory_space<vmem_shared>>
        tpu.wait_indirect_dma semaphore(%run_scoped3A : memref<!tpu.dma_semaphore, #tpu.memory_space<semaphore_mem>>) src(%arg7 : memref<128x128xf32, #tpu.memory_space<vmem>>) dst(%dma_wait3A_19 : memref<10240x128xf32, #tpu.memory_space<vmem_shared>>)
        tpu.yield
      }) : () -> ()
    }
    %scan3A_7 = arith.constant 80 : i32
    %barrier3A_8 = arith.constant 0 : index
    tpu.barrier barrier_id(%barrier3A_8)
    "tpu.region"() ({
      %run_scoped3A = tpu.sem_alloc : memref<!tpu.dma_semaphore, #tpu.memory_space<semaphore_mem>>
      %dma_start3A = arith.constant 0 : i32
      %dma_start3A_9 = tpu.memref_slice %arg5[%arg0, %mul3A_2, %dma_start3A] : memref<2x10240x128xf32, #tpu.memory_space<hbm>> -> memref<1x640x128xf32, #tpu.memory_space<hbm>>
      %dma_start3A_10 = tpu.memref_squeeze %dma_start3A_9 : memref<1x640x128xf32, #tpu.memory_space<hbm>> -> memref<640x128xf32, #tpu.memory_space<hbm>>
      %dma_start3A_11 = arith.constant 0 : i32
      %dma_start3A_12 = tpu.memref_slice %arg8[%mul3A_2, %dma_start3A_11] : memref<10240x128xf32, #tpu.memory_space<vmem_shared>> -> memref<640x128xf32, #tpu.memory_space<vmem_shared>>
      tpu.enqueue_dma source(%dma_start3A_12 : memref<640x128xf32, #tpu.memory_space<vmem_shared>>) target(%dma_start3A_10 : memref<640x128xf32, #tpu.memory_space<hbm>>) target_semaphore(%run_scoped3A : memref<!tpu.dma_semaphore, #tpu.memory_space<semaphore_mem>>)
      %dma_wait3A = arith.constant 0 : i32
      %dma_wait3A_13 = tpu.memref_slice %arg5[%arg0, %mul3A_2, %dma_wait3A] : memref<2x10240x128xf32, #tpu.memory_space<hbm>> -> memref<1x640x128xf32, #tpu.memory_space<hbm>>
      %dma_wait3A_14 = tpu.memref_squeeze %dma_wait3A_13 : memref<1x640x128xf32, #tpu.memory_space<hbm>> -> memref<640x128xf32, #tpu.memory_space<hbm>>
      %dma_wait3A_15 = arith.constant 0 : i32
      %dma_wait3A_16 = tpu.memref_slice %arg8[%mul3A_2, %dma_wait3A_15] : memref<10240x128xf32, #tpu.memory_space<vmem_shared>> -> memref<640x128xf32, #tpu.memory_space<vmem_shared>>
      tpu.wait_dma2 semaphore(%run_scoped3A : memref<!tpu.dma_semaphore, #tpu.memory_space<semaphore_mem>>) src(%dma_wait3A_16 : memref<640x128xf32, #tpu.memory_space<vmem_shared>>) dst(%dma_wait3A_14 : memref<640x128xf32, #tpu.memory_space<hbm>>)
      tpu.yield
    }) : () -> ()
    return
  }
}

#map = affine_map<(d0, d1) -> (0, 0, 0)>
#map1 = affine_map<(d0, d1) -> (0, 0)>
module attributes {stable_mosaic.version = 14 : i64} {
  func.func @_msgpass_sc(%arg0: i32, %arg1: i32, %arg2: memref<2x10000x64xf32, #tpu.memory_space<hbm>>, %arg3: memref<10240x64xf32, #tpu.memory_space<hbm>>, %arg4: memref<16x160x128xi32, #tpu.memory_space<hbm>>, %arg5: memref<16x160x128xi32, #tpu.memory_space<hbm>>, %arg6: memref<2x10240x64xf32, #tpu.memory_space<hbm>>, %arg7: memref<160x128xi32, #tpu.memory_space<vmem>>, %arg8: memref<160x128xi32, #tpu.memory_space<vmem>>, %arg9: memref<128x64xf32, #tpu.memory_space<vmem>>, %arg10: memref<128x64xf32, #tpu.memory_space<vmem>>, %arg11: memref<128x64xf32, #tpu.memory_space<vmem>>, %arg12: memref<128x64xf32, #tpu.memory_space<vmem>>, %arg13: memref<10240x64xf32, #tpu.memory_space<vmem_shared>>, %arg14: memref<!tpu.dma_semaphore, #tpu.memory_space<semaphore_mem>>, %arg15: memref<!tpu.dma_semaphore, #tpu.memory_space<semaphore_mem>>, %arg16: memref<!tpu.dma_semaphore, #tpu.memory_space<semaphore_mem>>, %arg17: memref<!tpu.dma_semaphore, #tpu.memory_space<semaphore_mem>>, %arg18: memref<!tpu.dma_semaphore, #tpu.memory_space<semaphore_mem>>, %arg19: memref<!tpu.dma_semaphore, #tpu.memory_space<semaphore_mem>>, %arg20: memref<!tpu.dma_semaphore, #tpu.memory_space<semaphore_mem>>, %arg21: memref<!tpu.dma_semaphore, #tpu.memory_space<semaphore_mem>>) attributes {dimension_semantics = [#tpu.dimension_semantics<core_parallel>, #tpu.dimension_semantics<subcore_parallel>], iteration_bounds = array<i64: 2, 16>, scalar_prefetch = 0 : i64, scratch_operands = 15 : i64, tpu.core_type = #tpu.core_type<sc_vector_subcore>, window_params = [{transform_indices = #map}, {transform_indices = #map1}, {transform_indices = #map}, {transform_indices = #map}, {transform_indices = #map}]} {
    %mul3A = arith.constant 640 : i32
    %mul3A_0 = arith.muli %arg1, %mul3A : i32
    "tpu.region"() ({
      %run_scoped3A = tpu.sem_alloc : memref<!tpu.dma_semaphore, #tpu.memory_space<semaphore_mem>>
      %dma_start3A_56 = arith.constant 0 : i32
      %dma_start3A_57 = tpu.memref_slice %arg13[%mul3A_0, %dma_start3A_56] : memref<10240x64xf32, #tpu.memory_space<vmem_shared>> -> memref<640x64xf32, #tpu.memory_space<vmem_shared>>
      %dma_start3A_58 = arith.constant 0 : i32
      %dma_start3A_59 = tpu.memref_slice %arg3[%mul3A_0, %dma_start3A_58] : memref<10240x64xf32, #tpu.memory_space<hbm>> -> memref<640x64xf32, #tpu.memory_space<hbm>>
      tpu.enqueue_dma source(%dma_start3A_59 : memref<640x64xf32, #tpu.memory_space<hbm>>) target(%dma_start3A_57 : memref<640x64xf32, #tpu.memory_space<vmem_shared>>) target_semaphore(%run_scoped3A : memref<!tpu.dma_semaphore, #tpu.memory_space<semaphore_mem>>)
      %dma_wait3A_60 = arith.constant 0 : i32
      %dma_wait3A_61 = tpu.memref_slice %arg13[%mul3A_0, %dma_wait3A_60] : memref<10240x64xf32, #tpu.memory_space<vmem_shared>> -> memref<640x64xf32, #tpu.memory_space<vmem_shared>>
      %dma_wait3A_62 = arith.constant 0 : i32
      %dma_wait3A_63 = tpu.memref_slice %arg3[%mul3A_0, %dma_wait3A_62] : memref<10240x64xf32, #tpu.memory_space<hbm>> -> memref<640x64xf32, #tpu.memory_space<hbm>>
      tpu.wait_dma2 semaphore(%run_scoped3A : memref<!tpu.dma_semaphore, #tpu.memory_space<semaphore_mem>>) src(%dma_wait3A_63 : memref<640x64xf32, #tpu.memory_space<hbm>>) dst(%dma_wait3A_61 : memref<640x64xf32, #tpu.memory_space<vmem_shared>>)
      tpu.yield
    }) : () -> ()
    "tpu.region"() ({
      %run_scoped3A = tpu.sem_alloc : memref<!tpu.dma_semaphore, #tpu.memory_space<semaphore_mem>>
      %dma_start3A_56 = arith.constant 0 : i32
      %dma_start3A_57 = arith.constant 0 : i32
      %dma_start3A_58 = tpu.memref_slice %arg4[%arg1, %dma_start3A_56, %dma_start3A_57] : memref<16x160x128xi32, #tpu.memory_space<hbm>> -> memref<1x160x128xi32, #tpu.memory_space<hbm>>
      %dma_start3A_59 = tpu.memref_squeeze %dma_start3A_58 : memref<1x160x128xi32, #tpu.memory_space<hbm>> -> memref<160x128xi32, #tpu.memory_space<hbm>>
      %dma_start3A_60 = arith.constant 0 : i32
      %dma_start3A_61 = arith.constant 0 : i32
      %dma_start3A_62 = tpu.memref_slice %arg4[%arg1, %dma_start3A_60, %dma_start3A_61] : memref<16x160x128xi32, #tpu.memory_space<hbm>> -> memref<1x160x128xi32, #tpu.memory_space<hbm>>
      %dma_start3A_63 = tpu.memref_squeeze %dma_start3A_62 : memref<1x160x128xi32, #tpu.memory_space<hbm>> -> memref<160x128xi32, #tpu.memory_space<hbm>>
      tpu.enqueue_dma source(%dma_start3A_63 : memref<160x128xi32, #tpu.memory_space<hbm>>) target(%arg7 : memref<160x128xi32, #tpu.memory_space<vmem>>) target_semaphore(%run_scoped3A : memref<!tpu.dma_semaphore, #tpu.memory_space<semaphore_mem>>)
      %dma_wait3A_64 = arith.constant 0 : i32
      %dma_wait3A_65 = arith.constant 0 : i32
      %dma_wait3A_66 = tpu.memref_slice %arg4[%arg1, %dma_wait3A_64, %dma_wait3A_65] : memref<16x160x128xi32, #tpu.memory_space<hbm>> -> memref<1x160x128xi32, #tpu.memory_space<hbm>>
      %dma_wait3A_67 = tpu.memref_squeeze %dma_wait3A_66 : memref<1x160x128xi32, #tpu.memory_space<hbm>> -> memref<160x128xi32, #tpu.memory_space<hbm>>
      %dma_wait3A_68 = arith.constant 0 : i32
      %dma_wait3A_69 = arith.constant 0 : i32
      %dma_wait3A_70 = tpu.memref_slice %arg4[%arg1, %dma_wait3A_68, %dma_wait3A_69] : memref<16x160x128xi32, #tpu.memory_space<hbm>> -> memref<1x160x128xi32, #tpu.memory_space<hbm>>
      %dma_wait3A_71 = tpu.memref_squeeze %dma_wait3A_70 : memref<1x160x128xi32, #tpu.memory_space<hbm>> -> memref<160x128xi32, #tpu.memory_space<hbm>>
      tpu.wait_dma2 semaphore(%run_scoped3A : memref<!tpu.dma_semaphore, #tpu.memory_space<semaphore_mem>>) src(%dma_wait3A_71 : memref<160x128xi32, #tpu.memory_space<hbm>>) dst(%arg7 : memref<160x128xi32, #tpu.memory_space<vmem>>)
      tpu.yield
    }) : () -> ()
    "tpu.region"() ({
      %run_scoped3A = tpu.sem_alloc : memref<!tpu.dma_semaphore, #tpu.memory_space<semaphore_mem>>
      %dma_start3A_56 = arith.constant 0 : i32
      %dma_start3A_57 = arith.constant 0 : i32
      %dma_start3A_58 = tpu.memref_slice %arg5[%arg1, %dma_start3A_56, %dma_start3A_57] : memref<16x160x128xi32, #tpu.memory_space<hbm>> -> memref<1x160x128xi32, #tpu.memory_space<hbm>>
      %dma_start3A_59 = tpu.memref_squeeze %dma_start3A_58 : memref<1x160x128xi32, #tpu.memory_space<hbm>> -> memref<160x128xi32, #tpu.memory_space<hbm>>
      %dma_start3A_60 = arith.constant 0 : i32
      %dma_start3A_61 = arith.constant 0 : i32
      %dma_start3A_62 = tpu.memref_slice %arg5[%arg1, %dma_start3A_60, %dma_start3A_61] : memref<16x160x128xi32, #tpu.memory_space<hbm>> -> memref<1x160x128xi32, #tpu.memory_space<hbm>>
      %dma_start3A_63 = tpu.memref_squeeze %dma_start3A_62 : memref<1x160x128xi32, #tpu.memory_space<hbm>> -> memref<160x128xi32, #tpu.memory_space<hbm>>
      tpu.enqueue_dma source(%dma_start3A_63 : memref<160x128xi32, #tpu.memory_space<hbm>>) target(%arg8 : memref<160x128xi32, #tpu.memory_space<vmem>>) target_semaphore(%run_scoped3A : memref<!tpu.dma_semaphore, #tpu.memory_space<semaphore_mem>>)
      %dma_wait3A_64 = arith.constant 0 : i32
      %dma_wait3A_65 = arith.constant 0 : i32
      %dma_wait3A_66 = tpu.memref_slice %arg5[%arg1, %dma_wait3A_64, %dma_wait3A_65] : memref<16x160x128xi32, #tpu.memory_space<hbm>> -> memref<1x160x128xi32, #tpu.memory_space<hbm>>
      %dma_wait3A_67 = tpu.memref_squeeze %dma_wait3A_66 : memref<1x160x128xi32, #tpu.memory_space<hbm>> -> memref<160x128xi32, #tpu.memory_space<hbm>>
      %dma_wait3A_68 = arith.constant 0 : i32
      %dma_wait3A_69 = arith.constant 0 : i32
      %dma_wait3A_70 = tpu.memref_slice %arg5[%arg1, %dma_wait3A_68, %dma_wait3A_69] : memref<16x160x128xi32, #tpu.memory_space<hbm>> -> memref<1x160x128xi32, #tpu.memory_space<hbm>>
      %dma_wait3A_71 = tpu.memref_squeeze %dma_wait3A_70 : memref<1x160x128xi32, #tpu.memory_space<hbm>> -> memref<160x128xi32, #tpu.memory_space<hbm>>
      tpu.wait_dma2 semaphore(%run_scoped3A : memref<!tpu.dma_semaphore, #tpu.memory_space<semaphore_mem>>) src(%dma_wait3A_71 : memref<160x128xi32, #tpu.memory_space<hbm>>) dst(%arg8 : memref<160x128xi32, #tpu.memory_space<vmem>>)
      tpu.yield
    }) : () -> ()
    %barrier3A = arith.constant 0 : index
    tpu.barrier barrier_id(%barrier3A)
    %dma_start3A = arith.constant 0 : i32
    %dma_start3A_1 = arith.constant 0 : i32
    %dma_start3A_2 = tpu.memref_slice %arg7[%dma_start3A, %dma_start3A_1] : memref<160x128xi32, #tpu.memory_space<vmem>> -> memref<1x128xi32, #tpu.memory_space<vmem>>
    %dma_start3A_3 = tpu.memref_squeeze %dma_start3A_2 : memref<1x128xi32, #tpu.memory_space<vmem>> -> memref<128xi32, #tpu.memory_space<vmem>>
    %dma_start3A_4 = arith.constant 0 : i32
    %dma_start3A_5 = arith.constant 0 : i32
    %dma_start3A_6 = tpu.memref_slice %arg2[%arg0, %dma_start3A_4, %dma_start3A_5] : memref<2x10000x64xf32, #tpu.memory_space<hbm>> -> memref<1x10000x64xf32, #tpu.memory_space<hbm>>
    %dma_start3A_7 = tpu.memref_squeeze %dma_start3A_6 : memref<1x10000x64xf32, #tpu.memory_space<hbm>> -> memref<10000x64xf32, #tpu.memory_space<hbm>>
    %dma_start3A_8 = arith.constant 0 : i32
    %dma_start3A_9 = arith.constant 0 : i32
    %dma_start3A_10 = tpu.memref_slice %dma_start3A_7[%dma_start3A_8, %dma_start3A_9] : memref<10000x64xf32, #tpu.memory_space<hbm>> -> memref<10000x64xf32, #tpu.memory_space<hbm>>
    tpu.enqueue_indirect_dma source(%dma_start3A_10 : memref<10000x64xf32, #tpu.memory_space<hbm>>) target(%arg9 : memref<128x64xf32, #tpu.memory_space<vmem>>) offsets(%dma_start3A_3 : memref<128xi32, #tpu.memory_space<vmem>>) semaphore(%arg14 : memref<!tpu.dma_semaphore, #tpu.memory_space<semaphore_mem>>)
    %dma_start3A_11 = arith.constant 1 : i32
    %dma_start3A_12 = arith.constant 0 : i32
    %dma_start3A_13 = tpu.memref_slice %arg7[%dma_start3A_11, %dma_start3A_12] : memref<160x128xi32, #tpu.memory_space<vmem>> -> memref<1x128xi32, #tpu.memory_space<vmem>>
    %dma_start3A_14 = tpu.memref_squeeze %dma_start3A_13 : memref<1x128xi32, #tpu.memory_space<vmem>> -> memref<128xi32, #tpu.memory_space<vmem>>
    %dma_start3A_15 = arith.constant 0 : i32
    %dma_start3A_16 = arith.constant 0 : i32
    %dma_start3A_17 = tpu.memref_slice %arg2[%arg0, %dma_start3A_15, %dma_start3A_16] : memref<2x10000x64xf32, #tpu.memory_space<hbm>> -> memref<1x10000x64xf32, #tpu.memory_space<hbm>>
    %dma_start3A_18 = tpu.memref_squeeze %dma_start3A_17 : memref<1x10000x64xf32, #tpu.memory_space<hbm>> -> memref<10000x64xf32, #tpu.memory_space<hbm>>
    %dma_start3A_19 = arith.constant 0 : i32
    %dma_start3A_20 = arith.constant 0 : i32
    %dma_start3A_21 = tpu.memref_slice %dma_start3A_18[%dma_start3A_19, %dma_start3A_20] : memref<10000x64xf32, #tpu.memory_space<hbm>> -> memref<10000x64xf32, #tpu.memory_space<hbm>>
    tpu.enqueue_indirect_dma source(%dma_start3A_21 : memref<10000x64xf32, #tpu.memory_space<hbm>>) target(%arg10 : memref<128x64xf32, #tpu.memory_space<vmem>>) offsets(%dma_start3A_14 : memref<128xi32, #tpu.memory_space<vmem>>) semaphore(%arg15 : memref<!tpu.dma_semaphore, #tpu.memory_space<semaphore_mem>>)
    %dma_start3A_22 = arith.constant 2 : i32
    %dma_start3A_23 = arith.constant 0 : i32
    %dma_start3A_24 = tpu.memref_slice %arg7[%dma_start3A_22, %dma_start3A_23] : memref<160x128xi32, #tpu.memory_space<vmem>> -> memref<1x128xi32, #tpu.memory_space<vmem>>
    %dma_start3A_25 = tpu.memref_squeeze %dma_start3A_24 : memref<1x128xi32, #tpu.memory_space<vmem>> -> memref<128xi32, #tpu.memory_space<vmem>>
    %dma_start3A_26 = arith.constant 0 : i32
    %dma_start3A_27 = arith.constant 0 : i32
    %dma_start3A_28 = tpu.memref_slice %arg2[%arg0, %dma_start3A_26, %dma_start3A_27] : memref<2x10000x64xf32, #tpu.memory_space<hbm>> -> memref<1x10000x64xf32, #tpu.memory_space<hbm>>
    %dma_start3A_29 = tpu.memref_squeeze %dma_start3A_28 : memref<1x10000x64xf32, #tpu.memory_space<hbm>> -> memref<10000x64xf32, #tpu.memory_space<hbm>>
    %dma_start3A_30 = arith.constant 0 : i32
    %dma_start3A_31 = arith.constant 0 : i32
    %dma_start3A_32 = tpu.memref_slice %dma_start3A_29[%dma_start3A_30, %dma_start3A_31] : memref<10000x64xf32, #tpu.memory_space<hbm>> -> memref<10000x64xf32, #tpu.memory_space<hbm>>
    tpu.enqueue_indirect_dma source(%dma_start3A_32 : memref<10000x64xf32, #tpu.memory_space<hbm>>) target(%arg11 : memref<128x64xf32, #tpu.memory_space<vmem>>) offsets(%dma_start3A_25 : memref<128xi32, #tpu.memory_space<vmem>>) semaphore(%arg16 : memref<!tpu.dma_semaphore, #tpu.memory_space<semaphore_mem>>)
    %dma_start3A_33 = arith.constant 3 : i32
    %dma_start3A_34 = arith.constant 0 : i32
    %dma_start3A_35 = tpu.memref_slice %arg7[%dma_start3A_33, %dma_start3A_34] : memref<160x128xi32, #tpu.memory_space<vmem>> -> memref<1x128xi32, #tpu.memory_space<vmem>>
    %dma_start3A_36 = tpu.memref_squeeze %dma_start3A_35 : memref<1x128xi32, #tpu.memory_space<vmem>> -> memref<128xi32, #tpu.memory_space<vmem>>
    %dma_start3A_37 = arith.constant 0 : i32
    %dma_start3A_38 = arith.constant 0 : i32
    %dma_start3A_39 = tpu.memref_slice %arg2[%arg0, %dma_start3A_37, %dma_start3A_38] : memref<2x10000x64xf32, #tpu.memory_space<hbm>> -> memref<1x10000x64xf32, #tpu.memory_space<hbm>>
    %dma_start3A_40 = tpu.memref_squeeze %dma_start3A_39 : memref<1x10000x64xf32, #tpu.memory_space<hbm>> -> memref<10000x64xf32, #tpu.memory_space<hbm>>
    %dma_start3A_41 = arith.constant 0 : i32
    %dma_start3A_42 = arith.constant 0 : i32
    %dma_start3A_43 = tpu.memref_slice %dma_start3A_40[%dma_start3A_41, %dma_start3A_42] : memref<10000x64xf32, #tpu.memory_space<hbm>> -> memref<10000x64xf32, #tpu.memory_space<hbm>>
    tpu.enqueue_indirect_dma source(%dma_start3A_43 : memref<10000x64xf32, #tpu.memory_space<hbm>>) target(%arg12 : memref<128x64xf32, #tpu.memory_space<vmem>>) offsets(%dma_start3A_36 : memref<128xi32, #tpu.memory_space<vmem>>) semaphore(%arg17 : memref<!tpu.dma_semaphore, #tpu.memory_space<semaphore_mem>>)
    %scan3A = arith.constant 0 : i32
    %scan3A_44 = arith.constant 0 : i32
    %scan3A_45 = arith.constant 40 : i32
    %scan3A_46 = arith.addi %scan3A_44, %scan3A_45 : i32
    %scan3A_47 = arith.constant 1 : i32
    scf.for %scan3A_56 = %scan3A_44 to %scan3A_46 step %scan3A_47  : i32 {
      %mul3A_57 = arith.constant 4 : i32
      %mul3A_58 = arith.muli %scan3A_56, %mul3A_57 : i32
      %add3A = arith.constant 0 : i32
      %add3A_59 = arith.addi %mul3A_58, %add3A : i32
      %dma_wait3A_60 = arith.constant 0 : i32
      %dma_wait3A_61 = tpu.memref_slice %arg7[%add3A_59, %dma_wait3A_60] : memref<160x128xi32, #tpu.memory_space<vmem>> -> memref<1x128xi32, #tpu.memory_space<vmem>>
      %dma_wait3A_62 = tpu.memref_squeeze %dma_wait3A_61 : memref<1x128xi32, #tpu.memory_space<vmem>> -> memref<128xi32, #tpu.memory_space<vmem>>
      %dma_wait3A_63 = arith.constant 0 : i32
      %dma_wait3A_64 = arith.constant 0 : i32
      %dma_wait3A_65 = tpu.memref_slice %arg2[%arg0, %dma_wait3A_63, %dma_wait3A_64] : memref<2x10000x64xf32, #tpu.memory_space<hbm>> -> memref<1x10000x64xf32, #tpu.memory_space<hbm>>
      %dma_wait3A_66 = tpu.memref_squeeze %dma_wait3A_65 : memref<1x10000x64xf32, #tpu.memory_space<hbm>> -> memref<10000x64xf32, #tpu.memory_space<hbm>>
      %dma_wait3A_67 = arith.constant 0 : i32
      %dma_wait3A_68 = arith.constant 0 : i32
      %dma_wait3A_69 = tpu.memref_slice %dma_wait3A_66[%dma_wait3A_67, %dma_wait3A_68] : memref<10000x64xf32, #tpu.memory_space<hbm>> -> memref<10000x64xf32, #tpu.memory_space<hbm>>
      tpu.wait_indirect_dma semaphore(%arg14 : memref<!tpu.dma_semaphore, #tpu.memory_space<semaphore_mem>>) src(%dma_wait3A_69 : memref<10000x64xf32, #tpu.memory_space<hbm>>) dst(%arg9 : memref<128x64xf32, #tpu.memory_space<vmem>>)
      %dma_start3A_70 = arith.constant 0 : i32
      %dma_start3A_71 = tpu.memref_slice %arg8[%add3A_59, %dma_start3A_70] : memref<160x128xi32, #tpu.memory_space<vmem>> -> memref<1x128xi32, #tpu.memory_space<vmem>>
      %dma_start3A_72 = tpu.memref_squeeze %dma_start3A_71 : memref<1x128xi32, #tpu.memory_space<vmem>> -> memref<128xi32, #tpu.memory_space<vmem>>
      %dma_start3A_73 = arith.constant 0 : i32
      %dma_start3A_74 = arith.constant 0 : i32
      %dma_start3A_75 = tpu.memref_slice %arg13[%dma_start3A_73, %dma_start3A_74] : memref<10240x64xf32, #tpu.memory_space<vmem_shared>> -> memref<10240x64xf32, #tpu.memory_space<vmem_shared>>
      tpu.enqueue_indirect_dma source(%arg9 : memref<128x64xf32, #tpu.memory_space<vmem>>) target(%dma_start3A_75 : memref<10240x64xf32, #tpu.memory_space<vmem_shared>>) offsets(%dma_start3A_72 : memref<128xi32, #tpu.memory_space<vmem>>) semaphore(%arg18 : memref<!tpu.dma_semaphore, #tpu.memory_space<semaphore_mem>>) {add = true}
      %ge3A = arith.constant 1 : i32
      %ge3A_76 = arith.cmpi sge, %add3A_59, %ge3A : i32
      %convert_element_type3A = arith.extui %ge3A_76 : i1 to i32
      %cond3A = arith.constant 0 : i32
      %cond3A_77 = arith.cmpi ne, %convert_element_type3A, %cond3A : i32
      scf.if %cond3A_77 {
        %sub3A_198 = arith.constant 1 : i32
        %sub3A_199 = arith.subi %add3A_59, %sub3A_198 : i32
        %dma_wait3A_200 = arith.constant 0 : i32
        %dma_wait3A_201 = tpu.memref_slice %arg8[%sub3A_199, %dma_wait3A_200] : memref<160x128xi32, #tpu.memory_space<vmem>> -> memref<1x128xi32, #tpu.memory_space<vmem>>
        %dma_wait3A_202 = tpu.memref_squeeze %dma_wait3A_201 : memref<1x128xi32, #tpu.memory_space<vmem>> -> memref<128xi32, #tpu.memory_space<vmem>>
        %dma_wait3A_203 = arith.constant 0 : i32
        %dma_wait3A_204 = arith.constant 0 : i32
        %dma_wait3A_205 = tpu.memref_slice %arg13[%dma_wait3A_203, %dma_wait3A_204] : memref<10240x64xf32, #tpu.memory_space<vmem_shared>> -> memref<10240x64xf32, #tpu.memory_space<vmem_shared>>
        tpu.wait_indirect_dma semaphore(%arg21 : memref<!tpu.dma_semaphore, #tpu.memory_space<semaphore_mem>>) src(%arg12 : memref<128x64xf32, #tpu.memory_space<vmem>>) dst(%dma_wait3A_205 : memref<10240x64xf32, #tpu.memory_space<vmem_shared>>)
      } else {
      }
      %ge3A_78 = arith.constant 1 : i32
      %ge3A_79 = arith.cmpi sge, %add3A_59, %ge3A_78 : i32
      %add3A_80 = arith.constant 4 : i32
      %add3A_81 = arith.addi %add3A_59, %add3A_80 : i32
      %sub3A = arith.constant 1 : i32
      %sub3A_82 = arith.subi %add3A_81, %sub3A : i32
      %lt3A = arith.constant 160 : i32
      %lt3A_83 = arith.cmpi slt, %sub3A_82, %lt3A : i32
      %and3A = arith.andi %ge3A_79, %lt3A_83 : i1
      %convert_element_type3A_84 = arith.extui %and3A : i1 to i32
      %cond3A_85 = arith.constant 0 : i32
      %cond3A_86 = arith.cmpi ne, %convert_element_type3A_84, %cond3A_85 : i32
      scf.if %cond3A_86 {
        %add3A_198 = arith.constant 4 : i32
        %add3A_199 = arith.addi %add3A_59, %add3A_198 : i32
        %sub3A_200 = arith.constant 1 : i32
        %sub3A_201 = arith.subi %add3A_199, %sub3A_200 : i32
        %dma_start3A_202 = arith.constant 0 : i32
        %dma_start3A_203 = tpu.memref_slice %arg7[%sub3A_201, %dma_start3A_202] : memref<160x128xi32, #tpu.memory_space<vmem>> -> memref<1x128xi32, #tpu.memory_space<vmem>>
        %dma_start3A_204 = tpu.memref_squeeze %dma_start3A_203 : memref<1x128xi32, #tpu.memory_space<vmem>> -> memref<128xi32, #tpu.memory_space<vmem>>
        %dma_start3A_205 = arith.constant 0 : i32
        %dma_start3A_206 = arith.constant 0 : i32
        %dma_start3A_207 = tpu.memref_slice %arg2[%arg0, %dma_start3A_205, %dma_start3A_206] : memref<2x10000x64xf32, #tpu.memory_space<hbm>> -> memref<1x10000x64xf32, #tpu.memory_space<hbm>>
        %dma_start3A_208 = tpu.memref_squeeze %dma_start3A_207 : memref<1x10000x64xf32, #tpu.memory_space<hbm>> -> memref<10000x64xf32, #tpu.memory_space<hbm>>
        %dma_start3A_209 = arith.constant 0 : i32
        %dma_start3A_210 = arith.constant 0 : i32
        %dma_start3A_211 = tpu.memref_slice %dma_start3A_208[%dma_start3A_209, %dma_start3A_210] : memref<10000x64xf32, #tpu.memory_space<hbm>> -> memref<10000x64xf32, #tpu.memory_space<hbm>>
        tpu.enqueue_indirect_dma source(%dma_start3A_211 : memref<10000x64xf32, #tpu.memory_space<hbm>>) target(%arg12 : memref<128x64xf32, #tpu.memory_space<vmem>>) offsets(%dma_start3A_204 : memref<128xi32, #tpu.memory_space<vmem>>) semaphore(%arg17 : memref<!tpu.dma_semaphore, #tpu.memory_space<semaphore_mem>>)
      } else {
      }
      %mul3A_87 = arith.constant 4 : i32
      %mul3A_88 = arith.muli %scan3A_56, %mul3A_87 : i32
      %add3A_89 = arith.constant 1 : i32
      %add3A_90 = arith.addi %mul3A_88, %add3A_89 : i32
      %dma_wait3A_91 = arith.constant 0 : i32
      %dma_wait3A_92 = tpu.memref_slice %arg7[%add3A_90, %dma_wait3A_91] : memref<160x128xi32, #tpu.memory_space<vmem>> -> memref<1x128xi32, #tpu.memory_space<vmem>>
      %dma_wait3A_93 = tpu.memref_squeeze %dma_wait3A_92 : memref<1x128xi32, #tpu.memory_space<vmem>> -> memref<128xi32, #tpu.memory_space<vmem>>
      %dma_wait3A_94 = arith.constant 0 : i32
      %dma_wait3A_95 = arith.constant 0 : i32
      %dma_wait3A_96 = tpu.memref_slice %arg2[%arg0, %dma_wait3A_94, %dma_wait3A_95] : memref<2x10000x64xf32, #tpu.memory_space<hbm>> -> memref<1x10000x64xf32, #tpu.memory_space<hbm>>
      %dma_wait3A_97 = tpu.memref_squeeze %dma_wait3A_96 : memref<1x10000x64xf32, #tpu.memory_space<hbm>> -> memref<10000x64xf32, #tpu.memory_space<hbm>>
      %dma_wait3A_98 = arith.constant 0 : i32
      %dma_wait3A_99 = arith.constant 0 : i32
      %dma_wait3A_100 = tpu.memref_slice %dma_wait3A_97[%dma_wait3A_98, %dma_wait3A_99] : memref<10000x64xf32, #tpu.memory_space<hbm>> -> memref<10000x64xf32, #tpu.memory_space<hbm>>
      tpu.wait_indirect_dma semaphore(%arg15 : memref<!tpu.dma_semaphore, #tpu.memory_space<semaphore_mem>>) src(%dma_wait3A_100 : memref<10000x64xf32, #tpu.memory_space<hbm>>) dst(%arg10 : memref<128x64xf32, #tpu.memory_space<vmem>>)
      %dma_start3A_101 = arith.constant 0 : i32
      %dma_start3A_102 = tpu.memref_slice %arg8[%add3A_90, %dma_start3A_101] : memref<160x128xi32, #tpu.memory_space<vmem>> -> memref<1x128xi32, #tpu.memory_space<vmem>>
      %dma_start3A_103 = tpu.memref_squeeze %dma_start3A_102 : memref<1x128xi32, #tpu.memory_space<vmem>> -> memref<128xi32, #tpu.memory_space<vmem>>
      %dma_start3A_104 = arith.constant 0 : i32
      %dma_start3A_105 = arith.constant 0 : i32
      %dma_start3A_106 = tpu.memref_slice %arg13[%dma_start3A_104, %dma_start3A_105] : memref<10240x64xf32, #tpu.memory_space<vmem_shared>> -> memref<10240x64xf32, #tpu.memory_space<vmem_shared>>
      tpu.enqueue_indirect_dma source(%arg10 : memref<128x64xf32, #tpu.memory_space<vmem>>) target(%dma_start3A_106 : memref<10240x64xf32, #tpu.memory_space<vmem_shared>>) offsets(%dma_start3A_103 : memref<128xi32, #tpu.memory_space<vmem>>) semaphore(%arg19 : memref<!tpu.dma_semaphore, #tpu.memory_space<semaphore_mem>>) {add = true}
      %ge3A_107 = arith.constant 1 : i32
      %ge3A_108 = arith.cmpi sge, %add3A_90, %ge3A_107 : i32
      %convert_element_type3A_109 = arith.extui %ge3A_108 : i1 to i32
      %cond3A_110 = arith.constant 0 : i32
      %cond3A_111 = arith.cmpi ne, %convert_element_type3A_109, %cond3A_110 : i32
      scf.if %cond3A_111 {
        %sub3A_198 = arith.constant 1 : i32
        %sub3A_199 = arith.subi %add3A_90, %sub3A_198 : i32
        %dma_wait3A_200 = arith.constant 0 : i32
        %dma_wait3A_201 = tpu.memref_slice %arg8[%sub3A_199, %dma_wait3A_200] : memref<160x128xi32, #tpu.memory_space<vmem>> -> memref<1x128xi32, #tpu.memory_space<vmem>>
        %dma_wait3A_202 = tpu.memref_squeeze %dma_wait3A_201 : memref<1x128xi32, #tpu.memory_space<vmem>> -> memref<128xi32, #tpu.memory_space<vmem>>
        %dma_wait3A_203 = arith.constant 0 : i32
        %dma_wait3A_204 = arith.constant 0 : i32
        %dma_wait3A_205 = tpu.memref_slice %arg13[%dma_wait3A_203, %dma_wait3A_204] : memref<10240x64xf32, #tpu.memory_space<vmem_shared>> -> memref<10240x64xf32, #tpu.memory_space<vmem_shared>>
        tpu.wait_indirect_dma semaphore(%arg18 : memref<!tpu.dma_semaphore, #tpu.memory_space<semaphore_mem>>) src(%arg9 : memref<128x64xf32, #tpu.memory_space<vmem>>) dst(%dma_wait3A_205 : memref<10240x64xf32, #tpu.memory_space<vmem_shared>>)
      } else {
      }
      %ge3A_112 = arith.constant 1 : i32
      %ge3A_113 = arith.cmpi sge, %add3A_90, %ge3A_112 : i32
      %add3A_114 = arith.constant 4 : i32
      %add3A_115 = arith.addi %add3A_90, %add3A_114 : i32
      %sub3A_116 = arith.constant 1 : i32
      %sub3A_117 = arith.subi %add3A_115, %sub3A_116 : i32
      %lt3A_118 = arith.constant 160 : i32
      %lt3A_119 = arith.cmpi slt, %sub3A_117, %lt3A_118 : i32
      %and3A_120 = arith.andi %ge3A_113, %lt3A_119 : i1
      %convert_element_type3A_121 = arith.extui %and3A_120 : i1 to i32
      %cond3A_122 = arith.constant 0 : i32
      %cond3A_123 = arith.cmpi ne, %convert_element_type3A_121, %cond3A_122 : i32
      scf.if %cond3A_123 {
        %add3A_198 = arith.constant 4 : i32
        %add3A_199 = arith.addi %add3A_90, %add3A_198 : i32
        %sub3A_200 = arith.constant 1 : i32
        %sub3A_201 = arith.subi %add3A_199, %sub3A_200 : i32
        %dma_start3A_202 = arith.constant 0 : i32
        %dma_start3A_203 = tpu.memref_slice %arg7[%sub3A_201, %dma_start3A_202] : memref<160x128xi32, #tpu.memory_space<vmem>> -> memref<1x128xi32, #tpu.memory_space<vmem>>
        %dma_start3A_204 = tpu.memref_squeeze %dma_start3A_203 : memref<1x128xi32, #tpu.memory_space<vmem>> -> memref<128xi32, #tpu.memory_space<vmem>>
        %dma_start3A_205 = arith.constant 0 : i32
        %dma_start3A_206 = arith.constant 0 : i32
        %dma_start3A_207 = tpu.memref_slice %arg2[%arg0, %dma_start3A_205, %dma_start3A_206] : memref<2x10000x64xf32, #tpu.memory_space<hbm>> -> memref<1x10000x64xf32, #tpu.memory_space<hbm>>
        %dma_start3A_208 = tpu.memref_squeeze %dma_start3A_207 : memref<1x10000x64xf32, #tpu.memory_space<hbm>> -> memref<10000x64xf32, #tpu.memory_space<hbm>>
        %dma_start3A_209 = arith.constant 0 : i32
        %dma_start3A_210 = arith.constant 0 : i32
        %dma_start3A_211 = tpu.memref_slice %dma_start3A_208[%dma_start3A_209, %dma_start3A_210] : memref<10000x64xf32, #tpu.memory_space<hbm>> -> memref<10000x64xf32, #tpu.memory_space<hbm>>
        tpu.enqueue_indirect_dma source(%dma_start3A_211 : memref<10000x64xf32, #tpu.memory_space<hbm>>) target(%arg9 : memref<128x64xf32, #tpu.memory_space<vmem>>) offsets(%dma_start3A_204 : memref<128xi32, #tpu.memory_space<vmem>>) semaphore(%arg14 : memref<!tpu.dma_semaphore, #tpu.memory_space<semaphore_mem>>)
      } else {
      }
      %mul3A_124 = arith.constant 4 : i32
      %mul3A_125 = arith.muli %scan3A_56, %mul3A_124 : i32
      %add3A_126 = arith.constant 2 : i32
      %add3A_127 = arith.addi %mul3A_125, %add3A_126 : i32
      %dma_wait3A_128 = arith.constant 0 : i32
      %dma_wait3A_129 = tpu.memref_slice %arg7[%add3A_127, %dma_wait3A_128] : memref<160x128xi32, #tpu.memory_space<vmem>> -> memref<1x128xi32, #tpu.memory_space<vmem>>
      %dma_wait3A_130 = tpu.memref_squeeze %dma_wait3A_129 : memref<1x128xi32, #tpu.memory_space<vmem>> -> memref<128xi32, #tpu.memory_space<vmem>>
      %dma_wait3A_131 = arith.constant 0 : i32
      %dma_wait3A_132 = arith.constant 0 : i32
      %dma_wait3A_133 = tpu.memref_slice %arg2[%arg0, %dma_wait3A_131, %dma_wait3A_132] : memref<2x10000x64xf32, #tpu.memory_space<hbm>> -> memref<1x10000x64xf32, #tpu.memory_space<hbm>>
      %dma_wait3A_134 = tpu.memref_squeeze %dma_wait3A_133 : memref<1x10000x64xf32, #tpu.memory_space<hbm>> -> memref<10000x64xf32, #tpu.memory_space<hbm>>
      %dma_wait3A_135 = arith.constant 0 : i32
      %dma_wait3A_136 = arith.constant 0 : i32
      %dma_wait3A_137 = tpu.memref_slice %dma_wait3A_134[%dma_wait3A_135, %dma_wait3A_136] : memref<10000x64xf32, #tpu.memory_space<hbm>> -> memref<10000x64xf32, #tpu.memory_space<hbm>>
      tpu.wait_indirect_dma semaphore(%arg16 : memref<!tpu.dma_semaphore, #tpu.memory_space<semaphore_mem>>) src(%dma_wait3A_137 : memref<10000x64xf32, #tpu.memory_space<hbm>>) dst(%arg11 : memref<128x64xf32, #tpu.memory_space<vmem>>)
      %dma_start3A_138 = arith.constant 0 : i32
      %dma_start3A_139 = tpu.memref_slice %arg8[%add3A_127, %dma_start3A_138] : memref<160x128xi32, #tpu.memory_space<vmem>> -> memref<1x128xi32, #tpu.memory_space<vmem>>
      %dma_start3A_140 = tpu.memref_squeeze %dma_start3A_139 : memref<1x128xi32, #tpu.memory_space<vmem>> -> memref<128xi32, #tpu.memory_space<vmem>>
      %dma_start3A_141 = arith.constant 0 : i32
      %dma_start3A_142 = arith.constant 0 : i32
      %dma_start3A_143 = tpu.memref_slice %arg13[%dma_start3A_141, %dma_start3A_142] : memref<10240x64xf32, #tpu.memory_space<vmem_shared>> -> memref<10240x64xf32, #tpu.memory_space<vmem_shared>>
      tpu.enqueue_indirect_dma source(%arg11 : memref<128x64xf32, #tpu.memory_space<vmem>>) target(%dma_start3A_143 : memref<10240x64xf32, #tpu.memory_space<vmem_shared>>) offsets(%dma_start3A_140 : memref<128xi32, #tpu.memory_space<vmem>>) semaphore(%arg20 : memref<!tpu.dma_semaphore, #tpu.memory_space<semaphore_mem>>) {add = true}
      %ge3A_144 = arith.constant 1 : i32
      %ge3A_145 = arith.cmpi sge, %add3A_127, %ge3A_144 : i32
      %convert_element_type3A_146 = arith.extui %ge3A_145 : i1 to i32
      %cond3A_147 = arith.constant 0 : i32
      %cond3A_148 = arith.cmpi ne, %convert_element_type3A_146, %cond3A_147 : i32
      scf.if %cond3A_148 {
        %sub3A_198 = arith.constant 1 : i32
        %sub3A_199 = arith.subi %add3A_127, %sub3A_198 : i32
        %dma_wait3A_200 = arith.constant 0 : i32
        %dma_wait3A_201 = tpu.memref_slice %arg8[%sub3A_199, %dma_wait3A_200] : memref<160x128xi32, #tpu.memory_space<vmem>> -> memref<1x128xi32, #tpu.memory_space<vmem>>
        %dma_wait3A_202 = tpu.memref_squeeze %dma_wait3A_201 : memref<1x128xi32, #tpu.memory_space<vmem>> -> memref<128xi32, #tpu.memory_space<vmem>>
        %dma_wait3A_203 = arith.constant 0 : i32
        %dma_wait3A_204 = arith.constant 0 : i32
        %dma_wait3A_205 = tpu.memref_slice %arg13[%dma_wait3A_203, %dma_wait3A_204] : memref<10240x64xf32, #tpu.memory_space<vmem_shared>> -> memref<10240x64xf32, #tpu.memory_space<vmem_shared>>
        tpu.wait_indirect_dma semaphore(%arg19 : memref<!tpu.dma_semaphore, #tpu.memory_space<semaphore_mem>>) src(%arg10 : memref<128x64xf32, #tpu.memory_space<vmem>>) dst(%dma_wait3A_205 : memref<10240x64xf32, #tpu.memory_space<vmem_shared>>)
      } else {
      }
      %ge3A_149 = arith.constant 1 : i32
      %ge3A_150 = arith.cmpi sge, %add3A_127, %ge3A_149 : i32
      %add3A_151 = arith.constant 4 : i32
      %add3A_152 = arith.addi %add3A_127, %add3A_151 : i32
      %sub3A_153 = arith.constant 1 : i32
      %sub3A_154 = arith.subi %add3A_152, %sub3A_153 : i32
      %lt3A_155 = arith.constant 160 : i32
      %lt3A_156 = arith.cmpi slt, %sub3A_154, %lt3A_155 : i32
      %and3A_157 = arith.andi %ge3A_150, %lt3A_156 : i1
      %convert_element_type3A_158 = arith.extui %and3A_157 : i1 to i32
      %cond3A_159 = arith.constant 0 : i32
      %cond3A_160 = arith.cmpi ne, %convert_element_type3A_158, %cond3A_159 : i32
      scf.if %cond3A_160 {
        %add3A_198 = arith.constant 4 : i32
        %add3A_199 = arith.addi %add3A_127, %add3A_198 : i32
        %sub3A_200 = arith.constant 1 : i32
        %sub3A_201 = arith.subi %add3A_199, %sub3A_200 : i32
        %dma_start3A_202 = arith.constant 0 : i32
        %dma_start3A_203 = tpu.memref_slice %arg7[%sub3A_201, %dma_start3A_202] : memref<160x128xi32, #tpu.memory_space<vmem>> -> memref<1x128xi32, #tpu.memory_space<vmem>>
        %dma_start3A_204 = tpu.memref_squeeze %dma_start3A_203 : memref<1x128xi32, #tpu.memory_space<vmem>> -> memref<128xi32, #tpu.memory_space<vmem>>
        %dma_start3A_205 = arith.constant 0 : i32
        %dma_start3A_206 = arith.constant 0 : i32
        %dma_start3A_207 = tpu.memref_slice %arg2[%arg0, %dma_start3A_205, %dma_start3A_206] : memref<2x10000x64xf32, #tpu.memory_space<hbm>> -> memref<1x10000x64xf32, #tpu.memory_space<hbm>>
        %dma_start3A_208 = tpu.memref_squeeze %dma_start3A_207 : memref<1x10000x64xf32, #tpu.memory_space<hbm>> -> memref<10000x64xf32, #tpu.memory_space<hbm>>
        %dma_start3A_209 = arith.constant 0 : i32
        %dma_start3A_210 = arith.constant 0 : i32
        %dma_start3A_211 = tpu.memref_slice %dma_start3A_208[%dma_start3A_209, %dma_start3A_210] : memref<10000x64xf32, #tpu.memory_space<hbm>> -> memref<10000x64xf32, #tpu.memory_space<hbm>>
        tpu.enqueue_indirect_dma source(%dma_start3A_211 : memref<10000x64xf32, #tpu.memory_space<hbm>>) target(%arg10 : memref<128x64xf32, #tpu.memory_space<vmem>>) offsets(%dma_start3A_204 : memref<128xi32, #tpu.memory_space<vmem>>) semaphore(%arg15 : memref<!tpu.dma_semaphore, #tpu.memory_space<semaphore_mem>>)
      } else {
      }
      %mul3A_161 = arith.constant 4 : i32
      %mul3A_162 = arith.muli %scan3A_56, %mul3A_161 : i32
      %add3A_163 = arith.constant 3 : i32
      %add3A_164 = arith.addi %mul3A_162, %add3A_163 : i32
      %dma_wait3A_165 = arith.constant 0 : i32
      %dma_wait3A_166 = tpu.memref_slice %arg7[%add3A_164, %dma_wait3A_165] : memref<160x128xi32, #tpu.memory_space<vmem>> -> memref<1x128xi32, #tpu.memory_space<vmem>>
      %dma_wait3A_167 = tpu.memref_squeeze %dma_wait3A_166 : memref<1x128xi32, #tpu.memory_space<vmem>> -> memref<128xi32, #tpu.memory_space<vmem>>
      %dma_wait3A_168 = arith.constant 0 : i32
      %dma_wait3A_169 = arith.constant 0 : i32
      %dma_wait3A_170 = tpu.memref_slice %arg2[%arg0, %dma_wait3A_168, %dma_wait3A_169] : memref<2x10000x64xf32, #tpu.memory_space<hbm>> -> memref<1x10000x64xf32, #tpu.memory_space<hbm>>
      %dma_wait3A_171 = tpu.memref_squeeze %dma_wait3A_170 : memref<1x10000x64xf32, #tpu.memory_space<hbm>> -> memref<10000x64xf32, #tpu.memory_space<hbm>>
      %dma_wait3A_172 = arith.constant 0 : i32
      %dma_wait3A_173 = arith.constant 0 : i32
      %dma_wait3A_174 = tpu.memref_slice %dma_wait3A_171[%dma_wait3A_172, %dma_wait3A_173] : memref<10000x64xf32, #tpu.memory_space<hbm>> -> memref<10000x64xf32, #tpu.memory_space<hbm>>
      tpu.wait_indirect_dma semaphore(%arg17 : memref<!tpu.dma_semaphore, #tpu.memory_space<semaphore_mem>>) src(%dma_wait3A_174 : memref<10000x64xf32, #tpu.memory_space<hbm>>) dst(%arg12 : memref<128x64xf32, #tpu.memory_space<vmem>>)
      %dma_start3A_175 = arith.constant 0 : i32
      %dma_start3A_176 = tpu.memref_slice %arg8[%add3A_164, %dma_start3A_175] : memref<160x128xi32, #tpu.memory_space<vmem>> -> memref<1x128xi32, #tpu.memory_space<vmem>>
      %dma_start3A_177 = tpu.memref_squeeze %dma_start3A_176 : memref<1x128xi32, #tpu.memory_space<vmem>> -> memref<128xi32, #tpu.memory_space<vmem>>
      %dma_start3A_178 = arith.constant 0 : i32
      %dma_start3A_179 = arith.constant 0 : i32
      %dma_start3A_180 = tpu.memref_slice %arg13[%dma_start3A_178, %dma_start3A_179] : memref<10240x64xf32, #tpu.memory_space<vmem_shared>> -> memref<10240x64xf32, #tpu.memory_space<vmem_shared>>
      tpu.enqueue_indirect_dma source(%arg12 : memref<128x64xf32, #tpu.memory_space<vmem>>) target(%dma_start3A_180 : memref<10240x64xf32, #tpu.memory_space<vmem_shared>>) offsets(%dma_start3A_177 : memref<128xi32, #tpu.memory_space<vmem>>) semaphore(%arg21 : memref<!tpu.dma_semaphore, #tpu.memory_space<semaphore_mem>>) {add = true}
      %ge3A_181 = arith.constant 1 : i32
      %ge3A_182 = arith.cmpi sge, %add3A_164, %ge3A_181 : i32
      %convert_element_type3A_183 = arith.extui %ge3A_182 : i1 to i32
      %cond3A_184 = arith.constant 0 : i32
      %cond3A_185 = arith.cmpi ne, %convert_element_type3A_183, %cond3A_184 : i32
      scf.if %cond3A_185 {
        %sub3A_198 = arith.constant 1 : i32
        %sub3A_199 = arith.subi %add3A_164, %sub3A_198 : i32
        %dma_wait3A_200 = arith.constant 0 : i32
        %dma_wait3A_201 = tpu.memref_slice %arg8[%sub3A_199, %dma_wait3A_200] : memref<160x128xi32, #tpu.memory_space<vmem>> -> memref<1x128xi32, #tpu.memory_space<vmem>>
        %dma_wait3A_202 = tpu.memref_squeeze %dma_wait3A_201 : memref<1x128xi32, #tpu.memory_space<vmem>> -> memref<128xi32, #tpu.memory_space<vmem>>
        %dma_wait3A_203 = arith.constant 0 : i32
        %dma_wait3A_204 = arith.constant 0 : i32
        %dma_wait3A_205 = tpu.memref_slice %arg13[%dma_wait3A_203, %dma_wait3A_204] : memref<10240x64xf32, #tpu.memory_space<vmem_shared>> -> memref<10240x64xf32, #tpu.memory_space<vmem_shared>>
        tpu.wait_indirect_dma semaphore(%arg20 : memref<!tpu.dma_semaphore, #tpu.memory_space<semaphore_mem>>) src(%arg11 : memref<128x64xf32, #tpu.memory_space<vmem>>) dst(%dma_wait3A_205 : memref<10240x64xf32, #tpu.memory_space<vmem_shared>>)
      } else {
      }
      %ge3A_186 = arith.constant 1 : i32
      %ge3A_187 = arith.cmpi sge, %add3A_164, %ge3A_186 : i32
      %add3A_188 = arith.constant 4 : i32
      %add3A_189 = arith.addi %add3A_164, %add3A_188 : i32
      %sub3A_190 = arith.constant 1 : i32
      %sub3A_191 = arith.subi %add3A_189, %sub3A_190 : i32
      %lt3A_192 = arith.constant 160 : i32
      %lt3A_193 = arith.cmpi slt, %sub3A_191, %lt3A_192 : i32
      %and3A_194 = arith.andi %ge3A_187, %lt3A_193 : i1
      %convert_element_type3A_195 = arith.extui %and3A_194 : i1 to i32
      %cond3A_196 = arith.constant 0 : i32
      %cond3A_197 = arith.cmpi ne, %convert_element_type3A_195, %cond3A_196 : i32
      scf.if %cond3A_197 {
        %add3A_198 = arith.constant 4 : i32
        %add3A_199 = arith.addi %add3A_164, %add3A_198 : i32
        %sub3A_200 = arith.constant 1 : i32
        %sub3A_201 = arith.subi %add3A_199, %sub3A_200 : i32
        %dma_start3A_202 = arith.constant 0 : i32
        %dma_start3A_203 = tpu.memref_slice %arg7[%sub3A_201, %dma_start3A_202] : memref<160x128xi32, #tpu.memory_space<vmem>> -> memref<1x128xi32, #tpu.memory_space<vmem>>
        %dma_start3A_204 = tpu.memref_squeeze %dma_start3A_203 : memref<1x128xi32, #tpu.memory_space<vmem>> -> memref<128xi32, #tpu.memory_space<vmem>>
        %dma_start3A_205 = arith.constant 0 : i32
        %dma_start3A_206 = arith.constant 0 : i32
        %dma_start3A_207 = tpu.memref_slice %arg2[%arg0, %dma_start3A_205, %dma_start3A_206] : memref<2x10000x64xf32, #tpu.memory_space<hbm>> -> memref<1x10000x64xf32, #tpu.memory_space<hbm>>
        %dma_start3A_208 = tpu.memref_squeeze %dma_start3A_207 : memref<1x10000x64xf32, #tpu.memory_space<hbm>> -> memref<10000x64xf32, #tpu.memory_space<hbm>>
        %dma_start3A_209 = arith.constant 0 : i32
        %dma_start3A_210 = arith.constant 0 : i32
        %dma_start3A_211 = tpu.memref_slice %dma_start3A_208[%dma_start3A_209, %dma_start3A_210] : memref<10000x64xf32, #tpu.memory_space<hbm>> -> memref<10000x64xf32, #tpu.memory_space<hbm>>
        tpu.enqueue_indirect_dma source(%dma_start3A_211 : memref<10000x64xf32, #tpu.memory_space<hbm>>) target(%arg11 : memref<128x64xf32, #tpu.memory_space<vmem>>) offsets(%dma_start3A_204 : memref<128xi32, #tpu.memory_space<vmem>>) semaphore(%arg16 : memref<!tpu.dma_semaphore, #tpu.memory_space<semaphore_mem>>)
      } else {
      }
    }
    %scan3A_48 = arith.constant 40 : i32
    %dma_wait3A = arith.constant 159 : i32
    %dma_wait3A_49 = arith.constant 0 : i32
    %dma_wait3A_50 = tpu.memref_slice %arg8[%dma_wait3A, %dma_wait3A_49] : memref<160x128xi32, #tpu.memory_space<vmem>> -> memref<1x128xi32, #tpu.memory_space<vmem>>
    %dma_wait3A_51 = tpu.memref_squeeze %dma_wait3A_50 : memref<1x128xi32, #tpu.memory_space<vmem>> -> memref<128xi32, #tpu.memory_space<vmem>>
    %dma_wait3A_52 = arith.constant 0 : i32
    %dma_wait3A_53 = arith.constant 0 : i32
    %dma_wait3A_54 = tpu.memref_slice %arg13[%dma_wait3A_52, %dma_wait3A_53] : memref<10240x64xf32, #tpu.memory_space<vmem_shared>> -> memref<10240x64xf32, #tpu.memory_space<vmem_shared>>
    tpu.wait_indirect_dma semaphore(%arg21 : memref<!tpu.dma_semaphore, #tpu.memory_space<semaphore_mem>>) src(%arg12 : memref<128x64xf32, #tpu.memory_space<vmem>>) dst(%dma_wait3A_54 : memref<10240x64xf32, #tpu.memory_space<vmem_shared>>)
    %barrier3A_55 = arith.constant 0 : index
    tpu.barrier barrier_id(%barrier3A_55)
    "tpu.region"() ({
      %run_scoped3A = tpu.sem_alloc : memref<!tpu.dma_semaphore, #tpu.memory_space<semaphore_mem>>
      %dma_start3A_56 = arith.constant 0 : i32
      %dma_start3A_57 = tpu.memref_slice %arg6[%arg0, %mul3A_0, %dma_start3A_56] : memref<2x10240x64xf32, #tpu.memory_space<hbm>> -> memref<1x640x64xf32, #tpu.memory_space<hbm>>
      %dma_start3A_58 = tpu.memref_squeeze %dma_start3A_57 : memref<1x640x64xf32, #tpu.memory_space<hbm>> -> memref<640x64xf32, #tpu.memory_space<hbm>>
      %dma_start3A_59 = arith.constant 0 : i32
      %dma_start3A_60 = tpu.memref_slice %arg13[%mul3A_0, %dma_start3A_59] : memref<10240x64xf32, #tpu.memory_space<vmem_shared>> -> memref<640x64xf32, #tpu.memory_space<vmem_shared>>
      tpu.enqueue_dma source(%dma_start3A_60 : memref<640x64xf32, #tpu.memory_space<vmem_shared>>) target(%dma_start3A_58 : memref<640x64xf32, #tpu.memory_space<hbm>>) target_semaphore(%run_scoped3A : memref<!tpu.dma_semaphore, #tpu.memory_space<semaphore_mem>>)
      %dma_wait3A_61 = arith.constant 0 : i32
      %dma_wait3A_62 = tpu.memref_slice %arg6[%arg0, %mul3A_0, %dma_wait3A_61] : memref<2x10240x64xf32, #tpu.memory_space<hbm>> -> memref<1x640x64xf32, #tpu.memory_space<hbm>>
      %dma_wait3A_63 = tpu.memref_squeeze %dma_wait3A_62 : memref<1x640x64xf32, #tpu.memory_space<hbm>> -> memref<640x64xf32, #tpu.memory_space<hbm>>
      %dma_wait3A_64 = arith.constant 0 : i32
      %dma_wait3A_65 = tpu.memref_slice %arg13[%mul3A_0, %dma_wait3A_64] : memref<10240x64xf32, #tpu.memory_space<vmem_shared>> -> memref<640x64xf32, #tpu.memory_space<vmem_shared>>
      tpu.wait_dma2 semaphore(%run_scoped3A : memref<!tpu.dma_semaphore, #tpu.memory_space<semaphore_mem>>) src(%dma_wait3A_65 : memref<640x64xf32, #tpu.memory_space<vmem_shared>>) dst(%dma_wait3A_63 : memref<640x64xf32, #tpu.memory_space<hbm>>)
      tpu.yield
    }) : () -> ()
    return
  }
}

#map = affine_map<(d0, d1) -> (0, 0, 0)>
#map1 = affine_map<(d0, d1) -> (0, 0)>
module attributes {stable_mosaic.version = 14 : i64} {
  func.func @_msgpass_sc(%arg0: i32, %arg1: i32, %arg2: memref<2x10000x64xf32, #tpu.memory_space<hbm>>, %arg3: memref<10240x64xf32, #tpu.memory_space<hbm>>, %arg4: memref<16x160x128xi32, #tpu.memory_space<hbm>>, %arg5: memref<16x160x128xi32, #tpu.memory_space<hbm>>, %arg6: memref<2x10240x64xf32, #tpu.memory_space<hbm>>, %arg7: memref<160x128xi32, #tpu.memory_space<vmem>>, %arg8: memref<160x128xi32, #tpu.memory_space<vmem>>, %arg9: memref<128x64xf32, #tpu.memory_space<vmem>>, %arg10: memref<128x64xf32, #tpu.memory_space<vmem>>, %arg11: memref<128x64xf32, #tpu.memory_space<vmem>>, %arg12: memref<128x64xf32, #tpu.memory_space<vmem>>, %arg13: memref<10240x64xf32, #tpu.memory_space<vmem_shared>>, %arg14: memref<!tpu.dma_semaphore, #tpu.memory_space<semaphore_mem>>, %arg15: memref<!tpu.dma_semaphore, #tpu.memory_space<semaphore_mem>>, %arg16: memref<!tpu.dma_semaphore, #tpu.memory_space<semaphore_mem>>, %arg17: memref<!tpu.dma_semaphore, #tpu.memory_space<semaphore_mem>>, %arg18: memref<!tpu.dma_semaphore, #tpu.memory_space<semaphore_mem>>, %arg19: memref<!tpu.dma_semaphore, #tpu.memory_space<semaphore_mem>>, %arg20: memref<!tpu.dma_semaphore, #tpu.memory_space<semaphore_mem>>, %arg21: memref<!tpu.dma_semaphore, #tpu.memory_space<semaphore_mem>>) attributes {dimension_semantics = [#tpu.dimension_semantics<core_parallel>, #tpu.dimension_semantics<subcore_parallel>], iteration_bounds = array<i64: 2, 16>, scalar_prefetch = 0 : i64, scratch_operands = 15 : i64, tpu.core_type = #tpu.core_type<sc_vector_subcore>, window_params = [{transform_indices = #map}, {transform_indices = #map1}, {transform_indices = #map}, {transform_indices = #map}, {transform_indices = #map}]} {
    %mul3A = arith.constant 640 : i32
    %mul3A_0 = arith.muli %arg1, %mul3A : i32
    "tpu.region"() ({
      %run_scoped3A = tpu.sem_alloc : memref<!tpu.dma_semaphore, #tpu.memory_space<semaphore_mem>>
      %dma_start3A_56 = arith.constant 0 : i32
      %dma_start3A_57 = tpu.memref_slice %arg13[%mul3A_0, %dma_start3A_56] : memref<10240x64xf32, #tpu.memory_space<vmem_shared>> -> memref<640x64xf32, #tpu.memory_space<vmem_shared>>
      %dma_start3A_58 = arith.constant 0 : i32
      %dma_start3A_59 = tpu.memref_slice %arg3[%mul3A_0, %dma_start3A_58] : memref<10240x64xf32, #tpu.memory_space<hbm>> -> memref<640x64xf32, #tpu.memory_space<hbm>>
      tpu.enqueue_dma source(%dma_start3A_59 : memref<640x64xf32, #tpu.memory_space<hbm>>) target(%dma_start3A_57 : memref<640x64xf32, #tpu.memory_space<vmem_shared>>) target_semaphore(%run_scoped3A : memref<!tpu.dma_semaphore, #tpu.memory_space<semaphore_mem>>)
      %dma_wait3A_60 = arith.constant 0 : i32
      %dma_wait3A_61 = tpu.memref_slice %arg13[%mul3A_0, %dma_wait3A_60] : memref<10240x64xf32, #tpu.memory_space<vmem_shared>> -> memref<640x64xf32, #tpu.memory_space<vmem_shared>>
      %dma_wait3A_62 = arith.constant 0 : i32
      %dma_wait3A_63 = tpu.memref_slice %arg3[%mul3A_0, %dma_wait3A_62] : memref<10240x64xf32, #tpu.memory_space<hbm>> -> memref<640x64xf32, #tpu.memory_space<hbm>>
      tpu.wait_dma2 semaphore(%run_scoped3A : memref<!tpu.dma_semaphore, #tpu.memory_space<semaphore_mem>>) src(%dma_wait3A_63 : memref<640x64xf32, #tpu.memory_space<hbm>>) dst(%dma_wait3A_61 : memref<640x64xf32, #tpu.memory_space<vmem_shared>>)
      tpu.yield
    }) : () -> ()
    "tpu.region"() ({
      %run_scoped3A = tpu.sem_alloc : memref<!tpu.dma_semaphore, #tpu.memory_space<semaphore_mem>>
      %dma_start3A_56 = arith.constant 0 : i32
      %dma_start3A_57 = arith.constant 0 : i32
      %dma_start3A_58 = tpu.memref_slice %arg4[%arg1, %dma_start3A_56, %dma_start3A_57] : memref<16x160x128xi32, #tpu.memory_space<hbm>> -> memref<1x160x128xi32, #tpu.memory_space<hbm>>
      %dma_start3A_59 = tpu.memref_squeeze %dma_start3A_58 : memref<1x160x128xi32, #tpu.memory_space<hbm>> -> memref<160x128xi32, #tpu.memory_space<hbm>>
      %dma_start3A_60 = arith.constant 0 : i32
      %dma_start3A_61 = arith.constant 0 : i32
      %dma_start3A_62 = tpu.memref_slice %arg4[%arg1, %dma_start3A_60, %dma_start3A_61] : memref<16x160x128xi32, #tpu.memory_space<hbm>> -> memref<1x160x128xi32, #tpu.memory_space<hbm>>
      %dma_start3A_63 = tpu.memref_squeeze %dma_start3A_62 : memref<1x160x128xi32, #tpu.memory_space<hbm>> -> memref<160x128xi32, #tpu.memory_space<hbm>>
      tpu.enqueue_dma source(%dma_start3A_63 : memref<160x128xi32, #tpu.memory_space<hbm>>) target(%arg7 : memref<160x128xi32, #tpu.memory_space<vmem>>) target_semaphore(%run_scoped3A : memref<!tpu.dma_semaphore, #tpu.memory_space<semaphore_mem>>)
      %dma_wait3A_64 = arith.constant 0 : i32
      %dma_wait3A_65 = arith.constant 0 : i32
      %dma_wait3A_66 = tpu.memref_slice %arg4[%arg1, %dma_wait3A_64, %dma_wait3A_65] : memref<16x160x128xi32, #tpu.memory_space<hbm>> -> memref<1x160x128xi32, #tpu.memory_space<hbm>>
      %dma_wait3A_67 = tpu.memref_squeeze %dma_wait3A_66 : memref<1x160x128xi32, #tpu.memory_space<hbm>> -> memref<160x128xi32, #tpu.memory_space<hbm>>
      %dma_wait3A_68 = arith.constant 0 : i32
      %dma_wait3A_69 = arith.constant 0 : i32
      %dma_wait3A_70 = tpu.memref_slice %arg4[%arg1, %dma_wait3A_68, %dma_wait3A_69] : memref<16x160x128xi32, #tpu.memory_space<hbm>> -> memref<1x160x128xi32, #tpu.memory_space<hbm>>
      %dma_wait3A_71 = tpu.memref_squeeze %dma_wait3A_70 : memref<1x160x128xi32, #tpu.memory_space<hbm>> -> memref<160x128xi32, #tpu.memory_space<hbm>>
      tpu.wait_dma2 semaphore(%run_scoped3A : memref<!tpu.dma_semaphore, #tpu.memory_space<semaphore_mem>>) src(%dma_wait3A_71 : memref<160x128xi32, #tpu.memory_space<hbm>>) dst(%arg7 : memref<160x128xi32, #tpu.memory_space<vmem>>)
      tpu.yield
    }) : () -> ()
    "tpu.region"() ({
      %run_scoped3A = tpu.sem_alloc : memref<!tpu.dma_semaphore, #tpu.memory_space<semaphore_mem>>
      %dma_start3A_56 = arith.constant 0 : i32
      %dma_start3A_57 = arith.constant 0 : i32
      %dma_start3A_58 = tpu.memref_slice %arg5[%arg1, %dma_start3A_56, %dma_start3A_57] : memref<16x160x128xi32, #tpu.memory_space<hbm>> -> memref<1x160x128xi32, #tpu.memory_space<hbm>>
      %dma_start3A_59 = tpu.memref_squeeze %dma_start3A_58 : memref<1x160x128xi32, #tpu.memory_space<hbm>> -> memref<160x128xi32, #tpu.memory_space<hbm>>
      %dma_start3A_60 = arith.constant 0 : i32
      %dma_start3A_61 = arith.constant 0 : i32
      %dma_start3A_62 = tpu.memref_slice %arg5[%arg1, %dma_start3A_60, %dma_start3A_61] : memref<16x160x128xi32, #tpu.memory_space<hbm>> -> memref<1x160x128xi32, #tpu.memory_space<hbm>>
      %dma_start3A_63 = tpu.memref_squeeze %dma_start3A_62 : memref<1x160x128xi32, #tpu.memory_space<hbm>> -> memref<160x128xi32, #tpu.memory_space<hbm>>
      tpu.enqueue_dma source(%dma_start3A_63 : memref<160x128xi32, #tpu.memory_space<hbm>>) target(%arg8 : memref<160x128xi32, #tpu.memory_space<vmem>>) target_semaphore(%run_scoped3A : memref<!tpu.dma_semaphore, #tpu.memory_space<semaphore_mem>>)
      %dma_wait3A_64 = arith.constant 0 : i32
      %dma_wait3A_65 = arith.constant 0 : i32
      %dma_wait3A_66 = tpu.memref_slice %arg5[%arg1, %dma_wait3A_64, %dma_wait3A_65] : memref<16x160x128xi32, #tpu.memory_space<hbm>> -> memref<1x160x128xi32, #tpu.memory_space<hbm>>
      %dma_wait3A_67 = tpu.memref_squeeze %dma_wait3A_66 : memref<1x160x128xi32, #tpu.memory_space<hbm>> -> memref<160x128xi32, #tpu.memory_space<hbm>>
      %dma_wait3A_68 = arith.constant 0 : i32
      %dma_wait3A_69 = arith.constant 0 : i32
      %dma_wait3A_70 = tpu.memref_slice %arg5[%arg1, %dma_wait3A_68, %dma_wait3A_69] : memref<16x160x128xi32, #tpu.memory_space<hbm>> -> memref<1x160x128xi32, #tpu.memory_space<hbm>>
      %dma_wait3A_71 = tpu.memref_squeeze %dma_wait3A_70 : memref<1x160x128xi32, #tpu.memory_space<hbm>> -> memref<160x128xi32, #tpu.memory_space<hbm>>
      tpu.wait_dma2 semaphore(%run_scoped3A : memref<!tpu.dma_semaphore, #tpu.memory_space<semaphore_mem>>) src(%dma_wait3A_71 : memref<160x128xi32, #tpu.memory_space<hbm>>) dst(%arg8 : memref<160x128xi32, #tpu.memory_space<vmem>>)
      tpu.yield
    }) : () -> ()
    %barrier3A = arith.constant 0 : index
    tpu.barrier barrier_id(%barrier3A)
    %dma_start3A = arith.constant 0 : i32
    %dma_start3A_1 = arith.constant 0 : i32
    %dma_start3A_2 = tpu.memref_slice %arg7[%dma_start3A, %dma_start3A_1] : memref<160x128xi32, #tpu.memory_space<vmem>> -> memref<1x128xi32, #tpu.memory_space<vmem>>
    %dma_start3A_3 = tpu.memref_squeeze %dma_start3A_2 : memref<1x128xi32, #tpu.memory_space<vmem>> -> memref<128xi32, #tpu.memory_space<vmem>>
    %dma_start3A_4 = arith.constant 0 : i32
    %dma_start3A_5 = arith.constant 0 : i32
    %dma_start3A_6 = tpu.memref_slice %arg2[%arg0, %dma_start3A_4, %dma_start3A_5] : memref<2x10000x64xf32, #tpu.memory_space<hbm>> -> memref<1x10000x64xf32, #tpu.memory_space<hbm>>
    %dma_start3A_7 = tpu.memref_squeeze %dma_start3A_6 : memref<1x10000x64xf32, #tpu.memory_space<hbm>> -> memref<10000x64xf32, #tpu.memory_space<hbm>>
    %dma_start3A_8 = arith.constant 0 : i32
    %dma_start3A_9 = arith.constant 0 : i32
    %dma_start3A_10 = tpu.memref_slice %dma_start3A_7[%dma_start3A_8, %dma_start3A_9] : memref<10000x64xf32, #tpu.memory_space<hbm>> -> memref<10000x64xf32, #tpu.memory_space<hbm>>
    tpu.enqueue_indirect_dma source(%dma_start3A_10 : memref<10000x64xf32, #tpu.memory_space<hbm>>) target(%arg9 : memref<128x64xf32, #tpu.memory_space<vmem>>) offsets(%dma_start3A_3 : memref<128xi32, #tpu.memory_space<vmem>>) semaphore(%arg14 : memref<!tpu.dma_semaphore, #tpu.memory_space<semaphore_mem>>)
    %dma_start3A_11 = arith.constant 1 : i32
    %dma_start3A_12 = arith.constant 0 : i32
    %dma_start3A_13 = tpu.memref_slice %arg7[%dma_start3A_11, %dma_start3A_12] : memref<160x128xi32, #tpu.memory_space<vmem>> -> memref<1x128xi32, #tpu.memory_space<vmem>>
    %dma_start3A_14 = tpu.memref_squeeze %dma_start3A_13 : memref<1x128xi32, #tpu.memory_space<vmem>> -> memref<128xi32, #tpu.memory_space<vmem>>
    %dma_start3A_15 = arith.constant 0 : i32
    %dma_start3A_16 = arith.constant 0 : i32
    %dma_start3A_17 = tpu.memref_slice %arg2[%arg0, %dma_start3A_15, %dma_start3A_16] : memref<2x10000x64xf32, #tpu.memory_space<hbm>> -> memref<1x10000x64xf32, #tpu.memory_space<hbm>>
    %dma_start3A_18 = tpu.memref_squeeze %dma_start3A_17 : memref<1x10000x64xf32, #tpu.memory_space<hbm>> -> memref<10000x64xf32, #tpu.memory_space<hbm>>
    %dma_start3A_19 = arith.constant 0 : i32
    %dma_start3A_20 = arith.constant 0 : i32
    %dma_start3A_21 = tpu.memref_slice %dma_start3A_18[%dma_start3A_19, %dma_start3A_20] : memref<10000x64xf32, #tpu.memory_space<hbm>> -> memref<10000x64xf32, #tpu.memory_space<hbm>>
    tpu.enqueue_indirect_dma source(%dma_start3A_21 : memref<10000x64xf32, #tpu.memory_space<hbm>>) target(%arg10 : memref<128x64xf32, #tpu.memory_space<vmem>>) offsets(%dma_start3A_14 : memref<128xi32, #tpu.memory_space<vmem>>) semaphore(%arg15 : memref<!tpu.dma_semaphore, #tpu.memory_space<semaphore_mem>>)
    %dma_start3A_22 = arith.constant 2 : i32
    %dma_start3A_23 = arith.constant 0 : i32
    %dma_start3A_24 = tpu.memref_slice %arg7[%dma_start3A_22, %dma_start3A_23] : memref<160x128xi32, #tpu.memory_space<vmem>> -> memref<1x128xi32, #tpu.memory_space<vmem>>
    %dma_start3A_25 = tpu.memref_squeeze %dma_start3A_24 : memref<1x128xi32, #tpu.memory_space<vmem>> -> memref<128xi32, #tpu.memory_space<vmem>>
    %dma_start3A_26 = arith.constant 0 : i32
    %dma_start3A_27 = arith.constant 0 : i32
    %dma_start3A_28 = tpu.memref_slice %arg2[%arg0, %dma_start3A_26, %dma_start3A_27] : memref<2x10000x64xf32, #tpu.memory_space<hbm>> -> memref<1x10000x64xf32, #tpu.memory_space<hbm>>
    %dma_start3A_29 = tpu.memref_squeeze %dma_start3A_28 : memref<1x10000x64xf32, #tpu.memory_space<hbm>> -> memref<10000x64xf32, #tpu.memory_space<hbm>>
    %dma_start3A_30 = arith.constant 0 : i32
    %dma_start3A_31 = arith.constant 0 : i32
    %dma_start3A_32 = tpu.memref_slice %dma_start3A_29[%dma_start3A_30, %dma_start3A_31] : memref<10000x64xf32, #tpu.memory_space<hbm>> -> memref<10000x64xf32, #tpu.memory_space<hbm>>
    tpu.enqueue_indirect_dma source(%dma_start3A_32 : memref<10000x64xf32, #tpu.memory_space<hbm>>) target(%arg11 : memref<128x64xf32, #tpu.memory_space<vmem>>) offsets(%dma_start3A_25 : memref<128xi32, #tpu.memory_space<vmem>>) semaphore(%arg16 : memref<!tpu.dma_semaphore, #tpu.memory_space<semaphore_mem>>)
    %dma_start3A_33 = arith.constant 3 : i32
    %dma_start3A_34 = arith.constant 0 : i32
    %dma_start3A_35 = tpu.memref_slice %arg7[%dma_start3A_33, %dma_start3A_34] : memref<160x128xi32, #tpu.memory_space<vmem>> -> memref<1x128xi32, #tpu.memory_space<vmem>>
    %dma_start3A_36 = tpu.memref_squeeze %dma_start3A_35 : memref<1x128xi32, #tpu.memory_space<vmem>> -> memref<128xi32, #tpu.memory_space<vmem>>
    %dma_start3A_37 = arith.constant 0 : i32
    %dma_start3A_38 = arith.constant 0 : i32
    %dma_start3A_39 = tpu.memref_slice %arg2[%arg0, %dma_start3A_37, %dma_start3A_38] : memref<2x10000x64xf32, #tpu.memory_space<hbm>> -> memref<1x10000x64xf32, #tpu.memory_space<hbm>>
    %dma_start3A_40 = tpu.memref_squeeze %dma_start3A_39 : memref<1x10000x64xf32, #tpu.memory_space<hbm>> -> memref<10000x64xf32, #tpu.memory_space<hbm>>
    %dma_start3A_41 = arith.constant 0 : i32
    %dma_start3A_42 = arith.constant 0 : i32
    %dma_start3A_43 = tpu.memref_slice %dma_start3A_40[%dma_start3A_41, %dma_start3A_42] : memref<10000x64xf32, #tpu.memory_space<hbm>> -> memref<10000x64xf32, #tpu.memory_space<hbm>>
    tpu.enqueue_indirect_dma source(%dma_start3A_43 : memref<10000x64xf32, #tpu.memory_space<hbm>>) target(%arg12 : memref<128x64xf32, #tpu.memory_space<vmem>>) offsets(%dma_start3A_36 : memref<128xi32, #tpu.memory_space<vmem>>) semaphore(%arg17 : memref<!tpu.dma_semaphore, #tpu.memory_space<semaphore_mem>>)
    %scan3A = arith.constant 0 : i32
    %scan3A_44 = arith.constant 0 : i32
    %scan3A_45 = arith.constant 40 : i32
    %scan3A_46 = arith.addi %scan3A_44, %scan3A_45 : i32
    %scan3A_47 = arith.constant 1 : i32
    scf.for %scan3A_56 = %scan3A_44 to %scan3A_46 step %scan3A_47  : i32 {
      %mul3A_57 = arith.constant 4 : i32
      %mul3A_58 = arith.muli %scan3A_56, %mul3A_57 : i32
      %add3A = arith.constant 0 : i32
      %add3A_59 = arith.addi %mul3A_58, %add3A : i32
      %dma_wait3A_60 = arith.constant 0 : i32
      %dma_wait3A_61 = tpu.memref_slice %arg7[%add3A_59, %dma_wait3A_60] : memref<160x128xi32, #tpu.memory_space<vmem>> -> memref<1x128xi32, #tpu.memory_space<vmem>>
      %dma_wait3A_62 = tpu.memref_squeeze %dma_wait3A_61 : memref<1x128xi32, #tpu.memory_space<vmem>> -> memref<128xi32, #tpu.memory_space<vmem>>
      %dma_wait3A_63 = arith.constant 0 : i32
      %dma_wait3A_64 = arith.constant 0 : i32
      %dma_wait3A_65 = tpu.memref_slice %arg2[%arg0, %dma_wait3A_63, %dma_wait3A_64] : memref<2x10000x64xf32, #tpu.memory_space<hbm>> -> memref<1x10000x64xf32, #tpu.memory_space<hbm>>
      %dma_wait3A_66 = tpu.memref_squeeze %dma_wait3A_65 : memref<1x10000x64xf32, #tpu.memory_space<hbm>> -> memref<10000x64xf32, #tpu.memory_space<hbm>>
      %dma_wait3A_67 = arith.constant 0 : i32
      %dma_wait3A_68 = arith.constant 0 : i32
      %dma_wait3A_69 = tpu.memref_slice %dma_wait3A_66[%dma_wait3A_67, %dma_wait3A_68] : memref<10000x64xf32, #tpu.memory_space<hbm>> -> memref<10000x64xf32, #tpu.memory_space<hbm>>
      tpu.wait_indirect_dma semaphore(%arg14 : memref<!tpu.dma_semaphore, #tpu.memory_space<semaphore_mem>>) src(%dma_wait3A_69 : memref<10000x64xf32, #tpu.memory_space<hbm>>) dst(%arg9 : memref<128x64xf32, #tpu.memory_space<vmem>>)
      %dma_start3A_70 = arith.constant 0 : i32
      %dma_start3A_71 = tpu.memref_slice %arg8[%add3A_59, %dma_start3A_70] : memref<160x128xi32, #tpu.memory_space<vmem>> -> memref<1x128xi32, #tpu.memory_space<vmem>>
      %dma_start3A_72 = tpu.memref_squeeze %dma_start3A_71 : memref<1x128xi32, #tpu.memory_space<vmem>> -> memref<128xi32, #tpu.memory_space<vmem>>
      %dma_start3A_73 = arith.constant 0 : i32
      %dma_start3A_74 = arith.constant 0 : i32
      %dma_start3A_75 = tpu.memref_slice %arg13[%dma_start3A_73, %dma_start3A_74] : memref<10240x64xf32, #tpu.memory_space<vmem_shared>> -> memref<10240x64xf32, #tpu.memory_space<vmem_shared>>
      tpu.enqueue_indirect_dma source(%arg9 : memref<128x64xf32, #tpu.memory_space<vmem>>) target(%dma_start3A_75 : memref<10240x64xf32, #tpu.memory_space<vmem_shared>>) offsets(%dma_start3A_72 : memref<128xi32, #tpu.memory_space<vmem>>) semaphore(%arg18 : memref<!tpu.dma_semaphore, #tpu.memory_space<semaphore_mem>>) {add = true}
      %ge3A = arith.constant 1 : i32
      %ge3A_76 = arith.cmpi sge, %add3A_59, %ge3A : i32
      %convert_element_type3A = arith.extui %ge3A_76 : i1 to i32
      %cond3A = arith.constant 0 : i32
      %cond3A_77 = arith.cmpi ne, %convert_element_type3A, %cond3A : i32
      scf.if %cond3A_77 {
        %sub3A_198 = arith.constant 1 : i32
        %sub3A_199 = arith.subi %add3A_59, %sub3A_198 : i32
        %dma_wait3A_200 = arith.constant 0 : i32
        %dma_wait3A_201 = tpu.memref_slice %arg8[%sub3A_199, %dma_wait3A_200] : memref<160x128xi32, #tpu.memory_space<vmem>> -> memref<1x128xi32, #tpu.memory_space<vmem>>
        %dma_wait3A_202 = tpu.memref_squeeze %dma_wait3A_201 : memref<1x128xi32, #tpu.memory_space<vmem>> -> memref<128xi32, #tpu.memory_space<vmem>>
        %dma_wait3A_203 = arith.constant 0 : i32
        %dma_wait3A_204 = arith.constant 0 : i32
        %dma_wait3A_205 = tpu.memref_slice %arg13[%dma_wait3A_203, %dma_wait3A_204] : memref<10240x64xf32, #tpu.memory_space<vmem_shared>> -> memref<10240x64xf32, #tpu.memory_space<vmem_shared>>
        tpu.wait_indirect_dma semaphore(%arg21 : memref<!tpu.dma_semaphore, #tpu.memory_space<semaphore_mem>>) src(%arg12 : memref<128x64xf32, #tpu.memory_space<vmem>>) dst(%dma_wait3A_205 : memref<10240x64xf32, #tpu.memory_space<vmem_shared>>)
      } else {
      }
      %ge3A_78 = arith.constant 1 : i32
      %ge3A_79 = arith.cmpi sge, %add3A_59, %ge3A_78 : i32
      %add3A_80 = arith.constant 4 : i32
      %add3A_81 = arith.addi %add3A_59, %add3A_80 : i32
      %sub3A = arith.constant 1 : i32
      %sub3A_82 = arith.subi %add3A_81, %sub3A : i32
      %lt3A = arith.constant 160 : i32
      %lt3A_83 = arith.cmpi slt, %sub3A_82, %lt3A : i32
      %and3A = arith.andi %ge3A_79, %lt3A_83 : i1
      %convert_element_type3A_84 = arith.extui %and3A : i1 to i32
      %cond3A_85 = arith.constant 0 : i32
      %cond3A_86 = arith.cmpi ne, %convert_element_type3A_84, %cond3A_85 : i32
      scf.if %cond3A_86 {
        %add3A_198 = arith.constant 4 : i32
        %add3A_199 = arith.addi %add3A_59, %add3A_198 : i32
        %sub3A_200 = arith.constant 1 : i32
        %sub3A_201 = arith.subi %add3A_199, %sub3A_200 : i32
        %dma_start3A_202 = arith.constant 0 : i32
        %dma_start3A_203 = tpu.memref_slice %arg7[%sub3A_201, %dma_start3A_202] : memref<160x128xi32, #tpu.memory_space<vmem>> -> memref<1x128xi32, #tpu.memory_space<vmem>>
        %dma_start3A_204 = tpu.memref_squeeze %dma_start3A_203 : memref<1x128xi32, #tpu.memory_space<vmem>> -> memref<128xi32, #tpu.memory_space<vmem>>
        %dma_start3A_205 = arith.constant 0 : i32
        %dma_start3A_206 = arith.constant 0 : i32
        %dma_start3A_207 = tpu.memref_slice %arg2[%arg0, %dma_start3A_205, %dma_start3A_206] : memref<2x10000x64xf32, #tpu.memory_space<hbm>> -> memref<1x10000x64xf32, #tpu.memory_space<hbm>>
        %dma_start3A_208 = tpu.memref_squeeze %dma_start3A_207 : memref<1x10000x64xf32, #tpu.memory_space<hbm>> -> memref<10000x64xf32, #tpu.memory_space<hbm>>
        %dma_start3A_209 = arith.constant 0 : i32
        %dma_start3A_210 = arith.constant 0 : i32
        %dma_start3A_211 = tpu.memref_slice %dma_start3A_208[%dma_start3A_209, %dma_start3A_210] : memref<10000x64xf32, #tpu.memory_space<hbm>> -> memref<10000x64xf32, #tpu.memory_space<hbm>>
        tpu.enqueue_indirect_dma source(%dma_start3A_211 : memref<10000x64xf32, #tpu.memory_space<hbm>>) target(%arg12 : memref<128x64xf32, #tpu.memory_space<vmem>>) offsets(%dma_start3A_204 : memref<128xi32, #tpu.memory_space<vmem>>) semaphore(%arg17 : memref<!tpu.dma_semaphore, #tpu.memory_space<semaphore_mem>>)
      } else {
      }
      %mul3A_87 = arith.constant 4 : i32
      %mul3A_88 = arith.muli %scan3A_56, %mul3A_87 : i32
      %add3A_89 = arith.constant 1 : i32
      %add3A_90 = arith.addi %mul3A_88, %add3A_89 : i32
      %dma_wait3A_91 = arith.constant 0 : i32
      %dma_wait3A_92 = tpu.memref_slice %arg7[%add3A_90, %dma_wait3A_91] : memref<160x128xi32, #tpu.memory_space<vmem>> -> memref<1x128xi32, #tpu.memory_space<vmem>>
      %dma_wait3A_93 = tpu.memref_squeeze %dma_wait3A_92 : memref<1x128xi32, #tpu.memory_space<vmem>> -> memref<128xi32, #tpu.memory_space<vmem>>
      %dma_wait3A_94 = arith.constant 0 : i32
      %dma_wait3A_95 = arith.constant 0 : i32
      %dma_wait3A_96 = tpu.memref_slice %arg2[%arg0, %dma_wait3A_94, %dma_wait3A_95] : memref<2x10000x64xf32, #tpu.memory_space<hbm>> -> memref<1x10000x64xf32, #tpu.memory_space<hbm>>
      %dma_wait3A_97 = tpu.memref_squeeze %dma_wait3A_96 : memref<1x10000x64xf32, #tpu.memory_space<hbm>> -> memref<10000x64xf32, #tpu.memory_space<hbm>>
      %dma_wait3A_98 = arith.constant 0 : i32
      %dma_wait3A_99 = arith.constant 0 : i32
      %dma_wait3A_100 = tpu.memref_slice %dma_wait3A_97[%dma_wait3A_98, %dma_wait3A_99] : memref<10000x64xf32, #tpu.memory_space<hbm>> -> memref<10000x64xf32, #tpu.memory_space<hbm>>
      tpu.wait_indirect_dma semaphore(%arg15 : memref<!tpu.dma_semaphore, #tpu.memory_space<semaphore_mem>>) src(%dma_wait3A_100 : memref<10000x64xf32, #tpu.memory_space<hbm>>) dst(%arg10 : memref<128x64xf32, #tpu.memory_space<vmem>>)
      %dma_start3A_101 = arith.constant 0 : i32
      %dma_start3A_102 = tpu.memref_slice %arg8[%add3A_90, %dma_start3A_101] : memref<160x128xi32, #tpu.memory_space<vmem>> -> memref<1x128xi32, #tpu.memory_space<vmem>>
      %dma_start3A_103 = tpu.memref_squeeze %dma_start3A_102 : memref<1x128xi32, #tpu.memory_space<vmem>> -> memref<128xi32, #tpu.memory_space<vmem>>
      %dma_start3A_104 = arith.constant 0 : i32
      %dma_start3A_105 = arith.constant 0 : i32
      %dma_start3A_106 = tpu.memref_slice %arg13[%dma_start3A_104, %dma_start3A_105] : memref<10240x64xf32, #tpu.memory_space<vmem_shared>> -> memref<10240x64xf32, #tpu.memory_space<vmem_shared>>
      tpu.enqueue_indirect_dma source(%arg10 : memref<128x64xf32, #tpu.memory_space<vmem>>) target(%dma_start3A_106 : memref<10240x64xf32, #tpu.memory_space<vmem_shared>>) offsets(%dma_start3A_103 : memref<128xi32, #tpu.memory_space<vmem>>) semaphore(%arg19 : memref<!tpu.dma_semaphore, #tpu.memory_space<semaphore_mem>>) {add = true}
      %ge3A_107 = arith.constant 1 : i32
      %ge3A_108 = arith.cmpi sge, %add3A_90, %ge3A_107 : i32
      %convert_element_type3A_109 = arith.extui %ge3A_108 : i1 to i32
      %cond3A_110 = arith.constant 0 : i32
      %cond3A_111 = arith.cmpi ne, %convert_element_type3A_109, %cond3A_110 : i32
      scf.if %cond3A_111 {
        %sub3A_198 = arith.constant 1 : i32
        %sub3A_199 = arith.subi %add3A_90, %sub3A_198 : i32
        %dma_wait3A_200 = arith.constant 0 : i32
        %dma_wait3A_201 = tpu.memref_slice %arg8[%sub3A_199, %dma_wait3A_200] : memref<160x128xi32, #tpu.memory_space<vmem>> -> memref<1x128xi32, #tpu.memory_space<vmem>>
        %dma_wait3A_202 = tpu.memref_squeeze %dma_wait3A_201 : memref<1x128xi32, #tpu.memory_space<vmem>> -> memref<128xi32, #tpu.memory_space<vmem>>
        %dma_wait3A_203 = arith.constant 0 : i32
        %dma_wait3A_204 = arith.constant 0 : i32
        %dma_wait3A_205 = tpu.memref_slice %arg13[%dma_wait3A_203, %dma_wait3A_204] : memref<10240x64xf32, #tpu.memory_space<vmem_shared>> -> memref<10240x64xf32, #tpu.memory_space<vmem_shared>>
        tpu.wait_indirect_dma semaphore(%arg18 : memref<!tpu.dma_semaphore, #tpu.memory_space<semaphore_mem>>) src(%arg9 : memref<128x64xf32, #tpu.memory_space<vmem>>) dst(%dma_wait3A_205 : memref<10240x64xf32, #tpu.memory_space<vmem_shared>>)
      } else {
      }
      %ge3A_112 = arith.constant 1 : i32
      %ge3A_113 = arith.cmpi sge, %add3A_90, %ge3A_112 : i32
      %add3A_114 = arith.constant 4 : i32
      %add3A_115 = arith.addi %add3A_90, %add3A_114 : i32
      %sub3A_116 = arith.constant 1 : i32
      %sub3A_117 = arith.subi %add3A_115, %sub3A_116 : i32
      %lt3A_118 = arith.constant 160 : i32
      %lt3A_119 = arith.cmpi slt, %sub3A_117, %lt3A_118 : i32
      %and3A_120 = arith.andi %ge3A_113, %lt3A_119 : i1
      %convert_element_type3A_121 = arith.extui %and3A_120 : i1 to i32
      %cond3A_122 = arith.constant 0 : i32
      %cond3A_123 = arith.cmpi ne, %convert_element_type3A_121, %cond3A_122 : i32
      scf.if %cond3A_123 {
        %add3A_198 = arith.constant 4 : i32
        %add3A_199 = arith.addi %add3A_90, %add3A_198 : i32
        %sub3A_200 = arith.constant 1 : i32
        %sub3A_201 = arith.subi %add3A_199, %sub3A_200 : i32
        %dma_start3A_202 = arith.constant 0 : i32
        %dma_start3A_203 = tpu.memref_slice %arg7[%sub3A_201, %dma_start3A_202] : memref<160x128xi32, #tpu.memory_space<vmem>> -> memref<1x128xi32, #tpu.memory_space<vmem>>
        %dma_start3A_204 = tpu.memref_squeeze %dma_start3A_203 : memref<1x128xi32, #tpu.memory_space<vmem>> -> memref<128xi32, #tpu.memory_space<vmem>>
        %dma_start3A_205 = arith.constant 0 : i32
        %dma_start3A_206 = arith.constant 0 : i32
        %dma_start3A_207 = tpu.memref_slice %arg2[%arg0, %dma_start3A_205, %dma_start3A_206] : memref<2x10000x64xf32, #tpu.memory_space<hbm>> -> memref<1x10000x64xf32, #tpu.memory_space<hbm>>
        %dma_start3A_208 = tpu.memref_squeeze %dma_start3A_207 : memref<1x10000x64xf32, #tpu.memory_space<hbm>> -> memref<10000x64xf32, #tpu.memory_space<hbm>>
        %dma_start3A_209 = arith.constant 0 : i32
        %dma_start3A_210 = arith.constant 0 : i32
        %dma_start3A_211 = tpu.memref_slice %dma_start3A_208[%dma_start3A_209, %dma_start3A_210] : memref<10000x64xf32, #tpu.memory_space<hbm>> -> memref<10000x64xf32, #tpu.memory_space<hbm>>
        tpu.enqueue_indirect_dma source(%dma_start3A_211 : memref<10000x64xf32, #tpu.memory_space<hbm>>) target(%arg9 : memref<128x64xf32, #tpu.memory_space<vmem>>) offsets(%dma_start3A_204 : memref<128xi32, #tpu.memory_space<vmem>>) semaphore(%arg14 : memref<!tpu.dma_semaphore, #tpu.memory_space<semaphore_mem>>)
      } else {
      }
      %mul3A_124 = arith.constant 4 : i32
      %mul3A_125 = arith.muli %scan3A_56, %mul3A_124 : i32
      %add3A_126 = arith.constant 2 : i32
      %add3A_127 = arith.addi %mul3A_125, %add3A_126 : i32
      %dma_wait3A_128 = arith.constant 0 : i32
      %dma_wait3A_129 = tpu.memref_slice %arg7[%add3A_127, %dma_wait3A_128] : memref<160x128xi32, #tpu.memory_space<vmem>> -> memref<1x128xi32, #tpu.memory_space<vmem>>
      %dma_wait3A_130 = tpu.memref_squeeze %dma_wait3A_129 : memref<1x128xi32, #tpu.memory_space<vmem>> -> memref<128xi32, #tpu.memory_space<vmem>>
      %dma_wait3A_131 = arith.constant 0 : i32
      %dma_wait3A_132 = arith.constant 0 : i32
      %dma_wait3A_133 = tpu.memref_slice %arg2[%arg0, %dma_wait3A_131, %dma_wait3A_132] : memref<2x10000x64xf32, #tpu.memory_space<hbm>> -> memref<1x10000x64xf32, #tpu.memory_space<hbm>>
      %dma_wait3A_134 = tpu.memref_squeeze %dma_wait3A_133 : memref<1x10000x64xf32, #tpu.memory_space<hbm>> -> memref<10000x64xf32, #tpu.memory_space<hbm>>
      %dma_wait3A_135 = arith.constant 0 : i32
      %dma_wait3A_136 = arith.constant 0 : i32
      %dma_wait3A_137 = tpu.memref_slice %dma_wait3A_134[%dma_wait3A_135, %dma_wait3A_136] : memref<10000x64xf32, #tpu.memory_space<hbm>> -> memref<10000x64xf32, #tpu.memory_space<hbm>>
      tpu.wait_indirect_dma semaphore(%arg16 : memref<!tpu.dma_semaphore, #tpu.memory_space<semaphore_mem>>) src(%dma_wait3A_137 : memref<10000x64xf32, #tpu.memory_space<hbm>>) dst(%arg11 : memref<128x64xf32, #tpu.memory_space<vmem>>)
      %dma_start3A_138 = arith.constant 0 : i32
      %dma_start3A_139 = tpu.memref_slice %arg8[%add3A_127, %dma_start3A_138] : memref<160x128xi32, #tpu.memory_space<vmem>> -> memref<1x128xi32, #tpu.memory_space<vmem>>
      %dma_start3A_140 = tpu.memref_squeeze %dma_start3A_139 : memref<1x128xi32, #tpu.memory_space<vmem>> -> memref<128xi32, #tpu.memory_space<vmem>>
      %dma_start3A_141 = arith.constant 0 : i32
      %dma_start3A_142 = arith.constant 0 : i32
      %dma_start3A_143 = tpu.memref_slice %arg13[%dma_start3A_141, %dma_start3A_142] : memref<10240x64xf32, #tpu.memory_space<vmem_shared>> -> memref<10240x64xf32, #tpu.memory_space<vmem_shared>>
      tpu.enqueue_indirect_dma source(%arg11 : memref<128x64xf32, #tpu.memory_space<vmem>>) target(%dma_start3A_143 : memref<10240x64xf32, #tpu.memory_space<vmem_shared>>) offsets(%dma_start3A_140 : memref<128xi32, #tpu.memory_space<vmem>>) semaphore(%arg20 : memref<!tpu.dma_semaphore, #tpu.memory_space<semaphore_mem>>) {add = true}
      %ge3A_144 = arith.constant 1 : i32
      %ge3A_145 = arith.cmpi sge, %add3A_127, %ge3A_144 : i32
      %convert_element_type3A_146 = arith.extui %ge3A_145 : i1 to i32
      %cond3A_147 = arith.constant 0 : i32
      %cond3A_148 = arith.cmpi ne, %convert_element_type3A_146, %cond3A_147 : i32
      scf.if %cond3A_148 {
        %sub3A_198 = arith.constant 1 : i32
        %sub3A_199 = arith.subi %add3A_127, %sub3A_198 : i32
        %dma_wait3A_200 = arith.constant 0 : i32
        %dma_wait3A_201 = tpu.memref_slice %arg8[%sub3A_199, %dma_wait3A_200] : memref<160x128xi32, #tpu.memory_space<vmem>> -> memref<1x128xi32, #tpu.memory_space<vmem>>
        %dma_wait3A_202 = tpu.memref_squeeze %dma_wait3A_201 : memref<1x128xi32, #tpu.memory_space<vmem>> -> memref<128xi32, #tpu.memory_space<vmem>>
        %dma_wait3A_203 = arith.constant 0 : i32
        %dma_wait3A_204 = arith.constant 0 : i32
        %dma_wait3A_205 = tpu.memref_slice %arg13[%dma_wait3A_203, %dma_wait3A_204] : memref<10240x64xf32, #tpu.memory_space<vmem_shared>> -> memref<10240x64xf32, #tpu.memory_space<vmem_shared>>
        tpu.wait_indirect_dma semaphore(%arg19 : memref<!tpu.dma_semaphore, #tpu.memory_space<semaphore_mem>>) src(%arg10 : memref<128x64xf32, #tpu.memory_space<vmem>>) dst(%dma_wait3A_205 : memref<10240x64xf32, #tpu.memory_space<vmem_shared>>)
      } else {
      }
      %ge3A_149 = arith.constant 1 : i32
      %ge3A_150 = arith.cmpi sge, %add3A_127, %ge3A_149 : i32
      %add3A_151 = arith.constant 4 : i32
      %add3A_152 = arith.addi %add3A_127, %add3A_151 : i32
      %sub3A_153 = arith.constant 1 : i32
      %sub3A_154 = arith.subi %add3A_152, %sub3A_153 : i32
      %lt3A_155 = arith.constant 160 : i32
      %lt3A_156 = arith.cmpi slt, %sub3A_154, %lt3A_155 : i32
      %and3A_157 = arith.andi %ge3A_150, %lt3A_156 : i1
      %convert_element_type3A_158 = arith.extui %and3A_157 : i1 to i32
      %cond3A_159 = arith.constant 0 : i32
      %cond3A_160 = arith.cmpi ne, %convert_element_type3A_158, %cond3A_159 : i32
      scf.if %cond3A_160 {
        %add3A_198 = arith.constant 4 : i32
        %add3A_199 = arith.addi %add3A_127, %add3A_198 : i32
        %sub3A_200 = arith.constant 1 : i32
        %sub3A_201 = arith.subi %add3A_199, %sub3A_200 : i32
        %dma_start3A_202 = arith.constant 0 : i32
        %dma_start3A_203 = tpu.memref_slice %arg7[%sub3A_201, %dma_start3A_202] : memref<160x128xi32, #tpu.memory_space<vmem>> -> memref<1x128xi32, #tpu.memory_space<vmem>>
        %dma_start3A_204 = tpu.memref_squeeze %dma_start3A_203 : memref<1x128xi32, #tpu.memory_space<vmem>> -> memref<128xi32, #tpu.memory_space<vmem>>
        %dma_start3A_205 = arith.constant 0 : i32
        %dma_start3A_206 = arith.constant 0 : i32
        %dma_start3A_207 = tpu.memref_slice %arg2[%arg0, %dma_start3A_205, %dma_start3A_206] : memref<2x10000x64xf32, #tpu.memory_space<hbm>> -> memref<1x10000x64xf32, #tpu.memory_space<hbm>>
        %dma_start3A_208 = tpu.memref_squeeze %dma_start3A_207 : memref<1x10000x64xf32, #tpu.memory_space<hbm>> -> memref<10000x64xf32, #tpu.memory_space<hbm>>
        %dma_start3A_209 = arith.constant 0 : i32
        %dma_start3A_210 = arith.constant 0 : i32
        %dma_start3A_211 = tpu.memref_slice %dma_start3A_208[%dma_start3A_209, %dma_start3A_210] : memref<10000x64xf32, #tpu.memory_space<hbm>> -> memref<10000x64xf32, #tpu.memory_space<hbm>>
        tpu.enqueue_indirect_dma source(%dma_start3A_211 : memref<10000x64xf32, #tpu.memory_space<hbm>>) target(%arg10 : memref<128x64xf32, #tpu.memory_space<vmem>>) offsets(%dma_start3A_204 : memref<128xi32, #tpu.memory_space<vmem>>) semaphore(%arg15 : memref<!tpu.dma_semaphore, #tpu.memory_space<semaphore_mem>>)
      } else {
      }
      %mul3A_161 = arith.constant 4 : i32
      %mul3A_162 = arith.muli %scan3A_56, %mul3A_161 : i32
      %add3A_163 = arith.constant 3 : i32
      %add3A_164 = arith.addi %mul3A_162, %add3A_163 : i32
      %dma_wait3A_165 = arith.constant 0 : i32
      %dma_wait3A_166 = tpu.memref_slice %arg7[%add3A_164, %dma_wait3A_165] : memref<160x128xi32, #tpu.memory_space<vmem>> -> memref<1x128xi32, #tpu.memory_space<vmem>>
      %dma_wait3A_167 = tpu.memref_squeeze %dma_wait3A_166 : memref<1x128xi32, #tpu.memory_space<vmem>> -> memref<128xi32, #tpu.memory_space<vmem>>
      %dma_wait3A_168 = arith.constant 0 : i32
      %dma_wait3A_169 = arith.constant 0 : i32
      %dma_wait3A_170 = tpu.memref_slice %arg2[%arg0, %dma_wait3A_168, %dma_wait3A_169] : memref<2x10000x64xf32, #tpu.memory_space<hbm>> -> memref<1x10000x64xf32, #tpu.memory_space<hbm>>
      %dma_wait3A_171 = tpu.memref_squeeze %dma_wait3A_170 : memref<1x10000x64xf32, #tpu.memory_space<hbm>> -> memref<10000x64xf32, #tpu.memory_space<hbm>>
      %dma_wait3A_172 = arith.constant 0 : i32
      %dma_wait3A_173 = arith.constant 0 : i32
      %dma_wait3A_174 = tpu.memref_slice %dma_wait3A_171[%dma_wait3A_172, %dma_wait3A_173] : memref<10000x64xf32, #tpu.memory_space<hbm>> -> memref<10000x64xf32, #tpu.memory_space<hbm>>
      tpu.wait_indirect_dma semaphore(%arg17 : memref<!tpu.dma_semaphore, #tpu.memory_space<semaphore_mem>>) src(%dma_wait3A_174 : memref<10000x64xf32, #tpu.memory_space<hbm>>) dst(%arg12 : memref<128x64xf32, #tpu.memory_space<vmem>>)
      %dma_start3A_175 = arith.constant 0 : i32
      %dma_start3A_176 = tpu.memref_slice %arg8[%add3A_164, %dma_start3A_175] : memref<160x128xi32, #tpu.memory_space<vmem>> -> memref<1x128xi32, #tpu.memory_space<vmem>>
      %dma_start3A_177 = tpu.memref_squeeze %dma_start3A_176 : memref<1x128xi32, #tpu.memory_space<vmem>> -> memref<128xi32, #tpu.memory_space<vmem>>
      %dma_start3A_178 = arith.constant 0 : i32
      %dma_start3A_179 = arith.constant 0 : i32
      %dma_start3A_180 = tpu.memref_slice %arg13[%dma_start3A_178, %dma_start3A_179] : memref<10240x64xf32, #tpu.memory_space<vmem_shared>> -> memref<10240x64xf32, #tpu.memory_space<vmem_shared>>
      tpu.enqueue_indirect_dma source(%arg12 : memref<128x64xf32, #tpu.memory_space<vmem>>) target(%dma_start3A_180 : memref<10240x64xf32, #tpu.memory_space<vmem_shared>>) offsets(%dma_start3A_177 : memref<128xi32, #tpu.memory_space<vmem>>) semaphore(%arg21 : memref<!tpu.dma_semaphore, #tpu.memory_space<semaphore_mem>>) {add = true}
      %ge3A_181 = arith.constant 1 : i32
      %ge3A_182 = arith.cmpi sge, %add3A_164, %ge3A_181 : i32
      %convert_element_type3A_183 = arith.extui %ge3A_182 : i1 to i32
      %cond3A_184 = arith.constant 0 : i32
      %cond3A_185 = arith.cmpi ne, %convert_element_type3A_183, %cond3A_184 : i32
      scf.if %cond3A_185 {
        %sub3A_198 = arith.constant 1 : i32
        %sub3A_199 = arith.subi %add3A_164, %sub3A_198 : i32
        %dma_wait3A_200 = arith.constant 0 : i32
        %dma_wait3A_201 = tpu.memref_slice %arg8[%sub3A_199, %dma_wait3A_200] : memref<160x128xi32, #tpu.memory_space<vmem>> -> memref<1x128xi32, #tpu.memory_space<vmem>>
        %dma_wait3A_202 = tpu.memref_squeeze %dma_wait3A_201 : memref<1x128xi32, #tpu.memory_space<vmem>> -> memref<128xi32, #tpu.memory_space<vmem>>
        %dma_wait3A_203 = arith.constant 0 : i32
        %dma_wait3A_204 = arith.constant 0 : i32
        %dma_wait3A_205 = tpu.memref_slice %arg13[%dma_wait3A_203, %dma_wait3A_204] : memref<10240x64xf32, #tpu.memory_space<vmem_shared>> -> memref<10240x64xf32, #tpu.memory_space<vmem_shared>>
        tpu.wait_indirect_dma semaphore(%arg20 : memref<!tpu.dma_semaphore, #tpu.memory_space<semaphore_mem>>) src(%arg11 : memref<128x64xf32, #tpu.memory_space<vmem>>) dst(%dma_wait3A_205 : memref<10240x64xf32, #tpu.memory_space<vmem_shared>>)
      } else {
      }
      %ge3A_186 = arith.constant 1 : i32
      %ge3A_187 = arith.cmpi sge, %add3A_164, %ge3A_186 : i32
      %add3A_188 = arith.constant 4 : i32
      %add3A_189 = arith.addi %add3A_164, %add3A_188 : i32
      %sub3A_190 = arith.constant 1 : i32
      %sub3A_191 = arith.subi %add3A_189, %sub3A_190 : i32
      %lt3A_192 = arith.constant 160 : i32
      %lt3A_193 = arith.cmpi slt, %sub3A_191, %lt3A_192 : i32
      %and3A_194 = arith.andi %ge3A_187, %lt3A_193 : i1
      %convert_element_type3A_195 = arith.extui %and3A_194 : i1 to i32
      %cond3A_196 = arith.constant 0 : i32
      %cond3A_197 = arith.cmpi ne, %convert_element_type3A_195, %cond3A_196 : i32
      scf.if %cond3A_197 {
        %add3A_198 = arith.constant 4 : i32
        %add3A_199 = arith.addi %add3A_164, %add3A_198 : i32
        %sub3A_200 = arith.constant 1 : i32
        %sub3A_201 = arith.subi %add3A_199, %sub3A_200 : i32
        %dma_start3A_202 = arith.constant 0 : i32
        %dma_start3A_203 = tpu.memref_slice %arg7[%sub3A_201, %dma_start3A_202] : memref<160x128xi32, #tpu.memory_space<vmem>> -> memref<1x128xi32, #tpu.memory_space<vmem>>
        %dma_start3A_204 = tpu.memref_squeeze %dma_start3A_203 : memref<1x128xi32, #tpu.memory_space<vmem>> -> memref<128xi32, #tpu.memory_space<vmem>>
        %dma_start3A_205 = arith.constant 0 : i32
        %dma_start3A_206 = arith.constant 0 : i32
        %dma_start3A_207 = tpu.memref_slice %arg2[%arg0, %dma_start3A_205, %dma_start3A_206] : memref<2x10000x64xf32, #tpu.memory_space<hbm>> -> memref<1x10000x64xf32, #tpu.memory_space<hbm>>
        %dma_start3A_208 = tpu.memref_squeeze %dma_start3A_207 : memref<1x10000x64xf32, #tpu.memory_space<hbm>> -> memref<10000x64xf32, #tpu.memory_space<hbm>>
        %dma_start3A_209 = arith.constant 0 : i32
        %dma_start3A_210 = arith.constant 0 : i32
        %dma_start3A_211 = tpu.memref_slice %dma_start3A_208[%dma_start3A_209, %dma_start3A_210] : memref<10000x64xf32, #tpu.memory_space<hbm>> -> memref<10000x64xf32, #tpu.memory_space<hbm>>
        tpu.enqueue_indirect_dma source(%dma_start3A_211 : memref<10000x64xf32, #tpu.memory_space<hbm>>) target(%arg11 : memref<128x64xf32, #tpu.memory_space<vmem>>) offsets(%dma_start3A_204 : memref<128xi32, #tpu.memory_space<vmem>>) semaphore(%arg16 : memref<!tpu.dma_semaphore, #tpu.memory_space<semaphore_mem>>)
      } else {
      }
    }
    %scan3A_48 = arith.constant 40 : i32
    %dma_wait3A = arith.constant 159 : i32
    %dma_wait3A_49 = arith.constant 0 : i32
    %dma_wait3A_50 = tpu.memref_slice %arg8[%dma_wait3A, %dma_wait3A_49] : memref<160x128xi32, #tpu.memory_space<vmem>> -> memref<1x128xi32, #tpu.memory_space<vmem>>
    %dma_wait3A_51 = tpu.memref_squeeze %dma_wait3A_50 : memref<1x128xi32, #tpu.memory_space<vmem>> -> memref<128xi32, #tpu.memory_space<vmem>>
    %dma_wait3A_52 = arith.constant 0 : i32
    %dma_wait3A_53 = arith.constant 0 : i32
    %dma_wait3A_54 = tpu.memref_slice %arg13[%dma_wait3A_52, %dma_wait3A_53] : memref<10240x64xf32, #tpu.memory_space<vmem_shared>> -> memref<10240x64xf32, #tpu.memory_space<vmem_shared>>
    tpu.wait_indirect_dma semaphore(%arg21 : memref<!tpu.dma_semaphore, #tpu.memory_space<semaphore_mem>>) src(%arg12 : memref<128x64xf32, #tpu.memory_space<vmem>>) dst(%dma_wait3A_54 : memref<10240x64xf32, #tpu.memory_space<vmem_shared>>)
    %barrier3A_55 = arith.constant 0 : index
    tpu.barrier barrier_id(%barrier3A_55)
    "tpu.region"() ({
      %run_scoped3A = tpu.sem_alloc : memref<!tpu.dma_semaphore, #tpu.memory_space<semaphore_mem>>
      %dma_start3A_56 = arith.constant 0 : i32
      %dma_start3A_57 = tpu.memref_slice %arg6[%arg0, %mul3A_0, %dma_start3A_56] : memref<2x10240x64xf32, #tpu.memory_space<hbm>> -> memref<1x640x64xf32, #tpu.memory_space<hbm>>
      %dma_start3A_58 = tpu.memref_squeeze %dma_start3A_57 : memref<1x640x64xf32, #tpu.memory_space<hbm>> -> memref<640x64xf32, #tpu.memory_space<hbm>>
      %dma_start3A_59 = arith.constant 0 : i32
      %dma_start3A_60 = tpu.memref_slice %arg13[%mul3A_0, %dma_start3A_59] : memref<10240x64xf32, #tpu.memory_space<vmem_shared>> -> memref<640x64xf32, #tpu.memory_space<vmem_shared>>
      tpu.enqueue_dma source(%dma_start3A_60 : memref<640x64xf32, #tpu.memory_space<vmem_shared>>) target(%dma_start3A_58 : memref<640x64xf32, #tpu.memory_space<hbm>>) target_semaphore(%run_scoped3A : memref<!tpu.dma_semaphore, #tpu.memory_space<semaphore_mem>>)
      %dma_wait3A_61 = arith.constant 0 : i32
      %dma_wait3A_62 = tpu.memref_slice %arg6[%arg0, %mul3A_0, %dma_wait3A_61] : memref<2x10240x64xf32, #tpu.memory_space<hbm>> -> memref<1x640x64xf32, #tpu.memory_space<hbm>>
      %dma_wait3A_63 = tpu.memref_squeeze %dma_wait3A_62 : memref<1x640x64xf32, #tpu.memory_space<hbm>> -> memref<640x64xf32, #tpu.memory_space<hbm>>
      %dma_wait3A_64 = arith.constant 0 : i32
      %dma_wait3A_65 = tpu.memref_slice %arg13[%mul3A_0, %dma_wait3A_64] : memref<10240x64xf32, #tpu.memory_space<vmem_shared>> -> memref<640x64xf32, #tpu.memory_space<vmem_shared>>
      tpu.wait_dma2 semaphore(%run_scoped3A : memref<!tpu.dma_semaphore, #tpu.memory_space<semaphore_mem>>) src(%dma_wait3A_65 : memref<640x64xf32, #tpu.memory_space<vmem_shared>>) dst(%dma_wait3A_63 : memref<640x64xf32, #tpu.memory_space<hbm>>)
      tpu.yield
    }) : () -> ()
    return
  }
}

#map = affine_map<(d0, d1) -> (0, 0, 0)>
#map1 = affine_map<(d0, d1) -> (0, 0)>
module attributes {stable_mosaic.version = 14 : i64} {
  func.func @_msgpass_sc(%arg0: i32, %arg1: i32, %arg2: memref<2x10000x64xf32, #tpu.memory_space<hbm>>, %arg3: memref<10240x64xf32, #tpu.memory_space<hbm>>, %arg4: memref<16x160x128xi32, #tpu.memory_space<hbm>>, %arg5: memref<16x160x128xi32, #tpu.memory_space<hbm>>, %arg6: memref<2x10240x64xf32, #tpu.memory_space<hbm>>, %arg7: memref<160x128xi32, #tpu.memory_space<vmem>>, %arg8: memref<160x128xi32, #tpu.memory_space<vmem>>, %arg9: memref<128x64xf32, #tpu.memory_space<vmem>>, %arg10: memref<128x64xf32, #tpu.memory_space<vmem>>, %arg11: memref<128x64xf32, #tpu.memory_space<vmem>>, %arg12: memref<128x64xf32, #tpu.memory_space<vmem>>, %arg13: memref<10240x64xf32, #tpu.memory_space<vmem_shared>>, %arg14: memref<!tpu.dma_semaphore, #tpu.memory_space<semaphore_mem>>, %arg15: memref<!tpu.dma_semaphore, #tpu.memory_space<semaphore_mem>>, %arg16: memref<!tpu.dma_semaphore, #tpu.memory_space<semaphore_mem>>, %arg17: memref<!tpu.dma_semaphore, #tpu.memory_space<semaphore_mem>>, %arg18: memref<!tpu.dma_semaphore, #tpu.memory_space<semaphore_mem>>, %arg19: memref<!tpu.dma_semaphore, #tpu.memory_space<semaphore_mem>>, %arg20: memref<!tpu.dma_semaphore, #tpu.memory_space<semaphore_mem>>, %arg21: memref<!tpu.dma_semaphore, #tpu.memory_space<semaphore_mem>>) attributes {dimension_semantics = [#tpu.dimension_semantics<core_parallel>, #tpu.dimension_semantics<subcore_parallel>], iteration_bounds = array<i64: 2, 16>, scalar_prefetch = 0 : i64, scratch_operands = 15 : i64, tpu.core_type = #tpu.core_type<sc_vector_subcore>, window_params = [{transform_indices = #map}, {transform_indices = #map1}, {transform_indices = #map}, {transform_indices = #map}, {transform_indices = #map}]} {
    %mul3A = arith.constant 640 : i32
    %mul3A_0 = arith.muli %arg1, %mul3A : i32
    "tpu.region"() ({
      %run_scoped3A = tpu.sem_alloc : memref<!tpu.dma_semaphore, #tpu.memory_space<semaphore_mem>>
      %dma_start3A_56 = arith.constant 0 : i32
      %dma_start3A_57 = tpu.memref_slice %arg13[%mul3A_0, %dma_start3A_56] : memref<10240x64xf32, #tpu.memory_space<vmem_shared>> -> memref<640x64xf32, #tpu.memory_space<vmem_shared>>
      %dma_start3A_58 = arith.constant 0 : i32
      %dma_start3A_59 = tpu.memref_slice %arg3[%mul3A_0, %dma_start3A_58] : memref<10240x64xf32, #tpu.memory_space<hbm>> -> memref<640x64xf32, #tpu.memory_space<hbm>>
      tpu.enqueue_dma source(%dma_start3A_59 : memref<640x64xf32, #tpu.memory_space<hbm>>) target(%dma_start3A_57 : memref<640x64xf32, #tpu.memory_space<vmem_shared>>) target_semaphore(%run_scoped3A : memref<!tpu.dma_semaphore, #tpu.memory_space<semaphore_mem>>)
      %dma_wait3A_60 = arith.constant 0 : i32
      %dma_wait3A_61 = tpu.memref_slice %arg13[%mul3A_0, %dma_wait3A_60] : memref<10240x64xf32, #tpu.memory_space<vmem_shared>> -> memref<640x64xf32, #tpu.memory_space<vmem_shared>>
      %dma_wait3A_62 = arith.constant 0 : i32
      %dma_wait3A_63 = tpu.memref_slice %arg3[%mul3A_0, %dma_wait3A_62] : memref<10240x64xf32, #tpu.memory_space<hbm>> -> memref<640x64xf32, #tpu.memory_space<hbm>>
      tpu.wait_dma2 semaphore(%run_scoped3A : memref<!tpu.dma_semaphore, #tpu.memory_space<semaphore_mem>>) src(%dma_wait3A_63 : memref<640x64xf32, #tpu.memory_space<hbm>>) dst(%dma_wait3A_61 : memref<640x64xf32, #tpu.memory_space<vmem_shared>>)
      tpu.yield
    }) : () -> ()
    "tpu.region"() ({
      %run_scoped3A = tpu.sem_alloc : memref<!tpu.dma_semaphore, #tpu.memory_space<semaphore_mem>>
      %dma_start3A_56 = arith.constant 0 : i32
      %dma_start3A_57 = arith.constant 0 : i32
      %dma_start3A_58 = tpu.memref_slice %arg4[%arg1, %dma_start3A_56, %dma_start3A_57] : memref<16x160x128xi32, #tpu.memory_space<hbm>> -> memref<1x160x128xi32, #tpu.memory_space<hbm>>
      %dma_start3A_59 = tpu.memref_squeeze %dma_start3A_58 : memref<1x160x128xi32, #tpu.memory_space<hbm>> -> memref<160x128xi32, #tpu.memory_space<hbm>>
      %dma_start3A_60 = arith.constant 0 : i32
      %dma_start3A_61 = arith.constant 0 : i32
      %dma_start3A_62 = tpu.memref_slice %arg4[%arg1, %dma_start3A_60, %dma_start3A_61] : memref<16x160x128xi32, #tpu.memory_space<hbm>> -> memref<1x160x128xi32, #tpu.memory_space<hbm>>
      %dma_start3A_63 = tpu.memref_squeeze %dma_start3A_62 : memref<1x160x128xi32, #tpu.memory_space<hbm>> -> memref<160x128xi32, #tpu.memory_space<hbm>>
      tpu.enqueue_dma source(%dma_start3A_63 : memref<160x128xi32, #tpu.memory_space<hbm>>) target(%arg7 : memref<160x128xi32, #tpu.memory_space<vmem>>) target_semaphore(%run_scoped3A : memref<!tpu.dma_semaphore, #tpu.memory_space<semaphore_mem>>)
      %dma_wait3A_64 = arith.constant 0 : i32
      %dma_wait3A_65 = arith.constant 0 : i32
      %dma_wait3A_66 = tpu.memref_slice %arg4[%arg1, %dma_wait3A_64, %dma_wait3A_65] : memref<16x160x128xi32, #tpu.memory_space<hbm>> -> memref<1x160x128xi32, #tpu.memory_space<hbm>>
      %dma_wait3A_67 = tpu.memref_squeeze %dma_wait3A_66 : memref<1x160x128xi32, #tpu.memory_space<hbm>> -> memref<160x128xi32, #tpu.memory_space<hbm>>
      %dma_wait3A_68 = arith.constant 0 : i32
      %dma_wait3A_69 = arith.constant 0 : i32
      %dma_wait3A_70 = tpu.memref_slice %arg4[%arg1, %dma_wait3A_68, %dma_wait3A_69] : memref<16x160x128xi32, #tpu.memory_space<hbm>> -> memref<1x160x128xi32, #tpu.memory_space<hbm>>
      %dma_wait3A_71 = tpu.memref_squeeze %dma_wait3A_70 : memref<1x160x128xi32, #tpu.memory_space<hbm>> -> memref<160x128xi32, #tpu.memory_space<hbm>>
      tpu.wait_dma2 semaphore(%run_scoped3A : memref<!tpu.dma_semaphore, #tpu.memory_space<semaphore_mem>>) src(%dma_wait3A_71 : memref<160x128xi32, #tpu.memory_space<hbm>>) dst(%arg7 : memref<160x128xi32, #tpu.memory_space<vmem>>)
      tpu.yield
    }) : () -> ()
    "tpu.region"() ({
      %run_scoped3A = tpu.sem_alloc : memref<!tpu.dma_semaphore, #tpu.memory_space<semaphore_mem>>
      %dma_start3A_56 = arith.constant 0 : i32
      %dma_start3A_57 = arith.constant 0 : i32
      %dma_start3A_58 = tpu.memref_slice %arg5[%arg1, %dma_start3A_56, %dma_start3A_57] : memref<16x160x128xi32, #tpu.memory_space<hbm>> -> memref<1x160x128xi32, #tpu.memory_space<hbm>>
      %dma_start3A_59 = tpu.memref_squeeze %dma_start3A_58 : memref<1x160x128xi32, #tpu.memory_space<hbm>> -> memref<160x128xi32, #tpu.memory_space<hbm>>
      %dma_start3A_60 = arith.constant 0 : i32
      %dma_start3A_61 = arith.constant 0 : i32
      %dma_start3A_62 = tpu.memref_slice %arg5[%arg1, %dma_start3A_60, %dma_start3A_61] : memref<16x160x128xi32, #tpu.memory_space<hbm>> -> memref<1x160x128xi32, #tpu.memory_space<hbm>>
      %dma_start3A_63 = tpu.memref_squeeze %dma_start3A_62 : memref<1x160x128xi32, #tpu.memory_space<hbm>> -> memref<160x128xi32, #tpu.memory_space<hbm>>
      tpu.enqueue_dma source(%dma_start3A_63 : memref<160x128xi32, #tpu.memory_space<hbm>>) target(%arg8 : memref<160x128xi32, #tpu.memory_space<vmem>>) target_semaphore(%run_scoped3A : memref<!tpu.dma_semaphore, #tpu.memory_space<semaphore_mem>>)
      %dma_wait3A_64 = arith.constant 0 : i32
      %dma_wait3A_65 = arith.constant 0 : i32
      %dma_wait3A_66 = tpu.memref_slice %arg5[%arg1, %dma_wait3A_64, %dma_wait3A_65] : memref<16x160x128xi32, #tpu.memory_space<hbm>> -> memref<1x160x128xi32, #tpu.memory_space<hbm>>
      %dma_wait3A_67 = tpu.memref_squeeze %dma_wait3A_66 : memref<1x160x128xi32, #tpu.memory_space<hbm>> -> memref<160x128xi32, #tpu.memory_space<hbm>>
      %dma_wait3A_68 = arith.constant 0 : i32
      %dma_wait3A_69 = arith.constant 0 : i32
      %dma_wait3A_70 = tpu.memref_slice %arg5[%arg1, %dma_wait3A_68, %dma_wait3A_69] : memref<16x160x128xi32, #tpu.memory_space<hbm>> -> memref<1x160x128xi32, #tpu.memory_space<hbm>>
      %dma_wait3A_71 = tpu.memref_squeeze %dma_wait3A_70 : memref<1x160x128xi32, #tpu.memory_space<hbm>> -> memref<160x128xi32, #tpu.memory_space<hbm>>
      tpu.wait_dma2 semaphore(%run_scoped3A : memref<!tpu.dma_semaphore, #tpu.memory_space<semaphore_mem>>) src(%dma_wait3A_71 : memref<160x128xi32, #tpu.memory_space<hbm>>) dst(%arg8 : memref<160x128xi32, #tpu.memory_space<vmem>>)
      tpu.yield
    }) : () -> ()
    %barrier3A = arith.constant 0 : index
    tpu.barrier barrier_id(%barrier3A)
    %dma_start3A = arith.constant 0 : i32
    %dma_start3A_1 = arith.constant 0 : i32
    %dma_start3A_2 = tpu.memref_slice %arg7[%dma_start3A, %dma_start3A_1] : memref<160x128xi32, #tpu.memory_space<vmem>> -> memref<1x128xi32, #tpu.memory_space<vmem>>
    %dma_start3A_3 = tpu.memref_squeeze %dma_start3A_2 : memref<1x128xi32, #tpu.memory_space<vmem>> -> memref<128xi32, #tpu.memory_space<vmem>>
    %dma_start3A_4 = arith.constant 0 : i32
    %dma_start3A_5 = arith.constant 0 : i32
    %dma_start3A_6 = tpu.memref_slice %arg2[%arg0, %dma_start3A_4, %dma_start3A_5] : memref<2x10000x64xf32, #tpu.memory_space<hbm>> -> memref<1x10000x64xf32, #tpu.memory_space<hbm>>
    %dma_start3A_7 = tpu.memref_squeeze %dma_start3A_6 : memref<1x10000x64xf32, #tpu.memory_space<hbm>> -> memref<10000x64xf32, #tpu.memory_space<hbm>>
    %dma_start3A_8 = arith.constant 0 : i32
    %dma_start3A_9 = arith.constant 0 : i32
    %dma_start3A_10 = tpu.memref_slice %dma_start3A_7[%dma_start3A_8, %dma_start3A_9] : memref<10000x64xf32, #tpu.memory_space<hbm>> -> memref<10000x64xf32, #tpu.memory_space<hbm>>
    tpu.enqueue_indirect_dma source(%dma_start3A_10 : memref<10000x64xf32, #tpu.memory_space<hbm>>) target(%arg9 : memref<128x64xf32, #tpu.memory_space<vmem>>) offsets(%dma_start3A_3 : memref<128xi32, #tpu.memory_space<vmem>>) semaphore(%arg14 : memref<!tpu.dma_semaphore, #tpu.memory_space<semaphore_mem>>)
    %dma_start3A_11 = arith.constant 1 : i32
    %dma_start3A_12 = arith.constant 0 : i32
    %dma_start3A_13 = tpu.memref_slice %arg7[%dma_start3A_11, %dma_start3A_12] : memref<160x128xi32, #tpu.memory_space<vmem>> -> memref<1x128xi32, #tpu.memory_space<vmem>>
    %dma_start3A_14 = tpu.memref_squeeze %dma_start3A_13 : memref<1x128xi32, #tpu.memory_space<vmem>> -> memref<128xi32, #tpu.memory_space<vmem>>
    %dma_start3A_15 = arith.constant 0 : i32
    %dma_start3A_16 = arith.constant 0 : i32
    %dma_start3A_17 = tpu.memref_slice %arg2[%arg0, %dma_start3A_15, %dma_start3A_16] : memref<2x10000x64xf32, #tpu.memory_space<hbm>> -> memref<1x10000x64xf32, #tpu.memory_space<hbm>>
    %dma_start3A_18 = tpu.memref_squeeze %dma_start3A_17 : memref<1x10000x64xf32, #tpu.memory_space<hbm>> -> memref<10000x64xf32, #tpu.memory_space<hbm>>
    %dma_start3A_19 = arith.constant 0 : i32
    %dma_start3A_20 = arith.constant 0 : i32
    %dma_start3A_21 = tpu.memref_slice %dma_start3A_18[%dma_start3A_19, %dma_start3A_20] : memref<10000x64xf32, #tpu.memory_space<hbm>> -> memref<10000x64xf32, #tpu.memory_space<hbm>>
    tpu.enqueue_indirect_dma source(%dma_start3A_21 : memref<10000x64xf32, #tpu.memory_space<hbm>>) target(%arg10 : memref<128x64xf32, #tpu.memory_space<vmem>>) offsets(%dma_start3A_14 : memref<128xi32, #tpu.memory_space<vmem>>) semaphore(%arg15 : memref<!tpu.dma_semaphore, #tpu.memory_space<semaphore_mem>>)
    %dma_start3A_22 = arith.constant 2 : i32
    %dma_start3A_23 = arith.constant 0 : i32
    %dma_start3A_24 = tpu.memref_slice %arg7[%dma_start3A_22, %dma_start3A_23] : memref<160x128xi32, #tpu.memory_space<vmem>> -> memref<1x128xi32, #tpu.memory_space<vmem>>
    %dma_start3A_25 = tpu.memref_squeeze %dma_start3A_24 : memref<1x128xi32, #tpu.memory_space<vmem>> -> memref<128xi32, #tpu.memory_space<vmem>>
    %dma_start3A_26 = arith.constant 0 : i32
    %dma_start3A_27 = arith.constant 0 : i32
    %dma_start3A_28 = tpu.memref_slice %arg2[%arg0, %dma_start3A_26, %dma_start3A_27] : memref<2x10000x64xf32, #tpu.memory_space<hbm>> -> memref<1x10000x64xf32, #tpu.memory_space<hbm>>
    %dma_start3A_29 = tpu.memref_squeeze %dma_start3A_28 : memref<1x10000x64xf32, #tpu.memory_space<hbm>> -> memref<10000x64xf32, #tpu.memory_space<hbm>>
    %dma_start3A_30 = arith.constant 0 : i32
    %dma_start3A_31 = arith.constant 0 : i32
    %dma_start3A_32 = tpu.memref_slice %dma_start3A_29[%dma_start3A_30, %dma_start3A_31] : memref<10000x64xf32, #tpu.memory_space<hbm>> -> memref<10000x64xf32, #tpu.memory_space<hbm>>
    tpu.enqueue_indirect_dma source(%dma_start3A_32 : memref<10000x64xf32, #tpu.memory_space<hbm>>) target(%arg11 : memref<128x64xf32, #tpu.memory_space<vmem>>) offsets(%dma_start3A_25 : memref<128xi32, #tpu.memory_space<vmem>>) semaphore(%arg16 : memref<!tpu.dma_semaphore, #tpu.memory_space<semaphore_mem>>)
    %dma_start3A_33 = arith.constant 3 : i32
    %dma_start3A_34 = arith.constant 0 : i32
    %dma_start3A_35 = tpu.memref_slice %arg7[%dma_start3A_33, %dma_start3A_34] : memref<160x128xi32, #tpu.memory_space<vmem>> -> memref<1x128xi32, #tpu.memory_space<vmem>>
    %dma_start3A_36 = tpu.memref_squeeze %dma_start3A_35 : memref<1x128xi32, #tpu.memory_space<vmem>> -> memref<128xi32, #tpu.memory_space<vmem>>
    %dma_start3A_37 = arith.constant 0 : i32
    %dma_start3A_38 = arith.constant 0 : i32
    %dma_start3A_39 = tpu.memref_slice %arg2[%arg0, %dma_start3A_37, %dma_start3A_38] : memref<2x10000x64xf32, #tpu.memory_space<hbm>> -> memref<1x10000x64xf32, #tpu.memory_space<hbm>>
    %dma_start3A_40 = tpu.memref_squeeze %dma_start3A_39 : memref<1x10000x64xf32, #tpu.memory_space<hbm>> -> memref<10000x64xf32, #tpu.memory_space<hbm>>
    %dma_start3A_41 = arith.constant 0 : i32
    %dma_start3A_42 = arith.constant 0 : i32
    %dma_start3A_43 = tpu.memref_slice %dma_start3A_40[%dma_start3A_41, %dma_start3A_42] : memref<10000x64xf32, #tpu.memory_space<hbm>> -> memref<10000x64xf32, #tpu.memory_space<hbm>>
    tpu.enqueue_indirect_dma source(%dma_start3A_43 : memref<10000x64xf32, #tpu.memory_space<hbm>>) target(%arg12 : memref<128x64xf32, #tpu.memory_space<vmem>>) offsets(%dma_start3A_36 : memref<128xi32, #tpu.memory_space<vmem>>) semaphore(%arg17 : memref<!tpu.dma_semaphore, #tpu.memory_space<semaphore_mem>>)
    %scan3A = arith.constant 0 : i32
    %scan3A_44 = arith.constant 0 : i32
    %scan3A_45 = arith.constant 40 : i32
    %scan3A_46 = arith.addi %scan3A_44, %scan3A_45 : i32
    %scan3A_47 = arith.constant 1 : i32
    scf.for %scan3A_56 = %scan3A_44 to %scan3A_46 step %scan3A_47  : i32 {
      %mul3A_57 = arith.constant 4 : i32
      %mul3A_58 = arith.muli %scan3A_56, %mul3A_57 : i32
      %add3A = arith.constant 0 : i32
      %add3A_59 = arith.addi %mul3A_58, %add3A : i32
      %dma_wait3A_60 = arith.constant 0 : i32
      %dma_wait3A_61 = tpu.memref_slice %arg7[%add3A_59, %dma_wait3A_60] : memref<160x128xi32, #tpu.memory_space<vmem>> -> memref<1x128xi32, #tpu.memory_space<vmem>>
      %dma_wait3A_62 = tpu.memref_squeeze %dma_wait3A_61 : memref<1x128xi32, #tpu.memory_space<vmem>> -> memref<128xi32, #tpu.memory_space<vmem>>
      %dma_wait3A_63 = arith.constant 0 : i32
      %dma_wait3A_64 = arith.constant 0 : i32
      %dma_wait3A_65 = tpu.memref_slice %arg2[%arg0, %dma_wait3A_63, %dma_wait3A_64] : memref<2x10000x64xf32, #tpu.memory_space<hbm>> -> memref<1x10000x64xf32, #tpu.memory_space<hbm>>
      %dma_wait3A_66 = tpu.memref_squeeze %dma_wait3A_65 : memref<1x10000x64xf32, #tpu.memory_space<hbm>> -> memref<10000x64xf32, #tpu.memory_space<hbm>>
      %dma_wait3A_67 = arith.constant 0 : i32
      %dma_wait3A_68 = arith.constant 0 : i32
      %dma_wait3A_69 = tpu.memref_slice %dma_wait3A_66[%dma_wait3A_67, %dma_wait3A_68] : memref<10000x64xf32, #tpu.memory_space<hbm>> -> memref<10000x64xf32, #tpu.memory_space<hbm>>
      tpu.wait_indirect_dma semaphore(%arg14 : memref<!tpu.dma_semaphore, #tpu.memory_space<semaphore_mem>>) src(%dma_wait3A_69 : memref<10000x64xf32, #tpu.memory_space<hbm>>) dst(%arg9 : memref<128x64xf32, #tpu.memory_space<vmem>>)
      %dma_start3A_70 = arith.constant 0 : i32
      %dma_start3A_71 = tpu.memref_slice %arg8[%add3A_59, %dma_start3A_70] : memref<160x128xi32, #tpu.memory_space<vmem>> -> memref<1x128xi32, #tpu.memory_space<vmem>>
      %dma_start3A_72 = tpu.memref_squeeze %dma_start3A_71 : memref<1x128xi32, #tpu.memory_space<vmem>> -> memref<128xi32, #tpu.memory_space<vmem>>
      %dma_start3A_73 = arith.constant 0 : i32
      %dma_start3A_74 = arith.constant 0 : i32
      %dma_start3A_75 = tpu.memref_slice %arg13[%dma_start3A_73, %dma_start3A_74] : memref<10240x64xf32, #tpu.memory_space<vmem_shared>> -> memref<10240x64xf32, #tpu.memory_space<vmem_shared>>
      tpu.enqueue_indirect_dma source(%arg9 : memref<128x64xf32, #tpu.memory_space<vmem>>) target(%dma_start3A_75 : memref<10240x64xf32, #tpu.memory_space<vmem_shared>>) offsets(%dma_start3A_72 : memref<128xi32, #tpu.memory_space<vmem>>) semaphore(%arg18 : memref<!tpu.dma_semaphore, #tpu.memory_space<semaphore_mem>>) {add = true}
      %ge3A = arith.constant 1 : i32
      %ge3A_76 = arith.cmpi sge, %add3A_59, %ge3A : i32
      %convert_element_type3A = arith.extui %ge3A_76 : i1 to i32
      %cond3A = arith.constant 0 : i32
      %cond3A_77 = arith.cmpi ne, %convert_element_type3A, %cond3A : i32
      scf.if %cond3A_77 {
        %sub3A_198 = arith.constant 1 : i32
        %sub3A_199 = arith.subi %add3A_59, %sub3A_198 : i32
        %dma_wait3A_200 = arith.constant 0 : i32
        %dma_wait3A_201 = tpu.memref_slice %arg8[%sub3A_199, %dma_wait3A_200] : memref<160x128xi32, #tpu.memory_space<vmem>> -> memref<1x128xi32, #tpu.memory_space<vmem>>
        %dma_wait3A_202 = tpu.memref_squeeze %dma_wait3A_201 : memref<1x128xi32, #tpu.memory_space<vmem>> -> memref<128xi32, #tpu.memory_space<vmem>>
        %dma_wait3A_203 = arith.constant 0 : i32
        %dma_wait3A_204 = arith.constant 0 : i32
        %dma_wait3A_205 = tpu.memref_slice %arg13[%dma_wait3A_203, %dma_wait3A_204] : memref<10240x64xf32, #tpu.memory_space<vmem_shared>> -> memref<10240x64xf32, #tpu.memory_space<vmem_shared>>
        tpu.wait_indirect_dma semaphore(%arg21 : memref<!tpu.dma_semaphore, #tpu.memory_space<semaphore_mem>>) src(%arg12 : memref<128x64xf32, #tpu.memory_space<vmem>>) dst(%dma_wait3A_205 : memref<10240x64xf32, #tpu.memory_space<vmem_shared>>)
      } else {
      }
      %ge3A_78 = arith.constant 1 : i32
      %ge3A_79 = arith.cmpi sge, %add3A_59, %ge3A_78 : i32
      %add3A_80 = arith.constant 4 : i32
      %add3A_81 = arith.addi %add3A_59, %add3A_80 : i32
      %sub3A = arith.constant 1 : i32
      %sub3A_82 = arith.subi %add3A_81, %sub3A : i32
      %lt3A = arith.constant 160 : i32
      %lt3A_83 = arith.cmpi slt, %sub3A_82, %lt3A : i32
      %and3A = arith.andi %ge3A_79, %lt3A_83 : i1
      %convert_element_type3A_84 = arith.extui %and3A : i1 to i32
      %cond3A_85 = arith.constant 0 : i32
      %cond3A_86 = arith.cmpi ne, %convert_element_type3A_84, %cond3A_85 : i32
      scf.if %cond3A_86 {
        %add3A_198 = arith.constant 4 : i32
        %add3A_199 = arith.addi %add3A_59, %add3A_198 : i32
        %sub3A_200 = arith.constant 1 : i32
        %sub3A_201 = arith.subi %add3A_199, %sub3A_200 : i32
        %dma_start3A_202 = arith.constant 0 : i32
        %dma_start3A_203 = tpu.memref_slice %arg7[%sub3A_201, %dma_start3A_202] : memref<160x128xi32, #tpu.memory_space<vmem>> -> memref<1x128xi32, #tpu.memory_space<vmem>>
        %dma_start3A_204 = tpu.memref_squeeze %dma_start3A_203 : memref<1x128xi32, #tpu.memory_space<vmem>> -> memref<128xi32, #tpu.memory_space<vmem>>
        %dma_start3A_205 = arith.constant 0 : i32
        %dma_start3A_206 = arith.constant 0 : i32
        %dma_start3A_207 = tpu.memref_slice %arg2[%arg0, %dma_start3A_205, %dma_start3A_206] : memref<2x10000x64xf32, #tpu.memory_space<hbm>> -> memref<1x10000x64xf32, #tpu.memory_space<hbm>>
        %dma_start3A_208 = tpu.memref_squeeze %dma_start3A_207 : memref<1x10000x64xf32, #tpu.memory_space<hbm>> -> memref<10000x64xf32, #tpu.memory_space<hbm>>
        %dma_start3A_209 = arith.constant 0 : i32
        %dma_start3A_210 = arith.constant 0 : i32
        %dma_start3A_211 = tpu.memref_slice %dma_start3A_208[%dma_start3A_209, %dma_start3A_210] : memref<10000x64xf32, #tpu.memory_space<hbm>> -> memref<10000x64xf32, #tpu.memory_space<hbm>>
        tpu.enqueue_indirect_dma source(%dma_start3A_211 : memref<10000x64xf32, #tpu.memory_space<hbm>>) target(%arg12 : memref<128x64xf32, #tpu.memory_space<vmem>>) offsets(%dma_start3A_204 : memref<128xi32, #tpu.memory_space<vmem>>) semaphore(%arg17 : memref<!tpu.dma_semaphore, #tpu.memory_space<semaphore_mem>>)
      } else {
      }
      %mul3A_87 = arith.constant 4 : i32
      %mul3A_88 = arith.muli %scan3A_56, %mul3A_87 : i32
      %add3A_89 = arith.constant 1 : i32
      %add3A_90 = arith.addi %mul3A_88, %add3A_89 : i32
      %dma_wait3A_91 = arith.constant 0 : i32
      %dma_wait3A_92 = tpu.memref_slice %arg7[%add3A_90, %dma_wait3A_91] : memref<160x128xi32, #tpu.memory_space<vmem>> -> memref<1x128xi32, #tpu.memory_space<vmem>>
      %dma_wait3A_93 = tpu.memref_squeeze %dma_wait3A_92 : memref<1x128xi32, #tpu.memory_space<vmem>> -> memref<128xi32, #tpu.memory_space<vmem>>
      %dma_wait3A_94 = arith.constant 0 : i32
      %dma_wait3A_95 = arith.constant 0 : i32
      %dma_wait3A_96 = tpu.memref_slice %arg2[%arg0, %dma_wait3A_94, %dma_wait3A_95] : memref<2x10000x64xf32, #tpu.memory_space<hbm>> -> memref<1x10000x64xf32, #tpu.memory_space<hbm>>
      %dma_wait3A_97 = tpu.memref_squeeze %dma_wait3A_96 : memref<1x10000x64xf32, #tpu.memory_space<hbm>> -> memref<10000x64xf32, #tpu.memory_space<hbm>>
      %dma_wait3A_98 = arith.constant 0 : i32
      %dma_wait3A_99 = arith.constant 0 : i32
      %dma_wait3A_100 = tpu.memref_slice %dma_wait3A_97[%dma_wait3A_98, %dma_wait3A_99] : memref<10000x64xf32, #tpu.memory_space<hbm>> -> memref<10000x64xf32, #tpu.memory_space<hbm>>
      tpu.wait_indirect_dma semaphore(%arg15 : memref<!tpu.dma_semaphore, #tpu.memory_space<semaphore_mem>>) src(%dma_wait3A_100 : memref<10000x64xf32, #tpu.memory_space<hbm>>) dst(%arg10 : memref<128x64xf32, #tpu.memory_space<vmem>>)
      %dma_start3A_101 = arith.constant 0 : i32
      %dma_start3A_102 = tpu.memref_slice %arg8[%add3A_90, %dma_start3A_101] : memref<160x128xi32, #tpu.memory_space<vmem>> -> memref<1x128xi32, #tpu.memory_space<vmem>>
      %dma_start3A_103 = tpu.memref_squeeze %dma_start3A_102 : memref<1x128xi32, #tpu.memory_space<vmem>> -> memref<128xi32, #tpu.memory_space<vmem>>
      %dma_start3A_104 = arith.constant 0 : i32
      %dma_start3A_105 = arith.constant 0 : i32
      %dma_start3A_106 = tpu.memref_slice %arg13[%dma_start3A_104, %dma_start3A_105] : memref<10240x64xf32, #tpu.memory_space<vmem_shared>> -> memref<10240x64xf32, #tpu.memory_space<vmem_shared>>
      tpu.enqueue_indirect_dma source(%arg10 : memref<128x64xf32, #tpu.memory_space<vmem>>) target(%dma_start3A_106 : memref<10240x64xf32, #tpu.memory_space<vmem_shared>>) offsets(%dma_start3A_103 : memref<128xi32, #tpu.memory_space<vmem>>) semaphore(%arg19 : memref<!tpu.dma_semaphore, #tpu.memory_space<semaphore_mem>>) {add = true}
      %ge3A_107 = arith.constant 1 : i32
      %ge3A_108 = arith.cmpi sge, %add3A_90, %ge3A_107 : i32
      %convert_element_type3A_109 = arith.extui %ge3A_108 : i1 to i32
      %cond3A_110 = arith.constant 0 : i32
      %cond3A_111 = arith.cmpi ne, %convert_element_type3A_109, %cond3A_110 : i32
      scf.if %cond3A_111 {
        %sub3A_198 = arith.constant 1 : i32
        %sub3A_199 = arith.subi %add3A_90, %sub3A_198 : i32
        %dma_wait3A_200 = arith.constant 0 : i32
        %dma_wait3A_201 = tpu.memref_slice %arg8[%sub3A_199, %dma_wait3A_200] : memref<160x128xi32, #tpu.memory_space<vmem>> -> memref<1x128xi32, #tpu.memory_space<vmem>>
        %dma_wait3A_202 = tpu.memref_squeeze %dma_wait3A_201 : memref<1x128xi32, #tpu.memory_space<vmem>> -> memref<128xi32, #tpu.memory_space<vmem>>
        %dma_wait3A_203 = arith.constant 0 : i32
        %dma_wait3A_204 = arith.constant 0 : i32
        %dma_wait3A_205 = tpu.memref_slice %arg13[%dma_wait3A_203, %dma_wait3A_204] : memref<10240x64xf32, #tpu.memory_space<vmem_shared>> -> memref<10240x64xf32, #tpu.memory_space<vmem_shared>>
        tpu.wait_indirect_dma semaphore(%arg18 : memref<!tpu.dma_semaphore, #tpu.memory_space<semaphore_mem>>) src(%arg9 : memref<128x64xf32, #tpu.memory_space<vmem>>) dst(%dma_wait3A_205 : memref<10240x64xf32, #tpu.memory_space<vmem_shared>>)
      } else {
      }
      %ge3A_112 = arith.constant 1 : i32
      %ge3A_113 = arith.cmpi sge, %add3A_90, %ge3A_112 : i32
      %add3A_114 = arith.constant 4 : i32
      %add3A_115 = arith.addi %add3A_90, %add3A_114 : i32
      %sub3A_116 = arith.constant 1 : i32
      %sub3A_117 = arith.subi %add3A_115, %sub3A_116 : i32
      %lt3A_118 = arith.constant 160 : i32
      %lt3A_119 = arith.cmpi slt, %sub3A_117, %lt3A_118 : i32
      %and3A_120 = arith.andi %ge3A_113, %lt3A_119 : i1
      %convert_element_type3A_121 = arith.extui %and3A_120 : i1 to i32
      %cond3A_122 = arith.constant 0 : i32
      %cond3A_123 = arith.cmpi ne, %convert_element_type3A_121, %cond3A_122 : i32
      scf.if %cond3A_123 {
        %add3A_198 = arith.constant 4 : i32
        %add3A_199 = arith.addi %add3A_90, %add3A_198 : i32
        %sub3A_200 = arith.constant 1 : i32
        %sub3A_201 = arith.subi %add3A_199, %sub3A_200 : i32
        %dma_start3A_202 = arith.constant 0 : i32
        %dma_start3A_203 = tpu.memref_slice %arg7[%sub3A_201, %dma_start3A_202] : memref<160x128xi32, #tpu.memory_space<vmem>> -> memref<1x128xi32, #tpu.memory_space<vmem>>
        %dma_start3A_204 = tpu.memref_squeeze %dma_start3A_203 : memref<1x128xi32, #tpu.memory_space<vmem>> -> memref<128xi32, #tpu.memory_space<vmem>>
        %dma_start3A_205 = arith.constant 0 : i32
        %dma_start3A_206 = arith.constant 0 : i32
        %dma_start3A_207 = tpu.memref_slice %arg2[%arg0, %dma_start3A_205, %dma_start3A_206] : memref<2x10000x64xf32, #tpu.memory_space<hbm>> -> memref<1x10000x64xf32, #tpu.memory_space<hbm>>
        %dma_start3A_208 = tpu.memref_squeeze %dma_start3A_207 : memref<1x10000x64xf32, #tpu.memory_space<hbm>> -> memref<10000x64xf32, #tpu.memory_space<hbm>>
        %dma_start3A_209 = arith.constant 0 : i32
        %dma_start3A_210 = arith.constant 0 : i32
        %dma_start3A_211 = tpu.memref_slice %dma_start3A_208[%dma_start3A_209, %dma_start3A_210] : memref<10000x64xf32, #tpu.memory_space<hbm>> -> memref<10000x64xf32, #tpu.memory_space<hbm>>
        tpu.enqueue_indirect_dma source(%dma_start3A_211 : memref<10000x64xf32, #tpu.memory_space<hbm>>) target(%arg9 : memref<128x64xf32, #tpu.memory_space<vmem>>) offsets(%dma_start3A_204 : memref<128xi32, #tpu.memory_space<vmem>>) semaphore(%arg14 : memref<!tpu.dma_semaphore, #tpu.memory_space<semaphore_mem>>)
      } else {
      }
      %mul3A_124 = arith.constant 4 : i32
      %mul3A_125 = arith.muli %scan3A_56, %mul3A_124 : i32
      %add3A_126 = arith.constant 2 : i32
      %add3A_127 = arith.addi %mul3A_125, %add3A_126 : i32
      %dma_wait3A_128 = arith.constant 0 : i32
      %dma_wait3A_129 = tpu.memref_slice %arg7[%add3A_127, %dma_wait3A_128] : memref<160x128xi32, #tpu.memory_space<vmem>> -> memref<1x128xi32, #tpu.memory_space<vmem>>
      %dma_wait3A_130 = tpu.memref_squeeze %dma_wait3A_129 : memref<1x128xi32, #tpu.memory_space<vmem>> -> memref<128xi32, #tpu.memory_space<vmem>>
      %dma_wait3A_131 = arith.constant 0 : i32
      %dma_wait3A_132 = arith.constant 0 : i32
      %dma_wait3A_133 = tpu.memref_slice %arg2[%arg0, %dma_wait3A_131, %dma_wait3A_132] : memref<2x10000x64xf32, #tpu.memory_space<hbm>> -> memref<1x10000x64xf32, #tpu.memory_space<hbm>>
      %dma_wait3A_134 = tpu.memref_squeeze %dma_wait3A_133 : memref<1x10000x64xf32, #tpu.memory_space<hbm>> -> memref<10000x64xf32, #tpu.memory_space<hbm>>
      %dma_wait3A_135 = arith.constant 0 : i32
      %dma_wait3A_136 = arith.constant 0 : i32
      %dma_wait3A_137 = tpu.memref_slice %dma_wait3A_134[%dma_wait3A_135, %dma_wait3A_136] : memref<10000x64xf32, #tpu.memory_space<hbm>> -> memref<10000x64xf32, #tpu.memory_space<hbm>>
      tpu.wait_indirect_dma semaphore(%arg16 : memref<!tpu.dma_semaphore, #tpu.memory_space<semaphore_mem>>) src(%dma_wait3A_137 : memref<10000x64xf32, #tpu.memory_space<hbm>>) dst(%arg11 : memref<128x64xf32, #tpu.memory_space<vmem>>)
      %dma_start3A_138 = arith.constant 0 : i32
      %dma_start3A_139 = tpu.memref_slice %arg8[%add3A_127, %dma_start3A_138] : memref<160x128xi32, #tpu.memory_space<vmem>> -> memref<1x128xi32, #tpu.memory_space<vmem>>
      %dma_start3A_140 = tpu.memref_squeeze %dma_start3A_139 : memref<1x128xi32, #tpu.memory_space<vmem>> -> memref<128xi32, #tpu.memory_space<vmem>>
      %dma_start3A_141 = arith.constant 0 : i32
      %dma_start3A_142 = arith.constant 0 : i32
      %dma_start3A_143 = tpu.memref_slice %arg13[%dma_start3A_141, %dma_start3A_142] : memref<10240x64xf32, #tpu.memory_space<vmem_shared>> -> memref<10240x64xf32, #tpu.memory_space<vmem_shared>>
      tpu.enqueue_indirect_dma source(%arg11 : memref<128x64xf32, #tpu.memory_space<vmem>>) target(%dma_start3A_143 : memref<10240x64xf32, #tpu.memory_space<vmem_shared>>) offsets(%dma_start3A_140 : memref<128xi32, #tpu.memory_space<vmem>>) semaphore(%arg20 : memref<!tpu.dma_semaphore, #tpu.memory_space<semaphore_mem>>) {add = true}
      %ge3A_144 = arith.constant 1 : i32
      %ge3A_145 = arith.cmpi sge, %add3A_127, %ge3A_144 : i32
      %convert_element_type3A_146 = arith.extui %ge3A_145 : i1 to i32
      %cond3A_147 = arith.constant 0 : i32
      %cond3A_148 = arith.cmpi ne, %convert_element_type3A_146, %cond3A_147 : i32
      scf.if %cond3A_148 {
        %sub3A_198 = arith.constant 1 : i32
        %sub3A_199 = arith.subi %add3A_127, %sub3A_198 : i32
        %dma_wait3A_200 = arith.constant 0 : i32
        %dma_wait3A_201 = tpu.memref_slice %arg8[%sub3A_199, %dma_wait3A_200] : memref<160x128xi32, #tpu.memory_space<vmem>> -> memref<1x128xi32, #tpu.memory_space<vmem>>
        %dma_wait3A_202 = tpu.memref_squeeze %dma_wait3A_201 : memref<1x128xi32, #tpu.memory_space<vmem>> -> memref<128xi32, #tpu.memory_space<vmem>>
        %dma_wait3A_203 = arith.constant 0 : i32
        %dma_wait3A_204 = arith.constant 0 : i32
        %dma_wait3A_205 = tpu.memref_slice %arg13[%dma_wait3A_203, %dma_wait3A_204] : memref<10240x64xf32, #tpu.memory_space<vmem_shared>> -> memref<10240x64xf32, #tpu.memory_space<vmem_shared>>
        tpu.wait_indirect_dma semaphore(%arg19 : memref<!tpu.dma_semaphore, #tpu.memory_space<semaphore_mem>>) src(%arg10 : memref<128x64xf32, #tpu.memory_space<vmem>>) dst(%dma_wait3A_205 : memref<10240x64xf32, #tpu.memory_space<vmem_shared>>)
      } else {
      }
      %ge3A_149 = arith.constant 1 : i32
      %ge3A_150 = arith.cmpi sge, %add3A_127, %ge3A_149 : i32
      %add3A_151 = arith.constant 4 : i32
      %add3A_152 = arith.addi %add3A_127, %add3A_151 : i32
      %sub3A_153 = arith.constant 1 : i32
      %sub3A_154 = arith.subi %add3A_152, %sub3A_153 : i32
      %lt3A_155 = arith.constant 160 : i32
      %lt3A_156 = arith.cmpi slt, %sub3A_154, %lt3A_155 : i32
      %and3A_157 = arith.andi %ge3A_150, %lt3A_156 : i1
      %convert_element_type3A_158 = arith.extui %and3A_157 : i1 to i32
      %cond3A_159 = arith.constant 0 : i32
      %cond3A_160 = arith.cmpi ne, %convert_element_type3A_158, %cond3A_159 : i32
      scf.if %cond3A_160 {
        %add3A_198 = arith.constant 4 : i32
        %add3A_199 = arith.addi %add3A_127, %add3A_198 : i32
        %sub3A_200 = arith.constant 1 : i32
        %sub3A_201 = arith.subi %add3A_199, %sub3A_200 : i32
        %dma_start3A_202 = arith.constant 0 : i32
        %dma_start3A_203 = tpu.memref_slice %arg7[%sub3A_201, %dma_start3A_202] : memref<160x128xi32, #tpu.memory_space<vmem>> -> memref<1x128xi32, #tpu.memory_space<vmem>>
        %dma_start3A_204 = tpu.memref_squeeze %dma_start3A_203 : memref<1x128xi32, #tpu.memory_space<vmem>> -> memref<128xi32, #tpu.memory_space<vmem>>
        %dma_start3A_205 = arith.constant 0 : i32
        %dma_start3A_206 = arith.constant 0 : i32
        %dma_start3A_207 = tpu.memref_slice %arg2[%arg0, %dma_start3A_205, %dma_start3A_206] : memref<2x10000x64xf32, #tpu.memory_space<hbm>> -> memref<1x10000x64xf32, #tpu.memory_space<hbm>>
        %dma_start3A_208 = tpu.memref_squeeze %dma_start3A_207 : memref<1x10000x64xf32, #tpu.memory_space<hbm>> -> memref<10000x64xf32, #tpu.memory_space<hbm>>
        %dma_start3A_209 = arith.constant 0 : i32
        %dma_start3A_210 = arith.constant 0 : i32
        %dma_start3A_211 = tpu.memref_slice %dma_start3A_208[%dma_start3A_209, %dma_start3A_210] : memref<10000x64xf32, #tpu.memory_space<hbm>> -> memref<10000x64xf32, #tpu.memory_space<hbm>>
        tpu.enqueue_indirect_dma source(%dma_start3A_211 : memref<10000x64xf32, #tpu.memory_space<hbm>>) target(%arg10 : memref<128x64xf32, #tpu.memory_space<vmem>>) offsets(%dma_start3A_204 : memref<128xi32, #tpu.memory_space<vmem>>) semaphore(%arg15 : memref<!tpu.dma_semaphore, #tpu.memory_space<semaphore_mem>>)
      } else {
      }
      %mul3A_161 = arith.constant 4 : i32
      %mul3A_162 = arith.muli %scan3A_56, %mul3A_161 : i32
      %add3A_163 = arith.constant 3 : i32
      %add3A_164 = arith.addi %mul3A_162, %add3A_163 : i32
      %dma_wait3A_165 = arith.constant 0 : i32
      %dma_wait3A_166 = tpu.memref_slice %arg7[%add3A_164, %dma_wait3A_165] : memref<160x128xi32, #tpu.memory_space<vmem>> -> memref<1x128xi32, #tpu.memory_space<vmem>>
      %dma_wait3A_167 = tpu.memref_squeeze %dma_wait3A_166 : memref<1x128xi32, #tpu.memory_space<vmem>> -> memref<128xi32, #tpu.memory_space<vmem>>
      %dma_wait3A_168 = arith.constant 0 : i32
      %dma_wait3A_169 = arith.constant 0 : i32
      %dma_wait3A_170 = tpu.memref_slice %arg2[%arg0, %dma_wait3A_168, %dma_wait3A_169] : memref<2x10000x64xf32, #tpu.memory_space<hbm>> -> memref<1x10000x64xf32, #tpu.memory_space<hbm>>
      %dma_wait3A_171 = tpu.memref_squeeze %dma_wait3A_170 : memref<1x10000x64xf32, #tpu.memory_space<hbm>> -> memref<10000x64xf32, #tpu.memory_space<hbm>>
      %dma_wait3A_172 = arith.constant 0 : i32
      %dma_wait3A_173 = arith.constant 0 : i32
      %dma_wait3A_174 = tpu.memref_slice %dma_wait3A_171[%dma_wait3A_172, %dma_wait3A_173] : memref<10000x64xf32, #tpu.memory_space<hbm>> -> memref<10000x64xf32, #tpu.memory_space<hbm>>
      tpu.wait_indirect_dma semaphore(%arg17 : memref<!tpu.dma_semaphore, #tpu.memory_space<semaphore_mem>>) src(%dma_wait3A_174 : memref<10000x64xf32, #tpu.memory_space<hbm>>) dst(%arg12 : memref<128x64xf32, #tpu.memory_space<vmem>>)
      %dma_start3A_175 = arith.constant 0 : i32
      %dma_start3A_176 = tpu.memref_slice %arg8[%add3A_164, %dma_start3A_175] : memref<160x128xi32, #tpu.memory_space<vmem>> -> memref<1x128xi32, #tpu.memory_space<vmem>>
      %dma_start3A_177 = tpu.memref_squeeze %dma_start3A_176 : memref<1x128xi32, #tpu.memory_space<vmem>> -> memref<128xi32, #tpu.memory_space<vmem>>
      %dma_start3A_178 = arith.constant 0 : i32
      %dma_start3A_179 = arith.constant 0 : i32
      %dma_start3A_180 = tpu.memref_slice %arg13[%dma_start3A_178, %dma_start3A_179] : memref<10240x64xf32, #tpu.memory_space<vmem_shared>> -> memref<10240x64xf32, #tpu.memory_space<vmem_shared>>
      tpu.enqueue_indirect_dma source(%arg12 : memref<128x64xf32, #tpu.memory_space<vmem>>) target(%dma_start3A_180 : memref<10240x64xf32, #tpu.memory_space<vmem_shared>>) offsets(%dma_start3A_177 : memref<128xi32, #tpu.memory_space<vmem>>) semaphore(%arg21 : memref<!tpu.dma_semaphore, #tpu.memory_space<semaphore_mem>>) {add = true}
      %ge3A_181 = arith.constant 1 : i32
      %ge3A_182 = arith.cmpi sge, %add3A_164, %ge3A_181 : i32
      %convert_element_type3A_183 = arith.extui %ge3A_182 : i1 to i32
      %cond3A_184 = arith.constant 0 : i32
      %cond3A_185 = arith.cmpi ne, %convert_element_type3A_183, %cond3A_184 : i32
      scf.if %cond3A_185 {
        %sub3A_198 = arith.constant 1 : i32
        %sub3A_199 = arith.subi %add3A_164, %sub3A_198 : i32
        %dma_wait3A_200 = arith.constant 0 : i32
        %dma_wait3A_201 = tpu.memref_slice %arg8[%sub3A_199, %dma_wait3A_200] : memref<160x128xi32, #tpu.memory_space<vmem>> -> memref<1x128xi32, #tpu.memory_space<vmem>>
        %dma_wait3A_202 = tpu.memref_squeeze %dma_wait3A_201 : memref<1x128xi32, #tpu.memory_space<vmem>> -> memref<128xi32, #tpu.memory_space<vmem>>
        %dma_wait3A_203 = arith.constant 0 : i32
        %dma_wait3A_204 = arith.constant 0 : i32
        %dma_wait3A_205 = tpu.memref_slice %arg13[%dma_wait3A_203, %dma_wait3A_204] : memref<10240x64xf32, #tpu.memory_space<vmem_shared>> -> memref<10240x64xf32, #tpu.memory_space<vmem_shared>>
        tpu.wait_indirect_dma semaphore(%arg20 : memref<!tpu.dma_semaphore, #tpu.memory_space<semaphore_mem>>) src(%arg11 : memref<128x64xf32, #tpu.memory_space<vmem>>) dst(%dma_wait3A_205 : memref<10240x64xf32, #tpu.memory_space<vmem_shared>>)
      } else {
      }
      %ge3A_186 = arith.constant 1 : i32
      %ge3A_187 = arith.cmpi sge, %add3A_164, %ge3A_186 : i32
      %add3A_188 = arith.constant 4 : i32
      %add3A_189 = arith.addi %add3A_164, %add3A_188 : i32
      %sub3A_190 = arith.constant 1 : i32
      %sub3A_191 = arith.subi %add3A_189, %sub3A_190 : i32
      %lt3A_192 = arith.constant 160 : i32
      %lt3A_193 = arith.cmpi slt, %sub3A_191, %lt3A_192 : i32
      %and3A_194 = arith.andi %ge3A_187, %lt3A_193 : i1
      %convert_element_type3A_195 = arith.extui %and3A_194 : i1 to i32
      %cond3A_196 = arith.constant 0 : i32
      %cond3A_197 = arith.cmpi ne, %convert_element_type3A_195, %cond3A_196 : i32
      scf.if %cond3A_197 {
        %add3A_198 = arith.constant 4 : i32
        %add3A_199 = arith.addi %add3A_164, %add3A_198 : i32
        %sub3A_200 = arith.constant 1 : i32
        %sub3A_201 = arith.subi %add3A_199, %sub3A_200 : i32
        %dma_start3A_202 = arith.constant 0 : i32
        %dma_start3A_203 = tpu.memref_slice %arg7[%sub3A_201, %dma_start3A_202] : memref<160x128xi32, #tpu.memory_space<vmem>> -> memref<1x128xi32, #tpu.memory_space<vmem>>
        %dma_start3A_204 = tpu.memref_squeeze %dma_start3A_203 : memref<1x128xi32, #tpu.memory_space<vmem>> -> memref<128xi32, #tpu.memory_space<vmem>>
        %dma_start3A_205 = arith.constant 0 : i32
        %dma_start3A_206 = arith.constant 0 : i32
        %dma_start3A_207 = tpu.memref_slice %arg2[%arg0, %dma_start3A_205, %dma_start3A_206] : memref<2x10000x64xf32, #tpu.memory_space<hbm>> -> memref<1x10000x64xf32, #tpu.memory_space<hbm>>
        %dma_start3A_208 = tpu.memref_squeeze %dma_start3A_207 : memref<1x10000x64xf32, #tpu.memory_space<hbm>> -> memref<10000x64xf32, #tpu.memory_space<hbm>>
        %dma_start3A_209 = arith.constant 0 : i32
        %dma_start3A_210 = arith.constant 0 : i32
        %dma_start3A_211 = tpu.memref_slice %dma_start3A_208[%dma_start3A_209, %dma_start3A_210] : memref<10000x64xf32, #tpu.memory_space<hbm>> -> memref<10000x64xf32, #tpu.memory_space<hbm>>
        tpu.enqueue_indirect_dma source(%dma_start3A_211 : memref<10000x64xf32, #tpu.memory_space<hbm>>) target(%arg11 : memref<128x64xf32, #tpu.memory_space<vmem>>) offsets(%dma_start3A_204 : memref<128xi32, #tpu.memory_space<vmem>>) semaphore(%arg16 : memref<!tpu.dma_semaphore, #tpu.memory_space<semaphore_mem>>)
      } else {
      }
    }
    %scan3A_48 = arith.constant 40 : i32
    %dma_wait3A = arith.constant 159 : i32
    %dma_wait3A_49 = arith.constant 0 : i32
    %dma_wait3A_50 = tpu.memref_slice %arg8[%dma_wait3A, %dma_wait3A_49] : memref<160x128xi32, #tpu.memory_space<vmem>> -> memref<1x128xi32, #tpu.memory_space<vmem>>
    %dma_wait3A_51 = tpu.memref_squeeze %dma_wait3A_50 : memref<1x128xi32, #tpu.memory_space<vmem>> -> memref<128xi32, #tpu.memory_space<vmem>>
    %dma_wait3A_52 = arith.constant 0 : i32
    %dma_wait3A_53 = arith.constant 0 : i32
    %dma_wait3A_54 = tpu.memref_slice %arg13[%dma_wait3A_52, %dma_wait3A_53] : memref<10240x64xf32, #tpu.memory_space<vmem_shared>> -> memref<10240x64xf32, #tpu.memory_space<vmem_shared>>
    tpu.wait_indirect_dma semaphore(%arg21 : memref<!tpu.dma_semaphore, #tpu.memory_space<semaphore_mem>>) src(%arg12 : memref<128x64xf32, #tpu.memory_space<vmem>>) dst(%dma_wait3A_54 : memref<10240x64xf32, #tpu.memory_space<vmem_shared>>)
    %barrier3A_55 = arith.constant 0 : index
    tpu.barrier barrier_id(%barrier3A_55)
    "tpu.region"() ({
      %run_scoped3A = tpu.sem_alloc : memref<!tpu.dma_semaphore, #tpu.memory_space<semaphore_mem>>
      %dma_start3A_56 = arith.constant 0 : i32
      %dma_start3A_57 = tpu.memref_slice %arg6[%arg0, %mul3A_0, %dma_start3A_56] : memref<2x10240x64xf32, #tpu.memory_space<hbm>> -> memref<1x640x64xf32, #tpu.memory_space<hbm>>
      %dma_start3A_58 = tpu.memref_squeeze %dma_start3A_57 : memref<1x640x64xf32, #tpu.memory_space<hbm>> -> memref<640x64xf32, #tpu.memory_space<hbm>>
      %dma_start3A_59 = arith.constant 0 : i32
      %dma_start3A_60 = tpu.memref_slice %arg13[%mul3A_0, %dma_start3A_59] : memref<10240x64xf32, #tpu.memory_space<vmem_shared>> -> memref<640x64xf32, #tpu.memory_space<vmem_shared>>
      tpu.enqueue_dma source(%dma_start3A_60 : memref<640x64xf32, #tpu.memory_space<vmem_shared>>) target(%dma_start3A_58 : memref<640x64xf32, #tpu.memory_space<hbm>>) target_semaphore(%run_scoped3A : memref<!tpu.dma_semaphore, #tpu.memory_space<semaphore_mem>>)
      %dma_wait3A_61 = arith.constant 0 : i32
      %dma_wait3A_62 = tpu.memref_slice %arg6[%arg0, %mul3A_0, %dma_wait3A_61] : memref<2x10240x64xf32, #tpu.memory_space<hbm>> -> memref<1x640x64xf32, #tpu.memory_space<hbm>>
      %dma_wait3A_63 = tpu.memref_squeeze %dma_wait3A_62 : memref<1x640x64xf32, #tpu.memory_space<hbm>> -> memref<640x64xf32, #tpu.memory_space<hbm>>
      %dma_wait3A_64 = arith.constant 0 : i32
      %dma_wait3A_65 = tpu.memref_slice %arg13[%mul3A_0, %dma_wait3A_64] : memref<10240x64xf32, #tpu.memory_space<vmem_shared>> -> memref<640x64xf32, #tpu.memory_space<vmem_shared>>
      tpu.wait_dma2 semaphore(%run_scoped3A : memref<!tpu.dma_semaphore, #tpu.memory_space<semaphore_mem>>) src(%dma_wait3A_65 : memref<640x64xf32, #tpu.memory_space<vmem_shared>>) dst(%dma_wait3A_63 : memref<640x64xf32, #tpu.memory_space<hbm>>)
      tpu.yield
    }) : () -> ()
    return
  }
}

#map = affine_map<(d0, d1) -> (0, 0, 0)>
#map1 = affine_map<(d0, d1) -> (0, 0)>
module attributes {stable_mosaic.version = 14 : i64} {
  func.func @_msgpass_sc(%arg0: i32, %arg1: i32, %arg2: memref<2x10000x64xf32, #tpu.memory_space<hbm>>, %arg3: memref<10240x64xf32, #tpu.memory_space<hbm>>, %arg4: memref<16x160x128xi32, #tpu.memory_space<hbm>>, %arg5: memref<16x160x128xi32, #tpu.memory_space<hbm>>, %arg6: memref<2x10240x64xf32, #tpu.memory_space<hbm>>, %arg7: memref<160x128xi32, #tpu.memory_space<vmem>>, %arg8: memref<160x128xi32, #tpu.memory_space<vmem>>, %arg9: memref<128x64xf32, #tpu.memory_space<vmem>>, %arg10: memref<128x64xf32, #tpu.memory_space<vmem>>, %arg11: memref<128x64xf32, #tpu.memory_space<vmem>>, %arg12: memref<128x64xf32, #tpu.memory_space<vmem>>, %arg13: memref<10240x64xf32, #tpu.memory_space<vmem_shared>>, %arg14: memref<!tpu.dma_semaphore, #tpu.memory_space<semaphore_mem>>, %arg15: memref<!tpu.dma_semaphore, #tpu.memory_space<semaphore_mem>>, %arg16: memref<!tpu.dma_semaphore, #tpu.memory_space<semaphore_mem>>, %arg17: memref<!tpu.dma_semaphore, #tpu.memory_space<semaphore_mem>>, %arg18: memref<!tpu.dma_semaphore, #tpu.memory_space<semaphore_mem>>, %arg19: memref<!tpu.dma_semaphore, #tpu.memory_space<semaphore_mem>>, %arg20: memref<!tpu.dma_semaphore, #tpu.memory_space<semaphore_mem>>, %arg21: memref<!tpu.dma_semaphore, #tpu.memory_space<semaphore_mem>>) attributes {dimension_semantics = [#tpu.dimension_semantics<core_parallel>, #tpu.dimension_semantics<subcore_parallel>], iteration_bounds = array<i64: 2, 16>, scalar_prefetch = 0 : i64, scratch_operands = 15 : i64, tpu.core_type = #tpu.core_type<sc_vector_subcore>, window_params = [{transform_indices = #map}, {transform_indices = #map1}, {transform_indices = #map}, {transform_indices = #map}, {transform_indices = #map}]} {
    %mul3A = arith.constant 640 : i32
    %mul3A_0 = arith.muli %arg1, %mul3A : i32
    "tpu.region"() ({
      %run_scoped3A = tpu.sem_alloc : memref<!tpu.dma_semaphore, #tpu.memory_space<semaphore_mem>>
      %dma_start3A_56 = arith.constant 0 : i32
      %dma_start3A_57 = tpu.memref_slice %arg13[%mul3A_0, %dma_start3A_56] : memref<10240x64xf32, #tpu.memory_space<vmem_shared>> -> memref<640x64xf32, #tpu.memory_space<vmem_shared>>
      %dma_start3A_58 = arith.constant 0 : i32
      %dma_start3A_59 = tpu.memref_slice %arg3[%mul3A_0, %dma_start3A_58] : memref<10240x64xf32, #tpu.memory_space<hbm>> -> memref<640x64xf32, #tpu.memory_space<hbm>>
      tpu.enqueue_dma source(%dma_start3A_59 : memref<640x64xf32, #tpu.memory_space<hbm>>) target(%dma_start3A_57 : memref<640x64xf32, #tpu.memory_space<vmem_shared>>) target_semaphore(%run_scoped3A : memref<!tpu.dma_semaphore, #tpu.memory_space<semaphore_mem>>)
      %dma_wait3A_60 = arith.constant 0 : i32
      %dma_wait3A_61 = tpu.memref_slice %arg13[%mul3A_0, %dma_wait3A_60] : memref<10240x64xf32, #tpu.memory_space<vmem_shared>> -> memref<640x64xf32, #tpu.memory_space<vmem_shared>>
      %dma_wait3A_62 = arith.constant 0 : i32
      %dma_wait3A_63 = tpu.memref_slice %arg3[%mul3A_0, %dma_wait3A_62] : memref<10240x64xf32, #tpu.memory_space<hbm>> -> memref<640x64xf32, #tpu.memory_space<hbm>>
      tpu.wait_dma2 semaphore(%run_scoped3A : memref<!tpu.dma_semaphore, #tpu.memory_space<semaphore_mem>>) src(%dma_wait3A_63 : memref<640x64xf32, #tpu.memory_space<hbm>>) dst(%dma_wait3A_61 : memref<640x64xf32, #tpu.memory_space<vmem_shared>>)
      tpu.yield
    }) : () -> ()
    "tpu.region"() ({
      %run_scoped3A = tpu.sem_alloc : memref<!tpu.dma_semaphore, #tpu.memory_space<semaphore_mem>>
      %dma_start3A_56 = arith.constant 0 : i32
      %dma_start3A_57 = arith.constant 0 : i32
      %dma_start3A_58 = tpu.memref_slice %arg4[%arg1, %dma_start3A_56, %dma_start3A_57] : memref<16x160x128xi32, #tpu.memory_space<hbm>> -> memref<1x160x128xi32, #tpu.memory_space<hbm>>
      %dma_start3A_59 = tpu.memref_squeeze %dma_start3A_58 : memref<1x160x128xi32, #tpu.memory_space<hbm>> -> memref<160x128xi32, #tpu.memory_space<hbm>>
      %dma_start3A_60 = arith.constant 0 : i32
      %dma_start3A_61 = arith.constant 0 : i32
      %dma_start3A_62 = tpu.memref_slice %arg4[%arg1, %dma_start3A_60, %dma_start3A_61] : memref<16x160x128xi32, #tpu.memory_space<hbm>> -> memref<1x160x128xi32, #tpu.memory_space<hbm>>
      %dma_start3A_63 = tpu.memref_squeeze %dma_start3A_62 : memref<1x160x128xi32, #tpu.memory_space<hbm>> -> memref<160x128xi32, #tpu.memory_space<hbm>>
      tpu.enqueue_dma source(%dma_start3A_63 : memref<160x128xi32, #tpu.memory_space<hbm>>) target(%arg7 : memref<160x128xi32, #tpu.memory_space<vmem>>) target_semaphore(%run_scoped3A : memref<!tpu.dma_semaphore, #tpu.memory_space<semaphore_mem>>)
      %dma_wait3A_64 = arith.constant 0 : i32
      %dma_wait3A_65 = arith.constant 0 : i32
      %dma_wait3A_66 = tpu.memref_slice %arg4[%arg1, %dma_wait3A_64, %dma_wait3A_65] : memref<16x160x128xi32, #tpu.memory_space<hbm>> -> memref<1x160x128xi32, #tpu.memory_space<hbm>>
      %dma_wait3A_67 = tpu.memref_squeeze %dma_wait3A_66 : memref<1x160x128xi32, #tpu.memory_space<hbm>> -> memref<160x128xi32, #tpu.memory_space<hbm>>
      %dma_wait3A_68 = arith.constant 0 : i32
      %dma_wait3A_69 = arith.constant 0 : i32
      %dma_wait3A_70 = tpu.memref_slice %arg4[%arg1, %dma_wait3A_68, %dma_wait3A_69] : memref<16x160x128xi32, #tpu.memory_space<hbm>> -> memref<1x160x128xi32, #tpu.memory_space<hbm>>
      %dma_wait3A_71 = tpu.memref_squeeze %dma_wait3A_70 : memref<1x160x128xi32, #tpu.memory_space<hbm>> -> memref<160x128xi32, #tpu.memory_space<hbm>>
      tpu.wait_dma2 semaphore(%run_scoped3A : memref<!tpu.dma_semaphore, #tpu.memory_space<semaphore_mem>>) src(%dma_wait3A_71 : memref<160x128xi32, #tpu.memory_space<hbm>>) dst(%arg7 : memref<160x128xi32, #tpu.memory_space<vmem>>)
      tpu.yield
    }) : () -> ()
    "tpu.region"() ({
      %run_scoped3A = tpu.sem_alloc : memref<!tpu.dma_semaphore, #tpu.memory_space<semaphore_mem>>
      %dma_start3A_56 = arith.constant 0 : i32
      %dma_start3A_57 = arith.constant 0 : i32
      %dma_start3A_58 = tpu.memref_slice %arg5[%arg1, %dma_start3A_56, %dma_start3A_57] : memref<16x160x128xi32, #tpu.memory_space<hbm>> -> memref<1x160x128xi32, #tpu.memory_space<hbm>>
      %dma_start3A_59 = tpu.memref_squeeze %dma_start3A_58 : memref<1x160x128xi32, #tpu.memory_space<hbm>> -> memref<160x128xi32, #tpu.memory_space<hbm>>
      %dma_start3A_60 = arith.constant 0 : i32
      %dma_start3A_61 = arith.constant 0 : i32
      %dma_start3A_62 = tpu.memref_slice %arg5[%arg1, %dma_start3A_60, %dma_start3A_61] : memref<16x160x128xi32, #tpu.memory_space<hbm>> -> memref<1x160x128xi32, #tpu.memory_space<hbm>>
      %dma_start3A_63 = tpu.memref_squeeze %dma_start3A_62 : memref<1x160x128xi32, #tpu.memory_space<hbm>> -> memref<160x128xi32, #tpu.memory_space<hbm>>
      tpu.enqueue_dma source(%dma_start3A_63 : memref<160x128xi32, #tpu.memory_space<hbm>>) target(%arg8 : memref<160x128xi32, #tpu.memory_space<vmem>>) target_semaphore(%run_scoped3A : memref<!tpu.dma_semaphore, #tpu.memory_space<semaphore_mem>>)
      %dma_wait3A_64 = arith.constant 0 : i32
      %dma_wait3A_65 = arith.constant 0 : i32
      %dma_wait3A_66 = tpu.memref_slice %arg5[%arg1, %dma_wait3A_64, %dma_wait3A_65] : memref<16x160x128xi32, #tpu.memory_space<hbm>> -> memref<1x160x128xi32, #tpu.memory_space<hbm>>
      %dma_wait3A_67 = tpu.memref_squeeze %dma_wait3A_66 : memref<1x160x128xi32, #tpu.memory_space<hbm>> -> memref<160x128xi32, #tpu.memory_space<hbm>>
      %dma_wait3A_68 = arith.constant 0 : i32
      %dma_wait3A_69 = arith.constant 0 : i32
      %dma_wait3A_70 = tpu.memref_slice %arg5[%arg1, %dma_wait3A_68, %dma_wait3A_69] : memref<16x160x128xi32, #tpu.memory_space<hbm>> -> memref<1x160x128xi32, #tpu.memory_space<hbm>>
      %dma_wait3A_71 = tpu.memref_squeeze %dma_wait3A_70 : memref<1x160x128xi32, #tpu.memory_space<hbm>> -> memref<160x128xi32, #tpu.memory_space<hbm>>
      tpu.wait_dma2 semaphore(%run_scoped3A : memref<!tpu.dma_semaphore, #tpu.memory_space<semaphore_mem>>) src(%dma_wait3A_71 : memref<160x128xi32, #tpu.memory_space<hbm>>) dst(%arg8 : memref<160x128xi32, #tpu.memory_space<vmem>>)
      tpu.yield
    }) : () -> ()
    %barrier3A = arith.constant 0 : index
    tpu.barrier barrier_id(%barrier3A)
    %dma_start3A = arith.constant 0 : i32
    %dma_start3A_1 = arith.constant 0 : i32
    %dma_start3A_2 = tpu.memref_slice %arg7[%dma_start3A, %dma_start3A_1] : memref<160x128xi32, #tpu.memory_space<vmem>> -> memref<1x128xi32, #tpu.memory_space<vmem>>
    %dma_start3A_3 = tpu.memref_squeeze %dma_start3A_2 : memref<1x128xi32, #tpu.memory_space<vmem>> -> memref<128xi32, #tpu.memory_space<vmem>>
    %dma_start3A_4 = arith.constant 0 : i32
    %dma_start3A_5 = arith.constant 0 : i32
    %dma_start3A_6 = tpu.memref_slice %arg2[%arg0, %dma_start3A_4, %dma_start3A_5] : memref<2x10000x64xf32, #tpu.memory_space<hbm>> -> memref<1x10000x64xf32, #tpu.memory_space<hbm>>
    %dma_start3A_7 = tpu.memref_squeeze %dma_start3A_6 : memref<1x10000x64xf32, #tpu.memory_space<hbm>> -> memref<10000x64xf32, #tpu.memory_space<hbm>>
    %dma_start3A_8 = arith.constant 0 : i32
    %dma_start3A_9 = arith.constant 0 : i32
    %dma_start3A_10 = tpu.memref_slice %dma_start3A_7[%dma_start3A_8, %dma_start3A_9] : memref<10000x64xf32, #tpu.memory_space<hbm>> -> memref<10000x64xf32, #tpu.memory_space<hbm>>
    tpu.enqueue_indirect_dma source(%dma_start3A_10 : memref<10000x64xf32, #tpu.memory_space<hbm>>) target(%arg9 : memref<128x64xf32, #tpu.memory_space<vmem>>) offsets(%dma_start3A_3 : memref<128xi32, #tpu.memory_space<vmem>>) semaphore(%arg14 : memref<!tpu.dma_semaphore, #tpu.memory_space<semaphore_mem>>)
    %dma_start3A_11 = arith.constant 1 : i32
    %dma_start3A_12 = arith.constant 0 : i32
    %dma_start3A_13 = tpu.memref_slice %arg7[%dma_start3A_11, %dma_start3A_12] : memref<160x128xi32, #tpu.memory_space<vmem>> -> memref<1x128xi32, #tpu.memory_space<vmem>>
    %dma_start3A_14 = tpu.memref_squeeze %dma_start3A_13 : memref<1x128xi32, #tpu.memory_space<vmem>> -> memref<128xi32, #tpu.memory_space<vmem>>
    %dma_start3A_15 = arith.constant 0 : i32
    %dma_start3A_16 = arith.constant 0 : i32
    %dma_start3A_17 = tpu.memref_slice %arg2[%arg0, %dma_start3A_15, %dma_start3A_16] : memref<2x10000x64xf32, #tpu.memory_space<hbm>> -> memref<1x10000x64xf32, #tpu.memory_space<hbm>>
    %dma_start3A_18 = tpu.memref_squeeze %dma_start3A_17 : memref<1x10000x64xf32, #tpu.memory_space<hbm>> -> memref<10000x64xf32, #tpu.memory_space<hbm>>
    %dma_start3A_19 = arith.constant 0 : i32
    %dma_start3A_20 = arith.constant 0 : i32
    %dma_start3A_21 = tpu.memref_slice %dma_start3A_18[%dma_start3A_19, %dma_start3A_20] : memref<10000x64xf32, #tpu.memory_space<hbm>> -> memref<10000x64xf32, #tpu.memory_space<hbm>>
    tpu.enqueue_indirect_dma source(%dma_start3A_21 : memref<10000x64xf32, #tpu.memory_space<hbm>>) target(%arg10 : memref<128x64xf32, #tpu.memory_space<vmem>>) offsets(%dma_start3A_14 : memref<128xi32, #tpu.memory_space<vmem>>) semaphore(%arg15 : memref<!tpu.dma_semaphore, #tpu.memory_space<semaphore_mem>>)
    %dma_start3A_22 = arith.constant 2 : i32
    %dma_start3A_23 = arith.constant 0 : i32
    %dma_start3A_24 = tpu.memref_slice %arg7[%dma_start3A_22, %dma_start3A_23] : memref<160x128xi32, #tpu.memory_space<vmem>> -> memref<1x128xi32, #tpu.memory_space<vmem>>
    %dma_start3A_25 = tpu.memref_squeeze %dma_start3A_24 : memref<1x128xi32, #tpu.memory_space<vmem>> -> memref<128xi32, #tpu.memory_space<vmem>>
    %dma_start3A_26 = arith.constant 0 : i32
    %dma_start3A_27 = arith.constant 0 : i32
    %dma_start3A_28 = tpu.memref_slice %arg2[%arg0, %dma_start3A_26, %dma_start3A_27] : memref<2x10000x64xf32, #tpu.memory_space<hbm>> -> memref<1x10000x64xf32, #tpu.memory_space<hbm>>
    %dma_start3A_29 = tpu.memref_squeeze %dma_start3A_28 : memref<1x10000x64xf32, #tpu.memory_space<hbm>> -> memref<10000x64xf32, #tpu.memory_space<hbm>>
    %dma_start3A_30 = arith.constant 0 : i32
    %dma_start3A_31 = arith.constant 0 : i32
    %dma_start3A_32 = tpu.memref_slice %dma_start3A_29[%dma_start3A_30, %dma_start3A_31] : memref<10000x64xf32, #tpu.memory_space<hbm>> -> memref<10000x64xf32, #tpu.memory_space<hbm>>
    tpu.enqueue_indirect_dma source(%dma_start3A_32 : memref<10000x64xf32, #tpu.memory_space<hbm>>) target(%arg11 : memref<128x64xf32, #tpu.memory_space<vmem>>) offsets(%dma_start3A_25 : memref<128xi32, #tpu.memory_space<vmem>>) semaphore(%arg16 : memref<!tpu.dma_semaphore, #tpu.memory_space<semaphore_mem>>)
    %dma_start3A_33 = arith.constant 3 : i32
    %dma_start3A_34 = arith.constant 0 : i32
    %dma_start3A_35 = tpu.memref_slice %arg7[%dma_start3A_33, %dma_start3A_34] : memref<160x128xi32, #tpu.memory_space<vmem>> -> memref<1x128xi32, #tpu.memory_space<vmem>>
    %dma_start3A_36 = tpu.memref_squeeze %dma_start3A_35 : memref<1x128xi32, #tpu.memory_space<vmem>> -> memref<128xi32, #tpu.memory_space<vmem>>
    %dma_start3A_37 = arith.constant 0 : i32
    %dma_start3A_38 = arith.constant 0 : i32
    %dma_start3A_39 = tpu.memref_slice %arg2[%arg0, %dma_start3A_37, %dma_start3A_38] : memref<2x10000x64xf32, #tpu.memory_space<hbm>> -> memref<1x10000x64xf32, #tpu.memory_space<hbm>>
    %dma_start3A_40 = tpu.memref_squeeze %dma_start3A_39 : memref<1x10000x64xf32, #tpu.memory_space<hbm>> -> memref<10000x64xf32, #tpu.memory_space<hbm>>
    %dma_start3A_41 = arith.constant 0 : i32
    %dma_start3A_42 = arith.constant 0 : i32
    %dma_start3A_43 = tpu.memref_slice %dma_start3A_40[%dma_start3A_41, %dma_start3A_42] : memref<10000x64xf32, #tpu.memory_space<hbm>> -> memref<10000x64xf32, #tpu.memory_space<hbm>>
    tpu.enqueue_indirect_dma source(%dma_start3A_43 : memref<10000x64xf32, #tpu.memory_space<hbm>>) target(%arg12 : memref<128x64xf32, #tpu.memory_space<vmem>>) offsets(%dma_start3A_36 : memref<128xi32, #tpu.memory_space<vmem>>) semaphore(%arg17 : memref<!tpu.dma_semaphore, #tpu.memory_space<semaphore_mem>>)
    %scan3A = arith.constant 0 : i32
    %scan3A_44 = arith.constant 0 : i32
    %scan3A_45 = arith.constant 40 : i32
    %scan3A_46 = arith.addi %scan3A_44, %scan3A_45 : i32
    %scan3A_47 = arith.constant 1 : i32
    scf.for %scan3A_56 = %scan3A_44 to %scan3A_46 step %scan3A_47  : i32 {
      %mul3A_57 = arith.constant 4 : i32
      %mul3A_58 = arith.muli %scan3A_56, %mul3A_57 : i32
      %add3A = arith.constant 0 : i32
      %add3A_59 = arith.addi %mul3A_58, %add3A : i32
      %dma_wait3A_60 = arith.constant 0 : i32
      %dma_wait3A_61 = tpu.memref_slice %arg7[%add3A_59, %dma_wait3A_60] : memref<160x128xi32, #tpu.memory_space<vmem>> -> memref<1x128xi32, #tpu.memory_space<vmem>>
      %dma_wait3A_62 = tpu.memref_squeeze %dma_wait3A_61 : memref<1x128xi32, #tpu.memory_space<vmem>> -> memref<128xi32, #tpu.memory_space<vmem>>
      %dma_wait3A_63 = arith.constant 0 : i32
      %dma_wait3A_64 = arith.constant 0 : i32
      %dma_wait3A_65 = tpu.memref_slice %arg2[%arg0, %dma_wait3A_63, %dma_wait3A_64] : memref<2x10000x64xf32, #tpu.memory_space<hbm>> -> memref<1x10000x64xf32, #tpu.memory_space<hbm>>
      %dma_wait3A_66 = tpu.memref_squeeze %dma_wait3A_65 : memref<1x10000x64xf32, #tpu.memory_space<hbm>> -> memref<10000x64xf32, #tpu.memory_space<hbm>>
      %dma_wait3A_67 = arith.constant 0 : i32
      %dma_wait3A_68 = arith.constant 0 : i32
      %dma_wait3A_69 = tpu.memref_slice %dma_wait3A_66[%dma_wait3A_67, %dma_wait3A_68] : memref<10000x64xf32, #tpu.memory_space<hbm>> -> memref<10000x64xf32, #tpu.memory_space<hbm>>
      tpu.wait_indirect_dma semaphore(%arg14 : memref<!tpu.dma_semaphore, #tpu.memory_space<semaphore_mem>>) src(%dma_wait3A_69 : memref<10000x64xf32, #tpu.memory_space<hbm>>) dst(%arg9 : memref<128x64xf32, #tpu.memory_space<vmem>>)
      %dma_start3A_70 = arith.constant 0 : i32
      %dma_start3A_71 = tpu.memref_slice %arg8[%add3A_59, %dma_start3A_70] : memref<160x128xi32, #tpu.memory_space<vmem>> -> memref<1x128xi32, #tpu.memory_space<vmem>>
      %dma_start3A_72 = tpu.memref_squeeze %dma_start3A_71 : memref<1x128xi32, #tpu.memory_space<vmem>> -> memref<128xi32, #tpu.memory_space<vmem>>
      %dma_start3A_73 = arith.constant 0 : i32
      %dma_start3A_74 = arith.constant 0 : i32
      %dma_start3A_75 = tpu.memref_slice %arg13[%dma_start3A_73, %dma_start3A_74] : memref<10240x64xf32, #tpu.memory_space<vmem_shared>> -> memref<10240x64xf32, #tpu.memory_space<vmem_shared>>
      tpu.enqueue_indirect_dma source(%arg9 : memref<128x64xf32, #tpu.memory_space<vmem>>) target(%dma_start3A_75 : memref<10240x64xf32, #tpu.memory_space<vmem_shared>>) offsets(%dma_start3A_72 : memref<128xi32, #tpu.memory_space<vmem>>) semaphore(%arg18 : memref<!tpu.dma_semaphore, #tpu.memory_space<semaphore_mem>>) {add = true}
      %ge3A = arith.constant 1 : i32
      %ge3A_76 = arith.cmpi sge, %add3A_59, %ge3A : i32
      %convert_element_type3A = arith.extui %ge3A_76 : i1 to i32
      %cond3A = arith.constant 0 : i32
      %cond3A_77 = arith.cmpi ne, %convert_element_type3A, %cond3A : i32
      scf.if %cond3A_77 {
        %sub3A_198 = arith.constant 1 : i32
        %sub3A_199 = arith.subi %add3A_59, %sub3A_198 : i32
        %dma_wait3A_200 = arith.constant 0 : i32
        %dma_wait3A_201 = tpu.memref_slice %arg8[%sub3A_199, %dma_wait3A_200] : memref<160x128xi32, #tpu.memory_space<vmem>> -> memref<1x128xi32, #tpu.memory_space<vmem>>
        %dma_wait3A_202 = tpu.memref_squeeze %dma_wait3A_201 : memref<1x128xi32, #tpu.memory_space<vmem>> -> memref<128xi32, #tpu.memory_space<vmem>>
        %dma_wait3A_203 = arith.constant 0 : i32
        %dma_wait3A_204 = arith.constant 0 : i32
        %dma_wait3A_205 = tpu.memref_slice %arg13[%dma_wait3A_203, %dma_wait3A_204] : memref<10240x64xf32, #tpu.memory_space<vmem_shared>> -> memref<10240x64xf32, #tpu.memory_space<vmem_shared>>
        tpu.wait_indirect_dma semaphore(%arg21 : memref<!tpu.dma_semaphore, #tpu.memory_space<semaphore_mem>>) src(%arg12 : memref<128x64xf32, #tpu.memory_space<vmem>>) dst(%dma_wait3A_205 : memref<10240x64xf32, #tpu.memory_space<vmem_shared>>)
      } else {
      }
      %ge3A_78 = arith.constant 1 : i32
      %ge3A_79 = arith.cmpi sge, %add3A_59, %ge3A_78 : i32
      %add3A_80 = arith.constant 4 : i32
      %add3A_81 = arith.addi %add3A_59, %add3A_80 : i32
      %sub3A = arith.constant 1 : i32
      %sub3A_82 = arith.subi %add3A_81, %sub3A : i32
      %lt3A = arith.constant 160 : i32
      %lt3A_83 = arith.cmpi slt, %sub3A_82, %lt3A : i32
      %and3A = arith.andi %ge3A_79, %lt3A_83 : i1
      %convert_element_type3A_84 = arith.extui %and3A : i1 to i32
      %cond3A_85 = arith.constant 0 : i32
      %cond3A_86 = arith.cmpi ne, %convert_element_type3A_84, %cond3A_85 : i32
      scf.if %cond3A_86 {
        %add3A_198 = arith.constant 4 : i32
        %add3A_199 = arith.addi %add3A_59, %add3A_198 : i32
        %sub3A_200 = arith.constant 1 : i32
        %sub3A_201 = arith.subi %add3A_199, %sub3A_200 : i32
        %dma_start3A_202 = arith.constant 0 : i32
        %dma_start3A_203 = tpu.memref_slice %arg7[%sub3A_201, %dma_start3A_202] : memref<160x128xi32, #tpu.memory_space<vmem>> -> memref<1x128xi32, #tpu.memory_space<vmem>>
        %dma_start3A_204 = tpu.memref_squeeze %dma_start3A_203 : memref<1x128xi32, #tpu.memory_space<vmem>> -> memref<128xi32, #tpu.memory_space<vmem>>
        %dma_start3A_205 = arith.constant 0 : i32
        %dma_start3A_206 = arith.constant 0 : i32
        %dma_start3A_207 = tpu.memref_slice %arg2[%arg0, %dma_start3A_205, %dma_start3A_206] : memref<2x10000x64xf32, #tpu.memory_space<hbm>> -> memref<1x10000x64xf32, #tpu.memory_space<hbm>>
        %dma_start3A_208 = tpu.memref_squeeze %dma_start3A_207 : memref<1x10000x64xf32, #tpu.memory_space<hbm>> -> memref<10000x64xf32, #tpu.memory_space<hbm>>
        %dma_start3A_209 = arith.constant 0 : i32
        %dma_start3A_210 = arith.constant 0 : i32
        %dma_start3A_211 = tpu.memref_slice %dma_start3A_208[%dma_start3A_209, %dma_start3A_210] : memref<10000x64xf32, #tpu.memory_space<hbm>> -> memref<10000x64xf32, #tpu.memory_space<hbm>>
        tpu.enqueue_indirect_dma source(%dma_start3A_211 : memref<10000x64xf32, #tpu.memory_space<hbm>>) target(%arg12 : memref<128x64xf32, #tpu.memory_space<vmem>>) offsets(%dma_start3A_204 : memref<128xi32, #tpu.memory_space<vmem>>) semaphore(%arg17 : memref<!tpu.dma_semaphore, #tpu.memory_space<semaphore_mem>>)
      } else {
      }
      %mul3A_87 = arith.constant 4 : i32
      %mul3A_88 = arith.muli %scan3A_56, %mul3A_87 : i32
      %add3A_89 = arith.constant 1 : i32
      %add3A_90 = arith.addi %mul3A_88, %add3A_89 : i32
      %dma_wait3A_91 = arith.constant 0 : i32
      %dma_wait3A_92 = tpu.memref_slice %arg7[%add3A_90, %dma_wait3A_91] : memref<160x128xi32, #tpu.memory_space<vmem>> -> memref<1x128xi32, #tpu.memory_space<vmem>>
      %dma_wait3A_93 = tpu.memref_squeeze %dma_wait3A_92 : memref<1x128xi32, #tpu.memory_space<vmem>> -> memref<128xi32, #tpu.memory_space<vmem>>
      %dma_wait3A_94 = arith.constant 0 : i32
      %dma_wait3A_95 = arith.constant 0 : i32
      %dma_wait3A_96 = tpu.memref_slice %arg2[%arg0, %dma_wait3A_94, %dma_wait3A_95] : memref<2x10000x64xf32, #tpu.memory_space<hbm>> -> memref<1x10000x64xf32, #tpu.memory_space<hbm>>
      %dma_wait3A_97 = tpu.memref_squeeze %dma_wait3A_96 : memref<1x10000x64xf32, #tpu.memory_space<hbm>> -> memref<10000x64xf32, #tpu.memory_space<hbm>>
      %dma_wait3A_98 = arith.constant 0 : i32
      %dma_wait3A_99 = arith.constant 0 : i32
      %dma_wait3A_100 = tpu.memref_slice %dma_wait3A_97[%dma_wait3A_98, %dma_wait3A_99] : memref<10000x64xf32, #tpu.memory_space<hbm>> -> memref<10000x64xf32, #tpu.memory_space<hbm>>
      tpu.wait_indirect_dma semaphore(%arg15 : memref<!tpu.dma_semaphore, #tpu.memory_space<semaphore_mem>>) src(%dma_wait3A_100 : memref<10000x64xf32, #tpu.memory_space<hbm>>) dst(%arg10 : memref<128x64xf32, #tpu.memory_space<vmem>>)
      %dma_start3A_101 = arith.constant 0 : i32
      %dma_start3A_102 = tpu.memref_slice %arg8[%add3A_90, %dma_start3A_101] : memref<160x128xi32, #tpu.memory_space<vmem>> -> memref<1x128xi32, #tpu.memory_space<vmem>>
      %dma_start3A_103 = tpu.memref_squeeze %dma_start3A_102 : memref<1x128xi32, #tpu.memory_space<vmem>> -> memref<128xi32, #tpu.memory_space<vmem>>
      %dma_start3A_104 = arith.constant 0 : i32
      %dma_start3A_105 = arith.constant 0 : i32
      %dma_start3A_106 = tpu.memref_slice %arg13[%dma_start3A_104, %dma_start3A_105] : memref<10240x64xf32, #tpu.memory_space<vmem_shared>> -> memref<10240x64xf32, #tpu.memory_space<vmem_shared>>
      tpu.enqueue_indirect_dma source(%arg10 : memref<128x64xf32, #tpu.memory_space<vmem>>) target(%dma_start3A_106 : memref<10240x64xf32, #tpu.memory_space<vmem_shared>>) offsets(%dma_start3A_103 : memref<128xi32, #tpu.memory_space<vmem>>) semaphore(%arg19 : memref<!tpu.dma_semaphore, #tpu.memory_space<semaphore_mem>>) {add = true}
      %ge3A_107 = arith.constant 1 : i32
      %ge3A_108 = arith.cmpi sge, %add3A_90, %ge3A_107 : i32
      %convert_element_type3A_109 = arith.extui %ge3A_108 : i1 to i32
      %cond3A_110 = arith.constant 0 : i32
      %cond3A_111 = arith.cmpi ne, %convert_element_type3A_109, %cond3A_110 : i32
      scf.if %cond3A_111 {
        %sub3A_198 = arith.constant 1 : i32
        %sub3A_199 = arith.subi %add3A_90, %sub3A_198 : i32
        %dma_wait3A_200 = arith.constant 0 : i32
        %dma_wait3A_201 = tpu.memref_slice %arg8[%sub3A_199, %dma_wait3A_200] : memref<160x128xi32, #tpu.memory_space<vmem>> -> memref<1x128xi32, #tpu.memory_space<vmem>>
        %dma_wait3A_202 = tpu.memref_squeeze %dma_wait3A_201 : memref<1x128xi32, #tpu.memory_space<vmem>> -> memref<128xi32, #tpu.memory_space<vmem>>
        %dma_wait3A_203 = arith.constant 0 : i32
        %dma_wait3A_204 = arith.constant 0 : i32
        %dma_wait3A_205 = tpu.memref_slice %arg13[%dma_wait3A_203, %dma_wait3A_204] : memref<10240x64xf32, #tpu.memory_space<vmem_shared>> -> memref<10240x64xf32, #tpu.memory_space<vmem_shared>>
        tpu.wait_indirect_dma semaphore(%arg18 : memref<!tpu.dma_semaphore, #tpu.memory_space<semaphore_mem>>) src(%arg9 : memref<128x64xf32, #tpu.memory_space<vmem>>) dst(%dma_wait3A_205 : memref<10240x64xf32, #tpu.memory_space<vmem_shared>>)
      } else {
      }
      %ge3A_112 = arith.constant 1 : i32
      %ge3A_113 = arith.cmpi sge, %add3A_90, %ge3A_112 : i32
      %add3A_114 = arith.constant 4 : i32
      %add3A_115 = arith.addi %add3A_90, %add3A_114 : i32
      %sub3A_116 = arith.constant 1 : i32
      %sub3A_117 = arith.subi %add3A_115, %sub3A_116 : i32
      %lt3A_118 = arith.constant 160 : i32
      %lt3A_119 = arith.cmpi slt, %sub3A_117, %lt3A_118 : i32
      %and3A_120 = arith.andi %ge3A_113, %lt3A_119 : i1
      %convert_element_type3A_121 = arith.extui %and3A_120 : i1 to i32
      %cond3A_122 = arith.constant 0 : i32
      %cond3A_123 = arith.cmpi ne, %convert_element_type3A_121, %cond3A_122 : i32
      scf.if %cond3A_123 {
        %add3A_198 = arith.constant 4 : i32
        %add3A_199 = arith.addi %add3A_90, %add3A_198 : i32
        %sub3A_200 = arith.constant 1 : i32
        %sub3A_201 = arith.subi %add3A_199, %sub3A_200 : i32
        %dma_start3A_202 = arith.constant 0 : i32
        %dma_start3A_203 = tpu.memref_slice %arg7[%sub3A_201, %dma_start3A_202] : memref<160x128xi32, #tpu.memory_space<vmem>> -> memref<1x128xi32, #tpu.memory_space<vmem>>
        %dma_start3A_204 = tpu.memref_squeeze %dma_start3A_203 : memref<1x128xi32, #tpu.memory_space<vmem>> -> memref<128xi32, #tpu.memory_space<vmem>>
        %dma_start3A_205 = arith.constant 0 : i32
        %dma_start3A_206 = arith.constant 0 : i32
        %dma_start3A_207 = tpu.memref_slice %arg2[%arg0, %dma_start3A_205, %dma_start3A_206] : memref<2x10000x64xf32, #tpu.memory_space<hbm>> -> memref<1x10000x64xf32, #tpu.memory_space<hbm>>
        %dma_start3A_208 = tpu.memref_squeeze %dma_start3A_207 : memref<1x10000x64xf32, #tpu.memory_space<hbm>> -> memref<10000x64xf32, #tpu.memory_space<hbm>>
        %dma_start3A_209 = arith.constant 0 : i32
        %dma_start3A_210 = arith.constant 0 : i32
        %dma_start3A_211 = tpu.memref_slice %dma_start3A_208[%dma_start3A_209, %dma_start3A_210] : memref<10000x64xf32, #tpu.memory_space<hbm>> -> memref<10000x64xf32, #tpu.memory_space<hbm>>
        tpu.enqueue_indirect_dma source(%dma_start3A_211 : memref<10000x64xf32, #tpu.memory_space<hbm>>) target(%arg9 : memref<128x64xf32, #tpu.memory_space<vmem>>) offsets(%dma_start3A_204 : memref<128xi32, #tpu.memory_space<vmem>>) semaphore(%arg14 : memref<!tpu.dma_semaphore, #tpu.memory_space<semaphore_mem>>)
      } else {
      }
      %mul3A_124 = arith.constant 4 : i32
      %mul3A_125 = arith.muli %scan3A_56, %mul3A_124 : i32
      %add3A_126 = arith.constant 2 : i32
      %add3A_127 = arith.addi %mul3A_125, %add3A_126 : i32
      %dma_wait3A_128 = arith.constant 0 : i32
      %dma_wait3A_129 = tpu.memref_slice %arg7[%add3A_127, %dma_wait3A_128] : memref<160x128xi32, #tpu.memory_space<vmem>> -> memref<1x128xi32, #tpu.memory_space<vmem>>
      %dma_wait3A_130 = tpu.memref_squeeze %dma_wait3A_129 : memref<1x128xi32, #tpu.memory_space<vmem>> -> memref<128xi32, #tpu.memory_space<vmem>>
      %dma_wait3A_131 = arith.constant 0 : i32
      %dma_wait3A_132 = arith.constant 0 : i32
      %dma_wait3A_133 = tpu.memref_slice %arg2[%arg0, %dma_wait3A_131, %dma_wait3A_132] : memref<2x10000x64xf32, #tpu.memory_space<hbm>> -> memref<1x10000x64xf32, #tpu.memory_space<hbm>>
      %dma_wait3A_134 = tpu.memref_squeeze %dma_wait3A_133 : memref<1x10000x64xf32, #tpu.memory_space<hbm>> -> memref<10000x64xf32, #tpu.memory_space<hbm>>
      %dma_wait3A_135 = arith.constant 0 : i32
      %dma_wait3A_136 = arith.constant 0 : i32
      %dma_wait3A_137 = tpu.memref_slice %dma_wait3A_134[%dma_wait3A_135, %dma_wait3A_136] : memref<10000x64xf32, #tpu.memory_space<hbm>> -> memref<10000x64xf32, #tpu.memory_space<hbm>>
      tpu.wait_indirect_dma semaphore(%arg16 : memref<!tpu.dma_semaphore, #tpu.memory_space<semaphore_mem>>) src(%dma_wait3A_137 : memref<10000x64xf32, #tpu.memory_space<hbm>>) dst(%arg11 : memref<128x64xf32, #tpu.memory_space<vmem>>)
      %dma_start3A_138 = arith.constant 0 : i32
      %dma_start3A_139 = tpu.memref_slice %arg8[%add3A_127, %dma_start3A_138] : memref<160x128xi32, #tpu.memory_space<vmem>> -> memref<1x128xi32, #tpu.memory_space<vmem>>
      %dma_start3A_140 = tpu.memref_squeeze %dma_start3A_139 : memref<1x128xi32, #tpu.memory_space<vmem>> -> memref<128xi32, #tpu.memory_space<vmem>>
      %dma_start3A_141 = arith.constant 0 : i32
      %dma_start3A_142 = arith.constant 0 : i32
      %dma_start3A_143 = tpu.memref_slice %arg13[%dma_start3A_141, %dma_start3A_142] : memref<10240x64xf32, #tpu.memory_space<vmem_shared>> -> memref<10240x64xf32, #tpu.memory_space<vmem_shared>>
      tpu.enqueue_indirect_dma source(%arg11 : memref<128x64xf32, #tpu.memory_space<vmem>>) target(%dma_start3A_143 : memref<10240x64xf32, #tpu.memory_space<vmem_shared>>) offsets(%dma_start3A_140 : memref<128xi32, #tpu.memory_space<vmem>>) semaphore(%arg20 : memref<!tpu.dma_semaphore, #tpu.memory_space<semaphore_mem>>) {add = true}
      %ge3A_144 = arith.constant 1 : i32
      %ge3A_145 = arith.cmpi sge, %add3A_127, %ge3A_144 : i32
      %convert_element_type3A_146 = arith.extui %ge3A_145 : i1 to i32
      %cond3A_147 = arith.constant 0 : i32
      %cond3A_148 = arith.cmpi ne, %convert_element_type3A_146, %cond3A_147 : i32
      scf.if %cond3A_148 {
        %sub3A_198 = arith.constant 1 : i32
        %sub3A_199 = arith.subi %add3A_127, %sub3A_198 : i32
        %dma_wait3A_200 = arith.constant 0 : i32
        %dma_wait3A_201 = tpu.memref_slice %arg8[%sub3A_199, %dma_wait3A_200] : memref<160x128xi32, #tpu.memory_space<vmem>> -> memref<1x128xi32, #tpu.memory_space<vmem>>
        %dma_wait3A_202 = tpu.memref_squeeze %dma_wait3A_201 : memref<1x128xi32, #tpu.memory_space<vmem>> -> memref<128xi32, #tpu.memory_space<vmem>>
        %dma_wait3A_203 = arith.constant 0 : i32
        %dma_wait3A_204 = arith.constant 0 : i32
        %dma_wait3A_205 = tpu.memref_slice %arg13[%dma_wait3A_203, %dma_wait3A_204] : memref<10240x64xf32, #tpu.memory_space<vmem_shared>> -> memref<10240x64xf32, #tpu.memory_space<vmem_shared>>
        tpu.wait_indirect_dma semaphore(%arg19 : memref<!tpu.dma_semaphore, #tpu.memory_space<semaphore_mem>>) src(%arg10 : memref<128x64xf32, #tpu.memory_space<vmem>>) dst(%dma_wait3A_205 : memref<10240x64xf32, #tpu.memory_space<vmem_shared>>)
      } else {
      }
      %ge3A_149 = arith.constant 1 : i32
      %ge3A_150 = arith.cmpi sge, %add3A_127, %ge3A_149 : i32
      %add3A_151 = arith.constant 4 : i32
      %add3A_152 = arith.addi %add3A_127, %add3A_151 : i32
      %sub3A_153 = arith.constant 1 : i32
      %sub3A_154 = arith.subi %add3A_152, %sub3A_153 : i32
      %lt3A_155 = arith.constant 160 : i32
      %lt3A_156 = arith.cmpi slt, %sub3A_154, %lt3A_155 : i32
      %and3A_157 = arith.andi %ge3A_150, %lt3A_156 : i1
      %convert_element_type3A_158 = arith.extui %and3A_157 : i1 to i32
      %cond3A_159 = arith.constant 0 : i32
      %cond3A_160 = arith.cmpi ne, %convert_element_type3A_158, %cond3A_159 : i32
      scf.if %cond3A_160 {
        %add3A_198 = arith.constant 4 : i32
        %add3A_199 = arith.addi %add3A_127, %add3A_198 : i32
        %sub3A_200 = arith.constant 1 : i32
        %sub3A_201 = arith.subi %add3A_199, %sub3A_200 : i32
        %dma_start3A_202 = arith.constant 0 : i32
        %dma_start3A_203 = tpu.memref_slice %arg7[%sub3A_201, %dma_start3A_202] : memref<160x128xi32, #tpu.memory_space<vmem>> -> memref<1x128xi32, #tpu.memory_space<vmem>>
        %dma_start3A_204 = tpu.memref_squeeze %dma_start3A_203 : memref<1x128xi32, #tpu.memory_space<vmem>> -> memref<128xi32, #tpu.memory_space<vmem>>
        %dma_start3A_205 = arith.constant 0 : i32
        %dma_start3A_206 = arith.constant 0 : i32
        %dma_start3A_207 = tpu.memref_slice %arg2[%arg0, %dma_start3A_205, %dma_start3A_206] : memref<2x10000x64xf32, #tpu.memory_space<hbm>> -> memref<1x10000x64xf32, #tpu.memory_space<hbm>>
        %dma_start3A_208 = tpu.memref_squeeze %dma_start3A_207 : memref<1x10000x64xf32, #tpu.memory_space<hbm>> -> memref<10000x64xf32, #tpu.memory_space<hbm>>
        %dma_start3A_209 = arith.constant 0 : i32
        %dma_start3A_210 = arith.constant 0 : i32
        %dma_start3A_211 = tpu.memref_slice %dma_start3A_208[%dma_start3A_209, %dma_start3A_210] : memref<10000x64xf32, #tpu.memory_space<hbm>> -> memref<10000x64xf32, #tpu.memory_space<hbm>>
        tpu.enqueue_indirect_dma source(%dma_start3A_211 : memref<10000x64xf32, #tpu.memory_space<hbm>>) target(%arg10 : memref<128x64xf32, #tpu.memory_space<vmem>>) offsets(%dma_start3A_204 : memref<128xi32, #tpu.memory_space<vmem>>) semaphore(%arg15 : memref<!tpu.dma_semaphore, #tpu.memory_space<semaphore_mem>>)
      } else {
      }
      %mul3A_161 = arith.constant 4 : i32
      %mul3A_162 = arith.muli %scan3A_56, %mul3A_161 : i32
      %add3A_163 = arith.constant 3 : i32
      %add3A_164 = arith.addi %mul3A_162, %add3A_163 : i32
      %dma_wait3A_165 = arith.constant 0 : i32
      %dma_wait3A_166 = tpu.memref_slice %arg7[%add3A_164, %dma_wait3A_165] : memref<160x128xi32, #tpu.memory_space<vmem>> -> memref<1x128xi32, #tpu.memory_space<vmem>>
      %dma_wait3A_167 = tpu.memref_squeeze %dma_wait3A_166 : memref<1x128xi32, #tpu.memory_space<vmem>> -> memref<128xi32, #tpu.memory_space<vmem>>
      %dma_wait3A_168 = arith.constant 0 : i32
      %dma_wait3A_169 = arith.constant 0 : i32
      %dma_wait3A_170 = tpu.memref_slice %arg2[%arg0, %dma_wait3A_168, %dma_wait3A_169] : memref<2x10000x64xf32, #tpu.memory_space<hbm>> -> memref<1x10000x64xf32, #tpu.memory_space<hbm>>
      %dma_wait3A_171 = tpu.memref_squeeze %dma_wait3A_170 : memref<1x10000x64xf32, #tpu.memory_space<hbm>> -> memref<10000x64xf32, #tpu.memory_space<hbm>>
      %dma_wait3A_172 = arith.constant 0 : i32
      %dma_wait3A_173 = arith.constant 0 : i32
      %dma_wait3A_174 = tpu.memref_slice %dma_wait3A_171[%dma_wait3A_172, %dma_wait3A_173] : memref<10000x64xf32, #tpu.memory_space<hbm>> -> memref<10000x64xf32, #tpu.memory_space<hbm>>
      tpu.wait_indirect_dma semaphore(%arg17 : memref<!tpu.dma_semaphore, #tpu.memory_space<semaphore_mem>>) src(%dma_wait3A_174 : memref<10000x64xf32, #tpu.memory_space<hbm>>) dst(%arg12 : memref<128x64xf32, #tpu.memory_space<vmem>>)
      %dma_start3A_175 = arith.constant 0 : i32
      %dma_start3A_176 = tpu.memref_slice %arg8[%add3A_164, %dma_start3A_175] : memref<160x128xi32, #tpu.memory_space<vmem>> -> memref<1x128xi32, #tpu.memory_space<vmem>>
      %dma_start3A_177 = tpu.memref_squeeze %dma_start3A_176 : memref<1x128xi32, #tpu.memory_space<vmem>> -> memref<128xi32, #tpu.memory_space<vmem>>
      %dma_start3A_178 = arith.constant 0 : i32
      %dma_start3A_179 = arith.constant 0 : i32
      %dma_start3A_180 = tpu.memref_slice %arg13[%dma_start3A_178, %dma_start3A_179] : memref<10240x64xf32, #tpu.memory_space<vmem_shared>> -> memref<10240x64xf32, #tpu.memory_space<vmem_shared>>
      tpu.enqueue_indirect_dma source(%arg12 : memref<128x64xf32, #tpu.memory_space<vmem>>) target(%dma_start3A_180 : memref<10240x64xf32, #tpu.memory_space<vmem_shared>>) offsets(%dma_start3A_177 : memref<128xi32, #tpu.memory_space<vmem>>) semaphore(%arg21 : memref<!tpu.dma_semaphore, #tpu.memory_space<semaphore_mem>>) {add = true}
      %ge3A_181 = arith.constant 1 : i32
      %ge3A_182 = arith.cmpi sge, %add3A_164, %ge3A_181 : i32
      %convert_element_type3A_183 = arith.extui %ge3A_182 : i1 to i32
      %cond3A_184 = arith.constant 0 : i32
      %cond3A_185 = arith.cmpi ne, %convert_element_type3A_183, %cond3A_184 : i32
      scf.if %cond3A_185 {
        %sub3A_198 = arith.constant 1 : i32
        %sub3A_199 = arith.subi %add3A_164, %sub3A_198 : i32
        %dma_wait3A_200 = arith.constant 0 : i32
        %dma_wait3A_201 = tpu.memref_slice %arg8[%sub3A_199, %dma_wait3A_200] : memref<160x128xi32, #tpu.memory_space<vmem>> -> memref<1x128xi32, #tpu.memory_space<vmem>>
        %dma_wait3A_202 = tpu.memref_squeeze %dma_wait3A_201 : memref<1x128xi32, #tpu.memory_space<vmem>> -> memref<128xi32, #tpu.memory_space<vmem>>
        %dma_wait3A_203 = arith.constant 0 : i32
        %dma_wait3A_204 = arith.constant 0 : i32
        %dma_wait3A_205 = tpu.memref_slice %arg13[%dma_wait3A_203, %dma_wait3A_204] : memref<10240x64xf32, #tpu.memory_space<vmem_shared>> -> memref<10240x64xf32, #tpu.memory_space<vmem_shared>>
        tpu.wait_indirect_dma semaphore(%arg20 : memref<!tpu.dma_semaphore, #tpu.memory_space<semaphore_mem>>) src(%arg11 : memref<128x64xf32, #tpu.memory_space<vmem>>) dst(%dma_wait3A_205 : memref<10240x64xf32, #tpu.memory_space<vmem_shared>>)
      } else {
      }
      %ge3A_186 = arith.constant 1 : i32
      %ge3A_187 = arith.cmpi sge, %add3A_164, %ge3A_186 : i32
      %add3A_188 = arith.constant 4 : i32
      %add3A_189 = arith.addi %add3A_164, %add3A_188 : i32
      %sub3A_190 = arith.constant 1 : i32
      %sub3A_191 = arith.subi %add3A_189, %sub3A_190 : i32
      %lt3A_192 = arith.constant 160 : i32
      %lt3A_193 = arith.cmpi slt, %sub3A_191, %lt3A_192 : i32
      %and3A_194 = arith.andi %ge3A_187, %lt3A_193 : i1
      %convert_element_type3A_195 = arith.extui %and3A_194 : i1 to i32
      %cond3A_196 = arith.constant 0 : i32
      %cond3A_197 = arith.cmpi ne, %convert_element_type3A_195, %cond3A_196 : i32
      scf.if %cond3A_197 {
        %add3A_198 = arith.constant 4 : i32
        %add3A_199 = arith.addi %add3A_164, %add3A_198 : i32
        %sub3A_200 = arith.constant 1 : i32
        %sub3A_201 = arith.subi %add3A_199, %sub3A_200 : i32
        %dma_start3A_202 = arith.constant 0 : i32
        %dma_start3A_203 = tpu.memref_slice %arg7[%sub3A_201, %dma_start3A_202] : memref<160x128xi32, #tpu.memory_space<vmem>> -> memref<1x128xi32, #tpu.memory_space<vmem>>
        %dma_start3A_204 = tpu.memref_squeeze %dma_start3A_203 : memref<1x128xi32, #tpu.memory_space<vmem>> -> memref<128xi32, #tpu.memory_space<vmem>>
        %dma_start3A_205 = arith.constant 0 : i32
        %dma_start3A_206 = arith.constant 0 : i32
        %dma_start3A_207 = tpu.memref_slice %arg2[%arg0, %dma_start3A_205, %dma_start3A_206] : memref<2x10000x64xf32, #tpu.memory_space<hbm>> -> memref<1x10000x64xf32, #tpu.memory_space<hbm>>
        %dma_start3A_208 = tpu.memref_squeeze %dma_start3A_207 : memref<1x10000x64xf32, #tpu.memory_space<hbm>> -> memref<10000x64xf32, #tpu.memory_space<hbm>>
        %dma_start3A_209 = arith.constant 0 : i32
        %dma_start3A_210 = arith.constant 0 : i32
        %dma_start3A_211 = tpu.memref_slice %dma_start3A_208[%dma_start3A_209, %dma_start3A_210] : memref<10000x64xf32, #tpu.memory_space<hbm>> -> memref<10000x64xf32, #tpu.memory_space<hbm>>
        tpu.enqueue_indirect_dma source(%dma_start3A_211 : memref<10000x64xf32, #tpu.memory_space<hbm>>) target(%arg11 : memref<128x64xf32, #tpu.memory_space<vmem>>) offsets(%dma_start3A_204 : memref<128xi32, #tpu.memory_space<vmem>>) semaphore(%arg16 : memref<!tpu.dma_semaphore, #tpu.memory_space<semaphore_mem>>)
      } else {
      }
    }
    %scan3A_48 = arith.constant 40 : i32
    %dma_wait3A = arith.constant 159 : i32
    %dma_wait3A_49 = arith.constant 0 : i32
    %dma_wait3A_50 = tpu.memref_slice %arg8[%dma_wait3A, %dma_wait3A_49] : memref<160x128xi32, #tpu.memory_space<vmem>> -> memref<1x128xi32, #tpu.memory_space<vmem>>
    %dma_wait3A_51 = tpu.memref_squeeze %dma_wait3A_50 : memref<1x128xi32, #tpu.memory_space<vmem>> -> memref<128xi32, #tpu.memory_space<vmem>>
    %dma_wait3A_52 = arith.constant 0 : i32
    %dma_wait3A_53 = arith.constant 0 : i32
    %dma_wait3A_54 = tpu.memref_slice %arg13[%dma_wait3A_52, %dma_wait3A_53] : memref<10240x64xf32, #tpu.memory_space<vmem_shared>> -> memref<10240x64xf32, #tpu.memory_space<vmem_shared>>
    tpu.wait_indirect_dma semaphore(%arg21 : memref<!tpu.dma_semaphore, #tpu.memory_space<semaphore_mem>>) src(%arg12 : memref<128x64xf32, #tpu.memory_space<vmem>>) dst(%dma_wait3A_54 : memref<10240x64xf32, #tpu.memory_space<vmem_shared>>)
    %barrier3A_55 = arith.constant 0 : index
    tpu.barrier barrier_id(%barrier3A_55)
    "tpu.region"() ({
      %run_scoped3A = tpu.sem_alloc : memref<!tpu.dma_semaphore, #tpu.memory_space<semaphore_mem>>
      %dma_start3A_56 = arith.constant 0 : i32
      %dma_start3A_57 = tpu.memref_slice %arg6[%arg0, %mul3A_0, %dma_start3A_56] : memref<2x10240x64xf32, #tpu.memory_space<hbm>> -> memref<1x640x64xf32, #tpu.memory_space<hbm>>
      %dma_start3A_58 = tpu.memref_squeeze %dma_start3A_57 : memref<1x640x64xf32, #tpu.memory_space<hbm>> -> memref<640x64xf32, #tpu.memory_space<hbm>>
      %dma_start3A_59 = arith.constant 0 : i32
      %dma_start3A_60 = tpu.memref_slice %arg13[%mul3A_0, %dma_start3A_59] : memref<10240x64xf32, #tpu.memory_space<vmem_shared>> -> memref<640x64xf32, #tpu.memory_space<vmem_shared>>
      tpu.enqueue_dma source(%dma_start3A_60 : memref<640x64xf32, #tpu.memory_space<vmem_shared>>) target(%dma_start3A_58 : memref<640x64xf32, #tpu.memory_space<hbm>>) target_semaphore(%run_scoped3A : memref<!tpu.dma_semaphore, #tpu.memory_space<semaphore_mem>>)
      %dma_wait3A_61 = arith.constant 0 : i32
      %dma_wait3A_62 = tpu.memref_slice %arg6[%arg0, %mul3A_0, %dma_wait3A_61] : memref<2x10240x64xf32, #tpu.memory_space<hbm>> -> memref<1x640x64xf32, #tpu.memory_space<hbm>>
      %dma_wait3A_63 = tpu.memref_squeeze %dma_wait3A_62 : memref<1x640x64xf32, #tpu.memory_space<hbm>> -> memref<640x64xf32, #tpu.memory_space<hbm>>
      %dma_wait3A_64 = arith.constant 0 : i32
      %dma_wait3A_65 = tpu.memref_slice %arg13[%mul3A_0, %dma_wait3A_64] : memref<10240x64xf32, #tpu.memory_space<vmem_shared>> -> memref<640x64xf32, #tpu.memory_space<vmem_shared>>
      tpu.wait_dma2 semaphore(%run_scoped3A : memref<!tpu.dma_semaphore, #tpu.memory_space<semaphore_mem>>) src(%dma_wait3A_65 : memref<640x64xf32, #tpu.memory_space<vmem_shared>>) dst(%dma_wait3A_63 : memref<640x64xf32, #tpu.memory_space<hbm>>)
      tpu.yield
    }) : () -> ()
    return
  }
}

#map = affine_map<(d0, d1) -> (0, 0, 0)>
#map1 = affine_map<(d0, d1) -> (0, 0)>
module attributes {stable_mosaic.version = 14 : i64} {
  func.func @_msgpass_sc(%arg0: i32, %arg1: i32, %arg2: memref<2x10000x64xf32, #tpu.memory_space<hbm>>, %arg3: memref<10240x64xf32, #tpu.memory_space<hbm>>, %arg4: memref<16x160x128xi32, #tpu.memory_space<hbm>>, %arg5: memref<16x160x128xi32, #tpu.memory_space<hbm>>, %arg6: memref<2x10240x64xf32, #tpu.memory_space<hbm>>, %arg7: memref<160x128xi32, #tpu.memory_space<vmem>>, %arg8: memref<160x128xi32, #tpu.memory_space<vmem>>, %arg9: memref<128x64xf32, #tpu.memory_space<vmem>>, %arg10: memref<128x64xf32, #tpu.memory_space<vmem>>, %arg11: memref<128x64xf32, #tpu.memory_space<vmem>>, %arg12: memref<128x64xf32, #tpu.memory_space<vmem>>, %arg13: memref<10240x64xf32, #tpu.memory_space<vmem_shared>>, %arg14: memref<!tpu.dma_semaphore, #tpu.memory_space<semaphore_mem>>, %arg15: memref<!tpu.dma_semaphore, #tpu.memory_space<semaphore_mem>>, %arg16: memref<!tpu.dma_semaphore, #tpu.memory_space<semaphore_mem>>, %arg17: memref<!tpu.dma_semaphore, #tpu.memory_space<semaphore_mem>>, %arg18: memref<!tpu.dma_semaphore, #tpu.memory_space<semaphore_mem>>, %arg19: memref<!tpu.dma_semaphore, #tpu.memory_space<semaphore_mem>>, %arg20: memref<!tpu.dma_semaphore, #tpu.memory_space<semaphore_mem>>, %arg21: memref<!tpu.dma_semaphore, #tpu.memory_space<semaphore_mem>>) attributes {dimension_semantics = [#tpu.dimension_semantics<core_parallel>, #tpu.dimension_semantics<subcore_parallel>], iteration_bounds = array<i64: 2, 16>, scalar_prefetch = 0 : i64, scratch_operands = 15 : i64, tpu.core_type = #tpu.core_type<sc_vector_subcore>, window_params = [{transform_indices = #map}, {transform_indices = #map1}, {transform_indices = #map}, {transform_indices = #map}, {transform_indices = #map}]} {
    %mul3A = arith.constant 640 : i32
    %mul3A_0 = arith.muli %arg1, %mul3A : i32
    "tpu.region"() ({
      %run_scoped3A = tpu.sem_alloc : memref<!tpu.dma_semaphore, #tpu.memory_space<semaphore_mem>>
      %dma_start3A_56 = arith.constant 0 : i32
      %dma_start3A_57 = tpu.memref_slice %arg13[%mul3A_0, %dma_start3A_56] : memref<10240x64xf32, #tpu.memory_space<vmem_shared>> -> memref<640x64xf32, #tpu.memory_space<vmem_shared>>
      %dma_start3A_58 = arith.constant 0 : i32
      %dma_start3A_59 = tpu.memref_slice %arg3[%mul3A_0, %dma_start3A_58] : memref<10240x64xf32, #tpu.memory_space<hbm>> -> memref<640x64xf32, #tpu.memory_space<hbm>>
      tpu.enqueue_dma source(%dma_start3A_59 : memref<640x64xf32, #tpu.memory_space<hbm>>) target(%dma_start3A_57 : memref<640x64xf32, #tpu.memory_space<vmem_shared>>) target_semaphore(%run_scoped3A : memref<!tpu.dma_semaphore, #tpu.memory_space<semaphore_mem>>)
      %dma_wait3A_60 = arith.constant 0 : i32
      %dma_wait3A_61 = tpu.memref_slice %arg13[%mul3A_0, %dma_wait3A_60] : memref<10240x64xf32, #tpu.memory_space<vmem_shared>> -> memref<640x64xf32, #tpu.memory_space<vmem_shared>>
      %dma_wait3A_62 = arith.constant 0 : i32
      %dma_wait3A_63 = tpu.memref_slice %arg3[%mul3A_0, %dma_wait3A_62] : memref<10240x64xf32, #tpu.memory_space<hbm>> -> memref<640x64xf32, #tpu.memory_space<hbm>>
      tpu.wait_dma2 semaphore(%run_scoped3A : memref<!tpu.dma_semaphore, #tpu.memory_space<semaphore_mem>>) src(%dma_wait3A_63 : memref<640x64xf32, #tpu.memory_space<hbm>>) dst(%dma_wait3A_61 : memref<640x64xf32, #tpu.memory_space<vmem_shared>>)
      tpu.yield
    }) : () -> ()
    "tpu.region"() ({
      %run_scoped3A = tpu.sem_alloc : memref<!tpu.dma_semaphore, #tpu.memory_space<semaphore_mem>>
      %dma_start3A_56 = arith.constant 0 : i32
      %dma_start3A_57 = arith.constant 0 : i32
      %dma_start3A_58 = tpu.memref_slice %arg4[%arg1, %dma_start3A_56, %dma_start3A_57] : memref<16x160x128xi32, #tpu.memory_space<hbm>> -> memref<1x160x128xi32, #tpu.memory_space<hbm>>
      %dma_start3A_59 = tpu.memref_squeeze %dma_start3A_58 : memref<1x160x128xi32, #tpu.memory_space<hbm>> -> memref<160x128xi32, #tpu.memory_space<hbm>>
      %dma_start3A_60 = arith.constant 0 : i32
      %dma_start3A_61 = arith.constant 0 : i32
      %dma_start3A_62 = tpu.memref_slice %arg4[%arg1, %dma_start3A_60, %dma_start3A_61] : memref<16x160x128xi32, #tpu.memory_space<hbm>> -> memref<1x160x128xi32, #tpu.memory_space<hbm>>
      %dma_start3A_63 = tpu.memref_squeeze %dma_start3A_62 : memref<1x160x128xi32, #tpu.memory_space<hbm>> -> memref<160x128xi32, #tpu.memory_space<hbm>>
      tpu.enqueue_dma source(%dma_start3A_63 : memref<160x128xi32, #tpu.memory_space<hbm>>) target(%arg7 : memref<160x128xi32, #tpu.memory_space<vmem>>) target_semaphore(%run_scoped3A : memref<!tpu.dma_semaphore, #tpu.memory_space<semaphore_mem>>)
      %dma_wait3A_64 = arith.constant 0 : i32
      %dma_wait3A_65 = arith.constant 0 : i32
      %dma_wait3A_66 = tpu.memref_slice %arg4[%arg1, %dma_wait3A_64, %dma_wait3A_65] : memref<16x160x128xi32, #tpu.memory_space<hbm>> -> memref<1x160x128xi32, #tpu.memory_space<hbm>>
      %dma_wait3A_67 = tpu.memref_squeeze %dma_wait3A_66 : memref<1x160x128xi32, #tpu.memory_space<hbm>> -> memref<160x128xi32, #tpu.memory_space<hbm>>
      %dma_wait3A_68 = arith.constant 0 : i32
      %dma_wait3A_69 = arith.constant 0 : i32
      %dma_wait3A_70 = tpu.memref_slice %arg4[%arg1, %dma_wait3A_68, %dma_wait3A_69] : memref<16x160x128xi32, #tpu.memory_space<hbm>> -> memref<1x160x128xi32, #tpu.memory_space<hbm>>
      %dma_wait3A_71 = tpu.memref_squeeze %dma_wait3A_70 : memref<1x160x128xi32, #tpu.memory_space<hbm>> -> memref<160x128xi32, #tpu.memory_space<hbm>>
      tpu.wait_dma2 semaphore(%run_scoped3A : memref<!tpu.dma_semaphore, #tpu.memory_space<semaphore_mem>>) src(%dma_wait3A_71 : memref<160x128xi32, #tpu.memory_space<hbm>>) dst(%arg7 : memref<160x128xi32, #tpu.memory_space<vmem>>)
      tpu.yield
    }) : () -> ()
    "tpu.region"() ({
      %run_scoped3A = tpu.sem_alloc : memref<!tpu.dma_semaphore, #tpu.memory_space<semaphore_mem>>
      %dma_start3A_56 = arith.constant 0 : i32
      %dma_start3A_57 = arith.constant 0 : i32
      %dma_start3A_58 = tpu.memref_slice %arg5[%arg1, %dma_start3A_56, %dma_start3A_57] : memref<16x160x128xi32, #tpu.memory_space<hbm>> -> memref<1x160x128xi32, #tpu.memory_space<hbm>>
      %dma_start3A_59 = tpu.memref_squeeze %dma_start3A_58 : memref<1x160x128xi32, #tpu.memory_space<hbm>> -> memref<160x128xi32, #tpu.memory_space<hbm>>
      %dma_start3A_60 = arith.constant 0 : i32
      %dma_start3A_61 = arith.constant 0 : i32
      %dma_start3A_62 = tpu.memref_slice %arg5[%arg1, %dma_start3A_60, %dma_start3A_61] : memref<16x160x128xi32, #tpu.memory_space<hbm>> -> memref<1x160x128xi32, #tpu.memory_space<hbm>>
      %dma_start3A_63 = tpu.memref_squeeze %dma_start3A_62 : memref<1x160x128xi32, #tpu.memory_space<hbm>> -> memref<160x128xi32, #tpu.memory_space<hbm>>
      tpu.enqueue_dma source(%dma_start3A_63 : memref<160x128xi32, #tpu.memory_space<hbm>>) target(%arg8 : memref<160x128xi32, #tpu.memory_space<vmem>>) target_semaphore(%run_scoped3A : memref<!tpu.dma_semaphore, #tpu.memory_space<semaphore_mem>>)
      %dma_wait3A_64 = arith.constant 0 : i32
      %dma_wait3A_65 = arith.constant 0 : i32
      %dma_wait3A_66 = tpu.memref_slice %arg5[%arg1, %dma_wait3A_64, %dma_wait3A_65] : memref<16x160x128xi32, #tpu.memory_space<hbm>> -> memref<1x160x128xi32, #tpu.memory_space<hbm>>
      %dma_wait3A_67 = tpu.memref_squeeze %dma_wait3A_66 : memref<1x160x128xi32, #tpu.memory_space<hbm>> -> memref<160x128xi32, #tpu.memory_space<hbm>>
      %dma_wait3A_68 = arith.constant 0 : i32
      %dma_wait3A_69 = arith.constant 0 : i32
      %dma_wait3A_70 = tpu.memref_slice %arg5[%arg1, %dma_wait3A_68, %dma_wait3A_69] : memref<16x160x128xi32, #tpu.memory_space<hbm>> -> memref<1x160x128xi32, #tpu.memory_space<hbm>>
      %dma_wait3A_71 = tpu.memref_squeeze %dma_wait3A_70 : memref<1x160x128xi32, #tpu.memory_space<hbm>> -> memref<160x128xi32, #tpu.memory_space<hbm>>
      tpu.wait_dma2 semaphore(%run_scoped3A : memref<!tpu.dma_semaphore, #tpu.memory_space<semaphore_mem>>) src(%dma_wait3A_71 : memref<160x128xi32, #tpu.memory_space<hbm>>) dst(%arg8 : memref<160x128xi32, #tpu.memory_space<vmem>>)
      tpu.yield
    }) : () -> ()
    %barrier3A = arith.constant 0 : index
    tpu.barrier barrier_id(%barrier3A)
    %dma_start3A = arith.constant 0 : i32
    %dma_start3A_1 = arith.constant 0 : i32
    %dma_start3A_2 = tpu.memref_slice %arg7[%dma_start3A, %dma_start3A_1] : memref<160x128xi32, #tpu.memory_space<vmem>> -> memref<1x128xi32, #tpu.memory_space<vmem>>
    %dma_start3A_3 = tpu.memref_squeeze %dma_start3A_2 : memref<1x128xi32, #tpu.memory_space<vmem>> -> memref<128xi32, #tpu.memory_space<vmem>>
    %dma_start3A_4 = arith.constant 0 : i32
    %dma_start3A_5 = arith.constant 0 : i32
    %dma_start3A_6 = tpu.memref_slice %arg2[%arg0, %dma_start3A_4, %dma_start3A_5] : memref<2x10000x64xf32, #tpu.memory_space<hbm>> -> memref<1x10000x64xf32, #tpu.memory_space<hbm>>
    %dma_start3A_7 = tpu.memref_squeeze %dma_start3A_6 : memref<1x10000x64xf32, #tpu.memory_space<hbm>> -> memref<10000x64xf32, #tpu.memory_space<hbm>>
    %dma_start3A_8 = arith.constant 0 : i32
    %dma_start3A_9 = arith.constant 0 : i32
    %dma_start3A_10 = tpu.memref_slice %dma_start3A_7[%dma_start3A_8, %dma_start3A_9] : memref<10000x64xf32, #tpu.memory_space<hbm>> -> memref<10000x64xf32, #tpu.memory_space<hbm>>
    tpu.enqueue_indirect_dma source(%dma_start3A_10 : memref<10000x64xf32, #tpu.memory_space<hbm>>) target(%arg9 : memref<128x64xf32, #tpu.memory_space<vmem>>) offsets(%dma_start3A_3 : memref<128xi32, #tpu.memory_space<vmem>>) semaphore(%arg14 : memref<!tpu.dma_semaphore, #tpu.memory_space<semaphore_mem>>)
    %dma_start3A_11 = arith.constant 1 : i32
    %dma_start3A_12 = arith.constant 0 : i32
    %dma_start3A_13 = tpu.memref_slice %arg7[%dma_start3A_11, %dma_start3A_12] : memref<160x128xi32, #tpu.memory_space<vmem>> -> memref<1x128xi32, #tpu.memory_space<vmem>>
    %dma_start3A_14 = tpu.memref_squeeze %dma_start3A_13 : memref<1x128xi32, #tpu.memory_space<vmem>> -> memref<128xi32, #tpu.memory_space<vmem>>
    %dma_start3A_15 = arith.constant 0 : i32
    %dma_start3A_16 = arith.constant 0 : i32
    %dma_start3A_17 = tpu.memref_slice %arg2[%arg0, %dma_start3A_15, %dma_start3A_16] : memref<2x10000x64xf32, #tpu.memory_space<hbm>> -> memref<1x10000x64xf32, #tpu.memory_space<hbm>>
    %dma_start3A_18 = tpu.memref_squeeze %dma_start3A_17 : memref<1x10000x64xf32, #tpu.memory_space<hbm>> -> memref<10000x64xf32, #tpu.memory_space<hbm>>
    %dma_start3A_19 = arith.constant 0 : i32
    %dma_start3A_20 = arith.constant 0 : i32
    %dma_start3A_21 = tpu.memref_slice %dma_start3A_18[%dma_start3A_19, %dma_start3A_20] : memref<10000x64xf32, #tpu.memory_space<hbm>> -> memref<10000x64xf32, #tpu.memory_space<hbm>>
    tpu.enqueue_indirect_dma source(%dma_start3A_21 : memref<10000x64xf32, #tpu.memory_space<hbm>>) target(%arg10 : memref<128x64xf32, #tpu.memory_space<vmem>>) offsets(%dma_start3A_14 : memref<128xi32, #tpu.memory_space<vmem>>) semaphore(%arg15 : memref<!tpu.dma_semaphore, #tpu.memory_space<semaphore_mem>>)
    %dma_start3A_22 = arith.constant 2 : i32
    %dma_start3A_23 = arith.constant 0 : i32
    %dma_start3A_24 = tpu.memref_slice %arg7[%dma_start3A_22, %dma_start3A_23] : memref<160x128xi32, #tpu.memory_space<vmem>> -> memref<1x128xi32, #tpu.memory_space<vmem>>
    %dma_start3A_25 = tpu.memref_squeeze %dma_start3A_24 : memref<1x128xi32, #tpu.memory_space<vmem>> -> memref<128xi32, #tpu.memory_space<vmem>>
    %dma_start3A_26 = arith.constant 0 : i32
    %dma_start3A_27 = arith.constant 0 : i32
    %dma_start3A_28 = tpu.memref_slice %arg2[%arg0, %dma_start3A_26, %dma_start3A_27] : memref<2x10000x64xf32, #tpu.memory_space<hbm>> -> memref<1x10000x64xf32, #tpu.memory_space<hbm>>
    %dma_start3A_29 = tpu.memref_squeeze %dma_start3A_28 : memref<1x10000x64xf32, #tpu.memory_space<hbm>> -> memref<10000x64xf32, #tpu.memory_space<hbm>>
    %dma_start3A_30 = arith.constant 0 : i32
    %dma_start3A_31 = arith.constant 0 : i32
    %dma_start3A_32 = tpu.memref_slice %dma_start3A_29[%dma_start3A_30, %dma_start3A_31] : memref<10000x64xf32, #tpu.memory_space<hbm>> -> memref<10000x64xf32, #tpu.memory_space<hbm>>
    tpu.enqueue_indirect_dma source(%dma_start3A_32 : memref<10000x64xf32, #tpu.memory_space<hbm>>) target(%arg11 : memref<128x64xf32, #tpu.memory_space<vmem>>) offsets(%dma_start3A_25 : memref<128xi32, #tpu.memory_space<vmem>>) semaphore(%arg16 : memref<!tpu.dma_semaphore, #tpu.memory_space<semaphore_mem>>)
    %dma_start3A_33 = arith.constant 3 : i32
    %dma_start3A_34 = arith.constant 0 : i32
    %dma_start3A_35 = tpu.memref_slice %arg7[%dma_start3A_33, %dma_start3A_34] : memref<160x128xi32, #tpu.memory_space<vmem>> -> memref<1x128xi32, #tpu.memory_space<vmem>>
    %dma_start3A_36 = tpu.memref_squeeze %dma_start3A_35 : memref<1x128xi32, #tpu.memory_space<vmem>> -> memref<128xi32, #tpu.memory_space<vmem>>
    %dma_start3A_37 = arith.constant 0 : i32
    %dma_start3A_38 = arith.constant 0 : i32
    %dma_start3A_39 = tpu.memref_slice %arg2[%arg0, %dma_start3A_37, %dma_start3A_38] : memref<2x10000x64xf32, #tpu.memory_space<hbm>> -> memref<1x10000x64xf32, #tpu.memory_space<hbm>>
    %dma_start3A_40 = tpu.memref_squeeze %dma_start3A_39 : memref<1x10000x64xf32, #tpu.memory_space<hbm>> -> memref<10000x64xf32, #tpu.memory_space<hbm>>
    %dma_start3A_41 = arith.constant 0 : i32
    %dma_start3A_42 = arith.constant 0 : i32
    %dma_start3A_43 = tpu.memref_slice %dma_start3A_40[%dma_start3A_41, %dma_start3A_42] : memref<10000x64xf32, #tpu.memory_space<hbm>> -> memref<10000x64xf32, #tpu.memory_space<hbm>>
    tpu.enqueue_indirect_dma source(%dma_start3A_43 : memref<10000x64xf32, #tpu.memory_space<hbm>>) target(%arg12 : memref<128x64xf32, #tpu.memory_space<vmem>>) offsets(%dma_start3A_36 : memref<128xi32, #tpu.memory_space<vmem>>) semaphore(%arg17 : memref<!tpu.dma_semaphore, #tpu.memory_space<semaphore_mem>>)
    %scan3A = arith.constant 0 : i32
    %scan3A_44 = arith.constant 0 : i32
    %scan3A_45 = arith.constant 40 : i32
    %scan3A_46 = arith.addi %scan3A_44, %scan3A_45 : i32
    %scan3A_47 = arith.constant 1 : i32
    scf.for %scan3A_56 = %scan3A_44 to %scan3A_46 step %scan3A_47  : i32 {
      %mul3A_57 = arith.constant 4 : i32
      %mul3A_58 = arith.muli %scan3A_56, %mul3A_57 : i32
      %add3A = arith.constant 0 : i32
      %add3A_59 = arith.addi %mul3A_58, %add3A : i32
      %dma_wait3A_60 = arith.constant 0 : i32
      %dma_wait3A_61 = tpu.memref_slice %arg7[%add3A_59, %dma_wait3A_60] : memref<160x128xi32, #tpu.memory_space<vmem>> -> memref<1x128xi32, #tpu.memory_space<vmem>>
      %dma_wait3A_62 = tpu.memref_squeeze %dma_wait3A_61 : memref<1x128xi32, #tpu.memory_space<vmem>> -> memref<128xi32, #tpu.memory_space<vmem>>
      %dma_wait3A_63 = arith.constant 0 : i32
      %dma_wait3A_64 = arith.constant 0 : i32
      %dma_wait3A_65 = tpu.memref_slice %arg2[%arg0, %dma_wait3A_63, %dma_wait3A_64] : memref<2x10000x64xf32, #tpu.memory_space<hbm>> -> memref<1x10000x64xf32, #tpu.memory_space<hbm>>
      %dma_wait3A_66 = tpu.memref_squeeze %dma_wait3A_65 : memref<1x10000x64xf32, #tpu.memory_space<hbm>> -> memref<10000x64xf32, #tpu.memory_space<hbm>>
      %dma_wait3A_67 = arith.constant 0 : i32
      %dma_wait3A_68 = arith.constant 0 : i32
      %dma_wait3A_69 = tpu.memref_slice %dma_wait3A_66[%dma_wait3A_67, %dma_wait3A_68] : memref<10000x64xf32, #tpu.memory_space<hbm>> -> memref<10000x64xf32, #tpu.memory_space<hbm>>
      tpu.wait_indirect_dma semaphore(%arg14 : memref<!tpu.dma_semaphore, #tpu.memory_space<semaphore_mem>>) src(%dma_wait3A_69 : memref<10000x64xf32, #tpu.memory_space<hbm>>) dst(%arg9 : memref<128x64xf32, #tpu.memory_space<vmem>>)
      %dma_start3A_70 = arith.constant 0 : i32
      %dma_start3A_71 = tpu.memref_slice %arg8[%add3A_59, %dma_start3A_70] : memref<160x128xi32, #tpu.memory_space<vmem>> -> memref<1x128xi32, #tpu.memory_space<vmem>>
      %dma_start3A_72 = tpu.memref_squeeze %dma_start3A_71 : memref<1x128xi32, #tpu.memory_space<vmem>> -> memref<128xi32, #tpu.memory_space<vmem>>
      %dma_start3A_73 = arith.constant 0 : i32
      %dma_start3A_74 = arith.constant 0 : i32
      %dma_start3A_75 = tpu.memref_slice %arg13[%dma_start3A_73, %dma_start3A_74] : memref<10240x64xf32, #tpu.memory_space<vmem_shared>> -> memref<10240x64xf32, #tpu.memory_space<vmem_shared>>
      tpu.enqueue_indirect_dma source(%arg9 : memref<128x64xf32, #tpu.memory_space<vmem>>) target(%dma_start3A_75 : memref<10240x64xf32, #tpu.memory_space<vmem_shared>>) offsets(%dma_start3A_72 : memref<128xi32, #tpu.memory_space<vmem>>) semaphore(%arg18 : memref<!tpu.dma_semaphore, #tpu.memory_space<semaphore_mem>>) {add = true}
      %ge3A = arith.constant 1 : i32
      %ge3A_76 = arith.cmpi sge, %add3A_59, %ge3A : i32
      %convert_element_type3A = arith.extui %ge3A_76 : i1 to i32
      %cond3A = arith.constant 0 : i32
      %cond3A_77 = arith.cmpi ne, %convert_element_type3A, %cond3A : i32
      scf.if %cond3A_77 {
        %sub3A_198 = arith.constant 1 : i32
        %sub3A_199 = arith.subi %add3A_59, %sub3A_198 : i32
        %dma_wait3A_200 = arith.constant 0 : i32
        %dma_wait3A_201 = tpu.memref_slice %arg8[%sub3A_199, %dma_wait3A_200] : memref<160x128xi32, #tpu.memory_space<vmem>> -> memref<1x128xi32, #tpu.memory_space<vmem>>
        %dma_wait3A_202 = tpu.memref_squeeze %dma_wait3A_201 : memref<1x128xi32, #tpu.memory_space<vmem>> -> memref<128xi32, #tpu.memory_space<vmem>>
        %dma_wait3A_203 = arith.constant 0 : i32
        %dma_wait3A_204 = arith.constant 0 : i32
        %dma_wait3A_205 = tpu.memref_slice %arg13[%dma_wait3A_203, %dma_wait3A_204] : memref<10240x64xf32, #tpu.memory_space<vmem_shared>> -> memref<10240x64xf32, #tpu.memory_space<vmem_shared>>
        tpu.wait_indirect_dma semaphore(%arg21 : memref<!tpu.dma_semaphore, #tpu.memory_space<semaphore_mem>>) src(%arg12 : memref<128x64xf32, #tpu.memory_space<vmem>>) dst(%dma_wait3A_205 : memref<10240x64xf32, #tpu.memory_space<vmem_shared>>)
      } else {
      }
      %ge3A_78 = arith.constant 1 : i32
      %ge3A_79 = arith.cmpi sge, %add3A_59, %ge3A_78 : i32
      %add3A_80 = arith.constant 4 : i32
      %add3A_81 = arith.addi %add3A_59, %add3A_80 : i32
      %sub3A = arith.constant 1 : i32
      %sub3A_82 = arith.subi %add3A_81, %sub3A : i32
      %lt3A = arith.constant 160 : i32
      %lt3A_83 = arith.cmpi slt, %sub3A_82, %lt3A : i32
      %and3A = arith.andi %ge3A_79, %lt3A_83 : i1
      %convert_element_type3A_84 = arith.extui %and3A : i1 to i32
      %cond3A_85 = arith.constant 0 : i32
      %cond3A_86 = arith.cmpi ne, %convert_element_type3A_84, %cond3A_85 : i32
      scf.if %cond3A_86 {
        %add3A_198 = arith.constant 4 : i32
        %add3A_199 = arith.addi %add3A_59, %add3A_198 : i32
        %sub3A_200 = arith.constant 1 : i32
        %sub3A_201 = arith.subi %add3A_199, %sub3A_200 : i32
        %dma_start3A_202 = arith.constant 0 : i32
        %dma_start3A_203 = tpu.memref_slice %arg7[%sub3A_201, %dma_start3A_202] : memref<160x128xi32, #tpu.memory_space<vmem>> -> memref<1x128xi32, #tpu.memory_space<vmem>>
        %dma_start3A_204 = tpu.memref_squeeze %dma_start3A_203 : memref<1x128xi32, #tpu.memory_space<vmem>> -> memref<128xi32, #tpu.memory_space<vmem>>
        %dma_start3A_205 = arith.constant 0 : i32
        %dma_start3A_206 = arith.constant 0 : i32
        %dma_start3A_207 = tpu.memref_slice %arg2[%arg0, %dma_start3A_205, %dma_start3A_206] : memref<2x10000x64xf32, #tpu.memory_space<hbm>> -> memref<1x10000x64xf32, #tpu.memory_space<hbm>>
        %dma_start3A_208 = tpu.memref_squeeze %dma_start3A_207 : memref<1x10000x64xf32, #tpu.memory_space<hbm>> -> memref<10000x64xf32, #tpu.memory_space<hbm>>
        %dma_start3A_209 = arith.constant 0 : i32
        %dma_start3A_210 = arith.constant 0 : i32
        %dma_start3A_211 = tpu.memref_slice %dma_start3A_208[%dma_start3A_209, %dma_start3A_210] : memref<10000x64xf32, #tpu.memory_space<hbm>> -> memref<10000x64xf32, #tpu.memory_space<hbm>>
        tpu.enqueue_indirect_dma source(%dma_start3A_211 : memref<10000x64xf32, #tpu.memory_space<hbm>>) target(%arg12 : memref<128x64xf32, #tpu.memory_space<vmem>>) offsets(%dma_start3A_204 : memref<128xi32, #tpu.memory_space<vmem>>) semaphore(%arg17 : memref<!tpu.dma_semaphore, #tpu.memory_space<semaphore_mem>>)
      } else {
      }
      %mul3A_87 = arith.constant 4 : i32
      %mul3A_88 = arith.muli %scan3A_56, %mul3A_87 : i32
      %add3A_89 = arith.constant 1 : i32
      %add3A_90 = arith.addi %mul3A_88, %add3A_89 : i32
      %dma_wait3A_91 = arith.constant 0 : i32
      %dma_wait3A_92 = tpu.memref_slice %arg7[%add3A_90, %dma_wait3A_91] : memref<160x128xi32, #tpu.memory_space<vmem>> -> memref<1x128xi32, #tpu.memory_space<vmem>>
      %dma_wait3A_93 = tpu.memref_squeeze %dma_wait3A_92 : memref<1x128xi32, #tpu.memory_space<vmem>> -> memref<128xi32, #tpu.memory_space<vmem>>
      %dma_wait3A_94 = arith.constant 0 : i32
      %dma_wait3A_95 = arith.constant 0 : i32
      %dma_wait3A_96 = tpu.memref_slice %arg2[%arg0, %dma_wait3A_94, %dma_wait3A_95] : memref<2x10000x64xf32, #tpu.memory_space<hbm>> -> memref<1x10000x64xf32, #tpu.memory_space<hbm>>
      %dma_wait3A_97 = tpu.memref_squeeze %dma_wait3A_96 : memref<1x10000x64xf32, #tpu.memory_space<hbm>> -> memref<10000x64xf32, #tpu.memory_space<hbm>>
      %dma_wait3A_98 = arith.constant 0 : i32
      %dma_wait3A_99 = arith.constant 0 : i32
      %dma_wait3A_100 = tpu.memref_slice %dma_wait3A_97[%dma_wait3A_98, %dma_wait3A_99] : memref<10000x64xf32, #tpu.memory_space<hbm>> -> memref<10000x64xf32, #tpu.memory_space<hbm>>
      tpu.wait_indirect_dma semaphore(%arg15 : memref<!tpu.dma_semaphore, #tpu.memory_space<semaphore_mem>>) src(%dma_wait3A_100 : memref<10000x64xf32, #tpu.memory_space<hbm>>) dst(%arg10 : memref<128x64xf32, #tpu.memory_space<vmem>>)
      %dma_start3A_101 = arith.constant 0 : i32
      %dma_start3A_102 = tpu.memref_slice %arg8[%add3A_90, %dma_start3A_101] : memref<160x128xi32, #tpu.memory_space<vmem>> -> memref<1x128xi32, #tpu.memory_space<vmem>>
      %dma_start3A_103 = tpu.memref_squeeze %dma_start3A_102 : memref<1x128xi32, #tpu.memory_space<vmem>> -> memref<128xi32, #tpu.memory_space<vmem>>
      %dma_start3A_104 = arith.constant 0 : i32
      %dma_start3A_105 = arith.constant 0 : i32
      %dma_start3A_106 = tpu.memref_slice %arg13[%dma_start3A_104, %dma_start3A_105] : memref<10240x64xf32, #tpu.memory_space<vmem_shared>> -> memref<10240x64xf32, #tpu.memory_space<vmem_shared>>
      tpu.enqueue_indirect_dma source(%arg10 : memref<128x64xf32, #tpu.memory_space<vmem>>) target(%dma_start3A_106 : memref<10240x64xf32, #tpu.memory_space<vmem_shared>>) offsets(%dma_start3A_103 : memref<128xi32, #tpu.memory_space<vmem>>) semaphore(%arg19 : memref<!tpu.dma_semaphore, #tpu.memory_space<semaphore_mem>>) {add = true}
      %ge3A_107 = arith.constant 1 : i32
      %ge3A_108 = arith.cmpi sge, %add3A_90, %ge3A_107 : i32
      %convert_element_type3A_109 = arith.extui %ge3A_108 : i1 to i32
      %cond3A_110 = arith.constant 0 : i32
      %cond3A_111 = arith.cmpi ne, %convert_element_type3A_109, %cond3A_110 : i32
      scf.if %cond3A_111 {
        %sub3A_198 = arith.constant 1 : i32
        %sub3A_199 = arith.subi %add3A_90, %sub3A_198 : i32
        %dma_wait3A_200 = arith.constant 0 : i32
        %dma_wait3A_201 = tpu.memref_slice %arg8[%sub3A_199, %dma_wait3A_200] : memref<160x128xi32, #tpu.memory_space<vmem>> -> memref<1x128xi32, #tpu.memory_space<vmem>>
        %dma_wait3A_202 = tpu.memref_squeeze %dma_wait3A_201 : memref<1x128xi32, #tpu.memory_space<vmem>> -> memref<128xi32, #tpu.memory_space<vmem>>
        %dma_wait3A_203 = arith.constant 0 : i32
        %dma_wait3A_204 = arith.constant 0 : i32
        %dma_wait3A_205 = tpu.memref_slice %arg13[%dma_wait3A_203, %dma_wait3A_204] : memref<10240x64xf32, #tpu.memory_space<vmem_shared>> -> memref<10240x64xf32, #tpu.memory_space<vmem_shared>>
        tpu.wait_indirect_dma semaphore(%arg18 : memref<!tpu.dma_semaphore, #tpu.memory_space<semaphore_mem>>) src(%arg9 : memref<128x64xf32, #tpu.memory_space<vmem>>) dst(%dma_wait3A_205 : memref<10240x64xf32, #tpu.memory_space<vmem_shared>>)
      } else {
      }
      %ge3A_112 = arith.constant 1 : i32
      %ge3A_113 = arith.cmpi sge, %add3A_90, %ge3A_112 : i32
      %add3A_114 = arith.constant 4 : i32
      %add3A_115 = arith.addi %add3A_90, %add3A_114 : i32
      %sub3A_116 = arith.constant 1 : i32
      %sub3A_117 = arith.subi %add3A_115, %sub3A_116 : i32
      %lt3A_118 = arith.constant 160 : i32
      %lt3A_119 = arith.cmpi slt, %sub3A_117, %lt3A_118 : i32
      %and3A_120 = arith.andi %ge3A_113, %lt3A_119 : i1
      %convert_element_type3A_121 = arith.extui %and3A_120 : i1 to i32
      %cond3A_122 = arith.constant 0 : i32
      %cond3A_123 = arith.cmpi ne, %convert_element_type3A_121, %cond3A_122 : i32
      scf.if %cond3A_123 {
        %add3A_198 = arith.constant 4 : i32
        %add3A_199 = arith.addi %add3A_90, %add3A_198 : i32
        %sub3A_200 = arith.constant 1 : i32
        %sub3A_201 = arith.subi %add3A_199, %sub3A_200 : i32
        %dma_start3A_202 = arith.constant 0 : i32
        %dma_start3A_203 = tpu.memref_slice %arg7[%sub3A_201, %dma_start3A_202] : memref<160x128xi32, #tpu.memory_space<vmem>> -> memref<1x128xi32, #tpu.memory_space<vmem>>
        %dma_start3A_204 = tpu.memref_squeeze %dma_start3A_203 : memref<1x128xi32, #tpu.memory_space<vmem>> -> memref<128xi32, #tpu.memory_space<vmem>>
        %dma_start3A_205 = arith.constant 0 : i32
        %dma_start3A_206 = arith.constant 0 : i32
        %dma_start3A_207 = tpu.memref_slice %arg2[%arg0, %dma_start3A_205, %dma_start3A_206] : memref<2x10000x64xf32, #tpu.memory_space<hbm>> -> memref<1x10000x64xf32, #tpu.memory_space<hbm>>
        %dma_start3A_208 = tpu.memref_squeeze %dma_start3A_207 : memref<1x10000x64xf32, #tpu.memory_space<hbm>> -> memref<10000x64xf32, #tpu.memory_space<hbm>>
        %dma_start3A_209 = arith.constant 0 : i32
        %dma_start3A_210 = arith.constant 0 : i32
        %dma_start3A_211 = tpu.memref_slice %dma_start3A_208[%dma_start3A_209, %dma_start3A_210] : memref<10000x64xf32, #tpu.memory_space<hbm>> -> memref<10000x64xf32, #tpu.memory_space<hbm>>
        tpu.enqueue_indirect_dma source(%dma_start3A_211 : memref<10000x64xf32, #tpu.memory_space<hbm>>) target(%arg9 : memref<128x64xf32, #tpu.memory_space<vmem>>) offsets(%dma_start3A_204 : memref<128xi32, #tpu.memory_space<vmem>>) semaphore(%arg14 : memref<!tpu.dma_semaphore, #tpu.memory_space<semaphore_mem>>)
      } else {
      }
      %mul3A_124 = arith.constant 4 : i32
      %mul3A_125 = arith.muli %scan3A_56, %mul3A_124 : i32
      %add3A_126 = arith.constant 2 : i32
      %add3A_127 = arith.addi %mul3A_125, %add3A_126 : i32
      %dma_wait3A_128 = arith.constant 0 : i32
      %dma_wait3A_129 = tpu.memref_slice %arg7[%add3A_127, %dma_wait3A_128] : memref<160x128xi32, #tpu.memory_space<vmem>> -> memref<1x128xi32, #tpu.memory_space<vmem>>
      %dma_wait3A_130 = tpu.memref_squeeze %dma_wait3A_129 : memref<1x128xi32, #tpu.memory_space<vmem>> -> memref<128xi32, #tpu.memory_space<vmem>>
      %dma_wait3A_131 = arith.constant 0 : i32
      %dma_wait3A_132 = arith.constant 0 : i32
      %dma_wait3A_133 = tpu.memref_slice %arg2[%arg0, %dma_wait3A_131, %dma_wait3A_132] : memref<2x10000x64xf32, #tpu.memory_space<hbm>> -> memref<1x10000x64xf32, #tpu.memory_space<hbm>>
      %dma_wait3A_134 = tpu.memref_squeeze %dma_wait3A_133 : memref<1x10000x64xf32, #tpu.memory_space<hbm>> -> memref<10000x64xf32, #tpu.memory_space<hbm>>
      %dma_wait3A_135 = arith.constant 0 : i32
      %dma_wait3A_136 = arith.constant 0 : i32
      %dma_wait3A_137 = tpu.memref_slice %dma_wait3A_134[%dma_wait3A_135, %dma_wait3A_136] : memref<10000x64xf32, #tpu.memory_space<hbm>> -> memref<10000x64xf32, #tpu.memory_space<hbm>>
      tpu.wait_indirect_dma semaphore(%arg16 : memref<!tpu.dma_semaphore, #tpu.memory_space<semaphore_mem>>) src(%dma_wait3A_137 : memref<10000x64xf32, #tpu.memory_space<hbm>>) dst(%arg11 : memref<128x64xf32, #tpu.memory_space<vmem>>)
      %dma_start3A_138 = arith.constant 0 : i32
      %dma_start3A_139 = tpu.memref_slice %arg8[%add3A_127, %dma_start3A_138] : memref<160x128xi32, #tpu.memory_space<vmem>> -> memref<1x128xi32, #tpu.memory_space<vmem>>
      %dma_start3A_140 = tpu.memref_squeeze %dma_start3A_139 : memref<1x128xi32, #tpu.memory_space<vmem>> -> memref<128xi32, #tpu.memory_space<vmem>>
      %dma_start3A_141 = arith.constant 0 : i32
      %dma_start3A_142 = arith.constant 0 : i32
      %dma_start3A_143 = tpu.memref_slice %arg13[%dma_start3A_141, %dma_start3A_142] : memref<10240x64xf32, #tpu.memory_space<vmem_shared>> -> memref<10240x64xf32, #tpu.memory_space<vmem_shared>>
      tpu.enqueue_indirect_dma source(%arg11 : memref<128x64xf32, #tpu.memory_space<vmem>>) target(%dma_start3A_143 : memref<10240x64xf32, #tpu.memory_space<vmem_shared>>) offsets(%dma_start3A_140 : memref<128xi32, #tpu.memory_space<vmem>>) semaphore(%arg20 : memref<!tpu.dma_semaphore, #tpu.memory_space<semaphore_mem>>) {add = true}
      %ge3A_144 = arith.constant 1 : i32
      %ge3A_145 = arith.cmpi sge, %add3A_127, %ge3A_144 : i32
      %convert_element_type3A_146 = arith.extui %ge3A_145 : i1 to i32
      %cond3A_147 = arith.constant 0 : i32
      %cond3A_148 = arith.cmpi ne, %convert_element_type3A_146, %cond3A_147 : i32
      scf.if %cond3A_148 {
        %sub3A_198 = arith.constant 1 : i32
        %sub3A_199 = arith.subi %add3A_127, %sub3A_198 : i32
        %dma_wait3A_200 = arith.constant 0 : i32
        %dma_wait3A_201 = tpu.memref_slice %arg8[%sub3A_199, %dma_wait3A_200] : memref<160x128xi32, #tpu.memory_space<vmem>> -> memref<1x128xi32, #tpu.memory_space<vmem>>
        %dma_wait3A_202 = tpu.memref_squeeze %dma_wait3A_201 : memref<1x128xi32, #tpu.memory_space<vmem>> -> memref<128xi32, #tpu.memory_space<vmem>>
        %dma_wait3A_203 = arith.constant 0 : i32
        %dma_wait3A_204 = arith.constant 0 : i32
        %dma_wait3A_205 = tpu.memref_slice %arg13[%dma_wait3A_203, %dma_wait3A_204] : memref<10240x64xf32, #tpu.memory_space<vmem_shared>> -> memref<10240x64xf32, #tpu.memory_space<vmem_shared>>
        tpu.wait_indirect_dma semaphore(%arg19 : memref<!tpu.dma_semaphore, #tpu.memory_space<semaphore_mem>>) src(%arg10 : memref<128x64xf32, #tpu.memory_space<vmem>>) dst(%dma_wait3A_205 : memref<10240x64xf32, #tpu.memory_space<vmem_shared>>)
      } else {
      }
      %ge3A_149 = arith.constant 1 : i32
      %ge3A_150 = arith.cmpi sge, %add3A_127, %ge3A_149 : i32
      %add3A_151 = arith.constant 4 : i32
      %add3A_152 = arith.addi %add3A_127, %add3A_151 : i32
      %sub3A_153 = arith.constant 1 : i32
      %sub3A_154 = arith.subi %add3A_152, %sub3A_153 : i32
      %lt3A_155 = arith.constant 160 : i32
      %lt3A_156 = arith.cmpi slt, %sub3A_154, %lt3A_155 : i32
      %and3A_157 = arith.andi %ge3A_150, %lt3A_156 : i1
      %convert_element_type3A_158 = arith.extui %and3A_157 : i1 to i32
      %cond3A_159 = arith.constant 0 : i32
      %cond3A_160 = arith.cmpi ne, %convert_element_type3A_158, %cond3A_159 : i32
      scf.if %cond3A_160 {
        %add3A_198 = arith.constant 4 : i32
        %add3A_199 = arith.addi %add3A_127, %add3A_198 : i32
        %sub3A_200 = arith.constant 1 : i32
        %sub3A_201 = arith.subi %add3A_199, %sub3A_200 : i32
        %dma_start3A_202 = arith.constant 0 : i32
        %dma_start3A_203 = tpu.memref_slice %arg7[%sub3A_201, %dma_start3A_202] : memref<160x128xi32, #tpu.memory_space<vmem>> -> memref<1x128xi32, #tpu.memory_space<vmem>>
        %dma_start3A_204 = tpu.memref_squeeze %dma_start3A_203 : memref<1x128xi32, #tpu.memory_space<vmem>> -> memref<128xi32, #tpu.memory_space<vmem>>
        %dma_start3A_205 = arith.constant 0 : i32
        %dma_start3A_206 = arith.constant 0 : i32
        %dma_start3A_207 = tpu.memref_slice %arg2[%arg0, %dma_start3A_205, %dma_start3A_206] : memref<2x10000x64xf32, #tpu.memory_space<hbm>> -> memref<1x10000x64xf32, #tpu.memory_space<hbm>>
        %dma_start3A_208 = tpu.memref_squeeze %dma_start3A_207 : memref<1x10000x64xf32, #tpu.memory_space<hbm>> -> memref<10000x64xf32, #tpu.memory_space<hbm>>
        %dma_start3A_209 = arith.constant 0 : i32
        %dma_start3A_210 = arith.constant 0 : i32
        %dma_start3A_211 = tpu.memref_slice %dma_start3A_208[%dma_start3A_209, %dma_start3A_210] : memref<10000x64xf32, #tpu.memory_space<hbm>> -> memref<10000x64xf32, #tpu.memory_space<hbm>>
        tpu.enqueue_indirect_dma source(%dma_start3A_211 : memref<10000x64xf32, #tpu.memory_space<hbm>>) target(%arg10 : memref<128x64xf32, #tpu.memory_space<vmem>>) offsets(%dma_start3A_204 : memref<128xi32, #tpu.memory_space<vmem>>) semaphore(%arg15 : memref<!tpu.dma_semaphore, #tpu.memory_space<semaphore_mem>>)
      } else {
      }
      %mul3A_161 = arith.constant 4 : i32
      %mul3A_162 = arith.muli %scan3A_56, %mul3A_161 : i32
      %add3A_163 = arith.constant 3 : i32
      %add3A_164 = arith.addi %mul3A_162, %add3A_163 : i32
      %dma_wait3A_165 = arith.constant 0 : i32
      %dma_wait3A_166 = tpu.memref_slice %arg7[%add3A_164, %dma_wait3A_165] : memref<160x128xi32, #tpu.memory_space<vmem>> -> memref<1x128xi32, #tpu.memory_space<vmem>>
      %dma_wait3A_167 = tpu.memref_squeeze %dma_wait3A_166 : memref<1x128xi32, #tpu.memory_space<vmem>> -> memref<128xi32, #tpu.memory_space<vmem>>
      %dma_wait3A_168 = arith.constant 0 : i32
      %dma_wait3A_169 = arith.constant 0 : i32
      %dma_wait3A_170 = tpu.memref_slice %arg2[%arg0, %dma_wait3A_168, %dma_wait3A_169] : memref<2x10000x64xf32, #tpu.memory_space<hbm>> -> memref<1x10000x64xf32, #tpu.memory_space<hbm>>
      %dma_wait3A_171 = tpu.memref_squeeze %dma_wait3A_170 : memref<1x10000x64xf32, #tpu.memory_space<hbm>> -> memref<10000x64xf32, #tpu.memory_space<hbm>>
      %dma_wait3A_172 = arith.constant 0 : i32
      %dma_wait3A_173 = arith.constant 0 : i32
      %dma_wait3A_174 = tpu.memref_slice %dma_wait3A_171[%dma_wait3A_172, %dma_wait3A_173] : memref<10000x64xf32, #tpu.memory_space<hbm>> -> memref<10000x64xf32, #tpu.memory_space<hbm>>
      tpu.wait_indirect_dma semaphore(%arg17 : memref<!tpu.dma_semaphore, #tpu.memory_space<semaphore_mem>>) src(%dma_wait3A_174 : memref<10000x64xf32, #tpu.memory_space<hbm>>) dst(%arg12 : memref<128x64xf32, #tpu.memory_space<vmem>>)
      %dma_start3A_175 = arith.constant 0 : i32
      %dma_start3A_176 = tpu.memref_slice %arg8[%add3A_164, %dma_start3A_175] : memref<160x128xi32, #tpu.memory_space<vmem>> -> memref<1x128xi32, #tpu.memory_space<vmem>>
      %dma_start3A_177 = tpu.memref_squeeze %dma_start3A_176 : memref<1x128xi32, #tpu.memory_space<vmem>> -> memref<128xi32, #tpu.memory_space<vmem>>
      %dma_start3A_178 = arith.constant 0 : i32
      %dma_start3A_179 = arith.constant 0 : i32
      %dma_start3A_180 = tpu.memref_slice %arg13[%dma_start3A_178, %dma_start3A_179] : memref<10240x64xf32, #tpu.memory_space<vmem_shared>> -> memref<10240x64xf32, #tpu.memory_space<vmem_shared>>
      tpu.enqueue_indirect_dma source(%arg12 : memref<128x64xf32, #tpu.memory_space<vmem>>) target(%dma_start3A_180 : memref<10240x64xf32, #tpu.memory_space<vmem_shared>>) offsets(%dma_start3A_177 : memref<128xi32, #tpu.memory_space<vmem>>) semaphore(%arg21 : memref<!tpu.dma_semaphore, #tpu.memory_space<semaphore_mem>>) {add = true}
      %ge3A_181 = arith.constant 1 : i32
      %ge3A_182 = arith.cmpi sge, %add3A_164, %ge3A_181 : i32
      %convert_element_type3A_183 = arith.extui %ge3A_182 : i1 to i32
      %cond3A_184 = arith.constant 0 : i32
      %cond3A_185 = arith.cmpi ne, %convert_element_type3A_183, %cond3A_184 : i32
      scf.if %cond3A_185 {
        %sub3A_198 = arith.constant 1 : i32
        %sub3A_199 = arith.subi %add3A_164, %sub3A_198 : i32
        %dma_wait3A_200 = arith.constant 0 : i32
        %dma_wait3A_201 = tpu.memref_slice %arg8[%sub3A_199, %dma_wait3A_200] : memref<160x128xi32, #tpu.memory_space<vmem>> -> memref<1x128xi32, #tpu.memory_space<vmem>>
        %dma_wait3A_202 = tpu.memref_squeeze %dma_wait3A_201 : memref<1x128xi32, #tpu.memory_space<vmem>> -> memref<128xi32, #tpu.memory_space<vmem>>
        %dma_wait3A_203 = arith.constant 0 : i32
        %dma_wait3A_204 = arith.constant 0 : i32
        %dma_wait3A_205 = tpu.memref_slice %arg13[%dma_wait3A_203, %dma_wait3A_204] : memref<10240x64xf32, #tpu.memory_space<vmem_shared>> -> memref<10240x64xf32, #tpu.memory_space<vmem_shared>>
        tpu.wait_indirect_dma semaphore(%arg20 : memref<!tpu.dma_semaphore, #tpu.memory_space<semaphore_mem>>) src(%arg11 : memref<128x64xf32, #tpu.memory_space<vmem>>) dst(%dma_wait3A_205 : memref<10240x64xf32, #tpu.memory_space<vmem_shared>>)
      } else {
      }
      %ge3A_186 = arith.constant 1 : i32
      %ge3A_187 = arith.cmpi sge, %add3A_164, %ge3A_186 : i32
      %add3A_188 = arith.constant 4 : i32
      %add3A_189 = arith.addi %add3A_164, %add3A_188 : i32
      %sub3A_190 = arith.constant 1 : i32
      %sub3A_191 = arith.subi %add3A_189, %sub3A_190 : i32
      %lt3A_192 = arith.constant 160 : i32
      %lt3A_193 = arith.cmpi slt, %sub3A_191, %lt3A_192 : i32
      %and3A_194 = arith.andi %ge3A_187, %lt3A_193 : i1
      %convert_element_type3A_195 = arith.extui %and3A_194 : i1 to i32
      %cond3A_196 = arith.constant 0 : i32
      %cond3A_197 = arith.cmpi ne, %convert_element_type3A_195, %cond3A_196 : i32
      scf.if %cond3A_197 {
        %add3A_198 = arith.constant 4 : i32
        %add3A_199 = arith.addi %add3A_164, %add3A_198 : i32
        %sub3A_200 = arith.constant 1 : i32
        %sub3A_201 = arith.subi %add3A_199, %sub3A_200 : i32
        %dma_start3A_202 = arith.constant 0 : i32
        %dma_start3A_203 = tpu.memref_slice %arg7[%sub3A_201, %dma_start3A_202] : memref<160x128xi32, #tpu.memory_space<vmem>> -> memref<1x128xi32, #tpu.memory_space<vmem>>
        %dma_start3A_204 = tpu.memref_squeeze %dma_start3A_203 : memref<1x128xi32, #tpu.memory_space<vmem>> -> memref<128xi32, #tpu.memory_space<vmem>>
        %dma_start3A_205 = arith.constant 0 : i32
        %dma_start3A_206 = arith.constant 0 : i32
        %dma_start3A_207 = tpu.memref_slice %arg2[%arg0, %dma_start3A_205, %dma_start3A_206] : memref<2x10000x64xf32, #tpu.memory_space<hbm>> -> memref<1x10000x64xf32, #tpu.memory_space<hbm>>
        %dma_start3A_208 = tpu.memref_squeeze %dma_start3A_207 : memref<1x10000x64xf32, #tpu.memory_space<hbm>> -> memref<10000x64xf32, #tpu.memory_space<hbm>>
        %dma_start3A_209 = arith.constant 0 : i32
        %dma_start3A_210 = arith.constant 0 : i32
        %dma_start3A_211 = tpu.memref_slice %dma_start3A_208[%dma_start3A_209, %dma_start3A_210] : memref<10000x64xf32, #tpu.memory_space<hbm>> -> memref<10000x64xf32, #tpu.memory_space<hbm>>
        tpu.enqueue_indirect_dma source(%dma_start3A_211 : memref<10000x64xf32, #tpu.memory_space<hbm>>) target(%arg11 : memref<128x64xf32, #tpu.memory_space<vmem>>) offsets(%dma_start3A_204 : memref<128xi32, #tpu.memory_space<vmem>>) semaphore(%arg16 : memref<!tpu.dma_semaphore, #tpu.memory_space<semaphore_mem>>)
      } else {
      }
    }
    %scan3A_48 = arith.constant 40 : i32
    %dma_wait3A = arith.constant 159 : i32
    %dma_wait3A_49 = arith.constant 0 : i32
    %dma_wait3A_50 = tpu.memref_slice %arg8[%dma_wait3A, %dma_wait3A_49] : memref<160x128xi32, #tpu.memory_space<vmem>> -> memref<1x128xi32, #tpu.memory_space<vmem>>
    %dma_wait3A_51 = tpu.memref_squeeze %dma_wait3A_50 : memref<1x128xi32, #tpu.memory_space<vmem>> -> memref<128xi32, #tpu.memory_space<vmem>>
    %dma_wait3A_52 = arith.constant 0 : i32
    %dma_wait3A_53 = arith.constant 0 : i32
    %dma_wait3A_54 = tpu.memref_slice %arg13[%dma_wait3A_52, %dma_wait3A_53] : memref<10240x64xf32, #tpu.memory_space<vmem_shared>> -> memref<10240x64xf32, #tpu.memory_space<vmem_shared>>
    tpu.wait_indirect_dma semaphore(%arg21 : memref<!tpu.dma_semaphore, #tpu.memory_space<semaphore_mem>>) src(%arg12 : memref<128x64xf32, #tpu.memory_space<vmem>>) dst(%dma_wait3A_54 : memref<10240x64xf32, #tpu.memory_space<vmem_shared>>)
    %barrier3A_55 = arith.constant 0 : index
    tpu.barrier barrier_id(%barrier3A_55)
    "tpu.region"() ({
      %run_scoped3A = tpu.sem_alloc : memref<!tpu.dma_semaphore, #tpu.memory_space<semaphore_mem>>
      %dma_start3A_56 = arith.constant 0 : i32
      %dma_start3A_57 = tpu.memref_slice %arg6[%arg0, %mul3A_0, %dma_start3A_56] : memref<2x10240x64xf32, #tpu.memory_space<hbm>> -> memref<1x640x64xf32, #tpu.memory_space<hbm>>
      %dma_start3A_58 = tpu.memref_squeeze %dma_start3A_57 : memref<1x640x64xf32, #tpu.memory_space<hbm>> -> memref<640x64xf32, #tpu.memory_space<hbm>>
      %dma_start3A_59 = arith.constant 0 : i32
      %dma_start3A_60 = tpu.memref_slice %arg13[%mul3A_0, %dma_start3A_59] : memref<10240x64xf32, #tpu.memory_space<vmem_shared>> -> memref<640x64xf32, #tpu.memory_space<vmem_shared>>
      tpu.enqueue_dma source(%dma_start3A_60 : memref<640x64xf32, #tpu.memory_space<vmem_shared>>) target(%dma_start3A_58 : memref<640x64xf32, #tpu.memory_space<hbm>>) target_semaphore(%run_scoped3A : memref<!tpu.dma_semaphore, #tpu.memory_space<semaphore_mem>>)
      %dma_wait3A_61 = arith.constant 0 : i32
      %dma_wait3A_62 = tpu.memref_slice %arg6[%arg0, %mul3A_0, %dma_wait3A_61] : memref<2x10240x64xf32, #tpu.memory_space<hbm>> -> memref<1x640x64xf32, #tpu.memory_space<hbm>>
      %dma_wait3A_63 = tpu.memref_squeeze %dma_wait3A_62 : memref<1x640x64xf32, #tpu.memory_space<hbm>> -> memref<640x64xf32, #tpu.memory_space<hbm>>
      %dma_wait3A_64 = arith.constant 0 : i32
      %dma_wait3A_65 = tpu.memref_slice %arg13[%mul3A_0, %dma_wait3A_64] : memref<10240x64xf32, #tpu.memory_space<vmem_shared>> -> memref<640x64xf32, #tpu.memory_space<vmem_shared>>
      tpu.wait_dma2 semaphore(%run_scoped3A : memref<!tpu.dma_semaphore, #tpu.memory_space<semaphore_mem>>) src(%dma_wait3A_65 : memref<640x64xf32, #tpu.memory_space<vmem_shared>>) dst(%dma_wait3A_63 : memref<640x64xf32, #tpu.memory_space<hbm>>)
      tpu.yield
    }) : () -> ()
    return
  }
}

module attributes {stable_mosaic.version = 14 : i64} {
  func.func @_prelude_tc(%arg0: i32, %arg1: memref<2x2000x128xf32, #tpu.memory_space<vmem>>, %arg2: memref<2000x128xf32, #tpu.memory_space<vmem>>, %arg3: memref<128x128xf32, #tpu.memory_space<vmem>>, %arg4: memref<2000x128xf32, #tpu.memory_space<vmem>>, %arg5: memref<2x2000x64xf32, #tpu.memory_space<vmem>>) attributes {dimension_semantics = [#tpu.dimension_semantics<arbitrary>], iteration_bounds = array<i64: 5>, scalar_prefetch = 0 : i64, scratch_operands = 0 : i64, tpu.core_type = #tpu.core_type<tc>, window_params = [{transform_indices = @transform_0, window_bounds = array<i64: 2, 2000, 128>}, {transform_indices = @transform_1, window_bounds = array<i64: 2000, 128>}, {pipeline_mode = #tpu.pipeline_mode<synchronous>, transform_indices = @transform_2, window_bounds = array<i64: 128, 128>}, {transform_indices = @transform_3, window_bounds = array<i64: 2000, 128>}, {transform_indices = @transform_4, window_bounds = array<i64: 2, 2000, 64>}]} {
    %get3A = arith.constant 0 : index
    %get3A_0 = arith.constant 0 : index
    %get3A_1 = arith.constant 0 : index
    %get3A_2 = vector.load %arg1[%get3A, %get3A_0, %get3A_1] : memref<2x2000x128xf32, #tpu.memory_space<vmem>>, vector<1x2000x128xf32>
    %get3A_3 = vector.shape_cast %get3A_2 : vector<1x2000x128xf32> to vector<2000x128xf32>
    %slice3A = vector.extract_strided_slice %get3A_3 {offsets = [0, 0], sizes = [2000, 1], strides = [1, 1]} : vector<2000x128xf32> to vector<2000x1xf32>
    %get3A_4 = arith.constant 1 : index
    %get3A_5 = arith.constant 0 : index
    %get3A_6 = arith.constant 0 : index
    %get3A_7 = vector.load %arg1[%get3A_4, %get3A_5, %get3A_6] : memref<2x2000x128xf32, #tpu.memory_space<vmem>>, vector<1x2000x128xf32>
    %get3A_8 = vector.shape_cast %get3A_7 : vector<1x2000x128xf32> to vector<2000x128xf32>
    %slice3A_9 = vector.extract_strided_slice %get3A_8 {offsets = [0, 0], sizes = [2000, 1], strides = [1, 1]} : vector<2000x128xf32> to vector<2000x1xf32>
    %add3A = arith.addf %slice3A, %slice3A_9 : vector<2000x1xf32>
    %add3A_10 = arith.constant 1.000000e+00 : f32
    %add3A_11 = vector.broadcast %add3A_10 : f32 to vector<2000x1xf32>
    %add3A_12 = arith.addf %add3A, %add3A_11 : vector<2000x1xf32>
    %rsqrt3A = math.rsqrt %add3A_12 : vector<2000x1xf32>
    %broadcast_in_dim3A = vector.shape_cast %rsqrt3A : vector<2000x1xf32> to vector<2000x1xf32>
    %broadcast_in_dim3A_13 = vector.broadcast %broadcast_in_dim3A : vector<2000x1xf32> to vector<2000x128xf32>
    %swap3A = arith.constant 0 : index
    %swap3A_14 = arith.constant 0 : index
    %swap3A_15 = vector.load %arg4[%swap3A, %swap3A_14] : memref<2000x128xf32, #tpu.memory_space<vmem>>, vector<2000x128xf32>
    tpu.vector_store %arg4[%swap3A, %swap3A_14], %broadcast_in_dim3A_13 {strides = array<i32>} : memref<2000x128xf32, #tpu.memory_space<vmem>>, vector<2000x128xf32>,
    %get3A_16 = arith.constant 0 : index
    %get3A_17 = arith.constant 0 : index
    %get3A_18 = vector.load %arg2[%get3A_16, %get3A_17] : memref<2000x128xf32, #tpu.memory_space<vmem>>, vector<2000x128xf32>
    %get3A_19 = arith.constant 0 : index
    %get3A_20 = arith.constant 0 : index
    %get3A_21 = vector.load %arg3[%get3A_19, %get3A_20] : memref<128x128xf32, #tpu.memory_space<vmem>>, vector<128x128xf32>
    %dot_general3A = arith.constant dense<0.000000e+00> : vector<2000x128xf32>
    %dot_general3A_22 = tpu.matmul %get3A_18, %get3A_21, %dot_general3A {dimension_numbers = #tpu.dot_dimension_numbers<[1], [0], [0], [1], [0, 0, 1, 1], [], []>, transpose_lhs_hint = false} : vector<2000x128xf32>, vector<128x128xf32>, vector<2000x128xf32> -> vector<2000x128xf32>
    %mul3A = arith.mulf %dot_general3A_22, %broadcast_in_dim3A_13 : vector<2000x128xf32>
    %slice3A_23 = vector.extract_strided_slice %mul3A {offsets = [0, 0], sizes = [2000, 64], strides = [1, 1]} : vector<2000x128xf32> to vector<2000x64xf32>
    %swap3A_24 = arith.constant 0 : index
    %swap3A_25 = arith.constant 0 : index
    %swap3A_26 = arith.constant 0 : index
    %swap3A_27 = vector.load %arg5[%swap3A_24, %swap3A_25, %swap3A_26] : memref<2x2000x64xf32, #tpu.memory_space<vmem>>, vector<1x2000x64xf32>
    %swap3A_28 = vector.shape_cast %swap3A_27 : vector<1x2000x64xf32> to vector<2000x64xf32>
    %swap3A_29 = vector.shape_cast %slice3A_23 : vector<2000x64xf32> to vector<1x2000x64xf32>
    tpu.vector_store %arg5[%swap3A_24, %swap3A_25, %swap3A_26], %swap3A_29 {strides = array<i32>} : memref<2x2000x64xf32, #tpu.memory_space<vmem>>, vector<1x2000x64xf32>,
    %slice3A_30 = vector.extract_strided_slice %mul3A {offsets = [0, 64], sizes = [2000, 64], strides = [1, 1]} : vector<2000x128xf32> to vector<2000x64xf32>
    %swap3A_31 = arith.constant 1 : index
    %swap3A_32 = arith.constant 0 : index
    %swap3A_33 = arith.constant 0 : index
    %swap3A_34 = vector.load %arg5[%swap3A_31, %swap3A_32, %swap3A_33] : memref<2x2000x64xf32, #tpu.memory_space<vmem>>, vector<1x2000x64xf32>
    %swap3A_35 = vector.shape_cast %swap3A_34 : vector<1x2000x64xf32> to vector<2000x64xf32>
    %swap3A_36 = vector.shape_cast %slice3A_30 : vector<2000x64xf32> to vector<1x2000x64xf32>
    tpu.vector_store %arg5[%swap3A_31, %swap3A_32, %swap3A_33], %swap3A_36 {strides = array<i32>} : memref<2x2000x64xf32, #tpu.memory_space<vmem>>, vector<1x2000x64xf32>,
    return
  }
  func.func @transform_0(%arg0: i32) -> (i32, i32, i32) {
    %c0_i32 = arith.constant 0 : i32
    %c0_i32_0 = arith.constant 0 : i32
    %c0_i32_1 = arith.constant 0 : i32
    return %c0_i32, %arg0, %c0_i32_0 : i32, i32, i32
  }
  func.func @transform_1(%arg0: i32) -> (i32, i32) {
    %c0_i32 = arith.constant 0 : i32
    %c0_i32_0 = arith.constant 0 : i32
    return %arg0, %c0_i32 : i32, i32
  }
  func.func @transform_2(%arg0: i32) -> (i32, i32) {
    %c0_i32 = arith.constant 0 : i32
    %c0_i32_0 = arith.constant 0 : i32
    %c0_i32_1 = arith.constant 0 : i32
    return %c0_i32, %c0_i32_0 : i32, i32
  }
  func.func @transform_3(%arg0: i32) -> (i32, i32) {
    %c0_i32 = arith.constant 0 : i32
    %c0_i32_0 = arith.constant 0 : i32
    return %arg0, %c0_i32 : i32, i32
  }
  func.func @transform_4(%arg0: i32) -> (i32, i32, i32) {
    %c0_i32 = arith.constant 0 : i32
    %c0_i32_0 = arith.constant 0 : i32
    %c0_i32_1 = arith.constant 0 : i32
    return %c0_i32, %arg0, %c0_i32_0 : i32, i32, i32
  }
}

module attributes {stable_mosaic.version = 14 : i64} {
  func.func @_layer_tc(%arg0: i32, %arg1: memref<2x2000x64xf32, #tpu.memory_space<vmem>>, %arg2: memref<2x2000x64xf32, #tpu.memory_space<vmem>>, %arg3: memref<2000x128xf32, #tpu.memory_space<vmem>>, %arg4: memref<2000x128xf32, #tpu.memory_space<vmem>>, %arg5: memref<128x128xf32, #tpu.memory_space<vmem>>, %arg6: memref<1x128xf32, #tpu.memory_space<vmem>>, %arg7: memref<2x2000x64xf32, #tpu.memory_space<vmem>>) attributes {dimension_semantics = [#tpu.dimension_semantics<arbitrary>], iteration_bounds = array<i64: 5>, scalar_prefetch = 0 : i64, scratch_operands = 0 : i64, tpu.core_type = #tpu.core_type<tc>, window_params = [{transform_indices = @transform_0, window_bounds = array<i64: 2, 2000, 64>}, {transform_indices = @transform_1, window_bounds = array<i64: 2, 2000, 64>}, {transform_indices = @transform_2, window_bounds = array<i64: 2000, 128>}, {transform_indices = @transform_3, window_bounds = array<i64: 2000, 128>}, {pipeline_mode = #tpu.pipeline_mode<synchronous>, transform_indices = @transform_4, window_bounds = array<i64: 128, 128>}, {pipeline_mode = #tpu.pipeline_mode<synchronous>, transform_indices = @transform_5, window_bounds = array<i64: 1, 128>}, {transform_indices = @transform_6, window_bounds = array<i64: 2, 2000, 64>}]} {
    %get3A = arith.constant 0 : index
    %get3A_0 = arith.constant 0 : index
    %get3A_1 = vector.load %arg3[%get3A, %get3A_0] : memref<2000x128xf32, #tpu.memory_space<vmem>>, vector<2000x128xf32>
    %get3A_2 = arith.constant 0 : index
    %get3A_3 = arith.constant 0 : index
    %get3A_4 = arith.constant 0 : index
    %get3A_5 = vector.load %arg1[%get3A_2, %get3A_3, %get3A_4] : memref<2x2000x64xf32, #tpu.memory_space<vmem>>, vector<1x2000x64xf32>
    %get3A_6 = vector.shape_cast %get3A_5 : vector<1x2000x64xf32> to vector<2000x64xf32>
    %get3A_7 = arith.constant 1 : index
    %get3A_8 = arith.constant 0 : index
    %get3A_9 = arith.constant 0 : index
    %get3A_10 = vector.load %arg1[%get3A_7, %get3A_8, %get3A_9] : memref<2x2000x64xf32, #tpu.memory_space<vmem>>, vector<1x2000x64xf32>
    %get3A_11 = vector.shape_cast %get3A_10 : vector<1x2000x64xf32> to vector<2000x64xf32>
    %concatenate3A = tpu.concatenate %get3A_6, %get3A_11 in 1 : vector<2000x64xf32>, vector<2000x64xf32> -> vector<2000x128xf32>
    %get3A_12 = arith.constant 0 : index
    %get3A_13 = arith.constant 0 : index
    %get3A_14 = arith.constant 0 : index
    %get3A_15 = vector.load %arg2[%get3A_12, %get3A_13, %get3A_14] : memref<2x2000x64xf32, #tpu.memory_space<vmem>>, vector<1x2000x64xf32>
    %get3A_16 = vector.shape_cast %get3A_15 : vector<1x2000x64xf32> to vector<2000x64xf32>
    %get3A_17 = arith.constant 1 : index
    %get3A_18 = arith.constant 0 : index
    %get3A_19 = arith.constant 0 : index
    %get3A_20 = vector.load %arg2[%get3A_17, %get3A_18, %get3A_19] : memref<2x2000x64xf32, #tpu.memory_space<vmem>>, vector<1x2000x64xf32>
    %get3A_21 = vector.shape_cast %get3A_20 : vector<1x2000x64xf32> to vector<2000x64xf32>
    %concatenate3A_22 = tpu.concatenate %get3A_16, %get3A_21 in 1 : vector<2000x64xf32>, vector<2000x64xf32> -> vector<2000x128xf32>
    %add3A = arith.addf %concatenate3A, %concatenate3A_22 : vector<2000x128xf32>
    %mul3A = arith.mulf %add3A, %get3A_1 : vector<2000x128xf32>
    %get3A_23 = arith.constant 0 : index
    %get3A_24 = arith.constant 0 : index
    %get3A_25 = vector.load %arg6[%get3A_23, %get3A_24] : memref<1x128xf32, #tpu.memory_space<vmem>>, vector<1x128xf32>
    %add3A_26 = vector.broadcast %get3A_25 : vector<1x128xf32> to vector<2000x128xf32>
    %add3A_27 = arith.addf %mul3A, %add3A_26 : vector<2000x128xf32>
    %get3A_28 = arith.constant 0 : index
    %get3A_29 = arith.constant 0 : index
    %get3A_30 = vector.load %arg4[%get3A_28, %get3A_29] : memref<2000x128xf32, #tpu.memory_space<vmem>>, vector<2000x128xf32>
    %add3A_31 = arith.addf %add3A_27, %get3A_30 : vector<2000x128xf32>
    %max3A = arith.constant 0.000000e+00 : f32
    %max3A_32 = vector.broadcast %max3A : f32 to vector<2000x128xf32>
    %max3A_33 = arith.maximumf %add3A_31, %max3A_32 : vector<2000x128xf32>
    %get3A_34 = arith.constant 0 : index
    %get3A_35 = arith.constant 0 : index
    %get3A_36 = vector.load %arg5[%get3A_34, %get3A_35] : memref<128x128xf32, #tpu.memory_space<vmem>>, vector<128x128xf32>
    %dot_general3A = arith.constant dense<0.000000e+00> : vector<2000x128xf32>
    %dot_general3A_37 = tpu.matmul %max3A_33, %get3A_36, %dot_general3A {dimension_numbers = #tpu.dot_dimension_numbers<[1], [0], [0], [1], [0, 0, 1, 1], [], []>, transpose_lhs_hint = false} : vector<2000x128xf32>, vector<128x128xf32>, vector<2000x128xf32> -> vector<2000x128xf32>
    %mul3A_38 = arith.mulf %dot_general3A_37, %get3A_1 : vector<2000x128xf32>
    %slice3A = vector.extract_strided_slice %mul3A_38 {offsets = [0, 0], sizes = [2000, 64], strides = [1, 1]} : vector<2000x128xf32> to vector<2000x64xf32>
    %swap3A = arith.constant 0 : index
    %swap3A_39 = arith.constant 0 : index
    %swap3A_40 = arith.constant 0 : index
    %swap3A_41 = vector.load %arg7[%swap3A, %swap3A_39, %swap3A_40] : memref<2x2000x64xf32, #tpu.memory_space<vmem>>, vector<1x2000x64xf32>
    %swap3A_42 = vector.shape_cast %swap3A_41 : vector<1x2000x64xf32> to vector<2000x64xf32>
    %swap3A_43 = vector.shape_cast %slice3A : vector<2000x64xf32> to vector<1x2000x64xf32>
    tpu.vector_store %arg7[%swap3A, %swap3A_39, %swap3A_40], %swap3A_43 {strides = array<i32>} : memref<2x2000x64xf32, #tpu.memory_space<vmem>>, vector<1x2000x64xf32>,
    %slice3A_44 = vector.extract_strided_slice %mul3A_38 {offsets = [0, 64], sizes = [2000, 64], strides = [1, 1]} : vector<2000x128xf32> to vector<2000x64xf32>
    %swap3A_45 = arith.constant 1 : index
    %swap3A_46 = arith.constant 0 : index
    %swap3A_47 = arith.constant 0 : index
    %swap3A_48 = vector.load %arg7[%swap3A_45, %swap3A_46, %swap3A_47] : memref<2x2000x64xf32, #tpu.memory_space<vmem>>, vector<1x2000x64xf32>
    %swap3A_49 = vector.shape_cast %swap3A_48 : vector<1x2000x64xf32> to vector<2000x64xf32>
    %swap3A_50 = vector.shape_cast %slice3A_44 : vector<2000x64xf32> to vector<1x2000x64xf32>
    tpu.vector_store %arg7[%swap3A_45, %swap3A_46, %swap3A_47], %swap3A_50 {strides = array<i32>} : memref<2x2000x64xf32, #tpu.memory_space<vmem>>, vector<1x2000x64xf32>,
    return
  }
  func.func @transform_0(%arg0: i32) -> (i32, i32, i32) {
    %c0_i32 = arith.constant 0 : i32
    %c0_i32_0 = arith.constant 0 : i32
    %c0_i32_1 = arith.constant 0 : i32
    return %c0_i32, %arg0, %c0_i32_0 : i32, i32, i32
  }
  func.func @transform_1(%arg0: i32) -> (i32, i32, i32) {
    %c0_i32 = arith.constant 0 : i32
    %c0_i32_0 = arith.constant 0 : i32
    %c0_i32_1 = arith.constant 0 : i32
    return %c0_i32, %arg0, %c0_i32_0 : i32, i32, i32
  }
  func.func @transform_2(%arg0: i32) -> (i32, i32) {
    %c0_i32 = arith.constant 0 : i32
    %c0_i32_0 = arith.constant 0 : i32
    return %arg0, %c0_i32 : i32, i32
  }
  func.func @transform_3(%arg0: i32) -> (i32, i32) {
    %c0_i32 = arith.constant 0 : i32
    %c0_i32_0 = arith.constant 0 : i32
    return %arg0, %c0_i32 : i32, i32
  }
  func.func @transform_4(%arg0: i32) -> (i32, i32) {
    %c0_i32 = arith.constant 0 : i32
    %c0_i32_0 = arith.constant 0 : i32
    %c0_i32_1 = arith.constant 0 : i32
    return %c0_i32, %c0_i32_0 : i32, i32
  }
  func.func @transform_5(%arg0: i32) -> (i32, i32) {
    %c0_i32 = arith.constant 0 : i32
    %c0_i32_0 = arith.constant 0 : i32
    %c0_i32_1 = arith.constant 0 : i32
    return %c0_i32, %c0_i32_0 : i32, i32
  }
  func.func @transform_6(%arg0: i32) -> (i32, i32, i32) {
    %c0_i32 = arith.constant 0 : i32
    %c0_i32_0 = arith.constant 0 : i32
    %c0_i32_1 = arith.constant 0 : i32
    return %c0_i32, %arg0, %c0_i32_0 : i32, i32, i32
  }
}

module attributes {stable_mosaic.version = 14 : i64} {
  func.func @_final_tc(%arg0: i32, %arg1: memref<2x2000x64xf32, #tpu.memory_space<vmem>>, %arg2: memref<2x2000x64xf32, #tpu.memory_space<vmem>>, %arg3: memref<2000x128xf32, #tpu.memory_space<vmem>>, %arg4: memref<1x128xf32, #tpu.memory_space<vmem>>, %arg5: memref<2000x128xf32, #tpu.memory_space<vmem>>) attributes {dimension_semantics = [#tpu.dimension_semantics<arbitrary>], iteration_bounds = array<i64: 5>, scalar_prefetch = 0 : i64, scratch_operands = 0 : i64, tpu.core_type = #tpu.core_type<tc>, window_params = [{transform_indices = @transform_0, window_bounds = array<i64: 2, 2000, 64>}, {transform_indices = @transform_1, window_bounds = array<i64: 2, 2000, 64>}, {transform_indices = @transform_2, window_bounds = array<i64: 2000, 128>}, {pipeline_mode = #tpu.pipeline_mode<synchronous>, transform_indices = @transform_3, window_bounds = array<i64: 1, 128>}, {transform_indices = @transform_4, window_bounds = array<i64: 2000, 128>}]} {
    %get3A = arith.constant 0 : index
    %get3A_0 = arith.constant 0 : index
    %get3A_1 = arith.constant 0 : index
    %get3A_2 = vector.load %arg1[%get3A, %get3A_0, %get3A_1] : memref<2x2000x64xf32, #tpu.memory_space<vmem>>, vector<1x2000x64xf32>
    %get3A_3 = vector.shape_cast %get3A_2 : vector<1x2000x64xf32> to vector<2000x64xf32>
    %get3A_4 = arith.constant 1 : index
    %get3A_5 = arith.constant 0 : index
    %get3A_6 = arith.constant 0 : index
    %get3A_7 = vector.load %arg1[%get3A_4, %get3A_5, %get3A_6] : memref<2x2000x64xf32, #tpu.memory_space<vmem>>, vector<1x2000x64xf32>
    %get3A_8 = vector.shape_cast %get3A_7 : vector<1x2000x64xf32> to vector<2000x64xf32>
    %concatenate3A = tpu.concatenate %get3A_3, %get3A_8 in 1 : vector<2000x64xf32>, vector<2000x64xf32> -> vector<2000x128xf32>
    %get3A_9 = arith.constant 0 : index
    %get3A_10 = arith.constant 0 : index
    %get3A_11 = arith.constant 0 : index
    %get3A_12 = vector.load %arg2[%get3A_9, %get3A_10, %get3A_11] : memref<2x2000x64xf32, #tpu.memory_space<vmem>>, vector<1x2000x64xf32>
    %get3A_13 = vector.shape_cast %get3A_12 : vector<1x2000x64xf32> to vector<2000x64xf32>
    %get3A_14 = arith.constant 1 : index
    %get3A_15 = arith.constant 0 : index
    %get3A_16 = arith.constant 0 : index
    %get3A_17 = vector.load %arg2[%get3A_14, %get3A_15, %get3A_16] : memref<2x2000x64xf32, #tpu.memory_space<vmem>>, vector<1x2000x64xf32>
    %get3A_18 = vector.shape_cast %get3A_17 : vector<1x2000x64xf32> to vector<2000x64xf32>
    %concatenate3A_19 = tpu.concatenate %get3A_13, %get3A_18 in 1 : vector<2000x64xf32>, vector<2000x64xf32> -> vector<2000x128xf32>
    %add3A = arith.addf %concatenate3A, %concatenate3A_19 : vector<2000x128xf32>
    %get3A_20 = arith.constant 0 : index
    %get3A_21 = arith.constant 0 : index
    %get3A_22 = vector.load %arg3[%get3A_20, %get3A_21] : memref<2000x128xf32, #tpu.memory_space<vmem>>, vector<2000x128xf32>
    %mul3A = arith.mulf %add3A, %get3A_22 : vector<2000x128xf32>
    %get3A_23 = arith.constant 0 : index
    %get3A_24 = arith.constant 0 : index
    %get3A_25 = vector.load %arg4[%get3A_23, %get3A_24] : memref<1x128xf32, #tpu.memory_space<vmem>>, vector<1x128xf32>
    %add3A_26 = vector.broadcast %get3A_25 : vector<1x128xf32> to vector<2000x128xf32>
    %add3A_27 = arith.addf %mul3A, %add3A_26 : vector<2000x128xf32>
    %swap3A = arith.constant 0 : index
    %swap3A_28 = arith.constant 0 : index
    %swap3A_29 = vector.load %arg5[%swap3A, %swap3A_28] : memref<2000x128xf32, #tpu.memory_space<vmem>>, vector<2000x128xf32>
    tpu.vector_store %arg5[%swap3A, %swap3A_28], %add3A_27 {strides = array<i32>} : memref<2000x128xf32, #tpu.memory_space<vmem>>, vector<2000x128xf32>,
    return
  }
  func.func @transform_0(%arg0: i32) -> (i32, i32, i32) {
    %c0_i32 = arith.constant 0 : i32
    %c0_i32_0 = arith.constant 0 : i32
    %c0_i32_1 = arith.constant 0 : i32
    return %c0_i32, %arg0, %c0_i32_0 : i32, i32, i32
  }
  func.func @transform_1(%arg0: i32) -> (i32, i32, i32) {
    %c0_i32 = arith.constant 0 : i32
    %c0_i32_0 = arith.constant 0 : i32
    %c0_i32_1 = arith.constant 0 : i32
    return %c0_i32, %arg0, %c0_i32_0 : i32, i32, i32
  }
  func.func @transform_2(%arg0: i32) -> (i32, i32) {
    %c0_i32 = arith.constant 0 : i32
    %c0_i32_0 = arith.constant 0 : i32
    return %arg0, %c0_i32 : i32, i32
  }
  func.func @transform_3(%arg0: i32) -> (i32, i32) {
    %c0_i32 = arith.constant 0 : i32
    %c0_i32_0 = arith.constant 0 : i32
    %c0_i32_1 = arith.constant 0 : i32
    return %c0_i32, %c0_i32_0 : i32, i32
  }
  func.func @transform_4(%arg0: i32) -> (i32, i32) {
    %c0_i32 = arith.constant 0 : i32
    %c0_i32_0 = arith.constant 0 : i32
    return %arg0, %c0_i32 : i32, i32
  }
}

</mosaic_0001>

<sc_bundles>
// kernel: kernel.14.cloned.1.call-start
scs
__scs_entry_jumppad:
0x0: {  	(pc) =	sbr.rel $0x88, $3  }
0x1: {  	(tag) =	ssettag $0x0;
	lr =	simm.s32 $0x1  }
0x2: {  	[smem:$0x3F95] =	sst lr;
	_ =	strace $0xD0000000  }
0x3: {  	_ = 	snop  }
0x4: {  	_ = 	snop  }
0x5: {  	_ = 	snop  }
0x6: {  	_ = 	snop  }
0x7: {  	_ = 	snop  }
__scs_overlays_trampoline_lowered:
0x8: {  	[smem:$0x3FA4] =	sst s0  }
0x9: {  	[smem:$0x3FA5] =	sst s1  }
0xa: {  	[smem:$0x3FA6] =	sst s2  }
0xb: {  	[smem:$0x3FA7] =	sst s3  }
0xc: {  	[smem:$0x3FA8] =	sst s4  }
0xd: {  	[smem:$0x3FA9] =	sst s5  }
0xe: {  	[smem:$0x3FAA] =	sst s6  }
0xf: {  	[smem:$0x3FAB] =	sst s7  }
0x10: {  	[smem:$0x3FAC] =	sst s8  }
0x11: {  	[smem:$0x3FAD] =	sst s9;
	s0 =	simm.s32 @!p0 $0x0  }
0x12: {  	s1 =	sld [smem:$0x3F93];
	s0 =	simm.s32 @p0 $0x1  }
0x13: {  	[smem:$0x3FAE] =	sst s0;
	s0 =	simm.s32 @!p1 $0x0  }
0x14: {  	s2 =	sld [smem:$0x3F92];
	s0 =	simm.s32 @p1 $0x1  }
0x15: {  	[smem:$0x3FAF] =	sst s0;
	s0 =	simm.s32 @!p2 $0x0  }
0x16: {  	s3 =	sld [smem:$0x3FDB];
	s0 =	simm.s32 @p2 $0x1  }
0x17: {  	s4 =	simm.s32 $0x1BF5;
	[smem:$0x3FB1] =	sst s0  }
0x18: {  	s0 =	sld [smem:$0x3F94];
	_ =	swait.ge [sflag:s4], $0x0  }
0x19: {  	s7 =	sld [smem:$0x3F95]  }
0x1a: {  	s8 =	sadd.s32 $0xFFFFE003, lr  }
0x1b: {  	s9 =	sadd.s32 $0xFFFFFEF7, lr;
	s5 =	simm.s32 $0xFFFFFFFF;
	p2 =	slt.u32 s8, $0xFFFFF086  }
0x1c: {  	p1 =	slt.u32 s9, $0xF7A;
	s5 =	simm.s32 @!p2 $0x0  }
0x1d: {  	s5 =	simm.s32 @p1 $0x1;
	p0 =	seq.s32 s7, s2  }
0x1e: {  	s7 =	smul.u32 @!p0 $0xF7A, s2;
	p2 =	seq.s32 @!p0 s5, $0x0  }
0x1f: {  	s9 =	smul.u32 $0xF7A, s1;
	s8 =	simm.s32 @!p0 $0x1BF5;
	p2 =	por !p2, p0  }
0x20: {  	[sflag:s8] =	ssyncset.s32 @!p0 $0xFFFFF086;
	s6 =	sadd.s32 @!p0 s3, s7;
	s7 =	simm.s32 @!p0 $0x108  }
0x21: {  	s3 =	sadd.s32 s3, s9;
	s6 =	sadd.s32 @!p0 $0x88, s6;
	s7 =	simm.s32 @p2 $0x1082  }
0x22: {  	[simem:s7], [sflag:s8] =	dma.local @!p0 [hbm:s6], $0xF7A  }
0x23: {  	s9 =	sor.u32 $0xD0000000, s2;
	s6 =	simm.s32 $0x108;
	_ =	swait.ge @!p0 [sflag:s8], $0x0  }
0x24: {  	s3 =	sadd.s32 $0x88, s3;
	s6 =	simm.s32 @!p1 $0x1082;
	[sflag:s4] =	ssyncset.s32 $0xFFFFF086  }
0x25: {  	[simem:s6], [sflag:s4] =	dma.local [hbm:s3], $0xF7A  }
0x26: {  	[smem:$0x3F95] =	sst s1;
	(tag) =	ssettag s2;
	_ =	strace s9  }
0x27: {  	s1 =	sld [smem:$0x3FA5]  }
0x28: {  	s2 =	sld [smem:$0x3FA6]  }
0x29: {  	s4 =	sld [smem:$0x3FA8]  }
0x2a: {  	p0 =	seq.s32 s5, $0x0;
	s5 =	sld [smem:$0x3FA9]  }
0x2b: {  	s6 =	sld [smem:$0x3FAA]  }
0x2c: {  	s7 =	sld [smem:$0x3FAB]  }
0x2d: {  	s3 =	simm.s32 $0x108;
	s8 =	sld [smem:$0x3FAC]  }
0x2e: {  	s3 =	simm.s32 @!p0 $0x1082;
	s9 =	sld [smem:$0x3FAD]  }
0x2f: {  	lr =	sadd.s32 s0, s3;
	s0 =	sld [smem:$0x3FA4]  }
0x30: {  	s3 =	sld [smem:$0x3FA7]  }
0x31: {  	[smem:$0x3FB0] =	sst s10  }
0x32: {  	s10 =	sld [smem:$0x3FAE];
	_ =	sdelay $0x3  }
0x33: {  	p0 =	seq.s32 s10, $0x1;
	s10 =	sld [smem:$0x3FB0];
	_ =	sdelay $0x3  }
0x34: {  	[smem:$0x3FB0] =	sst s10  }
0x35: {  	s10 =	sld [smem:$0x3FAF];
	_ =	sdelay $0x3  }
0x36: {  	p1 =	seq.s32 s10, $0x1;
	s10 =	sld [smem:$0x3FB0];
	_ =	sdelay $0x3  }
0x37: {  	[smem:$0x3FB0] =	sst s10  }
0x38: {  	s10 =	sld [smem:$0x3FB1]  }
0x39: {  	_ = 	snop;
	(pc) =	sbr.ind lr, $3  }
0x3a: {  	_ = 	snop  }
0x3b: {  	_ = 	snop  }
0x3c: {  	p2 =	seq.s32 s10, $0x1;
	s10 =	sld [smem:$0x3FB0]  }
0x3d: {  	_ =	shalt  }
0x3e: {  	_ =	shalt  }
0x3f: {  	_ =	shalt  }
0x40: {  	_ =	shalt  }
0x41: {  	_ =	shalt  }
0x42: {  	_ =	shalt  }
0x43: {  	_ =	shalt  }
0x44: {  	_ =	shalt  }
0x45: {  	_ =	shalt  }
0x46: {  	_ =	shalt  }
0x47: {  	_ =	shalt  }
0x48: {  	_ =	shalt  }
0x49: {  	_ =	shalt  }
0x4a: {  	_ =	shalt  }
0x4b: {  	_ =	shalt  }
0x4c: {  	_ =	shalt  }
0x4d: {  	_ =	shalt  }
0x4e: {  	_ =	shalt  }
0x4f: {  	_ =	shalt  }
0x50: {  	_ =	shalt  }
0x51: {  	_ =	shalt  }
0x52: {  	_ =	shalt  }
0x53: {  	_ =	shalt  }
0x54: {  	_ =	shalt  }
0x55: {  	_ =	shalt  }
0x56: {  	_ =	shalt  }
0x57: {  	_ =	shalt  }
0x58: {  	_ =	shalt  }
0x59: {  	_ =	shalt  }
0x5a: {  	_ =	shalt  }
0x5b: {  	_ =	shalt  }
0x5c: {  	_ =	shalt  }
0x5d: {  	_ =	shalt  }
0x5e: {  	_ =	shalt  }
0x5f: {  	_ =	shalt  }
0x60: {  	_ =	shalt  }
0x61: {  	_ =	shalt  }
0x62: {  	_ =	shalt  }
0x63: {  	_ =	shalt  }
0x64: {  	_ =	shalt  }
0x65: {  	_ =	shalt  }
0x66: {  	_ =	shalt  }
0x67: {  	_ =	shalt  }
0x68: {  	_ =	shalt  }
0x69: {  	_ =	shalt  }
0x6a: {  	_ =	shalt  }
0x6b: {  	_ =	shalt  }
0x6c: {  	_ =	shalt  }
0x6d: {  	_ =	shalt  }
0x6e: {  	_ =	shalt  }
0x6f: {  	_ =	shalt  }
0x70: {  	_ =	shalt  }
0x71: {  	_ =	shalt  }
0x72: {  	_ =	shalt  }
0x73: {  	_ =	shalt  }
0x74: {  	_ =	shalt  }
0x75: {  	_ =	shalt  }
0x76: {  	_ =	shalt  }
0x77: {  	_ =	shalt  }
0x78: {  	_ =	shalt  }
0x79: {  	_ =	shalt  }
0x7a: {  	_ =	shalt  }
0x7b: {  	_ =	shalt  }
0x7c: {  	_ =	shalt  }
0x7d: {  	_ =	shalt  }
0x7e: {  	_ =	shalt  }
0x7f: {  	_ =	shalt  }
0x80: {  	_ =	shalt  }
0x81: {  	_ =	shalt  }
0x82: {  	_ =	shalt  }
0x83: {  	_ =	shalt  }
0x84: {  	_ =	shalt  }
0x85: {  	_ =	shalt  }
0x86: {  	_ =	shalt  }
0x87: {  	_ =	shalt  }
.Lfunc_end0:
.L_simem_size_0:
called_computation_lowered:
.L_overlay_start_0:
0x88: {  	s2 =	sld [smem:$0x3FD9]  }
0x89: {  	s3 =	sld [smem:$0x3FFE];
	_ =	sdelay $0x1  }
0x8a: {  	s1 =	srdreg.scid  }
0x8b: {  	s0 =	sand.u32 $0x1, s1  }
0x8c: {  	s17 =	sshll.u32 s0, $0xA;
	s2 =	sadd.s32 s3, s2  }
0x8d: {  	s2 =	sadd.s32 s2, s17  }
0x8e: {  	[smem:$0x3FBC] =	sst s2  }
0x8f: {  	_ = 	snop  }
0x90: {  	s2 =	sld [smem:$0x3FD0];
	(tm) =	ssettm $0x1  }
0x91: {  	s18 =	sld [smem:$0x3FFB];
	_ =	sdelay $0x3  }
0x92: {  	_ =	strace s18  }
0x93: {  	s3 =	sld [smem:$0x3FFC];
	_ =	sdelay $0x3  }
0x94: {  	_ =	strace s3  }
0x95: {  	s3 =	sld [smem:$0x3FFD];
	_ =	sdelay $0x3  }
0x96: {  	_ =	strace s3  }
0x97: {  	_ =	strace $0x8FFFFFFF  }
0x98: {  	s19 =	sld [smem:$0x3FDB];
	_ =	sdelay $0x1  }
0x99: {  	s4 =	simm.s32 $_scs_section_size  }
0x9a: {  	s5 =	simm.s32 $_size__tile_overlayer_lowered;
	s6 =	simm.s32 $_tile_overlayer_lowered  }
0x9b: {  	s22 =	simm.s32 $0x1BFF;
	s21 =	sshll.u32 s6, $0x1;
	s3 =	sadd.s32 s4, s19  }
0x9c: {  	s7 =	simm.s32 $0x0;
	s20 =	sshll.u32 s5, $0x1;
	s5 =	sadd.s32 s21, s3  }
0x9d: {  	[timem:s7], [sflag:s22] =	dma.local [hbm:s5], s20  }
0x9e: {  	_ =	swait.ge [sflag:s22], s20  }
0x9f: {  	s4 =	ssub.s32 $0x0, s20;
	[sflag:s22] =	ssyncset.done $0x0  }
0xa0: {  	[sflag:s22] =	ssyncadd.s32 s4;
	_ =	sdelay $0x1  }
0xa1: {  	s23 =	simm.s32 $0x1B8B  }
0xa2: {  	_ =	swait.ge [sflag:s23], $0x1  }
0xa3: {  	[sflag:s23] =	ssyncset.done $0x0  }
0xa4: {  	s25 =	simm.s32 $0x1B8E;
	s24 =	sld [smem:$0x3FFE];
	[sflag:s23] =	ssyncadd.s32 $0xFFFFFFFF  }
0xa5: {  	s26 =	simm.s32 $execute0_lowered;
	[smem:$0x3FD2] =	sst s25  }
0xa6: {  	s5 =	sshll.u32 s26, $0x1;
	_ =	strace $0x80000046;
	[dreg:$0x1] =	wrdreg $0xFFFFFFFF  }
0xa7: {  	s28 =	simm.s32 $_size_execute0_lowered;
	s3 =	sadd.s32 s3, s5;
	[dreg:$0x0] =	wrdreg $0x0  }
0xa8: {  	s5 =	sshll.u32 s28, $0x1;
	[dreg:$0x2] =	wrdreg s3  }
0xa9: {  	[dreg:$0x3] =	wrdreg s5  }
0xaa: {  	[dreg:$0x4] =	wrdreg $0xC0  }
0xab: {  	_ =	task [dreg:s7], $0x5FFFF  }
0xac: {  	[dreg:$0x1] =	wrdreg $0xFFFFFFFF  }
0xad: {  	[dreg:$0x0] =	wrdreg $0x60  }
0xae: {  	[dreg:$0x2] =	wrdreg s2  }
0xaf: {  	[dreg:$0x3] =	wrdreg s24  }
0xb0: {  	[dreg:$0x4] =	wrdreg $0x68000  }
0xb1: {  	[dreg:$0x5] =	wrdreg $0x9  }
0xb2: {  	_ =	task.clear_ibuf [dreg:s7], $0x6FFFF;
	_ =	strace $0x90000046  }
0xb3: {  	s29 =	simm.s32 $0x9;
	_ =	strace $0x80000048  }
0xb4: {  	_ =	swait.ge [sflag:s29], $0x1  }
0xb5: {  	[sflag:s29] =	ssyncadd.s32 $0xFFFFFFFF  }
0xb6: {  	_ =	strace $0x90000048  }
0xb7: {  	_ =	sfence  }
0xb8: {  	s30 =	sld [smem:$0x0];
	_ =	sdelay $0x2  }
0xb9: {  	s31 =	sshll.u32 s1, $0xD;
	s1 =	sshrl.u32 s1, $0x2  }
0xba: {  	s3 =	sand.u32 $0x4000, s31;
	s1 =	sadd.s32 s1, s30  }
0xbb: {  	s0 =	sor.u32 s3, s0;
	s1 =	sshll.u32 s1, $0x11  }
0xbc: {  	s0 =	sor.u32 s1, s0  }
0xbd: {  	s0 =	sadd.s32 $0x8F2B, s0  }
0xbe: {  	[sflag:s0] =	ssyncadd.remote.s32 $0x1  }
0xbf: {  	_ =	sfence.sel $0xFFFF  }
0xc0: {  	[dreg:$0x0] =	wrdreg $0xFFFFFFFF;
	(pc) =	sbr.abs _section_cstart, $3  }
0xc1: {  	[dreg:$0x1] =	wrdreg $0xFFFFFFFF  }
0xc2: {  	_ =	task.clear_ibuf [dreg:s7], $0x2FFFF;
	_ =	strace $0x9FFFFFFF  }
0xc3: {  	(tm) =	ssettm $0x7FFFFFFF  }
tec
execute0_lowered:
.L_overlay_start_1:
0x0: {  	(tag) =	ssettag $0x1  }
0x1: {  	s2 =	rddreg [dreg:$0x0]  }
0x2: {  	s5 =	rddreg [dreg:$0x1]  }
0x3: {  	s3 =	rddreg [dreg:$0x2]  }
0x4: {  	s0 =	rddreg [dreg:$0x3];
	s1 =	stileid.u32  }
0x5: {  	s6 =	srdreg.scid;
	s4 =	simm.s32 $0x0;
	s13 =	simm.s32 $0x80  }
0x6: {  	s14 =	simm.s32 $0x0;
	s7 =	smul.u32 $0x14000, s1;
	s6 =	sand.u32 $0x1, s6  }
0x7: {  	[smem:$0x7FF] =	sst s4;
	s29 =	smul.u32 $0x50000, s1;
	s31 =	sshll.u32 s1, $0x6  }
0x8: {  	s8 =	sshll.u32 s6, $0x4;
	s10 =	smul.u32 $0x140000, s6;
	_ =	strace $0x80000047  }
0x9: {  	s6 =	ssub.s32 $0x2, s6;
	s9 =	sshrl.u32 s7, $0x3;
	s8 =	sor.u32 s1, s8  }
0xa: {  	s11 =	sshrl.u32 s6, $0x1;
	s30 =	sshrl.u32 s29, $0x2;
	s9 =	sadd.s32 s9, s5  }
0xb: {  	s8 =	smul.u32 $0x500, s8;
	s7 =	sadd.s32 s7, s10;
	s11 =	ssub.s32 s6, s11  }
0xc: {  	s10 =	sadd.s32 s30, s3;
	s6 =	sor.u32 $0x1C01, s31;
	s7 =	sshrl.u32 s7, $0x3  }
0xd: {  	s10 =	sshrl.u32 s10, $0x3;
	s8 =	sadd.s32 s8, s5;
	s12 =	sadd.s32 s7, s5  }
0xe: {  	s5 =	sadd.s32 $0xD600, s9;
	s9 =	smax.u32 s11, $0x1;
	s11 =	simm.s32 $0x1  }
0xf: {  	s7 =	sadd.s32 $0x3600, s8;
	s8 =	sadd.s32 $0x35600, s12;
	s12 =	simm.s32 $0x2800  }
.LBB2_1:
0x10: {  	[spmem:s10], [sflag:s6] =	dma.local [hbm:s5], $0x2800  }
0x11: {  	_ =	swait.ge [sflag:s11], $0x2800  }
0x12: {  	[sflag:s11] =	ssyncset.done $0x0  }
0x13: {  	[sflag:s11] =	ssyncadd.s32 $0xFFFFD800  }
0x14: {  	[tilespmem:s12], [sflag:$0x1] =	stream.linear.gather [hbm4b:s2+s4], $0x4000, $0x38;
	[tilespmem:$0x1A800] =	vst v63  }
0x15: {  	_ =	swait.ge [sflag:s11], $0x4000  }
0x16: {  	[sflag:s11] =	ssyncset.done $0x0  }
0x17: {  	[sflag:s11] =	ssyncadd.s32 $0xFFFFC000  }
0x18: {  	[tilespmem:s4], [sflag:$0x1] =	stream.linear.gather [hbm4b:s7+s4], $0x2800, $0x38;
	[tilespmem:$0x1A800] =	vst v63  }
0x19: {  	_ =	swait.ge [sflag:s11], $0x2800  }
0x1a: {  	[sflag:s11] =	ssyncset.done $0x0  }
0x1b: {  	[sflag:s11] =	ssyncadd.s32 $0xFFFFD800  }
0x1c: {  	s15 =	simm.s32 $0x0;
	[bflag:$0x0] =	sbarrier.arrive $0xFFFF  }
0x1d: {  	[spmem:s3] =	stream.indirect.scatter.add.f32 [tilespmem:s12], [sflag:$0x1], $0x80, s15, s13, $0xb8;
	[tilespmem:$0x1A800] =	vst v63  }
0x1e: {  	_ =	swait.ge [sflag:s11], $0x4000  }
0x1f: {  	s15 =	simm.s32 $0x200;
	[sflag:s11] =	ssyncset.done $0x0  }
.LBB2_2:
0x20: {  	s16 =	sshra.s32 s15, $0x2;
	[sflag:s11] =	ssyncadd.s32 $0xFFFFC000;
	p0 =	sne.s32 s15, $0x9E00  }
0x21: {  	[spmem:s3] =	stream.indirect.scatter.add.f32 [tilespmem:s12], [sflag:$0x1], $0x80, s16, s13, $0xb8;
	[tilespmem:$0x1A800] =	vst v63  }
.Ltmp0:
0x22: {  	_ = 	snop;
	(pc) =	sbr.rel @p0 .LBB2_2-.Ltmp0, $4  }
0x23: {  	_ = 	snop  }
0x24: {  	s15 =	sadd.s32 $0x200, s15  }
0x25: {  	_ =	swait.ge [sflag:s11], $0x4000  }
0x26: {  	[sflag:s11] =	ssyncset.done $0x0  }
0x27: {  	s14 =	sadd.s32 $0x1, s14  }
0x28: {  	[sflag:s11] =	ssyncadd.s32 $0xFFFFC000;
	p0 =	sne.s32 s14, s9  }
.Ltmp1:
0x29: {  	[bflag:$0x0] =	sbarrier.arrive $0xFFFF;
	(pc) =	sbr.rel @p0 .LBB2_1-.Ltmp1, $4  }
0x2a: {  	[hbm:s8], [sflag:s6] =	dma.local [spmem:s10], $0x2800  }
0x2b: {  	_ =	swait.ge [sflag:s11], $0x2800  }
0x2c: {  	[sflag:s11] =	ssyncset.done $0x0  }
0x2d: {  	[sflag:s11] =	ssyncadd.s32 $0xFFFFD800  }
0x2e: {  	_ =	sfence.sel $0x180000  }
0x2f: {  	[bflag:$0x0] =	sbarrier.arrive $0xFFFF  }
0x30: {  	p0 =	sne.s32 s1, $0x0;
	_ =	strace $0x90000047  }
0x31: {  	s0 =	sadd.s32 @!p0 $0x100000, s0;
	[bflag:$0x2] =	sbarrier.arrive $0xFFFF  }
0x32: {  	[sflag:s0] =	ssyncadd.tile.s32 @!p0 $0x1;
	_ =	shalt  }
.Lfunc_end2:
_tile_overlayer_lowered:
.L_overlay_start_2:
0x33: {  	(tag) =	ssettag $0x2  }
0x34: {  	s0 =	rddreg [dreg:$0x0];
	s2 =	stileid.u32  }
0x35: {  	s1 =	rddreg [dreg:$0x1];
	p0 =	sne.s32 s2, $0x0  }
0x36: {  	s3 =	rddreg [dreg:$0x2];
	[bflag:$0x3] =	sbarrier.arrive $0xFFFF;
	s2 =	simm.s32 @!p0 $0x1C01  }
0x37: {  	[timem:s3], [sflag:s2] =	dma.local @!p0 [hbm:s0], s1  }
0x38: {  	s0 =	simm.s32 @!p0 $0x1  }
0x39: {  	_ =	swait.ge @!p0 [sflag:s0], s1  }
0x3a: {  	s1 =	ssub.s32 @!p0 $0x0, s1;
	[sflag:s0] =	ssyncset.done @!p0 $0x0  }
0x3b: {  	[sflag:s0] =	ssyncadd.s32 @!p0 s1  }
0x3c: {  	[bflag:$0x3] =	sbarrier.arrive $0xFFFF  }
0x3d: {  	_ =	shalt  }

// kernel: kernel.17.cloned.1.call-start
scs
__scs_entry_jumppad:
0x0: {  	(pc) =	sbr.rel $0x88, $3  }
0x1: {  	(tag) =	ssettag $0x0;
	lr =	simm.s32 $0x1  }
0x2: {  	[smem:$0x3F95] =	sst lr;
	_ =	strace $0xD0000000  }
0x3: {  	_ = 	snop  }
0x4: {  	_ = 	snop  }
0x5: {  	_ = 	snop  }
0x6: {  	_ = 	snop  }
0x7: {  	_ = 	snop  }
__scs_overlays_trampoline_lowered:
0x8: {  	[smem:$0x3FA4] =	sst s0  }
0x9: {  	[smem:$0x3FA5] =	sst s1  }
0xa: {  	[smem:$0x3FA6] =	sst s2  }
0xb: {  	[smem:$0x3FA7] =	sst s3  }
0xc: {  	[smem:$0x3FA8] =	sst s4  }
0xd: {  	[smem:$0x3FA9] =	sst s5  }
0xe: {  	[smem:$0x3FAA] =	sst s6  }
0xf: {  	[smem:$0x3FAB] =	sst s7  }
0x10: {  	[smem:$0x3FAC] =	sst s8  }
0x11: {  	[smem:$0x3FAD] =	sst s9;
	s0 =	simm.s32 @!p0 $0x0  }
0x12: {  	s1 =	sld [smem:$0x3F93];
	s0 =	simm.s32 @p0 $0x1  }
0x13: {  	[smem:$0x3FAE] =	sst s0;
	s0 =	simm.s32 @!p1 $0x0  }
0x14: {  	s2 =	sld [smem:$0x3F92];
	s0 =	simm.s32 @p1 $0x1  }
0x15: {  	[smem:$0x3FAF] =	sst s0;
	s0 =	simm.s32 @!p2 $0x0  }
0x16: {  	s3 =	sld [smem:$0x3FDB];
	s0 =	simm.s32 @p2 $0x1  }
0x17: {  	s4 =	simm.s32 $0x1BF5;
	[smem:$0x3FB1] =	sst s0  }
0x18: {  	s0 =	sld [smem:$0x3F94];
	_ =	swait.ge [sflag:s4], $0x0  }
0x19: {  	s7 =	sld [smem:$0x3F95]  }
0x1a: {  	s8 =	sadd.s32 $0xFFFFE003, lr  }
0x1b: {  	s9 =	sadd.s32 $0xFFFFFEF7, lr;
	s5 =	simm.s32 $0xFFFFFFFF;
	p2 =	slt.u32 s8, $0xFFFFF086  }
0x1c: {  	p1 =	slt.u32 s9, $0xF7A;
	s5 =	simm.s32 @!p2 $0x0  }
0x1d: {  	s5 =	simm.s32 @p1 $0x1;
	p0 =	seq.s32 s7, s2  }
0x1e: {  	s7 =	smul.u32 @!p0 $0xF7A, s2;
	p2 =	seq.s32 @!p0 s5, $0x0  }
0x1f: {  	s9 =	smul.u32 $0xF7A, s1;
	s8 =	simm.s32 @!p0 $0x1BF5;
	p2 =	por !p2, p0  }
0x20: {  	[sflag:s8] =	ssyncset.s32 @!p0 $0xFFFFF086;
	s6 =	sadd.s32 @!p0 s3, s7;
	s7 =	simm.s32 @!p0 $0x108  }
0x21: {  	s3 =	sadd.s32 s3, s9;
	s6 =	sadd.s32 @!p0 $0x88, s6;
	s7 =	simm.s32 @p2 $0x1082  }
0x22: {  	[simem:s7], [sflag:s8] =	dma.local @!p0 [hbm:s6], $0xF7A  }
0x23: {  	s9 =	sor.u32 $0xD0000000, s2;
	s6 =	simm.s32 $0x108;
	_ =	swait.ge @!p0 [sflag:s8], $0x0  }
0x24: {  	s3 =	sadd.s32 $0x88, s3;
	s6 =	simm.s32 @!p1 $0x1082;
	[sflag:s4] =	ssyncset.s32 $0xFFFFF086  }
0x25: {  	[simem:s6], [sflag:s4] =	dma.local [hbm:s3], $0xF7A  }
0x26: {  	[smem:$0x3F95] =	sst s1;
	(tag) =	ssettag s2;
	_ =	strace s9  }
0x27: {  	s1 =	sld [smem:$0x3FA5]  }
0x28: {  	s2 =	sld [smem:$0x3FA6]  }
0x29: {  	s4 =	sld [smem:$0x3FA8]  }
0x2a: {  	p0 =	seq.s32 s5, $0x0;
	s5 =	sld [smem:$0x3FA9]  }
0x2b: {  	s6 =	sld [smem:$0x3FAA]  }
0x2c: {  	s7 =	sld [smem:$0x3FAB]  }
0x2d: {  	s3 =	simm.s32 $0x108;
	s8 =	sld [smem:$0x3FAC]  }
0x2e: {  	s3 =	simm.s32 @!p0 $0x1082;
	s9 =	sld [smem:$0x3FAD]  }
0x2f: {  	lr =	sadd.s32 s0, s3;
	s0 =	sld [smem:$0x3FA4]  }
0x30: {  	s3 =	sld [smem:$0x3FA7]  }
0x31: {  	[smem:$0x3FB0] =	sst s10  }
0x32: {  	s10 =	sld [smem:$0x3FAE];
	_ =	sdelay $0x3  }
0x33: {  	p0 =	seq.s32 s10, $0x1;
	s10 =	sld [smem:$0x3FB0];
	_ =	sdelay $0x3  }
0x34: {  	[smem:$0x3FB0] =	sst s10  }
0x35: {  	s10 =	sld [smem:$0x3FAF];
	_ =	sdelay $0x3  }
0x36: {  	p1 =	seq.s32 s10, $0x1;
	s10 =	sld [smem:$0x3FB0];
	_ =	sdelay $0x3  }
0x37: {  	[smem:$0x3FB0] =	sst s10  }
0x38: {  	s10 =	sld [smem:$0x3FB1]  }
0x39: {  	_ = 	snop;
	(pc) =	sbr.ind lr, $3  }
0x3a: {  	_ = 	snop  }
0x3b: {  	_ = 	snop  }
0x3c: {  	p2 =	seq.s32 s10, $0x1;
	s10 =	sld [smem:$0x3FB0]  }
0x3d: {  	_ =	shalt  }
0x3e: {  	_ =	shalt  }
0x3f: {  	_ =	shalt  }
0x40: {  	_ =	shalt  }
0x41: {  	_ =	shalt  }
0x42: {  	_ =	shalt  }
0x43: {  	_ =	shalt  }
0x44: {  	_ =	shalt  }
0x45: {  	_ =	shalt  }
0x46: {  	_ =	shalt  }
0x47: {  	_ =	shalt  }
0x48: {  	_ =	shalt  }
0x49: {  	_ =	shalt  }
0x4a: {  	_ =	shalt  }
0x4b: {  	_ =	shalt  }
0x4c: {  	_ =	shalt  }
0x4d: {  	_ =	shalt  }
0x4e: {  	_ =	shalt  }
0x4f: {  	_ =	shalt  }
0x50: {  	_ =	shalt  }
0x51: {  	_ =	shalt  }
0x52: {  	_ =	shalt  }
0x53: {  	_ =	shalt  }
0x54: {  	_ =	shalt  }
0x55: {  	_ =	shalt  }
0x56: {  	_ =	shalt  }
0x57: {  	_ =	shalt  }
0x58: {  	_ =	shalt  }
0x59: {  	_ =	shalt  }
0x5a: {  	_ =	shalt  }
0x5b: {  	_ =	shalt  }
0x5c: {  	_ =	shalt  }
0x5d: {  	_ =	shalt  }
0x5e: {  	_ =	shalt  }
0x5f: {  	_ =	shalt  }
0x60: {  	_ =	shalt  }
0x61: {  	_ =	shalt  }
0x62: {  	_ =	shalt  }
0x63: {  	_ =	shalt  }
0x64: {  	_ =	shalt  }
0x65: {  	_ =	shalt  }
0x66: {  	_ =	shalt  }
0x67: {  	_ =	shalt  }
0x68: {  	_ =	shalt  }
0x69: {  	_ =	shalt  }
0x6a: {  	_ =	shalt  }
0x6b: {  	_ =	shalt  }
0x6c: {  	_ =	shalt  }
0x6d: {  	_ =	shalt  }
0x6e: {  	_ =	shalt  }
0x6f: {  	_ =	shalt  }
0x70: {  	_ =	shalt  }
0x71: {  	_ =	shalt  }
0x72: {  	_ =	shalt  }
0x73: {  	_ =	shalt  }
0x74: {  	_ =	shalt  }
0x75: {  	_ =	shalt  }
0x76: {  	_ =	shalt  }
0x77: {  	_ =	shalt  }
0x78: {  	_ =	shalt  }
0x79: {  	_ =	shalt  }
0x7a: {  	_ =	shalt  }
0x7b: {  	_ =	shalt  }
0x7c: {  	_ =	shalt  }
0x7d: {  	_ =	shalt  }
0x7e: {  	_ =	shalt  }
0x7f: {  	_ =	shalt  }
0x80: {  	_ =	shalt  }
0x81: {  	_ =	shalt  }
0x82: {  	_ =	shalt  }
0x83: {  	_ =	shalt  }
0x84: {  	_ =	shalt  }
0x85: {  	_ =	shalt  }
0x86: {  	_ =	shalt  }
0x87: {  	_ =	shalt  }
.Lfunc_end0:
.L_simem_size_0:
called_computation.1_lowered:
.L_overlay_start_0:
0x88: {  	s2 =	sld [smem:$0x3FD9]  }
0x89: {  	s3 =	sld [smem:$0x3FFE];
	_ =	sdelay $0x1  }
0x8a: {  	s1 =	srdreg.scid  }
0x8b: {  	s0 =	sand.u32 $0x1, s1  }
0x8c: {  	s17 =	sshll.u32 s0, $0xA;
	s2 =	sadd.s32 s3, s2  }
0x8d: {  	s2 =	sadd.s32 s2, s17  }
0x8e: {  	[smem:$0x3FBC] =	sst s2  }
0x8f: {  	_ = 	snop  }
0x90: {  	s2 =	sld [smem:$0x3FD0];
	(tm) =	ssettm $0x1  }
0x91: {  	s18 =	sld [smem:$0x3FFB];
	_ =	sdelay $0x3  }
0x92: {  	_ =	strace s18  }
0x93: {  	s3 =	sld [smem:$0x3FFC];
	_ =	sdelay $0x3  }
0x94: {  	_ =	strace s3  }
0x95: {  	s3 =	sld [smem:$0x3FFD];
	_ =	sdelay $0x3  }
0x96: {  	_ =	strace s3  }
0x97: {  	_ =	strace $0x8FFFFFFF  }
0x98: {  	s19 =	sld [smem:$0x3FDB];
	_ =	sdelay $0x1  }
0x99: {  	s4 =	simm.s32 $_scs_section_size  }
0x9a: {  	s5 =	simm.s32 $_size__tile_overlayer_lowered;
	s6 =	simm.s32 $_tile_overlayer_lowered  }
0x9b: {  	s22 =	simm.s32 $0x1BFF;
	s21 =	sshll.u32 s6, $0x1;
	s3 =	sadd.s32 s4, s19  }
0x9c: {  	s7 =	simm.s32 $0x0;
	s20 =	sshll.u32 s5, $0x1;
	s5 =	sadd.s32 s21, s3  }
0x9d: {  	[timem:s7], [sflag:s22] =	dma.local [hbm:s5], s20  }
0x9e: {  	_ =	swait.ge [sflag:s22], s20  }
0x9f: {  	s4 =	ssub.s32 $0x0, s20;
	[sflag:s22] =	ssyncset.done $0x0  }
0xa0: {  	[sflag:s22] =	ssyncadd.s32 s4;
	_ =	sdelay $0x1  }
0xa1: {  	s23 =	simm.s32 $0x1B8B  }
0xa2: {  	_ =	swait.ge [sflag:s23], $0x1  }
0xa3: {  	[sflag:s23] =	ssyncset.done $0x0  }
0xa4: {  	s25 =	simm.s32 $0x1B8E;
	s24 =	sld [smem:$0x3FFE];
	[sflag:s23] =	ssyncadd.s32 $0xFFFFFFFF  }
0xa5: {  	s26 =	simm.s32 $execute0_lowered;
	[smem:$0x3FD2] =	sst s25  }
0xa6: {  	s5 =	sshll.u32 s26, $0x1;
	_ =	strace $0x80000049;
	[dreg:$0x1] =	wrdreg $0xFFFFFFFF  }
0xa7: {  	s28 =	simm.s32 $_size_execute0_lowered;
	s3 =	sadd.s32 s3, s5;
	[dreg:$0x0] =	wrdreg $0x0  }
0xa8: {  	s5 =	sshll.u32 s28, $0x1;
	[dreg:$0x2] =	wrdreg s3  }
0xa9: {  	[dreg:$0x3] =	wrdreg s5  }
0xaa: {  	[dreg:$0x4] =	wrdreg $0xC0  }
0xab: {  	_ =	task [dreg:s7], $0x5FFFF  }
0xac: {  	[dreg:$0x1] =	wrdreg $0xFFFFFFFF  }
0xad: {  	[dreg:$0x0] =	wrdreg $0x60  }
0xae: {  	[dreg:$0x2] =	wrdreg s2  }
0xaf: {  	[dreg:$0x3] =	wrdreg s24  }
0xb0: {  	[dreg:$0x4] =	wrdreg $0x120000  }
0xb1: {  	[dreg:$0x5] =	wrdreg $0x9  }
0xb2: {  	_ =	task.clear_ibuf [dreg:s7], $0x6FFFF;
	_ =	strace $0x90000049  }
0xb3: {  	s29 =	simm.s32 $0x9;
	_ =	strace $0x8000004B  }
0xb4: {  	_ =	swait.ge [sflag:s29], $0x1  }
0xb5: {  	[sflag:s29] =	ssyncadd.s32 $0xFFFFFFFF  }
0xb6: {  	_ =	strace $0x9000004B  }
0xb7: {  	_ =	sfence  }
0xb8: {  	s30 =	sld [smem:$0x0];
	_ =	sdelay $0x2  }
0xb9: {  	s31 =	sshll.u32 s1, $0xD;
	s1 =	sshrl.u32 s1, $0x2  }
0xba: {  	s3 =	sand.u32 $0x4000, s31;
	s1 =	sadd.s32 s1, s30  }
0xbb: {  	s0 =	sor.u32 s3, s0;
	s1 =	sshll.u32 s1, $0x11  }
0xbc: {  	s0 =	sor.u32 s1, s0  }
0xbd: {  	s0 =	sadd.s32 $0x8F2B, s0  }
0xbe: {  	[sflag:s0] =	ssyncadd.remote.s32 $0x1  }
0xbf: {  	_ =	sfence.sel $0xFFFF  }
0xc0: {  	[dreg:$0x0] =	wrdreg $0xFFFFFFFF;
	(pc) =	sbr.abs _section_cstart, $3  }
0xc1: {  	[dreg:$0x1] =	wrdreg $0xFFFFFFFF  }
0xc2: {  	_ =	task.clear_ibuf [dreg:s7], $0x2FFFF;
	_ =	strace $0x9FFFFFFF  }
0xc3: {  	(tm) =	ssettm $0x7FFFFFFF  }
tec
execute0_lowered:
.L_overlay_start_1:
0x0: {  	(tag) =	ssettag $0x1  }
0x1: {  	s0 =	rddreg [dreg:$0x0]  }
0x2: {  	s1 =	rddreg [dreg:$0x1]  }
0x3: {  	s2 =	rddreg [dreg:$0x2]  }
0x4: {  	s11 =	stileid.u32;
	s4 =	srdreg.scid  }
0x5: {  	s3 =	simm.s32 $0x0;
	s12 =	simm.s32 $0x9;
	s13 =	simm.s32 $0x5000  }
0x6: {  	s14 =	simm.s32 $0x80;
	s15 =	simm.s32 $0xA000;
	s16 =	simm.s32 $0xC000  }
0x7: {  	s18 =	simm.s32 $0xE000;
	s20 =	simm.s32 $0x10000;
	s21 =	simm.s32 $0x1  }
0x8: {  	s22 =	simm.s32 $0x2;
	s29 =	simm.s32 $0x6;
	s31 =	simm.s32 $0x4  }
0x9: {  	s19 =	simm.s32 $0x8;
	s23 =	simm.s32 $0x0;
	s5 =	smul.u32 $0xA000, s11  }
0xa: {  	s4 =	sand.u32 $0x1, s4;
	[smem:$0x7FF] =	sst s3;
	s8 =	smul.u32 $0xA00, s11  }
0xb: {  	s25 =	sshll.u32 s11, $0x6;
	s6 =	smul.u32 $0xA0000, s4;
	_ =	strace $0x8000004A  }
0xc: {  	s9 =	ssub.s32 $0x2, s4;
	s26 =	smul.u32 $0x13880, s4;
	s7 =	sshrl.u32 s5, $0x3  }
0xd: {  	s8 =	sadd.s32 s8, s1;
	s24 =	sshrl.u32 s9, $0x1;
	s28 =	sadd.s32 s5, s2  }
0xe: {  	s6 =	sadd.s32 s5, s6;
	s7 =	sadd.s32 s7, s1;
	s10 =	ssub.s32 s9, s24  }
.Ltmp0:
0xf: {  	s5 =	sor.u32 $0x1C09, s25;
	s11 =	sshrl.u32 s28, $0x3;
	(pc) =	sbr.rel .LBB2_1-.Ltmp0, $4  }
0x10: {  	s24 =	simm.s32 $0x5;
	s6 =	sshrl.u32 s6, $0x3;
	s30 =	sadd.s32 $0x5B800, s7  }
0x11: {  	s7 =	sadd.s32 $0x3600, s8;
	s10 =	smax.u32 s10, $0x1;
	s1 =	sadd.s32 s6, s1  }
0x12: {  	[dreg:$0x4] =	wrdreg s30;
	s6 =	sadd.s32 $0x85600, s8;
	s8 =	sadd.s32 s0, s26  }
0x13: {  	s26 =	simm.s32 $0x3;
	s9 =	sadd.s32 $0x8F600, s1;
	s1 =	simm.s32 $0x7  }
.LBB2_4:
0x14: {  	_ =	swait.ge [sflag:s19], $0x2000  }
0x15: {  	s23 =	sadd.s32 $0x1, s23;
	[sflag:s19] =	ssyncset.done $0x0  }
0x16: {  	p0 =	sne.s32 s23, s10;
	[sflag:s19] =	ssyncadd.s32 $0xFFFFE000  }
.Ltmp1:
0x17: {  	[bflag:$0x0] =	sbarrier.arrive $0xFFFF;
	(pc) =	sbr.rel @!p0 .LBB2_5-.Ltmp1, $4  }
0x18: {  	[hbm:s9], [sflag:s5] =	dma.local [spmem:s11], $0x1400  }
0x19: {  	_ =	swait.ge [sflag:s12], $0x1400  }
0x1a: {  	[sflag:s12] =	ssyncset.done $0x0  }
0x1b: {  	[sflag:s12] =	ssyncadd.s32 $0xFFFFEC00  }
.LBB2_1:
0x1c: {  	s0 =	rddreg [dreg:$0x4]  }
0x1d: {  	[spmem:s11], [sflag:s5] =	dma.local [hbm:s0], $0x1400  }
0x1e: {  	_ =	swait.ge [sflag:s12], $0x1400  }
0x1f: {  	[sflag:s12] =	ssyncset.done $0x0  }
0x20: {  	[sflag:s12] =	ssyncadd.s32 $0xFFFFEC00  }
0x21: {  	[tilespmem:s3], [sflag:$0x9] =	stream.linear.gather [hbm4b:s6+s3], $0x5000, $0x38;
	[tilespmem:$0x1C000] =	vst v63  }
0x22: {  	_ =	swait.ge [sflag:s12], $0x5000  }
0x23: {  	[sflag:s12] =	ssyncset.done $0x0  }
0x24: {  	[sflag:s12] =	ssyncadd.s32 $0xFFFFB000  }
0x25: {  	[tilespmem:s13], [sflag:$0x9] =	stream.linear.gather [hbm4b:s7+s3], $0x5000, $0x38;
	[tilespmem:$0x1C000] =	vst v63  }
0x26: {  	_ =	swait.ge [sflag:s12], $0x5000  }
0x27: {  	[sflag:s12] =	ssyncset.done $0x0  }
0x28: {  	[sflag:s12] =	ssyncadd.s32 $0xFFFFB000  }
0x29: {  	[bflag:$0x0] =	sbarrier.arrive $0xFFFF  }
0x2a: {  	[tilespmem:s15], [sflag:$0x1] =	stream.indirect.gather [hbm4b:s8+s14], $0x40, s3, s14, $0xb8;
	[tilespmem:$0x1C000] =	vst v63  }
0x2b: {  	_ = 	snop  }
0x2c: {  	[tilespmem:s16], [sflag:$0x2] =	stream.indirect.gather [hbm4b:s8+s14], $0x40, s14, s14, $0xb8;
	[tilespmem:$0x1C000] =	vst v63  }
0x2d: {  	s25 =	simm.s32 $0x100  }
0x2e: {  	[tilespmem:s18], [sflag:$0x3] =	stream.indirect.gather [hbm4b:s8+s14], $0x40, s25, s14, $0xb8;
	[tilespmem:$0x1C000] =	vst v63  }
0x2f: {  	s28 =	simm.s32 $0x180  }
0x30: {  	[tilespmem:s20], [sflag:$0x4] =	stream.indirect.gather [hbm4b:s8+s14], $0x40, s28, s14, $0xb8;
	[tilespmem:$0x1C000] =	vst v63  }
0x31: {  	_ =	swait.ge [sflag:s21], $0x2000  }
0x32: {  	[sflag:s21] =	ssyncset.done $0x0  }
0x33: {  	[sflag:s21] =	ssyncadd.s32 $0xFFFFE000  }
0x34: {  	[spmem:s2] =	stream.indirect.scatter.add.f32 [tilespmem:s15], [sflag:$0x5], $0x40, s13, s14, $0xb8;
	[tilespmem:$0x1C000] =	vst v63  }
0x35: {  	_ =	swait.ge [sflag:s22], $0x2000  }
0x36: {  	[sflag:s22] =	ssyncset.done $0x0  }
0x37: {  	s30 =	simm.s32 $0x5080;
	[sflag:s22] =	ssyncadd.s32 $0xFFFFE000  }
0x38: {  	[spmem:s2] =	stream.indirect.scatter.add.f32 [tilespmem:s16], [sflag:$0x6], $0x40, s30, s14, $0xb8;
	[tilespmem:$0x1C000] =	vst v63  }
0x39: {  	_ =	swait.ge [sflag:s24], $0x2000  }
0x3a: {  	[sflag:s24] =	ssyncset.done $0x0  }
0x3b: {  	s4 =	simm.s32 $0x200;
	[sflag:s24] =	ssyncadd.s32 $0xFFFFE000  }
0x3c: {  	[tilespmem:s15], [sflag:$0x1] =	stream.indirect.gather [hbm4b:s8+s14], $0x40, s4, s14, $0xb8;
	[tilespmem:$0x1C000] =	vst v63  }
0x3d: {  	_ =	swait.ge [sflag:s26], $0x2000  }
0x3e: {  	[sflag:s26] =	ssyncset.done $0x0  }
0x3f: {  	s17 =	simm.s32 $0x5100;
	[sflag:s26] =	ssyncadd.s32 $0xFFFFE000  }
0x40: {  	[spmem:s2] =	stream.indirect.scatter.add.f32 [tilespmem:s18], [sflag:$0x7], $0x40, s17, s14, $0xb8;
	[tilespmem:$0x1C000] =	vst v63  }
0x41: {  	_ =	swait.ge [sflag:s29], $0x2000  }
0x42: {  	[sflag:s29] =	ssyncset.done $0x0  }
0x43: {  	s25 =	simm.s32 $0x280;
	[sflag:s29] =	ssyncadd.s32 $0xFFFFE000  }
0x44: {  	[tilespmem:s16], [sflag:$0x2] =	stream.indirect.gather [hbm4b:s8+s14], $0x40, s25, s14, $0xb8;
	[tilespmem:$0x1C000] =	vst v63  }
0x45: {  	_ =	swait.ge [sflag:s31], $0x2000  }
0x46: {  	[sflag:s31] =	ssyncset.done $0x0  }
0x47: {  	s28 =	simm.s32 $0x5180;
	[sflag:s31] =	ssyncadd.s32 $0xFFFFE000  }
0x48: {  	[spmem:s2] =	stream.indirect.scatter.add.f32 [tilespmem:s20], [sflag:$0x8], $0x40, s28, s14, $0xb8;
	[tilespmem:$0x1C000] =	vst v63  }
0x49: {  	_ =	swait.ge [sflag:s1], $0x2000  }
0x4a: {  	[sflag:s1] =	ssyncset.done $0x0  }
0x4b: {  	s30 =	simm.s32 $0x300;
	s25 =	simm.s32 $0x0;
	[sflag:s1] =	ssyncadd.s32 $0xFFFFE000  }
0x4c: {  	[tilespmem:s18], [sflag:$0x3] =	stream.indirect.gather [hbm4b:s8+s14], $0x40, s30, s14, $0xb8;
	[tilespmem:$0x1C000] =	vst v63  }
.LBB2_2:
0x4d: {  	_ =	swait.ge [sflag:s21], $0x2000  }
0x4e: {  	s28 =	sshra.s32 s25, $0x2;
	[sflag:s21] =	ssyncset.done $0x0  }
0x4f: {  	s30 =	sadd.s32 $0x5200, s28;
	[sflag:s21] =	ssyncadd.s32 $0xFFFFE000  }
0x50: {  	[spmem:s2] =	stream.indirect.scatter.add.f32 [tilespmem:s15], [sflag:$0x5], $0x40, s30, s14, $0xb8;
	[tilespmem:$0x1C000] =	vst v63  }
0x51: {  	_ =	swait.ge [sflag:s19], $0x2000  }
0x52: {  	[sflag:s19] =	ssyncset.done $0x0  }
0x53: {  	s4 =	sadd.s32 $0x380, s28;
	[sflag:s19] =	ssyncadd.s32 $0xFFFFE000  }
0x54: {  	[tilespmem:s20], [sflag:$0x4] =	stream.indirect.gather [hbm4b:s8+s14], $0x40, s4, s14, $0xb8;
	[tilespmem:$0x1C000] =	vst v63  }
0x55: {  	_ =	swait.ge [sflag:s22], $0x2000  }
0x56: {  	[sflag:s22] =	ssyncset.done $0x0  }
0x57: {  	s17 =	sadd.s32 $0x5280, s28;
	[sflag:s22] =	ssyncadd.s32 $0xFFFFE000  }
0x58: {  	[spmem:s2] =	stream.indirect.scatter.add.f32 [tilespmem:s16], [sflag:$0x6], $0x40, s17, s14, $0xb8;
	[tilespmem:$0x1C000] =	vst v63  }
0x59: {  	_ =	swait.ge [sflag:s24], $0x2000  }
0x5a: {  	p0 =	seq.s32 s25, $0x13000;
	[sflag:s24] =	ssyncset.done $0x0  }
0x5b: {  	s30 =	simm.s32 @p0 $0x3;
	[sflag:s24] =	ssyncadd.s32 $0xFFFFE000  }
0x5c: {  	_ =	swait.ge @p0 [sflag:s30], $0x2000  }
0x5d: {  	[sflag:s30] =	ssyncset.done @p0 $0x0  }
0x5e: {  	[sflag:s30] =	ssyncadd.s32 @p0 $0xFFFFE000;
	s30 =	sshra.s32 @p0 s25, $0x2  }
0x5f: {  	s0 =	simm.s32 @p0 $0x80;
	s17 =	simm.s32 @p0 $0xE000;
	s30 =	sadd.s32 @p0 $0x5300, s30  }
0x60: {  	[spmem:s2] =	stream.indirect.scatter.add.f32 @p0 [tilespmem:s17], [sflag:$0x7], $0x40, s30, s0, $0xb8;
	[tilespmem:$0x1C000] =	vst v63  }
0x61: {  	s0 =	simm.s32 @p0 $0x6  }
0x62: {  	_ =	swait.ge @p0 [sflag:s0], $0x2000  }
0x63: {  	[sflag:s0] =	ssyncset.done @p0 $0x0  }
0x64: {  	[sflag:s0] =	ssyncadd.s32 @p0 $0xFFFFE000;
	s0 =	sshra.s32 @!p0 s25, $0x2  }
0x65: {  	s4 =	simm.s32 @!p0 $0xA000;
	s30 =	simm.s32 @!p0 $0x80;
	s17 =	sadd.s32 @!p0 $0x400, s0  }
0x66: {  	[tilespmem:s4], [sflag:$0x1] =	stream.indirect.gather @!p0 [hbm4b:s8+s30], $0x40, s17, s30, $0xb8;
	[tilespmem:$0x1C000] =	vst v63  }
0x67: {  	s4 =	simm.s32 @!p0 $0x3  }
0x68: {  	_ =	swait.ge @!p0 [sflag:s4], $0x2000  }
0x69: {  	[sflag:s4] =	ssyncset.done @!p0 $0x0  }
0x6a: {  	s17 =	simm.s32 @!p0 $0xE000;
	[sflag:s4] =	ssyncadd.s32 @!p0 $0xFFFFE000;
	s4 =	sadd.s32 @!p0 $0x5300, s0  }
0x6b: {  	[spmem:s2] =	stream.indirect.scatter.add.f32 @!p0 [tilespmem:s17], [sflag:$0x7], $0x40, s4, s30, $0xb8;
	[tilespmem:$0x1C000] =	vst v63  }
0x6c: {  	s4 =	simm.s32 @!p0 $0x6  }
0x6d: {  	_ =	swait.ge @!p0 [sflag:s4], $0x2000  }
0x6e: {  	[sflag:s4] =	ssyncset.done @!p0 $0x0  }
0x6f: {  	s0 =	sadd.s32 @!p0 $0x480, s0;
	[sflag:s4] =	ssyncadd.s32 @!p0 $0xFFFFE000;
	s4 =	simm.s32 @!p0 $0xC000  }
0x70: {  	[tilespmem:s4], [sflag:$0x2] =	stream.indirect.gather @!p0 [hbm4b:s8+s30], $0x40, s0, s30, $0xb8;
	[tilespmem:$0x1C000] =	vst v63  }
0x71: {  	_ =	swait.ge [sflag:s31], $0x2000  }
0x72: {  	[sflag:s31] =	ssyncset.done $0x0  }
.Ltmp2:
0x73: {  	s30 =	sadd.s32 $0x5380, s28;
	[sflag:s31] =	ssyncadd.s32 $0xFFFFE000;
	(pc) =	sbr.rel @p0 .LBB2_4-.Ltmp2, $4  }
0x74: {  	[spmem:s2] =	stream.indirect.scatter.add.f32 [tilespmem:s20], [sflag:$0x8], $0x40, s30, s14, $0xb8;
	[tilespmem:$0x1C000] =	vst v63  }
0x75: {  	_ =	swait.ge [sflag:s1], $0x2000  }
0x76: {  	[sflag:s1] =	ssyncset.done $0x0  }
0x77: {  	[sflag:s1] =	ssyncadd.s32 $0xFFFFE000  }
.Ltmp3:
0x78: {  	(pc) =	sbr.rel .LBB2_2-.Ltmp3, $3  }
0x79: {  	_ =	sdelay $0x1  }
0x7a: {  	s0 =	sadd.s32 $0x500, s28;
	s25 =	sadd.s32 $0x800, s25  }
0x7b: {  	[tilespmem:s18], [sflag:$0x3] =	stream.indirect.gather [hbm4b:s8+s14], $0x40, s0, s14, $0xb8;
	[tilespmem:$0x1C000] =	vst v63  }
.LBB2_5:
0x7c: {  	_ =	sfence.sel $0x180000  }
0x7d: {  	[bflag:$0x0] =	sbarrier.arrive $0xFFFF  }
0x7e: {  	_ =	strace $0x9000004A  }
0x7f: {  	s0 =	stileid.u32;
	[bflag:$0x2] =	sbarrier.arrive $0xFFFF  }
0x80: {  	p0 =	sne.s32 s0, $0x0;
	s0 =	rddreg [dreg:$0x3]  }
0x81: {  	s0 =	sadd.s32 @!p0 $0x100000, s0  }
0x82: {  	[sflag:s0] =	ssyncadd.tile.s32 @!p0 $0x1;
	_ =	shalt  }
.Lfunc_end2:
_tile_overlayer_lowered:
.L_overlay_start_2:
0x83: {  	(tag) =	ssettag $0x2  }
0x84: {  	s0 =	rddreg [dreg:$0x0];
	s2 =	stileid.u32  }
0x85: {  	s1 =	rddreg [dreg:$0x1];
	p0 =	sne.s32 s2, $0x0  }
0x86: {  	s3 =	rddreg [dreg:$0x2];
	[bflag:$0x3] =	sbarrier.arrive $0xFFFF;
	s2 =	simm.s32 @!p0 $0x1C09  }
0x87: {  	[timem:s3], [sflag:s2] =	dma.local @!p0 [hbm:s0], s1  }
0x88: {  	s0 =	simm.s32 @!p0 $0x9  }
0x89: {  	_ =	swait.ge @!p0 [sflag:s0], s1  }
0x8a: {  	s1 =	ssub.s32 @!p0 $0x0, s1;
	[sflag:s0] =	ssyncset.done @!p0 $0x0  }
0x8b: {  	[sflag:s0] =	ssyncadd.s32 @!p0 s1  }
0x8c: {  	[bflag:$0x3] =	sbarrier.arrive $0xFFFF  }
0x8d: {  	_ =	shalt  }

// kernel: kernel.20.cloned.1.call-start
scs
__scs_entry_jumppad:
0x0: {  	(pc) =	sbr.rel $0x88, $3  }
0x1: {  	(tag) =	ssettag $0x0;
	lr =	simm.s32 $0x1  }
0x2: {  	[smem:$0x3F95] =	sst lr;
	_ =	strace $0xD0000000  }
0x3: {  	_ = 	snop  }
0x4: {  	_ = 	snop  }
0x5: {  	_ = 	snop  }
0x6: {  	_ = 	snop  }
0x7: {  	_ = 	snop  }
__scs_overlays_trampoline_lowered:
0x8: {  	[smem:$0x3FA4] =	sst s0  }
0x9: {  	[smem:$0x3FA5] =	sst s1  }
0xa: {  	[smem:$0x3FA6] =	sst s2  }
0xb: {  	[smem:$0x3FA7] =	sst s3  }
0xc: {  	[smem:$0x3FA8] =	sst s4  }
0xd: {  	[smem:$0x3FA9] =	sst s5  }
0xe: {  	[smem:$0x3FAA] =	sst s6  }
0xf: {  	[smem:$0x3FAB] =	sst s7  }
0x10: {  	[smem:$0x3FAC] =	sst s8  }
0x11: {  	[smem:$0x3FAD] =	sst s9;
	s0 =	simm.s32 @!p0 $0x0  }
0x12: {  	s1 =	sld [smem:$0x3F93];
	s0 =	simm.s32 @p0 $0x1  }
0x13: {  	[smem:$0x3FAE] =	sst s0;
	s0 =	simm.s32 @!p1 $0x0  }
0x14: {  	s2 =	sld [smem:$0x3F92];
	s0 =	simm.s32 @p1 $0x1  }
0x15: {  	[smem:$0x3FAF] =	sst s0;
	s0 =	simm.s32 @!p2 $0x0  }
0x16: {  	s3 =	sld [smem:$0x3FDB];
	s0 =	simm.s32 @p2 $0x1  }
0x17: {  	s4 =	simm.s32 $0x1BF5;
	[smem:$0x3FB1] =	sst s0  }
0x18: {  	s0 =	sld [smem:$0x3F94];
	_ =	swait.ge [sflag:s4], $0x0  }
0x19: {  	s7 =	sld [smem:$0x3F95]  }
0x1a: {  	s8 =	sadd.s32 $0xFFFFE003, lr  }
0x1b: {  	s9 =	sadd.s32 $0xFFFFFEF7, lr;
	s5 =	simm.s32 $0xFFFFFFFF;
	p2 =	slt.u32 s8, $0xFFFFF086  }
0x1c: {  	p1 =	slt.u32 s9, $0xF7A;
	s5 =	simm.s32 @!p2 $0x0  }
0x1d: {  	s5 =	simm.s32 @p1 $0x1;
	p0 =	seq.s32 s7, s2  }
0x1e: {  	s7 =	smul.u32 @!p0 $0xF7A, s2;
	p2 =	seq.s32 @!p0 s5, $0x0  }
0x1f: {  	s9 =	smul.u32 $0xF7A, s1;
	s8 =	simm.s32 @!p0 $0x1BF5;
	p2 =	por !p2, p0  }
0x20: {  	[sflag:s8] =	ssyncset.s32 @!p0 $0xFFFFF086;
	s6 =	sadd.s32 @!p0 s3, s7;
	s7 =	simm.s32 @!p0 $0x108  }
0x21: {  	s3 =	sadd.s32 s3, s9;
	s6 =	sadd.s32 @!p0 $0x88, s6;
	s7 =	simm.s32 @p2 $0x1082  }
0x22: {  	[simem:s7], [sflag:s8] =	dma.local @!p0 [hbm:s6], $0xF7A  }
0x23: {  	s9 =	sor.u32 $0xD0000000, s2;
	s6 =	simm.s32 $0x108;
	_ =	swait.ge @!p0 [sflag:s8], $0x0  }
0x24: {  	s3 =	sadd.s32 $0x88, s3;
	s6 =	simm.s32 @!p1 $0x1082;
	[sflag:s4] =	ssyncset.s32 $0xFFFFF086  }
0x25: {  	[simem:s6], [sflag:s4] =	dma.local [hbm:s3], $0xF7A  }
0x26: {  	[smem:$0x3F95] =	sst s1;
	(tag) =	ssettag s2;
	_ =	strace s9  }
0x27: {  	s1 =	sld [smem:$0x3FA5]  }
0x28: {  	s2 =	sld [smem:$0x3FA6]  }
0x29: {  	s4 =	sld [smem:$0x3FA8]  }
0x2a: {  	p0 =	seq.s32 s5, $0x0;
	s5 =	sld [smem:$0x3FA9]  }
0x2b: {  	s6 =	sld [smem:$0x3FAA]  }
0x2c: {  	s7 =	sld [smem:$0x3FAB]  }
0x2d: {  	s3 =	simm.s32 $0x108;
	s8 =	sld [smem:$0x3FAC]  }
0x2e: {  	s3 =	simm.s32 @!p0 $0x1082;
	s9 =	sld [smem:$0x3FAD]  }
0x2f: {  	lr =	sadd.s32 s0, s3;
	s0 =	sld [smem:$0x3FA4]  }
0x30: {  	s3 =	sld [smem:$0x3FA7]  }
0x31: {  	[smem:$0x3FB0] =	sst s10  }
0x32: {  	s10 =	sld [smem:$0x3FAE];
	_ =	sdelay $0x3  }
0x33: {  	p0 =	seq.s32 s10, $0x1;
	s10 =	sld [smem:$0x3FB0];
	_ =	sdelay $0x3  }
0x34: {  	[smem:$0x3FB0] =	sst s10  }
0x35: {  	s10 =	sld [smem:$0x3FAF];
	_ =	sdelay $0x3  }
0x36: {  	p1 =	seq.s32 s10, $0x1;
	s10 =	sld [smem:$0x3FB0];
	_ =	sdelay $0x3  }
0x37: {  	[smem:$0x3FB0] =	sst s10  }
0x38: {  	s10 =	sld [smem:$0x3FB1]  }
0x39: {  	_ = 	snop;
	(pc) =	sbr.ind lr, $3  }
0x3a: {  	_ = 	snop  }
0x3b: {  	_ = 	snop  }
0x3c: {  	p2 =	seq.s32 s10, $0x1;
	s10 =	sld [smem:$0x3FB0]  }
0x3d: {  	_ =	shalt  }
0x3e: {  	_ =	shalt  }
0x3f: {  	_ =	shalt  }
0x40: {  	_ =	shalt  }
0x41: {  	_ =	shalt  }
0x42: {  	_ =	shalt  }
0x43: {  	_ =	shalt  }
0x44: {  	_ =	shalt  }
0x45: {  	_ =	shalt  }
0x46: {  	_ =	shalt  }
0x47: {  	_ =	shalt  }
0x48: {  	_ =	shalt  }
0x49: {  	_ =	shalt  }
0x4a: {  	_ =	shalt  }
0x4b: {  	_ =	shalt  }
0x4c: {  	_ =	shalt  }
0x4d: {  	_ =	shalt  }
0x4e: {  	_ =	shalt  }
0x4f: {  	_ =	shalt  }
0x50: {  	_ =	shalt  }
0x51: {  	_ =	shalt  }
0x52: {  	_ =	shalt  }
0x53: {  	_ =	shalt  }
0x54: {  	_ =	shalt  }
0x55: {  	_ =	shalt  }
0x56: {  	_ =	shalt  }
0x57: {  	_ =	shalt  }
0x58: {  	_ =	shalt  }
0x59: {  	_ =	shalt  }
0x5a: {  	_ =	shalt  }
0x5b: {  	_ =	shalt  }
0x5c: {  	_ =	shalt  }
0x5d: {  	_ =	shalt  }
0x5e: {  	_ =	shalt  }
0x5f: {  	_ =	shalt  }
0x60: {  	_ =	shalt  }
0x61: {  	_ =	shalt  }
0x62: {  	_ =	shalt  }
0x63: {  	_ =	shalt  }
0x64: {  	_ =	shalt  }
0x65: {  	_ =	shalt  }
0x66: {  	_ =	shalt  }
0x67: {  	_ =	shalt  }
0x68: {  	_ =	shalt  }
0x69: {  	_ =	shalt  }
0x6a: {  	_ =	shalt  }
0x6b: {  	_ =	shalt  }
0x6c: {  	_ =	shalt  }
0x6d: {  	_ =	shalt  }
0x6e: {  	_ =	shalt  }
0x6f: {  	_ =	shalt  }
0x70: {  	_ =	shalt  }
0x71: {  	_ =	shalt  }
0x72: {  	_ =	shalt  }
0x73: {  	_ =	shalt  }
0x74: {  	_ =	shalt  }
0x75: {  	_ =	shalt  }
0x76: {  	_ =	shalt  }
0x77: {  	_ =	shalt  }
0x78: {  	_ =	shalt  }
0x79: {  	_ =	shalt  }
0x7a: {  	_ =	shalt  }
0x7b: {  	_ =	shalt  }
0x7c: {  	_ =	shalt  }
0x7d: {  	_ =	shalt  }
0x7e: {  	_ =	shalt  }
0x7f: {  	_ =	shalt  }
0x80: {  	_ =	shalt  }
0x81: {  	_ =	shalt  }
0x82: {  	_ =	shalt  }
0x83: {  	_ =	shalt  }
0x84: {  	_ =	shalt  }
0x85: {  	_ =	shalt  }
0x86: {  	_ =	shalt  }
0x87: {  	_ =	shalt  }
.Lfunc_end0:
.L_simem_size_0:
called_computation.2_lowered:
.L_overlay_start_0:
0x88: {  	s2 =	sld [smem:$0x3FD9]  }
0x89: {  	s3 =	sld [smem:$0x3FFE];
	_ =	sdelay $0x1  }
0x8a: {  	s1 =	srdreg.scid  }
0x8b: {  	s0 =	sand.u32 $0x1, s1  }
0x8c: {  	s17 =	sshll.u32 s0, $0xA;
	s2 =	sadd.s32 s3, s2  }
0x8d: {  	s2 =	sadd.s32 s2, s17  }
0x8e: {  	[smem:$0x3FBC] =	sst s2  }
0x8f: {  	_ = 	snop  }
0x90: {  	s2 =	sld [smem:$0x3FD0];
	(tm) =	ssettm $0x1  }
0x91: {  	s18 =	sld [smem:$0x3FFB];
	_ =	sdelay $0x3  }
0x92: {  	_ =	strace s18  }
0x93: {  	s3 =	sld [smem:$0x3FFC];
	_ =	sdelay $0x3  }
0x94: {  	_ =	strace s3  }
0x95: {  	s3 =	sld [smem:$0x3FFD];
	_ =	sdelay $0x3  }
0x96: {  	_ =	strace s3  }
0x97: {  	_ =	strace $0x8FFFFFFF  }
0x98: {  	s19 =	sld [smem:$0x3FDB];
	_ =	sdelay $0x1  }
0x99: {  	s4 =	simm.s32 $_scs_section_size  }
0x9a: {  	s5 =	simm.s32 $_size__tile_overlayer_lowered;
	s6 =	simm.s32 $_tile_overlayer_lowered  }
0x9b: {  	s22 =	simm.s32 $0x1BFF;
	s21 =	sshll.u32 s6, $0x1;
	s3 =	sadd.s32 s4, s19  }
0x9c: {  	s7 =	simm.s32 $0x0;
	s20 =	sshll.u32 s5, $0x1;
	s5 =	sadd.s32 s21, s3  }
0x9d: {  	[timem:s7], [sflag:s22] =	dma.local [hbm:s5], s20  }
0x9e: {  	_ =	swait.ge [sflag:s22], s20  }
0x9f: {  	s4 =	ssub.s32 $0x0, s20;
	[sflag:s22] =	ssyncset.done $0x0  }
0xa0: {  	[sflag:s22] =	ssyncadd.s32 s4;
	_ =	sdelay $0x1  }
0xa1: {  	s23 =	simm.s32 $0x1B8B  }
0xa2: {  	_ =	swait.ge [sflag:s23], $0x1  }
0xa3: {  	[sflag:s23] =	ssyncset.done $0x0  }
0xa4: {  	s25 =	simm.s32 $0x1B8E;
	s24 =	sld [smem:$0x3FFE];
	[sflag:s23] =	ssyncadd.s32 $0xFFFFFFFF  }
0xa5: {  	s26 =	simm.s32 $execute0_lowered;
	[smem:$0x3FD2] =	sst s25  }
0xa6: {  	s5 =	sshll.u32 s26, $0x1;
	_ =	strace $0x8000004C;
	[dreg:$0x1] =	wrdreg $0xFFFFFFFF  }
0xa7: {  	s28 =	simm.s32 $_size_execute0_lowered;
	s3 =	sadd.s32 s3, s5;
	[dreg:$0x0] =	wrdreg $0x0  }
0xa8: {  	s5 =	sshll.u32 s28, $0x1;
	[dreg:$0x2] =	wrdreg s3  }
0xa9: {  	[dreg:$0x3] =	wrdreg s5  }
0xaa: {  	[dreg:$0x4] =	wrdreg $0xC0  }
0xab: {  	_ =	task [dreg:s7], $0x5FFFF  }
0xac: {  	[dreg:$0x1] =	wrdreg $0xFFFFFFFF  }
0xad: {  	[dreg:$0x0] =	wrdreg $0x60  }
0xae: {  	[dreg:$0x2] =	wrdreg s2  }
0xaf: {  	[dreg:$0x3] =	wrdreg s24  }
0xb0: {  	[dreg:$0x4] =	wrdreg $0x120000  }
0xb1: {  	[dreg:$0x5] =	wrdreg $0x9  }
0xb2: {  	_ =	task.clear_ibuf [dreg:s7], $0x6FFFF;
	_ =	strace $0x9000004C  }
0xb3: {  	s29 =	simm.s32 $0x9;
	_ =	strace $0x8000004E  }
0xb4: {  	_ =	swait.ge [sflag:s29], $0x1  }
0xb5: {  	[sflag:s29] =	ssyncadd.s32 $0xFFFFFFFF  }
0xb6: {  	_ =	strace $0x9000004E  }
0xb7: {  	_ =	sfence  }
0xb8: {  	s30 =	sld [smem:$0x0];
	_ =	sdelay $0x2  }
0xb9: {  	s31 =	sshll.u32 s1, $0xD;
	s1 =	sshrl.u32 s1, $0x2  }
0xba: {  	s3 =	sand.u32 $0x4000, s31;
	s1 =	sadd.s32 s1, s30  }
0xbb: {  	s0 =	sor.u32 s3, s0;
	s1 =	sshll.u32 s1, $0x11  }
0xbc: {  	s0 =	sor.u32 s1, s0  }
0xbd: {  	s0 =	sadd.s32 $0x8F2B, s0  }
0xbe: {  	[sflag:s0] =	ssyncadd.remote.s32 $0x1  }
0xbf: {  	_ =	sfence.sel $0xFFFF  }
0xc0: {  	[dreg:$0x0] =	wrdreg $0xFFFFFFFF;
	(pc) =	sbr.abs _section_cstart, $3  }
0xc1: {  	[dreg:$0x1] =	wrdreg $0xFFFFFFFF  }
0xc2: {  	_ =	task.clear_ibuf [dreg:s7], $0x2FFFF;
	_ =	strace $0x9FFFFFFF  }
0xc3: {  	(tm) =	ssettm $0x7FFFFFFF  }
tec
execute0_lowered:
.L_overlay_start_1:
0x0: {  	(tag) =	ssettag $0x1  }
0x1: {  	s0 =	rddreg [dreg:$0x0]  }
0x2: {  	s1 =	rddreg [dreg:$0x1]  }
0x3: {  	s2 =	rddreg [dreg:$0x2]  }
0x4: {  	s11 =	stileid.u32;
	s4 =	srdreg.scid  }
0x5: {  	s3 =	simm.s32 $0x0;
	s12 =	simm.s32 $0x9;
	s13 =	simm.s32 $0x5000  }
0x6: {  	s14 =	simm.s32 $0x80;
	s15 =	simm.s32 $0xA000;
	s16 =	simm.s32 $0xC000  }
0x7: {  	s18 =	simm.s32 $0xE000;
	s20 =	simm.s32 $0x10000;
	s21 =	simm.s32 $0x1  }
0x8: {  	s22 =	simm.s32 $0x2;
	s29 =	simm.s32 $0x6;
	s31 =	simm.s32 $0x4  }
0x9: {  	s19 =	simm.s32 $0x8;
	s23 =	simm.s32 $0x0;
	s5 =	smul.u32 $0xA000, s11  }
0xa: {  	s4 =	sand.u32 $0x1, s4;
	[smem:$0x7FF] =	sst s3;
	s8 =	smul.u32 $0xA00, s11  }
0xb: {  	s25 =	sshll.u32 s11, $0x6;
	s6 =	smul.u32 $0xA0000, s4;
	_ =	strace $0x8000004D  }
0xc: {  	s9 =	ssub.s32 $0x2, s4;
	s26 =	smul.u32 $0x13880, s4;
	s7 =	sshrl.u32 s5, $0x3  }
0xd: {  	s8 =	sadd.s32 s8, s1;
	s24 =	sshrl.u32 s9, $0x1;
	s28 =	sadd.s32 s5, s2  }
0xe: {  	s6 =	sadd.s32 s5, s6;
	s7 =	sadd.s32 s7, s1;
	s10 =	ssub.s32 s9, s24  }
.Ltmp0:
0xf: {  	s5 =	sor.u32 $0x1C09, s25;
	s11 =	sshrl.u32 s28, $0x3;
	(pc) =	sbr.rel .LBB2_1-.Ltmp0, $4  }
0x10: {  	s24 =	simm.s32 $0x5;
	s6 =	sshrl.u32 s6, $0x3;
	s30 =	sadd.s32 $0x5B800, s7  }
0x11: {  	s7 =	sadd.s32 $0x3600, s8;
	s10 =	smax.u32 s10, $0x1;
	s1 =	sadd.s32 s6, s1  }
0x12: {  	[dreg:$0x4] =	wrdreg s30;
	s6 =	sadd.s32 $0x85600, s8;
	s8 =	sadd.s32 s0, s26  }
0x13: {  	s26 =	simm.s32 $0x3;
	s9 =	sadd.s32 $0x8F600, s1;
	s1 =	simm.s32 $0x7  }
.LBB2_4:
0x14: {  	_ =	swait.ge [sflag:s19], $0x2000  }
0x15: {  	s23 =	sadd.s32 $0x1, s23;
	[sflag:s19] =	ssyncset.done $0x0  }
0x16: {  	p0 =	sne.s32 s23, s10;
	[sflag:s19] =	ssyncadd.s32 $0xFFFFE000  }
.Ltmp1:
0x17: {  	[bflag:$0x0] =	sbarrier.arrive $0xFFFF;
	(pc) =	sbr.rel @!p0 .LBB2_5-.Ltmp1, $4  }
0x18: {  	[hbm:s9], [sflag:s5] =	dma.local [spmem:s11], $0x1400  }
0x19: {  	_ =	swait.ge [sflag:s12], $0x1400  }
0x1a: {  	[sflag:s12] =	ssyncset.done $0x0  }
0x1b: {  	[sflag:s12] =	ssyncadd.s32 $0xFFFFEC00  }
.LBB2_1:
0x1c: {  	s0 =	rddreg [dreg:$0x4]  }
0x1d: {  	[spmem:s11], [sflag:s5] =	dma.local [hbm:s0], $0x1400  }
0x1e: {  	_ =	swait.ge [sflag:s12], $0x1400  }
0x1f: {  	[sflag:s12] =	ssyncset.done $0x0  }
0x20: {  	[sflag:s12] =	ssyncadd.s32 $0xFFFFEC00  }
0x21: {  	[tilespmem:s3], [sflag:$0x9] =	stream.linear.gather [hbm4b:s6+s3], $0x5000, $0x38;
	[tilespmem:$0x1C000] =	vst v63  }
0x22: {  	_ =	swait.ge [sflag:s12], $0x5000  }
0x23: {  	[sflag:s12] =	ssyncset.done $0x0  }
0x24: {  	[sflag:s12] =	ssyncadd.s32 $0xFFFFB000  }
0x25: {  	[tilespmem:s13], [sflag:$0x9] =	stream.linear.gather [hbm4b:s7+s3], $0x5000, $0x38;
	[tilespmem:$0x1C000] =	vst v63  }
0x26: {  	_ =	swait.ge [sflag:s12], $0x5000  }
0x27: {  	[sflag:s12] =	ssyncset.done $0x0  }
0x28: {  	[sflag:s12] =	ssyncadd.s32 $0xFFFFB000  }
0x29: {  	[bflag:$0x0] =	sbarrier.arrive $0xFFFF  }
0x2a: {  	[tilespmem:s15], [sflag:$0x1] =	stream.indirect.gather [hbm4b:s8+s14], $0x40, s3, s14, $0xb8;
	[tilespmem:$0x1C000] =	vst v63  }
0x2b: {  	_ = 	snop  }
0x2c: {  	[tilespmem:s16], [sflag:$0x2] =	stream.indirect.gather [hbm4b:s8+s14], $0x40, s14, s14, $0xb8;
	[tilespmem:$0x1C000] =	vst v63  }
0x2d: {  	s25 =	simm.s32 $0x100  }
0x2e: {  	[tilespmem:s18], [sflag:$0x3] =	stream.indirect.gather [hbm4b:s8+s14], $0x40, s25, s14, $0xb8;
	[tilespmem:$0x1C000] =	vst v63  }
0x2f: {  	s28 =	simm.s32 $0x180  }
0x30: {  	[tilespmem:s20], [sflag:$0x4] =	stream.indirect.gather [hbm4b:s8+s14], $0x40, s28, s14, $0xb8;
	[tilespmem:$0x1C000] =	vst v63  }
0x31: {  	_ =	swait.ge [sflag:s21], $0x2000  }
0x32: {  	[sflag:s21] =	ssyncset.done $0x0  }
0x33: {  	[sflag:s21] =	ssyncadd.s32 $0xFFFFE000  }
0x34: {  	[spmem:s2] =	stream.indirect.scatter.add.f32 [tilespmem:s15], [sflag:$0x5], $0x40, s13, s14, $0xb8;
	[tilespmem:$0x1C000] =	vst v63  }
0x35: {  	_ =	swait.ge [sflag:s22], $0x2000  }
0x36: {  	[sflag:s22] =	ssyncset.done $0x0  }
0x37: {  	s30 =	simm.s32 $0x5080;
	[sflag:s22] =	ssyncadd.s32 $0xFFFFE000  }
0x38: {  	[spmem:s2] =	stream.indirect.scatter.add.f32 [tilespmem:s16], [sflag:$0x6], $0x40, s30, s14, $0xb8;
	[tilespmem:$0x1C000] =	vst v63  }
0x39: {  	_ =	swait.ge [sflag:s24], $0x2000  }
0x3a: {  	[sflag:s24] =	ssyncset.done $0x0  }
0x3b: {  	s4 =	simm.s32 $0x200;
	[sflag:s24] =	ssyncadd.s32 $0xFFFFE000  }
0x3c: {  	[tilespmem:s15], [sflag:$0x1] =	stream.indirect.gather [hbm4b:s8+s14], $0x40, s4, s14, $0xb8;
	[tilespmem:$0x1C000] =	vst v63  }
0x3d: {  	_ =	swait.ge [sflag:s26], $0x2000  }
0x3e: {  	[sflag:s26] =	ssyncset.done $0x0  }
0x3f: {  	s17 =	simm.s32 $0x5100;
	[sflag:s26] =	ssyncadd.s32 $0xFFFFE000  }
0x40: {  	[spmem:s2] =	stream.indirect.scatter.add.f32 [tilespmem:s18], [sflag:$0x7], $0x40, s17, s14, $0xb8;
	[tilespmem:$0x1C000] =	vst v63  }
0x41: {  	_ =	swait.ge [sflag:s29], $0x2000  }
0x42: {  	[sflag:s29] =	ssyncset.done $0x0  }
0x43: {  	s25 =	simm.s32 $0x280;
	[sflag:s29] =	ssyncadd.s32 $0xFFFFE000  }
0x44: {  	[tilespmem:s16], [sflag:$0x2] =	stream.indirect.gather [hbm4b:s8+s14], $0x40, s25, s14, $0xb8;
	[tilespmem:$0x1C000] =	vst v63  }
0x45: {  	_ =	swait.ge [sflag:s31], $0x2000  }
0x46: {  	[sflag:s31] =	ssyncset.done $0x0  }
0x47: {  	s28 =	simm.s32 $0x5180;
	[sflag:s31] =	ssyncadd.s32 $0xFFFFE000  }
0x48: {  	[spmem:s2] =	stream.indirect.scatter.add.f32 [tilespmem:s20], [sflag:$0x8], $0x40, s28, s14, $0xb8;
	[tilespmem:$0x1C000] =	vst v63  }
0x49: {  	_ =	swait.ge [sflag:s1], $0x2000  }
0x4a: {  	[sflag:s1] =	ssyncset.done $0x0  }
0x4b: {  	s30 =	simm.s32 $0x300;
	s25 =	simm.s32 $0x0;
	[sflag:s1] =	ssyncadd.s32 $0xFFFFE000  }
0x4c: {  	[tilespmem:s18], [sflag:$0x3] =	stream.indirect.gather [hbm4b:s8+s14], $0x40, s30, s14, $0xb8;
	[tilespmem:$0x1C000] =	vst v63  }
.LBB2_2:
0x4d: {  	_ =	swait.ge [sflag:s21], $0x2000  }
0x4e: {  	s28 =	sshra.s32 s25, $0x2;
	[sflag:s21] =	ssyncset.done $0x0  }
0x4f: {  	s30 =	sadd.s32 $0x5200, s28;
	[sflag:s21] =	ssyncadd.s32 $0xFFFFE000  }
0x50: {  	[spmem:s2] =	stream.indirect.scatter.add.f32 [tilespmem:s15], [sflag:$0x5], $0x40, s30, s14, $0xb8;
	[tilespmem:$0x1C000] =	vst v63  }
0x51: {  	_ =	swait.ge [sflag:s19], $0x2000  }
0x52: {  	[sflag:s19] =	ssyncset.done $0x0  }
0x53: {  	s4 =	sadd.s32 $0x380, s28;
	[sflag:s19] =	ssyncadd.s32 $0xFFFFE000  }
0x54: {  	[tilespmem:s20], [sflag:$0x4] =	stream.indirect.gather [hbm4b:s8+s14], $0x40, s4, s14, $0xb8;
	[tilespmem:$0x1C000] =	vst v63  }
0x55: {  	_ =	swait.ge [sflag:s22], $0x2000  }
0x56: {  	[sflag:s22] =	ssyncset.done $0x0  }
0x57: {  	s17 =	sadd.s32 $0x5280, s28;
	[sflag:s22] =	ssyncadd.s32 $0xFFFFE000  }
0x58: {  	[spmem:s2] =	stream.indirect.scatter.add.f32 [tilespmem:s16], [sflag:$0x6], $0x40, s17, s14, $0xb8;
	[tilespmem:$0x1C000] =	vst v63  }
0x59: {  	_ =	swait.ge [sflag:s24], $0x2000  }
0x5a: {  	p0 =	seq.s32 s25, $0x13000;
	[sflag:s24] =	ssyncset.done $0x0  }
0x5b: {  	s30 =	simm.s32 @p0 $0x3;
	[sflag:s24] =	ssyncadd.s32 $0xFFFFE000  }
0x5c: {  	_ =	swait.ge @p0 [sflag:s30], $0x2000  }
0x5d: {  	[sflag:s30] =	ssyncset.done @p0 $0x0  }
0x5e: {  	[sflag:s30] =	ssyncadd.s32 @p0 $0xFFFFE000;
	s30 =	sshra.s32 @p0 s25, $0x2  }
0x5f: {  	s0 =	simm.s32 @p0 $0x80;
	s17 =	simm.s32 @p0 $0xE000;
	s30 =	sadd.s32 @p0 $0x5300, s30  }
0x60: {  	[spmem:s2] =	stream.indirect.scatter.add.f32 @p0 [tilespmem:s17], [sflag:$0x7], $0x40, s30, s0, $0xb8;
	[tilespmem:$0x1C000] =	vst v63  }
0x61: {  	s0 =	simm.s32 @p0 $0x6  }
0x62: {  	_ =	swait.ge @p0 [sflag:s0], $0x2000  }
0x63: {  	[sflag:s0] =	ssyncset.done @p0 $0x0  }
0x64: {  	[sflag:s0] =	ssyncadd.s32 @p0 $0xFFFFE000;
	s0 =	sshra.s32 @!p0 s25, $0x2  }
0x65: {  	s4 =	simm.s32 @!p0 $0xA000;
	s30 =	simm.s32 @!p0 $0x80;
	s17 =	sadd.s32 @!p0 $0x400, s0  }
0x66: {  	[tilespmem:s4], [sflag:$0x1] =	stream.indirect.gather @!p0 [hbm4b:s8+s30], $0x40, s17, s30, $0xb8;
	[tilespmem:$0x1C000] =	vst v63  }
0x67: {  	s4 =	simm.s32 @!p0 $0x3  }
0x68: {  	_ =	swait.ge @!p0 [sflag:s4], $0x2000  }
0x69: {  	[sflag:s4] =	ssyncset.done @!p0 $0x0  }
0x6a: {  	s17 =	simm.s32 @!p0 $0xE000;
	[sflag:s4] =	ssyncadd.s32 @!p0 $0xFFFFE000;
	s4 =	sadd.s32 @!p0 $0x5300, s0  }
0x6b: {  	[spmem:s2] =	stream.indirect.scatter.add.f32 @!p0 [tilespmem:s17], [sflag:$0x7], $0x40, s4, s30, $0xb8;
	[tilespmem:$0x1C000] =	vst v63  }
0x6c: {  	s4 =	simm.s32 @!p0 $0x6  }
0x6d: {  	_ =	swait.ge @!p0 [sflag:s4], $0x2000  }
0x6e: {  	[sflag:s4] =	ssyncset.done @!p0 $0x0  }
0x6f: {  	s0 =	sadd.s32 @!p0 $0x480, s0;
	[sflag:s4] =	ssyncadd.s32 @!p0 $0xFFFFE000;
	s4 =	simm.s32 @!p0 $0xC000  }
0x70: {  	[tilespmem:s4], [sflag:$0x2] =	stream.indirect.gather @!p0 [hbm4b:s8+s30], $0x40, s0, s30, $0xb8;
	[tilespmem:$0x1C000] =	vst v63  }
0x71: {  	_ =	swait.ge [sflag:s31], $0x2000  }
0x72: {  	[sflag:s31] =	ssyncset.done $0x0  }
.Ltmp2:
0x73: {  	s30 =	sadd.s32 $0x5380, s28;
	[sflag:s31] =	ssyncadd.s32 $0xFFFFE000;
	(pc) =	sbr.rel @p0 .LBB2_4-.Ltmp2, $4  }
0x74: {  	[spmem:s2] =	stream.indirect.scatter.add.f32 [tilespmem:s20], [sflag:$0x8], $0x40, s30, s14, $0xb8;
	[tilespmem:$0x1C000] =	vst v63  }
0x75: {  	_ =	swait.ge [sflag:s1], $0x2000  }
0x76: {  	[sflag:s1] =	ssyncset.done $0x0  }
0x77: {  	[sflag:s1] =	ssyncadd.s32 $0xFFFFE000  }
.Ltmp3:
0x78: {  	(pc) =	sbr.rel .LBB2_2-.Ltmp3, $3  }
0x79: {  	_ =	sdelay $0x1  }
0x7a: {  	s0 =	sadd.s32 $0x500, s28;
	s25 =	sadd.s32 $0x800, s25  }
0x7b: {  	[tilespmem:s18], [sflag:$0x3] =	stream.indirect.gather [hbm4b:s8+s14], $0x40, s0, s14, $0xb8;
	[tilespmem:$0x1C000] =	vst v63  }
.LBB2_5:
0x7c: {  	_ =	sfence.sel $0x180000  }
0x7d: {  	[bflag:$0x0] =	sbarrier.arrive $0xFFFF  }
0x7e: {  	_ =	strace $0x9000004D  }
0x7f: {  	s0 =	stileid.u32;
	[bflag:$0x2] =	sbarrier.arrive $0xFFFF  }
0x80: {  	p0 =	sne.s32 s0, $0x0;
	s0 =	rddreg [dreg:$0x3]  }
0x81: {  	s0 =	sadd.s32 @!p0 $0x100000, s0  }
0x82: {  	[sflag:s0] =	ssyncadd.tile.s32 @!p0 $0x1;
	_ =	shalt  }
.Lfunc_end2:
_tile_overlayer_lowered:
.L_overlay_start_2:
0x83: {  	(tag) =	ssettag $0x2  }
0x84: {  	s0 =	rddreg [dreg:$0x0];
	s2 =	stileid.u32  }
0x85: {  	s1 =	rddreg [dreg:$0x1];
	p0 =	sne.s32 s2, $0x0  }
0x86: {  	s3 =	rddreg [dreg:$0x2];
	[bflag:$0x3] =	sbarrier.arrive $0xFFFF;
	s2 =	simm.s32 @!p0 $0x1C09  }
0x87: {  	[timem:s3], [sflag:s2] =	dma.local @!p0 [hbm:s0], s1  }
0x88: {  	s0 =	simm.s32 @!p0 $0x9  }
0x89: {  	_ =	swait.ge @!p0 [sflag:s0], s1  }
0x8a: {  	s1 =	ssub.s32 @!p0 $0x0, s1;
	[sflag:s0] =	ssyncset.done @!p0 $0x0  }
0x8b: {  	[sflag:s0] =	ssyncadd.s32 @!p0 s1  }
0x8c: {  	[bflag:$0x3] =	sbarrier.arrive $0xFFFF  }
0x8d: {  	_ =	shalt  }

// kernel: kernel.23.cloned.1.call-start
scs
__scs_entry_jumppad:
0x0: {  	(pc) =	sbr.rel $0x88, $3  }
0x1: {  	(tag) =	ssettag $0x0;
	lr =	simm.s32 $0x1  }
0x2: {  	[smem:$0x3F95] =	sst lr;
	_ =	strace $0xD0000000  }
0x3: {  	_ = 	snop  }
0x4: {  	_ = 	snop  }
0x5: {  	_ = 	snop  }
0x6: {  	_ = 	snop  }
0x7: {  	_ = 	snop  }
__scs_overlays_trampoline_lowered:
0x8: {  	[smem:$0x3FA4] =	sst s0  }
0x9: {  	[smem:$0x3FA5] =	sst s1  }
0xa: {  	[smem:$0x3FA6] =	sst s2  }
0xb: {  	[smem:$0x3FA7] =	sst s3  }
0xc: {  	[smem:$0x3FA8] =	sst s4  }
0xd: {  	[smem:$0x3FA9] =	sst s5  }
0xe: {  	[smem:$0x3FAA] =	sst s6  }
0xf: {  	[smem:$0x3FAB] =	sst s7  }
0x10: {  	[smem:$0x3FAC] =	sst s8  }
0x11: {  	[smem:$0x3FAD] =	sst s9;
	s0 =	simm.s32 @!p0 $0x0  }
0x12: {  	s1 =	sld [smem:$0x3F93];
	s0 =	simm.s32 @p0 $0x1  }
0x13: {  	[smem:$0x3FAE] =	sst s0;
	s0 =	simm.s32 @!p1 $0x0  }
0x14: {  	s2 =	sld [smem:$0x3F92];
	s0 =	simm.s32 @p1 $0x1  }
0x15: {  	[smem:$0x3FAF] =	sst s0;
	s0 =	simm.s32 @!p2 $0x0  }
0x16: {  	s3 =	sld [smem:$0x3FDB];
	s0 =	simm.s32 @p2 $0x1  }
0x17: {  	s4 =	simm.s32 $0x1BF5;
	[smem:$0x3FB1] =	sst s0  }
0x18: {  	s0 =	sld [smem:$0x3F94];
	_ =	swait.ge [sflag:s4], $0x0  }
0x19: {  	s7 =	sld [smem:$0x3F95]  }
0x1a: {  	s8 =	sadd.s32 $0xFFFFE003, lr  }
0x1b: {  	s9 =	sadd.s32 $0xFFFFFEF7, lr;
	s5 =	simm.s32 $0xFFFFFFFF;
	p2 =	slt.u32 s8, $0xFFFFF086  }
0x1c: {  	p1 =	slt.u32 s9, $0xF7A;
	s5 =	simm.s32 @!p2 $0x0  }
0x1d: {  	s5 =	simm.s32 @p1 $0x1;
	p0 =	seq.s32 s7, s2  }
0x1e: {  	s7 =	smul.u32 @!p0 $0xF7A, s2;
	p2 =	seq.s32 @!p0 s5, $0x0  }
0x1f: {  	s9 =	smul.u32 $0xF7A, s1;
	s8 =	simm.s32 @!p0 $0x1BF5;
	p2 =	por !p2, p0  }
0x20: {  	[sflag:s8] =	ssyncset.s32 @!p0 $0xFFFFF086;
	s6 =	sadd.s32 @!p0 s3, s7;
	s7 =	simm.s32 @!p0 $0x108  }
0x21: {  	s3 =	sadd.s32 s3, s9;
	s6 =	sadd.s32 @!p0 $0x88, s6;
	s7 =	simm.s32 @p2 $0x1082  }
0x22: {  	[simem:s7], [sflag:s8] =	dma.local @!p0 [hbm:s6], $0xF7A  }
0x23: {  	s9 =	sor.u32 $0xD0000000, s2;
	s6 =	simm.s32 $0x108;
	_ =	swait.ge @!p0 [sflag:s8], $0x0  }
0x24: {  	s3 =	sadd.s32 $0x88, s3;
	s6 =	simm.s32 @!p1 $0x1082;
	[sflag:s4] =	ssyncset.s32 $0xFFFFF086  }
0x25: {  	[simem:s6], [sflag:s4] =	dma.local [hbm:s3], $0xF7A  }
0x26: {  	[smem:$0x3F95] =	sst s1;
	(tag) =	ssettag s2;
	_ =	strace s9  }
0x27: {  	s1 =	sld [smem:$0x3FA5]  }
0x28: {  	s2 =	sld [smem:$0x3FA6]  }
0x29: {  	s4 =	sld [smem:$0x3FA8]  }
0x2a: {  	p0 =	seq.s32 s5, $0x0;
	s5 =	sld [smem:$0x3FA9]  }
0x2b: {  	s6 =	sld [smem:$0x3FAA]  }
0x2c: {  	s7 =	sld [smem:$0x3FAB]  }
0x2d: {  	s3 =	simm.s32 $0x108;
	s8 =	sld [smem:$0x3FAC]  }
0x2e: {  	s3 =	simm.s32 @!p0 $0x1082;
	s9 =	sld [smem:$0x3FAD]  }
0x2f: {  	lr =	sadd.s32 s0, s3;
	s0 =	sld [smem:$0x3FA4]  }
0x30: {  	s3 =	sld [smem:$0x3FA7]  }
0x31: {  	[smem:$0x3FB0] =	sst s10  }
0x32: {  	s10 =	sld [smem:$0x3FAE];
	_ =	sdelay $0x3  }
0x33: {  	p0 =	seq.s32 s10, $0x1;
	s10 =	sld [smem:$0x3FB0];
	_ =	sdelay $0x3  }
0x34: {  	[smem:$0x3FB0] =	sst s10  }
0x35: {  	s10 =	sld [smem:$0x3FAF];
	_ =	sdelay $0x3  }
0x36: {  	p1 =	seq.s32 s10, $0x1;
	s10 =	sld [smem:$0x3FB0];
	_ =	sdelay $0x3  }
0x37: {  	[smem:$0x3FB0] =	sst s10  }
0x38: {  	s10 =	sld [smem:$0x3FB1]  }
0x39: {  	_ = 	snop;
	(pc) =	sbr.ind lr, $3  }
0x3a: {  	_ = 	snop  }
0x3b: {  	_ = 	snop  }
0x3c: {  	p2 =	seq.s32 s10, $0x1;
	s10 =	sld [smem:$0x3FB0]  }
0x3d: {  	_ =	shalt  }
0x3e: {  	_ =	shalt  }
0x3f: {  	_ =	shalt  }
0x40: {  	_ =	shalt  }
0x41: {  	_ =	shalt  }
0x42: {  	_ =	shalt  }
0x43: {  	_ =	shalt  }
0x44: {  	_ =	shalt  }
0x45: {  	_ =	shalt  }
0x46: {  	_ =	shalt  }
0x47: {  	_ =	shalt  }
0x48: {  	_ =	shalt  }
0x49: {  	_ =	shalt  }
0x4a: {  	_ =	shalt  }
0x4b: {  	_ =	shalt  }
0x4c: {  	_ =	shalt  }
0x4d: {  	_ =	shalt  }
0x4e: {  	_ =	shalt  }
0x4f: {  	_ =	shalt  }
0x50: {  	_ =	shalt  }
0x51: {  	_ =	shalt  }
0x52: {  	_ =	shalt  }
0x53: {  	_ =	shalt  }
0x54: {  	_ =	shalt  }
0x55: {  	_ =	shalt  }
0x56: {  	_ =	shalt  }
0x57: {  	_ =	shalt  }
0x58: {  	_ =	shalt  }
0x59: {  	_ =	shalt  }
0x5a: {  	_ =	shalt  }
0x5b: {  	_ =	shalt  }
0x5c: {  	_ =	shalt  }
0x5d: {  	_ =	shalt  }
0x5e: {  	_ =	shalt  }
0x5f: {  	_ =	shalt  }
0x60: {  	_ =	shalt  }
0x61: {  	_ =	shalt  }
0x62: {  	_ =	shalt  }
0x63: {  	_ =	shalt  }
0x64: {  	_ =	shalt  }
0x65: {  	_ =	shalt  }
0x66: {  	_ =	shalt  }
0x67: {  	_ =	shalt  }
0x68: {  	_ =	shalt  }
0x69: {  	_ =	shalt  }
0x6a: {  	_ =	shalt  }
0x6b: {  	_ =	shalt  }
0x6c: {  	_ =	shalt  }
0x6d: {  	_ =	shalt  }
0x6e: {  	_ =	shalt  }
0x6f: {  	_ =	shalt  }
0x70: {  	_ =	shalt  }
0x71: {  	_ =	shalt  }
0x72: {  	_ =	shalt  }
0x73: {  	_ =	shalt  }
0x74: {  	_ =	shalt  }
0x75: {  	_ =	shalt  }
0x76: {  	_ =	shalt  }
0x77: {  	_ =	shalt  }
0x78: {  	_ =	shalt  }
0x79: {  	_ =	shalt  }
0x7a: {  	_ =	shalt  }
0x7b: {  	_ =	shalt  }
0x7c: {  	_ =	shalt  }
0x7d: {  	_ =	shalt  }
0x7e: {  	_ =	shalt  }
0x7f: {  	_ =	shalt  }
0x80: {  	_ =	shalt  }
0x81: {  	_ =	shalt  }
0x82: {  	_ =	shalt  }
0x83: {  	_ =	shalt  }
0x84: {  	_ =	shalt  }
0x85: {  	_ =	shalt  }
0x86: {  	_ =	shalt  }
0x87: {  	_ =	shalt  }
.Lfunc_end0:
.L_simem_size_0:
called_computation.3_lowered:
.L_overlay_start_0:
0x88: {  	s2 =	sld [smem:$0x3FD9]  }
0x89: {  	s3 =	sld [smem:$0x3FFE];
	_ =	sdelay $0x1  }
0x8a: {  	s1 =	srdreg.scid  }
0x8b: {  	s0 =	sand.u32 $0x1, s1  }
0x8c: {  	s17 =	sshll.u32 s0, $0xA;
	s2 =	sadd.s32 s3, s2  }
0x8d: {  	s2 =	sadd.s32 s2, s17  }
0x8e: {  	[smem:$0x3FBC] =	sst s2  }
0x8f: {  	_ = 	snop  }
0x90: {  	s2 =	sld [smem:$0x3FD0];
	(tm) =	ssettm $0x1  }
0x91: {  	s18 =	sld [smem:$0x3FFB];
	_ =	sdelay $0x3  }
0x92: {  	_ =	strace s18  }
0x93: {  	s3 =	sld [smem:$0x3FFC];
	_ =	sdelay $0x3  }
0x94: {  	_ =	strace s3  }
0x95: {  	s3 =	sld [smem:$0x3FFD];
	_ =	sdelay $0x3  }
0x96: {  	_ =	strace s3  }
0x97: {  	_ =	strace $0x8FFFFFFF  }
0x98: {  	s19 =	sld [smem:$0x3FDB];
	_ =	sdelay $0x1  }
0x99: {  	s4 =	simm.s32 $_scs_section_size  }
0x9a: {  	s5 =	simm.s32 $_size__tile_overlayer_lowered;
	s6 =	simm.s32 $_tile_overlayer_lowered  }
0x9b: {  	s22 =	simm.s32 $0x1BFF;
	s21 =	sshll.u32 s6, $0x1;
	s3 =	sadd.s32 s4, s19  }
0x9c: {  	s7 =	simm.s32 $0x0;
	s20 =	sshll.u32 s5, $0x1;
	s5 =	sadd.s32 s21, s3  }
0x9d: {  	[timem:s7], [sflag:s22] =	dma.local [hbm:s5], s20  }
0x9e: {  	_ =	swait.ge [sflag:s22], s20  }
0x9f: {  	s4 =	ssub.s32 $0x0, s20;
	[sflag:s22] =	ssyncset.done $0x0  }
0xa0: {  	[sflag:s22] =	ssyncadd.s32 s4;
	_ =	sdelay $0x1  }
0xa1: {  	s23 =	simm.s32 $0x1B8B  }
0xa2: {  	_ =	swait.ge [sflag:s23], $0x1  }
0xa3: {  	[sflag:s23] =	ssyncset.done $0x0  }
0xa4: {  	s25 =	simm.s32 $0x1B8E;
	s24 =	sld [smem:$0x3FFE];
	[sflag:s23] =	ssyncadd.s32 $0xFFFFFFFF  }
0xa5: {  	s26 =	simm.s32 $execute0_lowered;
	[smem:$0x3FD2] =	sst s25  }
0xa6: {  	s5 =	sshll.u32 s26, $0x1;
	_ =	strace $0x8000004F;
	[dreg:$0x1] =	wrdreg $0xFFFFFFFF  }
0xa7: {  	s28 =	simm.s32 $_size_execute0_lowered;
	s3 =	sadd.s32 s3, s5;
	[dreg:$0x0] =	wrdreg $0x0  }
0xa8: {  	s5 =	sshll.u32 s28, $0x1;
	[dreg:$0x2] =	wrdreg s3  }
0xa9: {  	[dreg:$0x3] =	wrdreg s5  }
0xaa: {  	[dreg:$0x4] =	wrdreg $0xC0  }
0xab: {  	_ =	task [dreg:s7], $0x5FFFF  }
0xac: {  	[dreg:$0x1] =	wrdreg $0xFFFFFFFF  }
0xad: {  	[dreg:$0x0] =	wrdreg $0x60  }
0xae: {  	[dreg:$0x2] =	wrdreg s2  }
0xaf: {  	[dreg:$0x3] =	wrdreg s24  }
0xb0: {  	[dreg:$0x4] =	wrdreg $0x120000  }
0xb1: {  	[dreg:$0x5] =	wrdreg $0x9  }
0xb2: {  	_ =	task.clear_ibuf [dreg:s7], $0x6FFFF;
	_ =	strace $0x9000004F  }
0xb3: {  	s29 =	simm.s32 $0x9;
	_ =	strace $0x80000051  }
0xb4: {  	_ =	swait.ge [sflag:s29], $0x1  }
0xb5: {  	[sflag:s29] =	ssyncadd.s32 $0xFFFFFFFF  }
0xb6: {  	_ =	strace $0x90000051  }
0xb7: {  	_ =	sfence  }
0xb8: {  	s30 =	sld [smem:$0x0];
	_ =	sdelay $0x2  }
0xb9: {  	s31 =	sshll.u32 s1, $0xD;
	s1 =	sshrl.u32 s1, $0x2  }
0xba: {  	s3 =	sand.u32 $0x4000, s31;
	s1 =	sadd.s32 s1, s30  }
0xbb: {  	s0 =	sor.u32 s3, s0;
	s1 =	sshll.u32 s1, $0x11  }
0xbc: {  	s0 =	sor.u32 s1, s0  }
0xbd: {  	s0 =	sadd.s32 $0x8F2B, s0  }
0xbe: {  	[sflag:s0] =	ssyncadd.remote.s32 $0x1  }
0xbf: {  	_ =	sfence.sel $0xFFFF  }
0xc0: {  	[dreg:$0x0] =	wrdreg $0xFFFFFFFF;
	(pc) =	sbr.abs _section_cstart, $3  }
0xc1: {  	[dreg:$0x1] =	wrdreg $0xFFFFFFFF  }
0xc2: {  	_ =	task.clear_ibuf [dreg:s7], $0x2FFFF;
	_ =	strace $0x9FFFFFFF  }
0xc3: {  	(tm) =	ssettm $0x7FFFFFFF  }
tec
execute0_lowered:
.L_overlay_start_1:
0x0: {  	(tag) =	ssettag $0x1  }
0x1: {  	s0 =	rddreg [dreg:$0x0]  }
0x2: {  	s1 =	rddreg [dreg:$0x1]  }
0x3: {  	s2 =	rddreg [dreg:$0x2]  }
0x4: {  	s11 =	stileid.u32;
	s4 =	srdreg.scid  }
0x5: {  	s3 =	simm.s32 $0x0;
	s12 =	simm.s32 $0x9;
	s13 =	simm.s32 $0x5000  }
0x6: {  	s14 =	simm.s32 $0x80;
	s15 =	simm.s32 $0xA000;
	s16 =	simm.s32 $0xC000  }
0x7: {  	s18 =	simm.s32 $0xE000;
	s20 =	simm.s32 $0x10000;
	s21 =	simm.s32 $0x1  }
0x8: {  	s22 =	simm.s32 $0x2;
	s29 =	simm.s32 $0x6;
	s31 =	simm.s32 $0x4  }
0x9: {  	s19 =	simm.s32 $0x8;
	s23 =	simm.s32 $0x0;
	s5 =	smul.u32 $0xA000, s11  }
0xa: {  	s4 =	sand.u32 $0x1, s4;
	[smem:$0x7FF] =	sst s3;
	s8 =	smul.u32 $0xA00, s11  }
0xb: {  	s25 =	sshll.u32 s11, $0x6;
	s6 =	smul.u32 $0xA0000, s4;
	_ =	strace $0x80000050  }
0xc: {  	s9 =	ssub.s32 $0x2, s4;
	s26 =	smul.u32 $0x13880, s4;
	s7 =	sshrl.u32 s5, $0x3  }
0xd: {  	s8 =	sadd.s32 s8, s1;
	s24 =	sshrl.u32 s9, $0x1;
	s28 =	sadd.s32 s5, s2  }
0xe: {  	s6 =	sadd.s32 s5, s6;
	s7 =	sadd.s32 s7, s1;
	s10 =	ssub.s32 s9, s24  }
.Ltmp0:
0xf: {  	s5 =	sor.u32 $0x1C09, s25;
	s11 =	sshrl.u32 s28, $0x3;
	(pc) =	sbr.rel .LBB2_1-.Ltmp0, $4  }
0x10: {  	s24 =	simm.s32 $0x5;
	s6 =	sshrl.u32 s6, $0x3;
	s30 =	sadd.s32 $0x5B800, s7  }
0x11: {  	s7 =	sadd.s32 $0x3600, s8;
	s10 =	smax.u32 s10, $0x1;
	s1 =	sadd.s32 s6, s1  }
0x12: {  	[dreg:$0x4] =	wrdreg s30;
	s6 =	sadd.s32 $0x85600, s8;
	s8 =	sadd.s32 s0, s26  }
0x13: {  	s26 =	simm.s32 $0x3;
	s9 =	sadd.s32 $0x8F600, s1;
	s1 =	simm.s32 $0x7  }
.LBB2_4:
0x14: {  	_ =	swait.ge [sflag:s19], $0x2000  }
0x15: {  	s23 =	sadd.s32 $0x1, s23;
	[sflag:s19] =	ssyncset.done $0x0  }
0x16: {  	p0 =	sne.s32 s23, s10;
	[sflag:s19] =	ssyncadd.s32 $0xFFFFE000  }
.Ltmp1:
0x17: {  	[bflag:$0x0] =	sbarrier.arrive $0xFFFF;
	(pc) =	sbr.rel @!p0 .LBB2_5-.Ltmp1, $4  }
0x18: {  	[hbm:s9], [sflag:s5] =	dma.local [spmem:s11], $0x1400  }
0x19: {  	_ =	swait.ge [sflag:s12], $0x1400  }
0x1a: {  	[sflag:s12] =	ssyncset.done $0x0  }
0x1b: {  	[sflag:s12] =	ssyncadd.s32 $0xFFFFEC00  }
.LBB2_1:
0x1c: {  	s0 =	rddreg [dreg:$0x4]  }
0x1d: {  	[spmem:s11], [sflag:s5] =	dma.local [hbm:s0], $0x1400  }
0x1e: {  	_ =	swait.ge [sflag:s12], $0x1400  }
0x1f: {  	[sflag:s12] =	ssyncset.done $0x0  }
0x20: {  	[sflag:s12] =	ssyncadd.s32 $0xFFFFEC00  }
0x21: {  	[tilespmem:s3], [sflag:$0x9] =	stream.linear.gather [hbm4b:s6+s3], $0x5000, $0x38;
	[tilespmem:$0x1C000] =	vst v63  }
0x22: {  	_ =	swait.ge [sflag:s12], $0x5000  }
0x23: {  	[sflag:s12] =	ssyncset.done $0x0  }
0x24: {  	[sflag:s12] =	ssyncadd.s32 $0xFFFFB000  }
0x25: {  	[tilespmem:s13], [sflag:$0x9] =	stream.linear.gather [hbm4b:s7+s3], $0x5000, $0x38;
	[tilespmem:$0x1C000] =	vst v63  }
0x26: {  	_ =	swait.ge [sflag:s12], $0x5000  }
0x27: {  	[sflag:s12] =	ssyncset.done $0x0  }
0x28: {  	[sflag:s12] =	ssyncadd.s32 $0xFFFFB000  }
0x29: {  	[bflag:$0x0] =	sbarrier.arrive $0xFFFF  }
0x2a: {  	[tilespmem:s15], [sflag:$0x1] =	stream.indirect.gather [hbm4b:s8+s14], $0x40, s3, s14, $0xb8;
	[tilespmem:$0x1C000] =	vst v63  }
0x2b: {  	_ = 	snop  }
0x2c: {  	[tilespmem:s16], [sflag:$0x2] =	stream.indirect.gather [hbm4b:s8+s14], $0x40, s14, s14, $0xb8;
	[tilespmem:$0x1C000] =	vst v63  }
0x2d: {  	s25 =	simm.s32 $0x100  }
0x2e: {  	[tilespmem:s18], [sflag:$0x3] =	stream.indirect.gather [hbm4b:s8+s14], $0x40, s25, s14, $0xb8;
	[tilespmem:$0x1C000] =	vst v63  }
0x2f: {  	s28 =	simm.s32 $0x180  }
0x30: {  	[tilespmem:s20], [sflag:$0x4] =	stream.indirect.gather [hbm4b:s8+s14], $0x40, s28, s14, $0xb8;
	[tilespmem:$0x1C000] =	vst v63  }
0x31: {  	_ =	swait.ge [sflag:s21], $0x2000  }
0x32: {  	[sflag:s21] =	ssyncset.done $0x0  }
0x33: {  	[sflag:s21] =	ssyncadd.s32 $0xFFFFE000  }
0x34: {  	[spmem:s2] =	stream.indirect.scatter.add.f32 [tilespmem:s15], [sflag:$0x5], $0x40, s13, s14, $0xb8;
	[tilespmem:$0x1C000] =	vst v63  }
0x35: {  	_ =	swait.ge [sflag:s22], $0x2000  }
0x36: {  	[sflag:s22] =	ssyncset.done $0x0  }
0x37: {  	s30 =	simm.s32 $0x5080;
	[sflag:s22] =	ssyncadd.s32 $0xFFFFE000  }
0x38: {  	[spmem:s2] =	stream.indirect.scatter.add.f32 [tilespmem:s16], [sflag:$0x6], $0x40, s30, s14, $0xb8;
	[tilespmem:$0x1C000] =	vst v63  }
0x39: {  	_ =	swait.ge [sflag:s24], $0x2000  }
0x3a: {  	[sflag:s24] =	ssyncset.done $0x0  }
0x3b: {  	s4 =	simm.s32 $0x200;
	[sflag:s24] =	ssyncadd.s32 $0xFFFFE000  }
0x3c: {  	[tilespmem:s15], [sflag:$0x1] =	stream.indirect.gather [hbm4b:s8+s14], $0x40, s4, s14, $0xb8;
	[tilespmem:$0x1C000] =	vst v63  }
0x3d: {  	_ =	swait.ge [sflag:s26], $0x2000  }
0x3e: {  	[sflag:s26] =	ssyncset.done $0x0  }
0x3f: {  	s17 =	simm.s32 $0x5100;
	[sflag:s26] =	ssyncadd.s32 $0xFFFFE000  }
0x40: {  	[spmem:s2] =	stream.indirect.scatter.add.f32 [tilespmem:s18], [sflag:$0x7], $0x40, s17, s14, $0xb8;
	[tilespmem:$0x1C000] =	vst v63  }
0x41: {  	_ =	swait.ge [sflag:s29], $0x2000  }
0x42: {  	[sflag:s29] =	ssyncset.done $0x0  }
0x43: {  	s25 =	simm.s32 $0x280;
	[sflag:s29] =	ssyncadd.s32 $0xFFFFE000  }
0x44: {  	[tilespmem:s16], [sflag:$0x2] =	stream.indirect.gather [hbm4b:s8+s14], $0x40, s25, s14, $0xb8;
	[tilespmem:$0x1C000] =	vst v63  }
0x45: {  	_ =	swait.ge [sflag:s31], $0x2000  }
0x46: {  	[sflag:s31] =	ssyncset.done $0x0  }
0x47: {  	s28 =	simm.s32 $0x5180;
	[sflag:s31] =	ssyncadd.s32 $0xFFFFE000  }
0x48: {  	[spmem:s2] =	stream.indirect.scatter.add.f32 [tilespmem:s20], [sflag:$0x8], $0x40, s28, s14, $0xb8;
	[tilespmem:$0x1C000] =	vst v63  }
0x49: {  	_ =	swait.ge [sflag:s1], $0x2000  }
0x4a: {  	[sflag:s1] =	ssyncset.done $0x0  }
0x4b: {  	s30 =	simm.s32 $0x300;
	s25 =	simm.s32 $0x0;
	[sflag:s1] =	ssyncadd.s32 $0xFFFFE000  }
0x4c: {  	[tilespmem:s18], [sflag:$0x3] =	stream.indirect.gather [hbm4b:s8+s14], $0x40, s30, s14, $0xb8;
	[tilespmem:$0x1C000] =	vst v63  }
.LBB2_2:
0x4d: {  	_ =	swait.ge [sflag:s21], $0x2000  }
0x4e: {  	s28 =	sshra.s32 s25, $0x2;
	[sflag:s21] =	ssyncset.done $0x0  }
0x4f: {  	s30 =	sadd.s32 $0x5200, s28;
	[sflag:s21] =	ssyncadd.s32 $0xFFFFE000  }
0x50: {  	[spmem:s2] =	stream.indirect.scatter.add.f32 [tilespmem:s15], [sflag:$0x5], $0x40, s30, s14, $0xb8;
	[tilespmem:$0x1C000] =	vst v63  }
0x51: {  	_ =	swait.ge [sflag:s19], $0x2000  }
0x52: {  	[sflag:s19] =	ssyncset.done $0x0  }
0x53: {  	s4 =	sadd.s32 $0x380, s28;
	[sflag:s19] =	ssyncadd.s32 $0xFFFFE000  }
0x54: {  	[tilespmem:s20], [sflag:$0x4] =	stream.indirect.gather [hbm4b:s8+s14], $0x40, s4, s14, $0xb8;
	[tilespmem:$0x1C000] =	vst v63  }
0x55: {  	_ =	swait.ge [sflag:s22], $0x2000  }
0x56: {  	[sflag:s22] =	ssyncset.done $0x0  }
0x57: {  	s17 =	sadd.s32 $0x5280, s28;
	[sflag:s22] =	ssyncadd.s32 $0xFFFFE000  }
0x58: {  	[spmem:s2] =	stream.indirect.scatter.add.f32 [tilespmem:s16], [sflag:$0x6], $0x40, s17, s14, $0xb8;
	[tilespmem:$0x1C000] =	vst v63  }
0x59: {  	_ =	swait.ge [sflag:s24], $0x2000  }
0x5a: {  	p0 =	seq.s32 s25, $0x13000;
	[sflag:s24] =	ssyncset.done $0x0  }
0x5b: {  	s30 =	simm.s32 @p0 $0x3;
	[sflag:s24] =	ssyncadd.s32 $0xFFFFE000  }
0x5c: {  	_ =	swait.ge @p0 [sflag:s30], $0x2000  }
0x5d: {  	[sflag:s30] =	ssyncset.done @p0 $0x0  }
0x5e: {  	[sflag:s30] =	ssyncadd.s32 @p0 $0xFFFFE000;
	s30 =	sshra.s32 @p0 s25, $0x2  }
0x5f: {  	s0 =	simm.s32 @p0 $0x80;
	s17 =	simm.s32 @p0 $0xE000;
	s30 =	sadd.s32 @p0 $0x5300, s30  }
0x60: {  	[spmem:s2] =	stream.indirect.scatter.add.f32 @p0 [tilespmem:s17], [sflag:$0x7], $0x40, s30, s0, $0xb8;
	[tilespmem:$0x1C000] =	vst v63  }
0x61: {  	s0 =	simm.s32 @p0 $0x6  }
0x62: {  	_ =	swait.ge @p0 [sflag:s0], $0x2000  }
0x63: {  	[sflag:s0] =	ssyncset.done @p0 $0x0  }
0x64: {  	[sflag:s0] =	ssyncadd.s32 @p0 $0xFFFFE000;
	s0 =	sshra.s32 @!p0 s25, $0x2  }
0x65: {  	s4 =	simm.s32 @!p0 $0xA000;
	s30 =	simm.s32 @!p0 $0x80;
	s17 =	sadd.s32 @!p0 $0x400, s0  }
0x66: {  	[tilespmem:s4], [sflag:$0x1] =	stream.indirect.gather @!p0 [hbm4b:s8+s30], $0x40, s17, s30, $0xb8;
	[tilespmem:$0x1C000] =	vst v63  }
0x67: {  	s4 =	simm.s32 @!p0 $0x3  }
0x68: {  	_ =	swait.ge @!p0 [sflag:s4], $0x2000  }
0x69: {  	[sflag:s4] =	ssyncset.done @!p0 $0x0  }
0x6a: {  	s17 =	simm.s32 @!p0 $0xE000;
	[sflag:s4] =	ssyncadd.s32 @!p0 $0xFFFFE000;
	s4 =	sadd.s32 @!p0 $0x5300, s0  }
0x6b: {  	[spmem:s2] =	stream.indirect.scatter.add.f32 @!p0 [tilespmem:s17], [sflag:$0x7], $0x40, s4, s30, $0xb8;
	[tilespmem:$0x1C000] =	vst v63  }
0x6c: {  	s4 =	simm.s32 @!p0 $0x6  }
0x6d: {  	_ =	swait.ge @!p0 [sflag:s4], $0x2000  }
0x6e: {  	[sflag:s4] =	ssyncset.done @!p0 $0x0  }
0x6f: {  	s0 =	sadd.s32 @!p0 $0x480, s0;
	[sflag:s4] =	ssyncadd.s32 @!p0 $0xFFFFE000;
	s4 =	simm.s32 @!p0 $0xC000  }
0x70: {  	[tilespmem:s4], [sflag:$0x2] =	stream.indirect.gather @!p0 [hbm4b:s8+s30], $0x40, s0, s30, $0xb8;
	[tilespmem:$0x1C000] =	vst v63  }
0x71: {  	_ =	swait.ge [sflag:s31], $0x2000  }
0x72: {  	[sflag:s31] =	ssyncset.done $0x0  }
.Ltmp2:
0x73: {  	s30 =	sadd.s32 $0x5380, s28;
	[sflag:s31] =	ssyncadd.s32 $0xFFFFE000;
	(pc) =	sbr.rel @p0 .LBB2_4-.Ltmp2, $4  }
0x74: {  	[spmem:s2] =	stream.indirect.scatter.add.f32 [tilespmem:s20], [sflag:$0x8], $0x40, s30, s14, $0xb8;
	[tilespmem:$0x1C000] =	vst v63  }
0x75: {  	_ =	swait.ge [sflag:s1], $0x2000  }
0x76: {  	[sflag:s1] =	ssyncset.done $0x0  }
0x77: {  	[sflag:s1] =	ssyncadd.s32 $0xFFFFE000  }
.Ltmp3:
0x78: {  	(pc) =	sbr.rel .LBB2_2-.Ltmp3, $3  }
0x79: {  	_ =	sdelay $0x1  }
0x7a: {  	s0 =	sadd.s32 $0x500, s28;
	s25 =	sadd.s32 $0x800, s25  }
0x7b: {  	[tilespmem:s18], [sflag:$0x3] =	stream.indirect.gather [hbm4b:s8+s14], $0x40, s0, s14, $0xb8;
	[tilespmem:$0x1C000] =	vst v63  }
.LBB2_5:
0x7c: {  	_ =	sfence.sel $0x180000  }
0x7d: {  	[bflag:$0x0] =	sbarrier.arrive $0xFFFF  }
0x7e: {  	_ =	strace $0x90000050  }
0x7f: {  	s0 =	stileid.u32;
	[bflag:$0x2] =	sbarrier.arrive $0xFFFF  }
0x80: {  	p0 =	sne.s32 s0, $0x0;
	s0 =	rddreg [dreg:$0x3]  }
0x81: {  	s0 =	sadd.s32 @!p0 $0x100000, s0  }
0x82: {  	[sflag:s0] =	ssyncadd.tile.s32 @!p0 $0x1;
	_ =	shalt  }
.Lfunc_end2:
_tile_overlayer_lowered:
.L_overlay_start_2:
0x83: {  	(tag) =	ssettag $0x2  }
0x84: {  	s0 =	rddreg [dreg:$0x0];
	s2 =	stileid.u32  }
0x85: {  	s1 =	rddreg [dreg:$0x1];
	p0 =	sne.s32 s2, $0x0  }
0x86: {  	s3 =	rddreg [dreg:$0x2];
	[bflag:$0x3] =	sbarrier.arrive $0xFFFF;
	s2 =	simm.s32 @!p0 $0x1C09  }
0x87: {  	[timem:s3], [sflag:s2] =	dma.local @!p0 [hbm:s0], s1  }
0x88: {  	s0 =	simm.s32 @!p0 $0x9  }
0x89: {  	_ =	swait.ge @!p0 [sflag:s0], s1  }
0x8a: {  	s1 =	ssub.s32 @!p0 $0x0, s1;
	[sflag:s0] =	ssyncset.done @!p0 $0x0  }
0x8b: {  	[sflag:s0] =	ssyncadd.s32 @!p0 s1  }
0x8c: {  	[bflag:$0x3] =	sbarrier.arrive $0xFFFF  }
0x8d: {  	_ =	shalt  }

// kernel: kernel.26.cloned.1.call-start
scs
__scs_entry_jumppad:
0x0: {  	(pc) =	sbr.rel $0x88, $3  }
0x1: {  	(tag) =	ssettag $0x0;
	lr =	simm.s32 $0x1  }
0x2: {  	[smem:$0x3F95] =	sst lr;
	_ =	strace $0xD0000000  }
0x3: {  	_ = 	snop  }
0x4: {  	_ = 	snop  }
0x5: {  	_ = 	snop  }
0x6: {  	_ = 	snop  }
0x7: {  	_ = 	snop  }
__scs_overlays_trampoline_lowered:
0x8: {  	[smem:$0x3FA4] =	sst s0  }
0x9: {  	[smem:$0x3FA5] =	sst s1  }
0xa: {  	[smem:$0x3FA6] =	sst s2  }
0xb: {  	[smem:$0x3FA7] =	sst s3  }
0xc: {  	[smem:$0x3FA8] =	sst s4  }
0xd: {  	[smem:$0x3FA9] =	sst s5  }
0xe: {  	[smem:$0x3FAA] =	sst s6  }
0xf: {  	[smem:$0x3FAB] =	sst s7  }
0x10: {  	[smem:$0x3FAC] =	sst s8  }
0x11: {  	[smem:$0x3FAD] =	sst s9;
	s0 =	simm.s32 @!p0 $0x0  }
0x12: {  	s1 =	sld [smem:$0x3F93];
	s0 =	simm.s32 @p0 $0x1  }
0x13: {  	[smem:$0x3FAE] =	sst s0;
	s0 =	simm.s32 @!p1 $0x0  }
0x14: {  	s2 =	sld [smem:$0x3F92];
	s0 =	simm.s32 @p1 $0x1  }
0x15: {  	[smem:$0x3FAF] =	sst s0;
	s0 =	simm.s32 @!p2 $0x0  }
0x16: {  	s3 =	sld [smem:$0x3FDB];
	s0 =	simm.s32 @p2 $0x1  }
0x17: {  	s4 =	simm.s32 $0x1BF5;
	[smem:$0x3FB1] =	sst s0  }
0x18: {  	s0 =	sld [smem:$0x3F94];
	_ =	swait.ge [sflag:s4], $0x0  }
0x19: {  	s7 =	sld [smem:$0x3F95]  }
0x1a: {  	s8 =	sadd.s32 $0xFFFFE003, lr  }
0x1b: {  	s9 =	sadd.s32 $0xFFFFFEF7, lr;
	s5 =	simm.s32 $0xFFFFFFFF;
	p2 =	slt.u32 s8, $0xFFFFF086  }
0x1c: {  	p1 =	slt.u32 s9, $0xF7A;
	s5 =	simm.s32 @!p2 $0x0  }
0x1d: {  	s5 =	simm.s32 @p1 $0x1;
	p0 =	seq.s32 s7, s2  }
0x1e: {  	s7 =	smul.u32 @!p0 $0xF7A, s2;
	p2 =	seq.s32 @!p0 s5, $0x0  }
0x1f: {  	s9 =	smul.u32 $0xF7A, s1;
	s8 =	simm.s32 @!p0 $0x1BF5;
	p2 =	por !p2, p0  }
0x20: {  	[sflag:s8] =	ssyncset.s32 @!p0 $0xFFFFF086;
	s6 =	sadd.s32 @!p0 s3, s7;
	s7 =	simm.s32 @!p0 $0x108  }
0x21: {  	s3 =	sadd.s32 s3, s9;
	s6 =	sadd.s32 @!p0 $0x88, s6;
	s7 =	simm.s32 @p2 $0x1082  }
0x22: {  	[simem:s7], [sflag:s8] =	dma.local @!p0 [hbm:s6], $0xF7A  }
0x23: {  	s9 =	sor.u32 $0xD0000000, s2;
	s6 =	simm.s32 $0x108;
	_ =	swait.ge @!p0 [sflag:s8], $0x0  }
0x24: {  	s3 =	sadd.s32 $0x88, s3;
	s6 =	simm.s32 @!p1 $0x1082;
	[sflag:s4] =	ssyncset.s32 $0xFFFFF086  }
0x25: {  	[simem:s6], [sflag:s4] =	dma.local [hbm:s3], $0xF7A  }
0x26: {  	[smem:$0x3F95] =	sst s1;
	(tag) =	ssettag s2;
	_ =	strace s9  }
0x27: {  	s1 =	sld [smem:$0x3FA5]  }
0x28: {  	s2 =	sld [smem:$0x3FA6]  }
0x29: {  	s4 =	sld [smem:$0x3FA8]  }
0x2a: {  	p0 =	seq.s32 s5, $0x0;
	s5 =	sld [smem:$0x3FA9]  }
0x2b: {  	s6 =	sld [smem:$0x3FAA]  }
0x2c: {  	s7 =	sld [smem:$0x3FAB]  }
0x2d: {  	s3 =	simm.s32 $0x108;
	s8 =	sld [smem:$0x3FAC]  }
0x2e: {  	s3 =	simm.s32 @!p0 $0x1082;
	s9 =	sld [smem:$0x3FAD]  }
0x2f: {  	lr =	sadd.s32 s0, s3;
	s0 =	sld [smem:$0x3FA4]  }
0x30: {  	s3 =	sld [smem:$0x3FA7]  }
0x31: {  	[smem:$0x3FB0] =	sst s10  }
0x32: {  	s10 =	sld [smem:$0x3FAE];
	_ =	sdelay $0x3  }
0x33: {  	p0 =	seq.s32 s10, $0x1;
	s10 =	sld [smem:$0x3FB0];
	_ =	sdelay $0x3  }
0x34: {  	[smem:$0x3FB0] =	sst s10  }
0x35: {  	s10 =	sld [smem:$0x3FAF];
	_ =	sdelay $0x3  }
0x36: {  	p1 =	seq.s32 s10, $0x1;
	s10 =	sld [smem:$0x3FB0];
	_ =	sdelay $0x3  }
0x37: {  	[smem:$0x3FB0] =	sst s10  }
0x38: {  	s10 =	sld [smem:$0x3FB1]  }
0x39: {  	_ = 	snop;
	(pc) =	sbr.ind lr, $3  }
0x3a: {  	_ = 	snop  }
0x3b: {  	_ = 	snop  }
0x3c: {  	p2 =	seq.s32 s10, $0x1;
	s10 =	sld [smem:$0x3FB0]  }
0x3d: {  	_ =	shalt  }
0x3e: {  	_ =	shalt  }
0x3f: {  	_ =	shalt  }
0x40: {  	_ =	shalt  }
0x41: {  	_ =	shalt  }
0x42: {  	_ =	shalt  }
0x43: {  	_ =	shalt  }
0x44: {  	_ =	shalt  }
0x45: {  	_ =	shalt  }
0x46: {  	_ =	shalt  }
0x47: {  	_ =	shalt  }
0x48: {  	_ =	shalt  }
0x49: {  	_ =	shalt  }
0x4a: {  	_ =	shalt  }
0x4b: {  	_ =	shalt  }
0x4c: {  	_ =	shalt  }
0x4d: {  	_ =	shalt  }
0x4e: {  	_ =	shalt  }
0x4f: {  	_ =	shalt  }
0x50: {  	_ =	shalt  }
0x51: {  	_ =	shalt  }
0x52: {  	_ =	shalt  }
0x53: {  	_ =	shalt  }
0x54: {  	_ =	shalt  }
0x55: {  	_ =	shalt  }
0x56: {  	_ =	shalt  }
0x57: {  	_ =	shalt  }
0x58: {  	_ =	shalt  }
0x59: {  	_ =	shalt  }
0x5a: {  	_ =	shalt  }
0x5b: {  	_ =	shalt  }
0x5c: {  	_ =	shalt  }
0x5d: {  	_ =	shalt  }
0x5e: {  	_ =	shalt  }
0x5f: {  	_ =	shalt  }
0x60: {  	_ =	shalt  }
0x61: {  	_ =	shalt  }
0x62: {  	_ =	shalt  }
0x63: {  	_ =	shalt  }
0x64: {  	_ =	shalt  }
0x65: {  	_ =	shalt  }
0x66: {  	_ =	shalt  }
0x67: {  	_ =	shalt  }
0x68: {  	_ =	shalt  }
0x69: {  	_ =	shalt  }
0x6a: {  	_ =	shalt  }
0x6b: {  	_ =	shalt  }
0x6c: {  	_ =	shalt  }
0x6d: {  	_ =	shalt  }
0x6e: {  	_ =	shalt  }
0x6f: {  	_ =	shalt  }
0x70: {  	_ =	shalt  }
0x71: {  	_ =	shalt  }
0x72: {  	_ =	shalt  }
0x73: {  	_ =	shalt  }
0x74: {  	_ =	shalt  }
0x75: {  	_ =	shalt  }
0x76: {  	_ =	shalt  }
0x77: {  	_ =	shalt  }
0x78: {  	_ =	shalt  }
0x79: {  	_ =	shalt  }
0x7a: {  	_ =	shalt  }
0x7b: {  	_ =	shalt  }
0x7c: {  	_ =	shalt  }
0x7d: {  	_ =	shalt  }
0x7e: {  	_ =	shalt  }
0x7f: {  	_ =	shalt  }
0x80: {  	_ =	shalt  }
0x81: {  	_ =	shalt  }
0x82: {  	_ =	shalt  }
0x83: {  	_ =	shalt  }
0x84: {  	_ =	shalt  }
0x85: {  	_ =	shalt  }
0x86: {  	_ =	shalt  }
0x87: {  	_ =	shalt  }
.Lfunc_end0:
.L_simem_size_0:
called_computation.4_lowered:
.L_overlay_start_0:
0x88: {  	s2 =	sld [smem:$0x3FD9]  }
0x89: {  	s3 =	sld [smem:$0x3FFE];
	_ =	sdelay $0x1  }
0x8a: {  	s1 =	srdreg.scid  }
0x8b: {  	s0 =	sand.u32 $0x1, s1  }
0x8c: {  	s17 =	sshll.u32 s0, $0xA;
	s2 =	sadd.s32 s3, s2  }
0x8d: {  	s2 =	sadd.s32 s2, s17  }
0x8e: {  	[smem:$0x3FBC] =	sst s2  }
0x8f: {  	_ = 	snop  }
0x90: {  	s2 =	sld [smem:$0x3FD0];
	(tm) =	ssettm $0x1  }
0x91: {  	s18 =	sld [smem:$0x3FFB];
	_ =	sdelay $0x3  }
0x92: {  	_ =	strace s18  }
0x93: {  	s3 =	sld [smem:$0x3FFC];
	_ =	sdelay $0x3  }
0x94: {  	_ =	strace s3  }
0x95: {  	s3 =	sld [smem:$0x3FFD];
	_ =	sdelay $0x3  }
0x96: {  	_ =	strace s3  }
0x97: {  	_ =	strace $0x8FFFFFFF  }
0x98: {  	s19 =	sld [smem:$0x3FDB];
	_ =	sdelay $0x1  }
0x99: {  	s4 =	simm.s32 $_scs_section_size  }
0x9a: {  	s5 =	simm.s32 $_size__tile_overlayer_lowered;
	s6 =	simm.s32 $_tile_overlayer_lowered  }
0x9b: {  	s22 =	simm.s32 $0x1BFF;
	s21 =	sshll.u32 s6, $0x1;
	s3 =	sadd.s32 s4, s19  }
0x9c: {  	s7 =	simm.s32 $0x0;
	s20 =	sshll.u32 s5, $0x1;
	s5 =	sadd.s32 s21, s3  }
0x9d: {  	[timem:s7], [sflag:s22] =	dma.local [hbm:s5], s20  }
0x9e: {  	_ =	swait.ge [sflag:s22], s20  }
0x9f: {  	s4 =	ssub.s32 $0x0, s20;
	[sflag:s22] =	ssyncset.done $0x0  }
0xa0: {  	[sflag:s22] =	ssyncadd.s32 s4;
	_ =	sdelay $0x1  }
0xa1: {  	s23 =	simm.s32 $0x1B8B  }
0xa2: {  	_ =	swait.ge [sflag:s23], $0x1  }
0xa3: {  	[sflag:s23] =	ssyncset.done $0x0  }
0xa4: {  	s25 =	simm.s32 $0x1B8E;
	s24 =	sld [smem:$0x3FFE];
	[sflag:s23] =	ssyncadd.s32 $0xFFFFFFFF  }
0xa5: {  	s26 =	simm.s32 $execute0_lowered;
	[smem:$0x3FD2] =	sst s25  }
0xa6: {  	s5 =	sshll.u32 s26, $0x1;
	_ =	strace $0x80000052;
	[dreg:$0x1] =	wrdreg $0xFFFFFFFF  }
0xa7: {  	s28 =	simm.s32 $_size_execute0_lowered;
	s3 =	sadd.s32 s3, s5;
	[dreg:$0x0] =	wrdreg $0x0  }
0xa8: {  	s5 =	sshll.u32 s28, $0x1;
	[dreg:$0x2] =	wrdreg s3  }
0xa9: {  	[dreg:$0x3] =	wrdreg s5  }
0xaa: {  	[dreg:$0x4] =	wrdreg $0xC0  }
0xab: {  	_ =	task [dreg:s7], $0x5FFFF  }
0xac: {  	[dreg:$0x1] =	wrdreg $0xFFFFFFFF  }
0xad: {  	[dreg:$0x0] =	wrdreg $0x60  }
0xae: {  	[dreg:$0x2] =	wrdreg s2  }
0xaf: {  	[dreg:$0x3] =	wrdreg s24  }
0xb0: {  	[dreg:$0x4] =	wrdreg $0x120000  }
0xb1: {  	[dreg:$0x5] =	wrdreg $0x9  }
0xb2: {  	_ =	task.clear_ibuf [dreg:s7], $0x6FFFF;
	_ =	strace $0x90000052  }
0xb3: {  	s29 =	simm.s32 $0x9;
	_ =	strace $0x80000054  }
0xb4: {  	_ =	swait.ge [sflag:s29], $0x1  }
0xb5: {  	[sflag:s29] =	ssyncadd.s32 $0xFFFFFFFF  }
0xb6: {  	_ =	strace $0x90000054  }
0xb7: {  	_ =	sfence  }
0xb8: {  	s30 =	sld [smem:$0x0];
	_ =	sdelay $0x2  }
0xb9: {  	s31 =	sshll.u32 s1, $0xD;
	s1 =	sshrl.u32 s1, $0x2  }
0xba: {  	s3 =	sand.u32 $0x4000, s31;
	s1 =	sadd.s32 s1, s30  }
0xbb: {  	s0 =	sor.u32 s3, s0;
	s1 =	sshll.u32 s1, $0x11  }
0xbc: {  	s0 =	sor.u32 s1, s0  }
0xbd: {  	s0 =	sadd.s32 $0x8F2B, s0  }
0xbe: {  	[sflag:s0] =	ssyncadd.remote.s32 $0x1  }
0xbf: {  	_ =	sfence.sel $0xFFFF  }
0xc0: {  	[dreg:$0x0] =	wrdreg $0xFFFFFFFF;
	(pc) =	sbr.abs _section_cstart, $3  }
0xc1: {  	[dreg:$0x1] =	wrdreg $0xFFFFFFFF  }
0xc2: {  	_ =	task.clear_ibuf [dreg:s7], $0x2FFFF;
	_ =	strace $0x9FFFFFFF  }
0xc3: {  	(tm) =	ssettm $0x7FFFFFFF  }
tec
execute0_lowered:
.L_overlay_start_1:
0x0: {  	(tag) =	ssettag $0x1  }
0x1: {  	s0 =	rddreg [dreg:$0x0]  }
0x2: {  	s1 =	rddreg [dreg:$0x1]  }
0x3: {  	s2 =	rddreg [dreg:$0x2]  }
0x4: {  	s11 =	stileid.u32;
	s4 =	srdreg.scid  }
0x5: {  	s3 =	simm.s32 $0x0;
	s12 =	simm.s32 $0x9;
	s13 =	simm.s32 $0x5000  }
0x6: {  	s14 =	simm.s32 $0x80;
	s15 =	simm.s32 $0xA000;
	s16 =	simm.s32 $0xC000  }
0x7: {  	s18 =	simm.s32 $0xE000;
	s20 =	simm.s32 $0x10000;
	s21 =	simm.s32 $0x1  }
0x8: {  	s22 =	simm.s32 $0x2;
	s29 =	simm.s32 $0x6;
	s31 =	simm.s32 $0x4  }
0x9: {  	s19 =	simm.s32 $0x8;
	s23 =	simm.s32 $0x0;
	s5 =	smul.u32 $0xA000, s11  }
0xa: {  	s4 =	sand.u32 $0x1, s4;
	[smem:$0x7FF] =	sst s3;
	s8 =	smul.u32 $0xA00, s11  }
0xb: {  	s25 =	sshll.u32 s11, $0x6;
	s6 =	smul.u32 $0xA0000, s4;
	_ =	strace $0x80000053  }
0xc: {  	s9 =	ssub.s32 $0x2, s4;
	s26 =	smul.u32 $0x13880, s4;
	s7 =	sshrl.u32 s5, $0x3  }
0xd: {  	s8 =	sadd.s32 s8, s1;
	s24 =	sshrl.u32 s9, $0x1;
	s28 =	sadd.s32 s5, s2  }
0xe: {  	s6 =	sadd.s32 s5, s6;
	s7 =	sadd.s32 s7, s1;
	s10 =	ssub.s32 s9, s24  }
.Ltmp0:
0xf: {  	s5 =	sor.u32 $0x1C09, s25;
	s11 =	sshrl.u32 s28, $0x3;
	(pc) =	sbr.rel .LBB2_1-.Ltmp0, $4  }
0x10: {  	s24 =	simm.s32 $0x5;
	s6 =	sshrl.u32 s6, $0x3;
	s30 =	sadd.s32 $0x5B800, s7  }
0x11: {  	s7 =	sadd.s32 $0x3600, s8;
	s10 =	smax.u32 s10, $0x1;
	s1 =	sadd.s32 s6, s1  }
0x12: {  	[dreg:$0x4] =	wrdreg s30;
	s6 =	sadd.s32 $0x85600, s8;
	s8 =	sadd.s32 s0, s26  }
0x13: {  	s26 =	simm.s32 $0x3;
	s9 =	sadd.s32 $0x8F600, s1;
	s1 =	simm.s32 $0x7  }
.LBB2_4:
0x14: {  	_ =	swait.ge [sflag:s19], $0x2000  }
0x15: {  	s23 =	sadd.s32 $0x1, s23;
	[sflag:s19] =	ssyncset.done $0x0  }
0x16: {  	p0 =	sne.s32 s23, s10;
	[sflag:s19] =	ssyncadd.s32 $0xFFFFE000  }
.Ltmp1:
0x17: {  	[bflag:$0x0] =	sbarrier.arrive $0xFFFF;
	(pc) =	sbr.rel @!p0 .LBB2_5-.Ltmp1, $4  }
0x18: {  	[hbm:s9], [sflag:s5] =	dma.local [spmem:s11], $0x1400  }
0x19: {  	_ =	swait.ge [sflag:s12], $0x1400  }
0x1a: {  	[sflag:s12] =	ssyncset.done $0x0  }
0x1b: {  	[sflag:s12] =	ssyncadd.s32 $0xFFFFEC00  }
.LBB2_1:
0x1c: {  	s0 =	rddreg [dreg:$0x4]  }
0x1d: {  	[spmem:s11], [sflag:s5] =	dma.local [hbm:s0], $0x1400  }
0x1e: {  	_ =	swait.ge [sflag:s12], $0x1400  }
0x1f: {  	[sflag:s12] =	ssyncset.done $0x0  }
0x20: {  	[sflag:s12] =	ssyncadd.s32 $0xFFFFEC00  }
0x21: {  	[tilespmem:s3], [sflag:$0x9] =	stream.linear.gather [hbm4b:s6+s3], $0x5000, $0x38;
	[tilespmem:$0x1C000] =	vst v63  }
0x22: {  	_ =	swait.ge [sflag:s12], $0x5000  }
0x23: {  	[sflag:s12] =	ssyncset.done $0x0  }
0x24: {  	[sflag:s12] =	ssyncadd.s32 $0xFFFFB000  }
0x25: {  	[tilespmem:s13], [sflag:$0x9] =	stream.linear.gather [hbm4b:s7+s3], $0x5000, $0x38;
	[tilespmem:$0x1C000] =	vst v63  }
0x26: {  	_ =	swait.ge [sflag:s12], $0x5000  }
0x27: {  	[sflag:s12] =	ssyncset.done $0x0  }
0x28: {  	[sflag:s12] =	ssyncadd.s32 $0xFFFFB000  }
0x29: {  	[bflag:$0x0] =	sbarrier.arrive $0xFFFF  }
0x2a: {  	[tilespmem:s15], [sflag:$0x1] =	stream.indirect.gather [hbm4b:s8+s14], $0x40, s3, s14, $0xb8;
	[tilespmem:$0x1C000] =	vst v63  }
0x2b: {  	_ = 	snop  }
0x2c: {  	[tilespmem:s16], [sflag:$0x2] =	stream.indirect.gather [hbm4b:s8+s14], $0x40, s14, s14, $0xb8;
	[tilespmem:$0x1C000] =	vst v63  }
0x2d: {  	s25 =	simm.s32 $0x100  }
0x2e: {  	[tilespmem:s18], [sflag:$0x3] =	stream.indirect.gather [hbm4b:s8+s14], $0x40, s25, s14, $0xb8;
	[tilespmem:$0x1C000] =	vst v63  }
0x2f: {  	s28 =	simm.s32 $0x180  }
0x30: {  	[tilespmem:s20], [sflag:$0x4] =	stream.indirect.gather [hbm4b:s8+s14], $0x40, s28, s14, $0xb8;
	[tilespmem:$0x1C000] =	vst v63  }
0x31: {  	_ =	swait.ge [sflag:s21], $0x2000  }
0x32: {  	[sflag:s21] =	ssyncset.done $0x0  }
0x33: {  	[sflag:s21] =	ssyncadd.s32 $0xFFFFE000  }
0x34: {  	[spmem:s2] =	stream.indirect.scatter.add.f32 [tilespmem:s15], [sflag:$0x5], $0x40, s13, s14, $0xb8;
	[tilespmem:$0x1C000] =	vst v63  }
0x35: {  	_ =	swait.ge [sflag:s22], $0x2000  }
0x36: {  	[sflag:s22] =	ssyncset.done $0x0  }
0x37: {  	s30 =	simm.s32 $0x5080;
	[sflag:s22] =	ssyncadd.s32 $0xFFFFE000  }
0x38: {  	[spmem:s2] =	stream.indirect.scatter.add.f32 [tilespmem:s16], [sflag:$0x6], $0x40, s30, s14, $0xb8;
	[tilespmem:$0x1C000] =	vst v63  }
0x39: {  	_ =	swait.ge [sflag:s24], $0x2000  }
0x3a: {  	[sflag:s24] =	ssyncset.done $0x0  }
0x3b: {  	s4 =	simm.s32 $0x200;
	[sflag:s24] =	ssyncadd.s32 $0xFFFFE000  }
0x3c: {  	[tilespmem:s15], [sflag:$0x1] =	stream.indirect.gather [hbm4b:s8+s14], $0x40, s4, s14, $0xb8;
	[tilespmem:$0x1C000] =	vst v63  }
0x3d: {  	_ =	swait.ge [sflag:s26], $0x2000  }
0x3e: {  	[sflag:s26] =	ssyncset.done $0x0  }
0x3f: {  	s17 =	simm.s32 $0x5100;
	[sflag:s26] =	ssyncadd.s32 $0xFFFFE000  }
0x40: {  	[spmem:s2] =	stream.indirect.scatter.add.f32 [tilespmem:s18], [sflag:$0x7], $0x40, s17, s14, $0xb8;
	[tilespmem:$0x1C000] =	vst v63  }
0x41: {  	_ =	swait.ge [sflag:s29], $0x2000  }
0x42: {  	[sflag:s29] =	ssyncset.done $0x0  }
0x43: {  	s25 =	simm.s32 $0x280;
	[sflag:s29] =	ssyncadd.s32 $0xFFFFE000  }
0x44: {  	[tilespmem:s16], [sflag:$0x2] =	stream.indirect.gather [hbm4b:s8+s14], $0x40, s25, s14, $0xb8;
	[tilespmem:$0x1C000] =	vst v63  }
0x45: {  	_ =	swait.ge [sflag:s31], $0x2000  }
0x46: {  	[sflag:s31] =	ssyncset.done $0x0  }
0x47: {  	s28 =	simm.s32 $0x5180;
	[sflag:s31] =	ssyncadd.s32 $0xFFFFE000  }
0x48: {  	[spmem:s2] =	stream.indirect.scatter.add.f32 [tilespmem:s20], [sflag:$0x8], $0x40, s28, s14, $0xb8;
	[tilespmem:$0x1C000] =	vst v63  }
0x49: {  	_ =	swait.ge [sflag:s1], $0x2000  }
0x4a: {  	[sflag:s1] =	ssyncset.done $0x0  }
0x4b: {  	s30 =	simm.s32 $0x300;
	s25 =	simm.s32 $0x0;
	[sflag:s1] =	ssyncadd.s32 $0xFFFFE000  }
0x4c: {  	[tilespmem:s18], [sflag:$0x3] =	stream.indirect.gather [hbm4b:s8+s14], $0x40, s30, s14, $0xb8;
	[tilespmem:$0x1C000] =	vst v63  }
.LBB2_2:
0x4d: {  	_ =	swait.ge [sflag:s21], $0x2000  }
0x4e: {  	s28 =	sshra.s32 s25, $0x2;
	[sflag:s21] =	ssyncset.done $0x0  }
0x4f: {  	s30 =	sadd.s32 $0x5200, s28;
	[sflag:s21] =	ssyncadd.s32 $0xFFFFE000  }
0x50: {  	[spmem:s2] =	stream.indirect.scatter.add.f32 [tilespmem:s15], [sflag:$0x5], $0x40, s30, s14, $0xb8;
	[tilespmem:$0x1C000] =	vst v63  }
0x51: {  	_ =	swait.ge [sflag:s19], $0x2000  }
0x52: {  	[sflag:s19] =	ssyncset.done $0x0  }
0x53: {  	s4 =	sadd.s32 $0x380, s28;
	[sflag:s19] =	ssyncadd.s32 $0xFFFFE000  }
0x54: {  	[tilespmem:s20], [sflag:$0x4] =	stream.indirect.gather [hbm4b:s8+s14], $0x40, s4, s14, $0xb8;
	[tilespmem:$0x1C000] =	vst v63  }
0x55: {  	_ =	swait.ge [sflag:s22], $0x2000  }
0x56: {  	[sflag:s22] =	ssyncset.done $0x0  }
0x57: {  	s17 =	sadd.s32 $0x5280, s28;
	[sflag:s22] =	ssyncadd.s32 $0xFFFFE000  }
0x58: {  	[spmem:s2] =	stream.indirect.scatter.add.f32 [tilespmem:s16], [sflag:$0x6], $0x40, s17, s14, $0xb8;
	[tilespmem:$0x1C000] =	vst v63  }
0x59: {  	_ =	swait.ge [sflag:s24], $0x2000  }
0x5a: {  	p0 =	seq.s32 s25, $0x13000;
	[sflag:s24] =	ssyncset.done $0x0  }
0x5b: {  	s30 =	simm.s32 @p0 $0x3;
	[sflag:s24] =	ssyncadd.s32 $0xFFFFE000  }
0x5c: {  	_ =	swait.ge @p0 [sflag:s30], $0x2000  }
0x5d: {  	[sflag:s30] =	ssyncset.done @p0 $0x0  }
0x5e: {  	[sflag:s30] =	ssyncadd.s32 @p0 $0xFFFFE000;
	s30 =	sshra.s32 @p0 s25, $0x2  }
0x5f: {  	s0 =	simm.s32 @p0 $0x80;
	s17 =	simm.s32 @p0 $0xE000;
	s30 =	sadd.s32 @p0 $0x5300, s30  }
0x60: {  	[spmem:s2] =	stream.indirect.scatter.add.f32 @p0 [tilespmem:s17], [sflag:$0x7], $0x40, s30, s0, $0xb8;
	[tilespmem:$0x1C000] =	vst v63  }
0x61: {  	s0 =	simm.s32 @p0 $0x6  }
0x62: {  	_ =	swait.ge @p0 [sflag:s0], $0x2000  }
0x63: {  	[sflag:s0] =	ssyncset.done @p0 $0x0  }
0x64: {  	[sflag:s0] =	ssyncadd.s32 @p0 $0xFFFFE000;
	s0 =	sshra.s32 @!p0 s25, $0x2  }
0x65: {  	s4 =	simm.s32 @!p0 $0xA000;
	s30 =	simm.s32 @!p0 $0x80;
	s17 =	sadd.s32 @!p0 $0x400, s0  }
0x66: {  	[tilespmem:s4], [sflag:$0x1] =	stream.indirect.gather @!p0 [hbm4b:s8+s30], $0x40, s17, s30, $0xb8;
	[tilespmem:$0x1C000] =	vst v63  }
0x67: {  	s4 =	simm.s32 @!p0 $0x3  }
0x68: {  	_ =	swait.ge @!p0 [sflag:s4], $0x2000  }
0x69: {  	[sflag:s4] =	ssyncset.done @!p0 $0x0  }
0x6a: {  	s17 =	simm.s32 @!p0 $0xE000;
	[sflag:s4] =	ssyncadd.s32 @!p0 $0xFFFFE000;
	s4 =	sadd.s32 @!p0 $0x5300, s0  }
0x6b: {  	[spmem:s2] =	stream.indirect.scatter.add.f32 @!p0 [tilespmem:s17], [sflag:$0x7], $0x40, s4, s30, $0xb8;
	[tilespmem:$0x1C000] =	vst v63  }
0x6c: {  	s4 =	simm.s32 @!p0 $0x6  }
0x6d: {  	_ =	swait.ge @!p0 [sflag:s4], $0x2000  }
0x6e: {  	[sflag:s4] =	ssyncset.done @!p0 $0x0  }
0x6f: {  	s0 =	sadd.s32 @!p0 $0x480, s0;
	[sflag:s4] =	ssyncadd.s32 @!p0 $0xFFFFE000;
	s4 =	simm.s32 @!p0 $0xC000  }
0x70: {  	[tilespmem:s4], [sflag:$0x2] =	stream.indirect.gather @!p0 [hbm4b:s8+s30], $0x40, s0, s30, $0xb8;
	[tilespmem:$0x1C000] =	vst v63  }
0x71: {  	_ =	swait.ge [sflag:s31], $0x2000  }
0x72: {  	[sflag:s31] =	ssyncset.done $0x0  }
.Ltmp2:
0x73: {  	s30 =	sadd.s32 $0x5380, s28;
	[sflag:s31] =	ssyncadd.s32 $0xFFFFE000;
	(pc) =	sbr.rel @p0 .LBB2_4-.Ltmp2, $4  }
0x74: {  	[spmem:s2] =	stream.indirect.scatter.add.f32 [tilespmem:s20], [sflag:$0x8], $0x40, s30, s14, $0xb8;
	[tilespmem:$0x1C000] =	vst v63  }
0x75: {  	_ =	swait.ge [sflag:s1], $0x2000  }
0x76: {  	[sflag:s1] =	ssyncset.done $0x0  }
0x77: {  	[sflag:s1] =	ssyncadd.s32 $0xFFFFE000  }
.Ltmp3:
0x78: {  	(pc) =	sbr.rel .LBB2_2-.Ltmp3, $3  }
0x79: {  	_ =	sdelay $0x1  }
0x7a: {  	s0 =	sadd.s32 $0x500, s28;
	s25 =	sadd.s32 $0x800, s25  }
0x7b: {  	[tilespmem:s18], [sflag:$0x3] =	stream.indirect.gather [hbm4b:s8+s14], $0x40, s0, s14, $0xb8;
	[tilespmem:$0x1C000] =	vst v63  }
.LBB2_5:
0x7c: {  	_ =	sfence.sel $0x180000  }
0x7d: {  	[bflag:$0x0] =	sbarrier.arrive $0xFFFF  }
0x7e: {  	_ =	strace $0x90000053  }
0x7f: {  	s0 =	stileid.u32;
	[bflag:$0x2] =	sbarrier.arrive $0xFFFF  }
0x80: {  	p0 =	sne.s32 s0, $0x0;
	s0 =	rddreg [dreg:$0x3]  }
0x81: {  	s0 =	sadd.s32 @!p0 $0x100000, s0  }
0x82: {  	[sflag:s0] =	ssyncadd.tile.s32 @!p0 $0x1;
	_ =	shalt  }
.Lfunc_end2:
_tile_overlayer_lowered:
.L_overlay_start_2:
0x83: {  	(tag) =	ssettag $0x2  }
0x84: {  	s0 =	rddreg [dreg:$0x0];
	s2 =	stileid.u32  }
0x85: {  	s1 =	rddreg [dreg:$0x1];
	p0 =	sne.s32 s2, $0x0  }
0x86: {  	s3 =	rddreg [dreg:$0x2];
	[bflag:$0x3] =	sbarrier.arrive $0xFFFF;
	s2 =	simm.s32 @!p0 $0x1C09  }
0x87: {  	[timem:s3], [sflag:s2] =	dma.local @!p0 [hbm:s0], s1  }
0x88: {  	s0 =	simm.s32 @!p0 $0x9  }
0x89: {  	_ =	swait.ge @!p0 [sflag:s0], s1  }
0x8a: {  	s1 =	ssub.s32 @!p0 $0x0, s1;
	[sflag:s0] =	ssyncset.done @!p0 $0x0  }
0x8b: {  	[sflag:s0] =	ssyncadd.s32 @!p0 s1  }
0x8c: {  	[bflag:$0x3] =	sbarrier.arrive $0xFFFF  }
0x8d: {  	_ =	shalt  }

// kernel: kernel.29.cloned.1.call-start
scs
__scs_entry_jumppad:
0x0: {  	(pc) =	sbr.rel $0x88, $3  }
0x1: {  	(tag) =	ssettag $0x0;
	lr =	simm.s32 $0x1  }
0x2: {  	[smem:$0x3F95] =	sst lr;
	_ =	strace $0xD0000000  }
0x3: {  	_ = 	snop  }
0x4: {  	_ = 	snop  }
0x5: {  	_ = 	snop  }
0x6: {  	_ = 	snop  }
0x7: {  	_ = 	snop  }
__scs_overlays_trampoline_lowered:
0x8: {  	[smem:$0x3FA4] =	sst s0  }
0x9: {  	[smem:$0x3FA5] =	sst s1  }
0xa: {  	[smem:$0x3FA6] =	sst s2  }
0xb: {  	[smem:$0x3FA7] =	sst s3  }
0xc: {  	[smem:$0x3FA8] =	sst s4  }
0xd: {  	[smem:$0x3FA9] =	sst s5  }
0xe: {  	[smem:$0x3FAA] =	sst s6  }
0xf: {  	[smem:$0x3FAB] =	sst s7  }
0x10: {  	[smem:$0x3FAC] =	sst s8  }
0x11: {  	[smem:$0x3FAD] =	sst s9;
	s0 =	simm.s32 @!p0 $0x0  }
0x12: {  	s1 =	sld [smem:$0x3F93];
	s0 =	simm.s32 @p0 $0x1  }
0x13: {  	[smem:$0x3FAE] =	sst s0;
	s0 =	simm.s32 @!p1 $0x0  }
0x14: {  	s2 =	sld [smem:$0x3F92];
	s0 =	simm.s32 @p1 $0x1  }
0x15: {  	[smem:$0x3FAF] =	sst s0;
	s0 =	simm.s32 @!p2 $0x0  }
0x16: {  	s3 =	sld [smem:$0x3FDB];
	s0 =	simm.s32 @p2 $0x1  }
0x17: {  	s4 =	simm.s32 $0x1BF5;
	[smem:$0x3FB1] =	sst s0  }
0x18: {  	s0 =	sld [smem:$0x3F94];
	_ =	swait.ge [sflag:s4], $0x0  }
0x19: {  	s7 =	sld [smem:$0x3F95]  }
0x1a: {  	s8 =	sadd.s32 $0xFFFFE003, lr  }
0x1b: {  	s9 =	sadd.s32 $0xFFFFFEF7, lr;
	s5 =	simm.s32 $0xFFFFFFFF;
	p2 =	slt.u32 s8, $0xFFFFF086  }
0x1c: {  	p1 =	slt.u32 s9, $0xF7A;
	s5 =	simm.s32 @!p2 $0x0  }
0x1d: {  	s5 =	simm.s32 @p1 $0x1;
	p0 =	seq.s32 s7, s2  }
0x1e: {  	s7 =	smul.u32 @!p0 $0xF7A, s2;
	p2 =	seq.s32 @!p0 s5, $0x0  }
0x1f: {  	s9 =	smul.u32 $0xF7A, s1;
	s8 =	simm.s32 @!p0 $0x1BF5;
	p2 =	por !p2, p0  }
0x20: {  	[sflag:s8] =	ssyncset.s32 @!p0 $0xFFFFF086;
	s6 =	sadd.s32 @!p0 s3, s7;
	s7 =	simm.s32 @!p0 $0x108  }
0x21: {  	s3 =	sadd.s32 s3, s9;
	s6 =	sadd.s32 @!p0 $0x88, s6;
	s7 =	simm.s32 @p2 $0x1082  }
0x22: {  	[simem:s7], [sflag:s8] =	dma.local @!p0 [hbm:s6], $0xF7A  }
0x23: {  	s9 =	sor.u32 $0xD0000000, s2;
	s6 =	simm.s32 $0x108;
	_ =	swait.ge @!p0 [sflag:s8], $0x0  }
0x24: {  	s3 =	sadd.s32 $0x88, s3;
	s6 =	simm.s32 @!p1 $0x1082;
	[sflag:s4] =	ssyncset.s32 $0xFFFFF086  }
0x25: {  	[simem:s6], [sflag:s4] =	dma.local [hbm:s3], $0xF7A  }
0x26: {  	[smem:$0x3F95] =	sst s1;
	(tag) =	ssettag s2;
	_ =	strace s9  }
0x27: {  	s1 =	sld [smem:$0x3FA5]  }
0x28: {  	s2 =	sld [smem:$0x3FA6]  }
0x29: {  	s4 =	sld [smem:$0x3FA8]  }
0x2a: {  	p0 =	seq.s32 s5, $0x0;
	s5 =	sld [smem:$0x3FA9]  }
0x2b: {  	s6 =	sld [smem:$0x3FAA]  }
0x2c: {  	s7 =	sld [smem:$0x3FAB]  }
0x2d: {  	s3 =	simm.s32 $0x108;
	s8 =	sld [smem:$0x3FAC]  }
0x2e: {  	s3 =	simm.s32 @!p0 $0x1082;
	s9 =	sld [smem:$0x3FAD]  }
0x2f: {  	lr =	sadd.s32 s0, s3;
	s0 =	sld [smem:$0x3FA4]  }
0x30: {  	s3 =	sld [smem:$0x3FA7]  }
0x31: {  	[smem:$0x3FB0] =	sst s10  }
0x32: {  	s10 =	sld [smem:$0x3FAE];
	_ =	sdelay $0x3  }
0x33: {  	p0 =	seq.s32 s10, $0x1;
	s10 =	sld [smem:$0x3FB0];
	_ =	sdelay $0x3  }
0x34: {  	[smem:$0x3FB0] =	sst s10  }
0x35: {  	s10 =	sld [smem:$0x3FAF];
	_ =	sdelay $0x3  }
0x36: {  	p1 =	seq.s32 s10, $0x1;
	s10 =	sld [smem:$0x3FB0];
	_ =	sdelay $0x3  }
0x37: {  	[smem:$0x3FB0] =	sst s10  }
0x38: {  	s10 =	sld [smem:$0x3FB1]  }
0x39: {  	_ = 	snop;
	(pc) =	sbr.ind lr, $3  }
0x3a: {  	_ = 	snop  }
0x3b: {  	_ = 	snop  }
0x3c: {  	p2 =	seq.s32 s10, $0x1;
	s10 =	sld [smem:$0x3FB0]  }
0x3d: {  	_ =	shalt  }
0x3e: {  	_ =	shalt  }
0x3f: {  	_ =	shalt  }
0x40: {  	_ =	shalt  }
0x41: {  	_ =	shalt  }
0x42: {  	_ =	shalt  }
0x43: {  	_ =	shalt  }
0x44: {  	_ =	shalt  }
0x45: {  	_ =	shalt  }
0x46: {  	_ =	shalt  }
0x47: {  	_ =	shalt  }
0x48: {  	_ =	shalt  }
0x49: {  	_ =	shalt  }
0x4a: {  	_ =	shalt  }
0x4b: {  	_ =	shalt  }
0x4c: {  	_ =	shalt  }
0x4d: {  	_ =	shalt  }
0x4e: {  	_ =	shalt  }
0x4f: {  	_ =	shalt  }
0x50: {  	_ =	shalt  }
0x51: {  	_ =	shalt  }
0x52: {  	_ =	shalt  }
0x53: {  	_ =	shalt  }
0x54: {  	_ =	shalt  }
0x55: {  	_ =	shalt  }
0x56: {  	_ =	shalt  }
0x57: {  	_ =	shalt  }
0x58: {  	_ =	shalt  }
0x59: {  	_ =	shalt  }
0x5a: {  	_ =	shalt  }
0x5b: {  	_ =	shalt  }
0x5c: {  	_ =	shalt  }
0x5d: {  	_ =	shalt  }
0x5e: {  	_ =	shalt  }
0x5f: {  	_ =	shalt  }
0x60: {  	_ =	shalt  }
0x61: {  	_ =	shalt  }
0x62: {  	_ =	shalt  }
0x63: {  	_ =	shalt  }
0x64: {  	_ =	shalt  }
0x65: {  	_ =	shalt  }
0x66: {  	_ =	shalt  }
0x67: {  	_ =	shalt  }
0x68: {  	_ =	shalt  }
0x69: {  	_ =	shalt  }
0x6a: {  	_ =	shalt  }
0x6b: {  	_ =	shalt  }
0x6c: {  	_ =	shalt  }
0x6d: {  	_ =	shalt  }
0x6e: {  	_ =	shalt  }
0x6f: {  	_ =	shalt  }
0x70: {  	_ =	shalt  }
0x71: {  	_ =	shalt  }
0x72: {  	_ =	shalt  }
0x73: {  	_ =	shalt  }
0x74: {  	_ =	shalt  }
0x75: {  	_ =	shalt  }
0x76: {  	_ =	shalt  }
0x77: {  	_ =	shalt  }
0x78: {  	_ =	shalt  }
0x79: {  	_ =	shalt  }
0x7a: {  	_ =	shalt  }
0x7b: {  	_ =	shalt  }
0x7c: {  	_ =	shalt  }
0x7d: {  	_ =	shalt  }
0x7e: {  	_ =	shalt  }
0x7f: {  	_ =	shalt  }
0x80: {  	_ =	shalt  }
0x81: {  	_ =	shalt  }
0x82: {  	_ =	shalt  }
0x83: {  	_ =	shalt  }
0x84: {  	_ =	shalt  }
0x85: {  	_ =	shalt  }
0x86: {  	_ =	shalt  }
0x87: {  	_ =	shalt  }
.Lfunc_end0:
.L_simem_size_0:
called_computation.5_lowered:
.L_overlay_start_0:
0x88: {  	s2 =	sld [smem:$0x3FD9]  }
0x89: {  	s3 =	sld [smem:$0x3FFE];
	_ =	sdelay $0x1  }
0x8a: {  	s1 =	srdreg.scid  }
0x8b: {  	s0 =	sand.u32 $0x1, s1  }
0x8c: {  	s17 =	sshll.u32 s0, $0xA;
	s2 =	sadd.s32 s3, s2  }
0x8d: {  	s2 =	sadd.s32 s2, s17  }
0x8e: {  	[smem:$0x3FBC] =	sst s2  }
0x8f: {  	_ = 	snop  }
0x90: {  	s2 =	sld [smem:$0x3FD0];
	(tm) =	ssettm $0x1  }
0x91: {  	s18 =	sld [smem:$0x3FFB];
	_ =	sdelay $0x3  }
0x92: {  	_ =	strace s18  }
0x93: {  	s3 =	sld [smem:$0x3FFC];
	_ =	sdelay $0x3  }
0x94: {  	_ =	strace s3  }
0x95: {  	s3 =	sld [smem:$0x3FFD];
	_ =	sdelay $0x3  }
0x96: {  	_ =	strace s3  }
0x97: {  	_ =	strace $0x8FFFFFFF  }
0x98: {  	s19 =	sld [smem:$0x3FDB];
	_ =	sdelay $0x1  }
0x99: {  	s4 =	simm.s32 $_scs_section_size  }
0x9a: {  	s5 =	simm.s32 $_size__tile_overlayer_lowered;
	s6 =	simm.s32 $_tile_overlayer_lowered  }
0x9b: {  	s22 =	simm.s32 $0x1BFF;
	s21 =	sshll.u32 s6, $0x1;
	s3 =	sadd.s32 s4, s19  }
0x9c: {  	s7 =	simm.s32 $0x0;
	s20 =	sshll.u32 s5, $0x1;
	s5 =	sadd.s32 s21, s3  }
0x9d: {  	[timem:s7], [sflag:s22] =	dma.local [hbm:s5], s20  }
0x9e: {  	_ =	swait.ge [sflag:s22], s20  }
0x9f: {  	s4 =	ssub.s32 $0x0, s20;
	[sflag:s22] =	ssyncset.done $0x0  }
0xa0: {  	[sflag:s22] =	ssyncadd.s32 s4;
	_ =	sdelay $0x1  }
0xa1: {  	s23 =	simm.s32 $0x1B8B  }
0xa2: {  	_ =	swait.ge [sflag:s23], $0x1  }
0xa3: {  	[sflag:s23] =	ssyncset.done $0x0  }
0xa4: {  	s25 =	simm.s32 $0x1B8E;
	s24 =	sld [smem:$0x3FFE];
	[sflag:s23] =	ssyncadd.s32 $0xFFFFFFFF  }
0xa5: {  	s26 =	simm.s32 $execute0_lowered;
	[smem:$0x3FD2] =	sst s25  }
0xa6: {  	s5 =	sshll.u32 s26, $0x1;
	_ =	strace $0x80000055;
	[dreg:$0x1] =	wrdreg $0xFFFFFFFF  }
0xa7: {  	s28 =	simm.s32 $_size_execute0_lowered;
	s3 =	sadd.s32 s3, s5;
	[dreg:$0x0] =	wrdreg $0x0  }
0xa8: {  	s5 =	sshll.u32 s28, $0x1;
	[dreg:$0x2] =	wrdreg s3  }
0xa9: {  	[dreg:$0x3] =	wrdreg s5  }
0xaa: {  	[dreg:$0x4] =	wrdreg $0xC0  }
0xab: {  	_ =	task [dreg:s7], $0x5FFFF  }
0xac: {  	[dreg:$0x1] =	wrdreg $0xFFFFFFFF  }
0xad: {  	[dreg:$0x0] =	wrdreg $0x60  }
0xae: {  	[dreg:$0x2] =	wrdreg s2  }
0xaf: {  	[dreg:$0x3] =	wrdreg s24  }
0xb0: {  	[dreg:$0x4] =	wrdreg $0x120000  }
0xb1: {  	[dreg:$0x5] =	wrdreg $0x9  }
0xb2: {  	_ =	task.clear_ibuf [dreg:s7], $0x6FFFF;
	_ =	strace $0x90000055  }
0xb3: {  	s29 =	simm.s32 $0x9;
	_ =	strace $0x80000057  }
0xb4: {  	_ =	swait.ge [sflag:s29], $0x1  }
0xb5: {  	[sflag:s29] =	ssyncadd.s32 $0xFFFFFFFF  }
0xb6: {  	_ =	strace $0x90000057  }
0xb7: {  	_ =	sfence  }
0xb8: {  	s30 =	sld [smem:$0x0];
	_ =	sdelay $0x2  }
0xb9: {  	s31 =	sshll.u32 s1, $0xD;
	s1 =	sshrl.u32 s1, $0x2  }
0xba: {  	s3 =	sand.u32 $0x4000, s31;
	s1 =	sadd.s32 s1, s30  }
0xbb: {  	s0 =	sor.u32 s3, s0;
	s1 =	sshll.u32 s1, $0x11  }
0xbc: {  	s0 =	sor.u32 s1, s0  }
0xbd: {  	s0 =	sadd.s32 $0x8F2B, s0  }
0xbe: {  	[sflag:s0] =	ssyncadd.remote.s32 $0x1  }
0xbf: {  	_ =	sfence.sel $0xFFFF  }
0xc0: {  	[dreg:$0x0] =	wrdreg $0xFFFFFFFF;
	(pc) =	sbr.abs _section_cstart, $3  }
0xc1: {  	[dreg:$0x1] =	wrdreg $0xFFFFFFFF  }
0xc2: {  	_ =	task.clear_ibuf [dreg:s7], $0x2FFFF;
	_ =	strace $0x9FFFFFFF  }
0xc3: {  	(tm) =	ssettm $0x7FFFFFFF  }
tec
execute0_lowered:
.L_overlay_start_1:
0x0: {  	(tag) =	ssettag $0x1  }
0x1: {  	s0 =	rddreg [dreg:$0x0]  }
0x2: {  	s1 =	rddreg [dreg:$0x1]  }
0x3: {  	s2 =	rddreg [dreg:$0x2]  }
0x4: {  	s11 =	stileid.u32;
	s4 =	srdreg.scid  }
0x5: {  	s3 =	simm.s32 $0x0;
	s12 =	simm.s32 $0x9;
	s13 =	simm.s32 $0x5000  }
0x6: {  	s14 =	simm.s32 $0x80;
	s15 =	simm.s32 $0xA000;
	s16 =	simm.s32 $0xC000  }
0x7: {  	s18 =	simm.s32 $0xE000;
	s20 =	simm.s32 $0x10000;
	s21 =	simm.s32 $0x1  }
0x8: {  	s22 =	simm.s32 $0x2;
	s29 =	simm.s32 $0x6;
	s31 =	simm.s32 $0x4  }
0x9: {  	s19 =	simm.s32 $0x8;
	s23 =	simm.s32 $0x0;
	s5 =	smul.u32 $0xA000, s11  }
0xa: {  	s4 =	sand.u32 $0x1, s4;
	[smem:$0x7FF] =	sst s3;
	s8 =	smul.u32 $0xA00, s11  }
0xb: {  	s25 =	sshll.u32 s11, $0x6;
	s6 =	smul.u32 $0xA0000, s4;
	_ =	strace $0x80000056  }
0xc: {  	s9 =	ssub.s32 $0x2, s4;
	s26 =	smul.u32 $0x13880, s4;
	s7 =	sshrl.u32 s5, $0x3  }
0xd: {  	s8 =	sadd.s32 s8, s1;
	s24 =	sshrl.u32 s9, $0x1;
	s28 =	sadd.s32 s5, s2  }
0xe: {  	s6 =	sadd.s32 s5, s6;
	s7 =	sadd.s32 s7, s1;
	s10 =	ssub.s32 s9, s24  }
.Ltmp0:
0xf: {  	s5 =	sor.u32 $0x1C09, s25;
	s11 =	sshrl.u32 s28, $0x3;
	(pc) =	sbr.rel .LBB2_1-.Ltmp0, $4  }
0x10: {  	s24 =	simm.s32 $0x5;
	s6 =	sshrl.u32 s6, $0x3;
	s30 =	sadd.s32 $0x5B800, s7  }
0x11: {  	s7 =	sadd.s32 $0x3600, s8;
	s10 =	smax.u32 s10, $0x1;
	s1 =	sadd.s32 s6, s1  }
0x12: {  	[dreg:$0x4] =	wrdreg s30;
	s6 =	sadd.s32 $0x85600, s8;
	s8 =	sadd.s32 s0, s26  }
0x13: {  	s26 =	simm.s32 $0x3;
	s9 =	sadd.s32 $0xD600, s1;
	s1 =	simm.s32 $0x7  }
.LBB2_4:
0x14: {  	_ =	swait.ge [sflag:s19], $0x2000  }
0x15: {  	s23 =	sadd.s32 $0x1, s23;
	[sflag:s19] =	ssyncset.done $0x0  }
0x16: {  	p0 =	sne.s32 s23, s10;
	[sflag:s19] =	ssyncadd.s32 $0xFFFFE000  }
.Ltmp1:
0x17: {  	[bflag:$0x0] =	sbarrier.arrive $0xFFFF;
	(pc) =	sbr.rel @!p0 .LBB2_5-.Ltmp1, $4  }
0x18: {  	[hbm:s9], [sflag:s5] =	dma.local [spmem:s11], $0x1400  }
0x19: {  	_ =	swait.ge [sflag:s12], $0x1400  }
0x1a: {  	[sflag:s12] =	ssyncset.done $0x0  }
0x1b: {  	[sflag:s12] =	ssyncadd.s32 $0xFFFFEC00  }
.LBB2_1:
0x1c: {  	s0 =	rddreg [dreg:$0x4]  }
0x1d: {  	[spmem:s11], [sflag:s5] =	dma.local [hbm:s0], $0x1400  }
0x1e: {  	_ =	swait.ge [sflag:s12], $0x1400  }
0x1f: {  	[sflag:s12] =	ssyncset.done $0x0  }
0x20: {  	[sflag:s12] =	ssyncadd.s32 $0xFFFFEC00  }
0x21: {  	[tilespmem:s3], [sflag:$0x9] =	stream.linear.gather [hbm4b:s6+s3], $0x5000, $0x38;
	[tilespmem:$0x1C000] =	vst v63  }
0x22: {  	_ =	swait.ge [sflag:s12], $0x5000  }
0x23: {  	[sflag:s12] =	ssyncset.done $0x0  }
0x24: {  	[sflag:s12] =	ssyncadd.s32 $0xFFFFB000  }
0x25: {  	[tilespmem:s13], [sflag:$0x9] =	stream.linear.gather [hbm4b:s7+s3], $0x5000, $0x38;
	[tilespmem:$0x1C000] =	vst v63  }
0x26: {  	_ =	swait.ge [sflag:s12], $0x5000  }
0x27: {  	[sflag:s12] =	ssyncset.done $0x0  }
0x28: {  	[sflag:s12] =	ssyncadd.s32 $0xFFFFB000  }
0x29: {  	[bflag:$0x0] =	sbarrier.arrive $0xFFFF  }
0x2a: {  	[tilespmem:s15], [sflag:$0x1] =	stream.indirect.gather [hbm4b:s8+s14], $0x40, s3, s14, $0xb8;
	[tilespmem:$0x1C000] =	vst v63  }
0x2b: {  	_ = 	snop  }
0x2c: {  	[tilespmem:s16], [sflag:$0x2] =	stream.indirect.gather [hbm4b:s8+s14], $0x40, s14, s14, $0xb8;
	[tilespmem:$0x1C000] =	vst v63  }
0x2d: {  	s25 =	simm.s32 $0x100  }
0x2e: {  	[tilespmem:s18], [sflag:$0x3] =	stream.indirect.gather [hbm4b:s8+s14], $0x40, s25, s14, $0xb8;
	[tilespmem:$0x1C000] =	vst v63  }
0x2f: {  	s28 =	simm.s32 $0x180  }
0x30: {  	[tilespmem:s20], [sflag:$0x4] =	stream.indirect.gather [hbm4b:s8+s14], $0x40, s28, s14, $0xb8;
	[tilespmem:$0x1C000] =	vst v63  }
0x31: {  	_ =	swait.ge [sflag:s21], $0x2000  }
0x32: {  	[sflag:s21] =	ssyncset.done $0x0  }
0x33: {  	[sflag:s21] =	ssyncadd.s32 $0xFFFFE000  }
0x34: {  	[spmem:s2] =	stream.indirect.scatter.add.f32 [tilespmem:s15], [sflag:$0x5], $0x40, s13, s14, $0xb8;
	[tilespmem:$0x1C000] =	vst v63  }
0x35: {  	_ =	swait.ge [sflag:s22], $0x2000  }
0x36: {  	[sflag:s22] =	ssyncset.done $0x0  }
0x37: {  	s30 =	simm.s32 $0x5080;
	[sflag:s22] =	ssyncadd.s32 $0xFFFFE000  }
0x38: {  	[spmem:s2] =	stream.indirect.scatter.add.f32 [tilespmem:s16], [sflag:$0x6], $0x40, s30, s14, $0xb8;
	[tilespmem:$0x1C000] =	vst v63  }
0x39: {  	_ =	swait.ge [sflag:s24], $0x2000  }
0x3a: {  	[sflag:s24] =	ssyncset.done $0x0  }
0x3b: {  	s4 =	simm.s32 $0x200;
	[sflag:s24] =	ssyncadd.s32 $0xFFFFE000  }
0x3c: {  	[tilespmem:s15], [sflag:$0x1] =	stream.indirect.gather [hbm4b:s8+s14], $0x40, s4, s14, $0xb8;
	[tilespmem:$0x1C000] =	vst v63  }
0x3d: {  	_ =	swait.ge [sflag:s26], $0x2000  }
0x3e: {  	[sflag:s26] =	ssyncset.done $0x0  }
0x3f: {  	s17 =	simm.s32 $0x5100;
	[sflag:s26] =	ssyncadd.s32 $0xFFFFE000  }
0x40: {  	[spmem:s2] =	stream.indirect.scatter.add.f32 [tilespmem:s18], [sflag:$0x7], $0x40, s17, s14, $0xb8;
	[tilespmem:$0x1C000] =	vst v63  }
0x41: {  	_ =	swait.ge [sflag:s29], $0x2000  }
0x42: {  	[sflag:s29] =	ssyncset.done $0x0  }
0x43: {  	s25 =	simm.s32 $0x280;
	[sflag:s29] =	ssyncadd.s32 $0xFFFFE000  }
0x44: {  	[tilespmem:s16], [sflag:$0x2] =	stream.indirect.gather [hbm4b:s8+s14], $0x40, s25, s14, $0xb8;
	[tilespmem:$0x1C000] =	vst v63  }
0x45: {  	_ =	swait.ge [sflag:s31], $0x2000  }
0x46: {  	[sflag:s31] =	ssyncset.done $0x0  }
0x47: {  	s28 =	simm.s32 $0x5180;
	[sflag:s31] =	ssyncadd.s32 $0xFFFFE000  }
0x48: {  	[spmem:s2] =	stream.indirect.scatter.add.f32 [tilespmem:s20], [sflag:$0x8], $0x40, s28, s14, $0xb8;
	[tilespmem:$0x1C000] =	vst v63  }
0x49: {  	_ =	swait.ge [sflag:s1], $0x2000  }
0x4a: {  	[sflag:s1] =	ssyncset.done $0x0  }
0x4b: {  	s30 =	simm.s32 $0x300;
	s25 =	simm.s32 $0x0;
	[sflag:s1] =	ssyncadd.s32 $0xFFFFE000  }
0x4c: {  	[tilespmem:s18], [sflag:$0x3] =	stream.indirect.gather [hbm4b:s8+s14], $0x40, s30, s14, $0xb8;
	[tilespmem:$0x1C000] =	vst v63  }
.LBB2_2:
0x4d: {  	_ =	swait.ge [sflag:s21], $0x2000  }
0x4e: {  	s28 =	sshra.s32 s25, $0x2;
	[sflag:s21] =	ssyncset.done $0x0  }
0x4f: {  	s30 =	sadd.s32 $0x5200, s28;
	[sflag:s21] =	ssyncadd.s32 $0xFFFFE000  }
0x50: {  	[spmem:s2] =	stream.indirect.scatter.add.f32 [tilespmem:s15], [sflag:$0x5], $0x40, s30, s14, $0xb8;
	[tilespmem:$0x1C000] =	vst v63  }
0x51: {  	_ =	swait.ge [sflag:s19], $0x2000  }
0x52: {  	[sflag:s19] =	ssyncset.done $0x0  }
0x53: {  	s4 =	sadd.s32 $0x380, s28;
	[sflag:s19] =	ssyncadd.s32 $0xFFFFE000  }
0x54: {  	[tilespmem:s20], [sflag:$0x4] =	stream.indirect.gather [hbm4b:s8+s14], $0x40, s4, s14, $0xb8;
	[tilespmem:$0x1C000] =	vst v63  }
0x55: {  	_ =	swait.ge [sflag:s22], $0x2000  }
0x56: {  	[sflag:s22] =	ssyncset.done $0x0  }
0x57: {  	s17 =	sadd.s32 $0x5280, s28;
	[sflag:s22] =	ssyncadd.s32 $0xFFFFE000  }
0x58: {  	[spmem:s2] =	stream.indirect.scatter.add.f32 [tilespmem:s16], [sflag:$0x6], $0x40, s17, s14, $0xb8;
	[tilespmem:$0x1C000] =	vst v63  }
0x59: {  	_ =	swait.ge [sflag:s24], $0x2000  }
0x5a: {  	p0 =	seq.s32 s25, $0x13000;
	[sflag:s24] =	ssyncset.done $0x0  }
0x5b: {  	s30 =	simm.s32 @p0 $0x3;
	[sflag:s24] =	ssyncadd.s32 $0xFFFFE000  }
0x5c: {  	_ =	swait.ge @p0 [sflag:s30], $0x2000  }
0x5d: {  	[sflag:s30] =	ssyncset.done @p0 $0x0  }
0x5e: {  	[sflag:s30] =	ssyncadd.s32 @p0 $0xFFFFE000;
	s30 =	sshra.s32 @p0 s25, $0x2  }
0x5f: {  	s0 =	simm.s32 @p0 $0x80;
	s17 =	simm.s32 @p0 $0xE000;
	s30 =	sadd.s32 @p0 $0x5300, s30  }
0x60: {  	[spmem:s2] =	stream.indirect.scatter.add.f32 @p0 [tilespmem:s17], [sflag:$0x7], $0x40, s30, s0, $0xb8;
	[tilespmem:$0x1C000] =	vst v63  }
0x61: {  	s0 =	simm.s32 @p0 $0x6  }
0x62: {  	_ =	swait.ge @p0 [sflag:s0], $0x2000  }
0x63: {  	[sflag:s0] =	ssyncset.done @p0 $0x0  }
0x64: {  	[sflag:s0] =	ssyncadd.s32 @p0 $0xFFFFE000;
	s0 =	sshra.s32 @!p0 s25, $0x2  }
0x65: {  	s4 =	simm.s32 @!p0 $0xA000;
	s30 =	simm.s32 @!p0 $0x80;
	s17 =	sadd.s32 @!p0 $0x400, s0  }
0x66: {  	[tilespmem:s4], [sflag:$0x1] =	stream.indirect.gather @!p0 [hbm4b:s8+s30], $0x40, s17, s30, $0xb8;
	[tilespmem:$0x1C000] =	vst v63  }
0x67: {  	s4 =	simm.s32 @!p0 $0x3  }
0x68: {  	_ =	swait.ge @!p0 [sflag:s4], $0x2000  }
0x69: {  	[sflag:s4] =	ssyncset.done @!p0 $0x0  }
0x6a: {  	s17 =	simm.s32 @!p0 $0xE000;
	[sflag:s4] =	ssyncadd.s32 @!p0 $0xFFFFE000;
	s4 =	sadd.s32 @!p0 $0x5300, s0  }
0x6b: {  	[spmem:s2] =	stream.indirect.scatter.add.f32 @!p0 [tilespmem:s17], [sflag:$0x7], $0x40, s4, s30, $0xb8;
	[tilespmem:$0x1C000] =	vst v63  }
0x6c: {  	s4 =	simm.s32 @!p0 $0x6  }
0x6d: {  	_ =	swait.ge @!p0 [sflag:s4], $0x2000  }
0x6e: {  	[sflag:s4] =	ssyncset.done @!p0 $0x0  }
0x6f: {  	s0 =	sadd.s32 @!p0 $0x480, s0;
	[sflag:s4] =	ssyncadd.s32 @!p0 $0xFFFFE000;
	s4 =	simm.s32 @!p0 $0xC000  }
0x70: {  	[tilespmem:s4], [sflag:$0x2] =	stream.indirect.gather @!p0 [hbm4b:s8+s30], $0x40, s0, s30, $0xb8;
	[tilespmem:$0x1C000] =	vst v63  }
0x71: {  	_ =	swait.ge [sflag:s31], $0x2000  }
0x72: {  	[sflag:s31] =	ssyncset.done $0x0  }
.Ltmp2:
0x73: {  	s30 =	sadd.s32 $0x5380, s28;
	[sflag:s31] =	ssyncadd.s32 $0xFFFFE000;
	(pc) =	sbr.rel @p0 .LBB2_4-.Ltmp2, $4  }
0x74: {  	[spmem:s2] =	stream.indirect.scatter.add.f32 [tilespmem:s20], [sflag:$0x8], $0x40, s30, s14, $0xb8;
	[tilespmem:$0x1C000] =	vst v63  }
0x75: {  	_ =	swait.ge [sflag:s1], $0x2000  }
0x76: {  	[sflag:s1] =	ssyncset.done $0x0  }
0x77: {  	[sflag:s1] =	ssyncadd.s32 $0xFFFFE000  }
.Ltmp3:
0x78: {  	(pc) =	sbr.rel .LBB2_2-.Ltmp3, $3  }
0x79: {  	_ =	sdelay $0x1  }
0x7a: {  	s0 =	sadd.s32 $0x500, s28;
	s25 =	sadd.s32 $0x800, s25  }
0x7b: {  	[tilespmem:s18], [sflag:$0x3] =	stream.indirect.gather [hbm4b:s8+s14], $0x40, s0, s14, $0xb8;
	[tilespmem:$0x1C000] =	vst v63  }
.LBB2_5:
0x7c: {  	_ =	sfence.sel $0x180000  }
0x7d: {  	[bflag:$0x0] =	sbarrier.arrive $0xFFFF  }
0x7e: {  	_ =	strace $0x90000056  }
0x7f: {  	s0 =	stileid.u32;
	[bflag:$0x2] =	sbarrier.arrive $0xFFFF  }
0x80: {  	p0 =	sne.s32 s0, $0x0;
	s0 =	rddreg [dreg:$0x3]  }
0x81: {  	s0 =	sadd.s32 @!p0 $0x100000, s0  }
0x82: {  	[sflag:s0] =	ssyncadd.tile.s32 @!p0 $0x1;
	_ =	shalt  }
.Lfunc_end2:
_tile_overlayer_lowered:
.L_overlay_start_2:
0x83: {  	(tag) =	ssettag $0x2  }
0x84: {  	s0 =	rddreg [dreg:$0x0];
	s2 =	stileid.u32  }
0x85: {  	s1 =	rddreg [dreg:$0x1];
	p0 =	sne.s32 s2, $0x0  }
0x86: {  	s3 =	rddreg [dreg:$0x2];
	[bflag:$0x3] =	sbarrier.arrive $0xFFFF;
	s2 =	simm.s32 @!p0 $0x1C09  }
0x87: {  	[timem:s3], [sflag:s2] =	dma.local @!p0 [hbm:s0], s1  }
0x88: {  	s0 =	simm.s32 @!p0 $0x9  }
0x89: {  	_ =	swait.ge @!p0 [sflag:s0], s1  }
0x8a: {  	s1 =	ssub.s32 @!p0 $0x0, s1;
	[sflag:s0] =	ssyncset.done @!p0 $0x0  }
0x8b: {  	[sflag:s0] =	ssyncadd.s32 @!p0 s1  }
0x8c: {  	[bflag:$0x3] =	sbarrier.arrive $0xFFFF  }
0x8d: {  	_ =	shalt  }

</sc_bundles>
